<compile_context>
chip_gen: v7x
topology: tpu7x:2x2x1
jax: 0.10.2.dev20260603
libtpu: 0.0.44.dev20260713+nightly
codegen_flags: <defaults>
</compile_context>

<pallas_src>
import functools

import jax
import jax.numpy as jnp
from jax import lax
from jax.experimental import pallas as pl
from jax.experimental.pallas import tpu as pltpu
from jax.experimental.pallas import tpu_sc as plsc

NN = 10000
EE = 320000
DD = 128
NP = 10240
ET = EE + NN
NC = 2
NS = 16
NW = NC * NS
CK = 32
CH = 378
EP = CH * CK
RPT = NP // NS
SUP = 9
NSUP = CH // SUP
SL = 6
LAG = 4
R0C = 310
R1C = 335



def _proj_body(x_ref, w_ref, a_ref, h_ref, ab_ref):
    hb = jnp.dot(x_ref[...], w_ref[...], preferred_element_type=jnp.float32)
    h_ref[...] = hb
    ab_ref[...] = jnp.dot(hb, a_ref[...], preferred_element_type=jnp.float32)


def _proj(xp, W, A2p):
    blk = 512
    grid = NP // blk
    return pl.pallas_call(
        _proj_body,
        grid=(grid,),
        in_specs=[
            pl.BlockSpec((blk, DD), lambda i: (i, 0)),
            pl.BlockSpec((DD, DD), lambda i: (0, 0)),
            pl.BlockSpec((DD, DD), lambda i: (0, 0)),
        ],
        out_specs=[
            pl.BlockSpec((blk, DD), lambda i: (i, 0)),
            pl.BlockSpec((blk, DD), lambda i: (i, 0)),
        ],
        out_shape=[
            jax.ShapeDtypeStruct((NP, DD), jnp.float32),
            jax.ShapeDtypeStruct((NP, DD), jnp.float32),
        ],
    )(xp, W, A2p)



def _edge_body(src_hbm, dst_hbm, h_hbm, asv_hbm, adv_hbm, nump_hbm, denp_hbm,
               *scr):
    sidxsup, didxsup = scr[0], scr[1]
    sidx = scr[2:2 + SL]
    didx = scr[2 + SL:2 + 2 * SL]
    wf = scr[2 + 2 * SL:2 + 3 * SL]
    rows = scr[2 + 3 * SL:2 + 4 * SL]
    asv_v, adv_v, zvec, num_sh, den_sh = scr[2 + 4 * SL:7 + 4 * SL]
    sems = scr[7 + 4 * SL:]
    gsem = sems[0:SL]
    nsem = sems[SL:2 * SL]
    dsem = sems[2 * SL:3 * SL]

    c = lax.axis_index("c")
    s = lax.axis_index("s")
    wid = c * NS + s
    rch = jnp.where(c == 0, R0C, R1C)
    ebase = jnp.where(c == 0, s * (R0C * CK),
                      NS * (R0C * CK) + s * (R1C * CK))
    rows0 = rows[0]

    pltpu.sync_copy(asv_hbm, asv_v)
    pltpu.sync_copy(adv_hbm, adv_v)

    zero16 = jnp.zeros((16,), jnp.float32)

    def _zrow(r, carry):
        for l in range(8):
            rows0[r, pl.ds(l * 16, 16)] = zero16
        return carry

    lax.fori_loop(0, CK, _zrow, 0)

    def _zv(i, carry):
        zvec[pl.ds(i * 16, 16)] = zero16
        return carry

    lax.fori_loop(0, RPT // 16, _zv, 0)

    for m in range(RPT // CK):
        pltpu.sync_copy(rows0, num_sh.at[pl.ds(s * RPT + m * CK, CK)])
    pltpu.sync_copy(zvec, den_sh.at[pl.ds(s * RPT, RPT)])
    plsc.subcore_barrier()

    def _stage_super(su):
        pltpu.sync_copy(src_hbm.at[wid].at[pl.ds(su, 1)], sidxsup)
        pltpu.sync_copy(dst_hbm.at[wid].at[pl.ds(su, 1)], didxsup)

    def _front(f, k):
        p = f % SUP
        ws = []
        for q in range(CK // 16):
            s16 = sidxsup[0, pl.ds(p * CK + q * 16, 16)]
            d16 = didxsup[0, pl.ds(p * CK + q * 16, 16)]
            sidx[k][0, pl.ds(q * 16, 16)] = s16
            didx[k][0, pl.ds(q * 16, 16)] = d16
            a = plsc.load_gather(asv_v, [s16]) + plsc.load_gather(adv_v, [d16])
            ws.append((a, f * CK + q * 16))
        pltpu.async_copy(h_hbm.at[sidx[k].at[0]], rows[k], gsem[k])
        for q in range(CK // 16):
            a, off = ws[q]
            a = jnp.where(a > 0, a, a * jnp.float32(0.2))
            w = jnp.exp(a)
            eid = ebase + off + lax.broadcasted_iota(jnp.int32, (16,), 0)
            w = jnp.where(eid < ET, w, jnp.float32(0.0))
            wf[k][pl.ds(q * 16, 16)] = w

    def _wait_scatters(k):
        pltpu.make_async_copy(rows[k], num_sh.at[didx[k].at[0]],
                              nsem[k]).wait()
        pltpu.make_async_copy(wf[k], den_sh.at[didx[k].at[0]],
                              dsem[k]).wait()

    def _back(k):
        pltpu.make_async_copy(h_hbm.at[sidx[k].at[0]], rows[k],
                              gsem[k]).wait()

        def _srow(r, carry2):
            wspl = plsc.load_gather(wf[k], [jnp.full((16,), r, jnp.int32)])
            for l in range(8):
                rows[k][r, pl.ds(l * 16, 16)] = (
                    rows[k][r, pl.ds(l * 16, 16)] * wspl)
            return carry2

        lax.fori_loop(0, CK, _srow, 0)
        pltpu.async_copy(rows[k], num_sh.at[didx[k].at[0]], nsem[k], add=True)
        pltpu.async_copy(wf[k], den_sh.at[didx[k].at[0]], dsem[k], add=True)

    _stage_super(0)
    for k in range(SL):
        _front(k, k)
        if k >= LAG:
            _back(k - LAG)

    def _iter(js, carry):
        for k in range(SL):
            f = SL * js + k
            pl.when((f % SUP == 0) & (f < rch))(
                lambda: _stage_super(f // SUP))
            pl.when(f - SL < rch)(lambda: _wait_scatters(k))
            pl.when(f < rch)(lambda: _front(f, k))
            g = f - LAG
            pl.when(g < rch)(lambda: _back((k + SL - LAG) % SL))
        return carry

    lax.fori_loop(1, CH // SL, _iter, 0)
    plsc.subcore_barrier()

    pltpu.sync_copy(num_sh.at[pl.ds(s * RPT, RPT)], nump_hbm.at[c, s])
    pltpu.sync_copy(den_sh.at[pl.ds(s * RPT, RPT)], denp_hbm.at[c, s])


def _edge(srcp, dstp, h, asv, adv):
    mesh = plsc.VectorSubcoreMesh(core_axis_name="c", subcore_axis_name="s",
                                  num_cores=NC, num_subcores=NS)
    f = pl.kernel(
        _edge_body,
        out_type=[
            jax.ShapeDtypeStruct((NC, NS, RPT, DD), jnp.float32),
            jax.ShapeDtypeStruct((NC, NS, RPT), jnp.float32),
        ],
        mesh=mesh,
        compiler_params=pltpu.CompilerParams(needs_layout_passes=False),
        scratch_types=(
            [pltpu.VMEM((1, SUP * CK), jnp.int32)] * 2
            + [pltpu.VMEM((1, CK), jnp.int32)] * (2 * SL)
            + [pltpu.VMEM((CK,), jnp.float32)] * SL
            + [pltpu.VMEM((CK, DD), jnp.float32)] * SL
            + [pltpu.VMEM((NN,), jnp.float32)] * 2
            + [pltpu.VMEM((RPT,), jnp.float32)]
            + [pltpu.VMEM_SHARED((NP, DD), jnp.float32)]
            + [pltpu.VMEM_SHARED((NP,), jnp.float32)]
            + [pltpu.SemaphoreType.DMA] * (3 * SL)
        ),
    )
    return f(srcp, dstp, h, asv, adv)



def _comb_body(n0_ref, n1_ref, d0_ref, d1_ref, b_ref, o_ref):
    d = d0_ref[...] + d1_ref[...]
    o_ref[...] = (n0_ref[...] + n1_ref[...]) / (d + jnp.float32(1e-16)) \
        + b_ref[...]


def _combine(num0, num1, den0, den1, biasr):
    blk = 1000
    grid = NN // blk
    return pl.pallas_call(
        _comb_body,
        grid=(grid,),
        in_specs=[
            pl.BlockSpec((blk, DD), lambda i: (i, 0)),
            pl.BlockSpec((blk, DD), lambda i: (i, 0)),
            pl.BlockSpec((blk, 1), lambda i: (i, 0)),
            pl.BlockSpec((blk, 1), lambda i: (i, 0)),
            pl.BlockSpec((1, DD), lambda i: (0, 0)),
        ],
        out_specs=pl.BlockSpec((blk, DD), lambda i: (i, 0)),
        out_shape=jax.ShapeDtypeStruct((NN, DD), jnp.float32),
    )(num0, num1, den0, den1, biasr)



def kernel(x, edge_index, W, att_src, att_dst, bias):
    xp = jnp.pad(x, ((0, NP - NN), (0, 0)))
    A2p = jnp.zeros((DD, DD), jnp.float32)
    A2p = A2p.at[:, 0].set(att_src.reshape(DD))
    A2p = A2p.at[:, 1].set(att_dst.reshape(DD))

    h, ab = _proj(xp, W, A2p)
    asv = ab[:NN, 0]
    adv = ab[:NN, 1]

    loop = jnp.arange(NN, dtype=jnp.int32)
    r0, r1 = R0C * CK, R1C * CK

    def _layout(arr):
        a = jnp.pad(arr, (0, NS * (r0 + r1) - ET))
        p0 = a[:NS * r0].reshape(NS, r0)
        p1 = a[NS * r0:].reshape(NS, r1)
        p0 = jnp.pad(p0, ((0, 0), (0, EP - r0)))
        p1 = jnp.pad(p1, ((0, 0), (0, EP - r1)))
        return jnp.concatenate([p0, p1]).reshape(NW, NSUP, SUP * CK)

    srcp = _layout(jnp.concatenate([edge_index[0], loop]))
    dstp = _layout(jnp.concatenate([edge_index[1], loop]))

    nump, denp = _edge(srcp, dstp, h, asv, adv)
    nump = nump.reshape(NC, NP, DD)
    denp = denp.reshape(NC, NP, 1)

    out = _combine(nump[0], nump[1], denp[0], denp[1], bias.reshape(1, DD))
    return out

# --- scband reference (transcript-rebuilt; emitter-appended) ---
"""Pipeline reference for scband-gatlayer-22041772163468 (READ-ONLY COPY).

The authoritative reference and input builder live on the scoring server;
editing this copy changes nothing except your own understanding.
"""

import jax, jax.numpy as jnp
import numpy as np

N = 10000
E = 320000
D_IN = 128
HEADS = 1
D_OUT = 128


def setup_inputs(seed: int = 0) -> dict:
    key = jax.random.key(seed)
    k1, k2, k3, k4, k5 = jax.random.split(key, 5)
    x = jax.random.normal(k1, (N, D_IN), dtype=jnp.float32)
    edge_index = jax.random.randint(k2, (2, E), 0, N, dtype=jnp.int32)
    W = jax.random.normal(k3, (D_IN, HEADS * D_OUT), dtype=jnp.float32) * 0.05
    att_src = jax.random.normal(k4, (1, HEADS, D_OUT), dtype=jnp.float32) * 0.05
    att_dst = jax.random.normal(k5, (1, HEADS, D_OUT), dtype=jnp.float32) * 0.05
    bias = jnp.zeros((HEADS * D_OUT,), dtype=jnp.float32)
    return {"x": x, "edge_index": edge_index, "W": W, "att_src": att_src, "att_dst": att_dst, "bias": bias}


def reference(x, edge_index, W, att_src, att_dst, bias):
    # Faithful translation of PyG GATConv (concat=True, negative_slope=0.2,
    # add_self_loops=True, dropout is identity in eval mode).
    n = x.shape[0]
    loop = jnp.arange(n, dtype=edge_index.dtype)
    src = jnp.concatenate([edge_index[0], loop])
    dst = jnp.concatenate([edge_index[1], loop])
    h = (x @ W).reshape(n, HEADS, D_OUT)            # linear projection
    a_src = jnp.sum(h * att_src, axis=-1)           # [N, H]
    a_dst = jnp.sum(h * att_dst, axis=-1)           # [N, H]
    alpha = a_src[src] + a_dst[dst]                 # [E+N, H]  (gather)
    alpha = jax.nn.leaky_relu(alpha, negative_slope=0.2)
    # segment softmax over incoming edges per destination node
    amax = jax.ops.segment_max(alpha, dst, num_segments=n)
    amax = jnp.where(jnp.isfinite(amax), amax, 0.0)
    alpha = jnp.exp(alpha - amax[dst])
    denom = jax.ops.segment_sum(alpha, dst, num_segments=n)
    alpha = alpha / (denom[dst] + 1e-16)
    msg = h[src] * alpha[:, :, None]                # gather + weight
    out = jax.ops.segment_sum(msg, dst, num_segments=n)  # scatter-add
    out = out.reshape(n, HEADS * D_OUT) + bias
    return out

if __name__ == "__main__":
    import jax
    _d = setup_inputs()
    print(jax.jit(kernel)(*tuple(_d.values())))

</pallas_src>

<mosaic_0001>
#map = affine_map<(d0, d1) -> (0, 0, 0)>
#map1 = affine_map<(d0, d1) -> (0, 0)>
#map2 = affine_map<(d0, d1) -> (0)>
#map3 = affine_map<(d0, d1) -> (0, 0, 0, 0)>
module attributes {stable_mosaic.version = 14 : i64} {
  func.func @_edge_body(%arg0: i32, %arg1: i32, %arg2: memref<32x42x288xi32, #tpu.memory_space<hbm>>, %arg3: memref<32x42x288xi32, #tpu.memory_space<hbm>>, %arg4: memref<10240x128xf32, #tpu.memory_space<hbm>>, %arg5: memref<10000xf32, #tpu.memory_space<hbm>>, %arg6: memref<10000xf32, #tpu.memory_space<hbm>>, %arg7: memref<2x16x640x128xf32, #tpu.memory_space<hbm>>, %arg8: memref<2x16x640xf32, #tpu.memory_space<hbm>>, %arg9: memref<1x288xi32, #tpu.memory_space<vmem>>, %arg10: memref<1x288xi32, #tpu.memory_space<vmem>>, %arg11: memref<1x32xi32, #tpu.memory_space<vmem>>, %arg12: memref<1x32xi32, #tpu.memory_space<vmem>>, %arg13: memref<1x32xi32, #tpu.memory_space<vmem>>, %arg14: memref<1x32xi32, #tpu.memory_space<vmem>>, %arg15: memref<1x32xi32, #tpu.memory_space<vmem>>, %arg16: memref<1x32xi32, #tpu.memory_space<vmem>>, %arg17: memref<1x32xi32, #tpu.memory_space<vmem>>, %arg18: memref<1x32xi32, #tpu.memory_space<vmem>>, %arg19: memref<1x32xi32, #tpu.memory_space<vmem>>, %arg20: memref<1x32xi32, #tpu.memory_space<vmem>>, %arg21: memref<1x32xi32, #tpu.memory_space<vmem>>, %arg22: memref<1x32xi32, #tpu.memory_space<vmem>>, %arg23: memref<32xf32, #tpu.memory_space<vmem>>, %arg24: memref<32xf32, #tpu.memory_space<vmem>>, %arg25: memref<32xf32, #tpu.memory_space<vmem>>, %arg26: memref<32xf32, #tpu.memory_space<vmem>>, %arg27: memref<32xf32, #tpu.memory_space<vmem>>, %arg28: memref<32xf32, #tpu.memory_space<vmem>>, %arg29: memref<32x128xf32, #tpu.memory_space<vmem>>, %arg30: memref<32x128xf32, #tpu.memory_space<vmem>>, %arg31: memref<32x128xf32, #tpu.memory_space<vmem>>, %arg32: memref<32x128xf32, #tpu.memory_space<vmem>>, %arg33: memref<32x128xf32, #tpu.memory_space<vmem>>, %arg34: memref<32x128xf32, #tpu.memory_space<vmem>>, %arg35: memref<10000xf32, #tpu.memory_space<vmem>>, %arg36: memref<10000xf32, #tpu.memory_space<vmem>>, %arg37: memref<640xf32, #tpu.memory_space<vmem>>, %arg38: memref<10240x128xf32, #tpu.memory_space<vmem_shared>>, %arg39: memref<10240xf32, #tpu.memory_space<vmem_shared>>, %arg40: memref<!tpu.dma_semaphore, #tpu.memory_space<semaphore_mem>>, %arg41: memref<!tpu.dma_semaphore, #tpu.memory_space<semaphore_mem>>, %arg42: memref<!tpu.dma_semaphore, #tpu.memory_space<semaphore_mem>>, %arg43: memref<!tpu.dma_semaphore, #tpu.memory_space<semaphore_mem>>, %arg44: memref<!tpu.dma_semaphore, #tpu.memory_space<semaphore_mem>>, %arg45: memref<!tpu.dma_semaphore, #tpu.memory_space<semaphore_mem>>, %arg46: memref<!tpu.dma_semaphore, #tpu.memory_space<semaphore_mem>>, %arg47: memref<!tpu.dma_semaphore, #tpu.memory_space<semaphore_mem>>, %arg48: memref<!tpu.dma_semaphore, #tpu.memory_space<semaphore_mem>>, %arg49: memref<!tpu.dma_semaphore, #tpu.memory_space<semaphore_mem>>, %arg50: memref<!tpu.dma_semaphore, #tpu.memory_space<semaphore_mem>>, %arg51: memref<!tpu.dma_semaphore, #tpu.memory_space<semaphore_mem>>, %arg52: memref<!tpu.dma_semaphore, #tpu.memory_space<semaphore_mem>>, %arg53: memref<!tpu.dma_semaphore, #tpu.memory_space<semaphore_mem>>, %arg54: memref<!tpu.dma_semaphore, #tpu.memory_space<semaphore_mem>>, %arg55: memref<!tpu.dma_semaphore, #tpu.memory_space<semaphore_mem>>, %arg56: memref<!tpu.dma_semaphore, #tpu.memory_space<semaphore_mem>>, %arg57: memref<!tpu.dma_semaphore, #tpu.memory_space<semaphore_mem>>) attributes {dimension_semantics = [#tpu.dimension_semantics<core_parallel>, #tpu.dimension_semantics<subcore_parallel>], iteration_bounds = array<i64: 2, 16>, scalar_prefetch = 0 : i64, scratch_operands = 49 : i64, tpu.core_type = #tpu.core_type<sc_vector_subcore>, window_params = [{transform_indices = #map}, {transform_indices = #map}, {transform_indices = #map1}, {transform_indices = #map2}, {transform_indices = #map2}, {transform_indices = #map3}, {transform_indices = #map}]} {
    %mul3A = arith.constant 16 : i32
    %mul3A_0 = arith.muli %arg0, %mul3A : i32
    %add3A = arith.addi %mul3A_0, %arg1 : i32
    %eq3A = arith.constant 0 : i32
    %eq3A_1 = arith.cmpi eq, %arg0, %eq3A : i32
    %jit3A = arith.constant 310 : i32
    %jit3A_2 = arith.constant 335 : i32
    %select_n3A = arith.select %eq3A_1, %jit3A, %jit3A_2 : i32
    %eq3A_3 = arith.constant 0 : i32
    %eq3A_4 = arith.cmpi eq, %arg0, %eq3A_3 : i32
    %mul3A_5 = arith.constant 9920 : i32
    %mul3A_6 = arith.muli %arg1, %mul3A_5 : i32
    %mul3A_7 = arith.constant 10720 : i32
    %mul3A_8 = arith.muli %arg1, %mul3A_7 : i32
    %add3A_9 = arith.constant 158720 : i32
    %add3A_10 = arith.addi %add3A_9, %mul3A_8 : i32
    %select_n3A_11 = arith.select %eq3A_4, %mul3A_6, %add3A_10 : i32
    "tpu.region"() ({
      %run_scoped3A = tpu.sem_alloc : memref<!tpu.dma_semaphore, #tpu.memory_space<semaphore_mem>>
      tpu.enqueue_dma source(%arg5 : memref<10000xf32, #tpu.memory_space<hbm>>) target(%arg35 : memref<10000xf32, #tpu.memory_space<vmem>>) target_semaphore(%run_scoped3A : memref<!tpu.dma_semaphore, #tpu.memory_space<semaphore_mem>>)
      tpu.wait_dma2 semaphore(%run_scoped3A : memref<!tpu.dma_semaphore, #tpu.memory_space<semaphore_mem>>) src(%arg5 : memref<10000xf32, #tpu.memory_space<hbm>>) dst(%arg35 : memref<10000xf32, #tpu.memory_space<vmem>>)
      tpu.yield
    }) : () -> ()
    "tpu.region"() ({
      %run_scoped3A = tpu.sem_alloc : memref<!tpu.dma_semaphore, #tpu.memory_space<semaphore_mem>>
      tpu.enqueue_dma source(%arg6 : memref<10000xf32, #tpu.memory_space<hbm>>) target(%arg36 : memref<10000xf32, #tpu.memory_space<vmem>>) target_semaphore(%run_scoped3A : memref<!tpu.dma_semaphore, #tpu.memory_space<semaphore_mem>>)
      tpu.wait_dma2 semaphore(%run_scoped3A : memref<!tpu.dma_semaphore, #tpu.memory_space<semaphore_mem>>) src(%arg6 : memref<10000xf32, #tpu.memory_space<hbm>>) dst(%arg36 : memref<10000xf32, #tpu.memory_space<vmem>>)
      tpu.yield
    }) : () -> ()
    %broadcast_in_dim3A = arith.constant 0.000000e+00 : f32
    %broadcast_in_dim3A_12 = vector.broadcast %broadcast_in_dim3A : f32 to vector<16xf32>
    %scan3A = arith.constant 0 : i32
    %scan3A_13 = arith.constant 0 : i32
    %scan3A_14 = arith.constant 32 : i32
    %scan3A_15 = arith.addi %scan3A_13, %scan3A_14 : i32
    %scan3A_16 = arith.constant 1 : i32
    scf.for %scan3A_682 = %scan3A_13 to %scan3A_15 step %scan3A_16  : i32 {
      %swap3A_683 = arith.index_cast %scan3A_682 : i32 to index
      %swap3A_684 = arith.constant 0 : index
      %swap3A_685 = tpu.vector_load %arg29[%swap3A_683, %swap3A_684] {strides = array<i32>} : memref<32x128xf32, #tpu.memory_space<vmem>>, vector<16xf32>,
      tpu.vector_store %arg29[%swap3A_683, %swap3A_684], %broadcast_in_dim3A_12 {strides = array<i32>} : memref<32x128xf32, #tpu.memory_space<vmem>>, vector<16xf32>,
      %swap3A_686 = arith.index_cast %scan3A_682 : i32 to index
      %swap3A_687 = arith.constant 16 : index
      %swap3A_688 = tpu.vector_load %arg29[%swap3A_686, %swap3A_687] {strides = array<i32>} : memref<32x128xf32, #tpu.memory_space<vmem>>, vector<16xf32>,
      tpu.vector_store %arg29[%swap3A_686, %swap3A_687], %broadcast_in_dim3A_12 {strides = array<i32>} : memref<32x128xf32, #tpu.memory_space<vmem>>, vector<16xf32>,
      %swap3A_689 = arith.index_cast %scan3A_682 : i32 to index
      %swap3A_690 = arith.constant 32 : index
      %swap3A_691 = tpu.vector_load %arg29[%swap3A_689, %swap3A_690] {strides = array<i32>} : memref<32x128xf32, #tpu.memory_space<vmem>>, vector<16xf32>,
      tpu.vector_store %arg29[%swap3A_689, %swap3A_690], %broadcast_in_dim3A_12 {strides = array<i32>} : memref<32x128xf32, #tpu.memory_space<vmem>>, vector<16xf32>,
      %swap3A_692 = arith.index_cast %scan3A_682 : i32 to index
      %swap3A_693 = arith.constant 48 : index
      %swap3A_694 = tpu.vector_load %arg29[%swap3A_692, %swap3A_693] {strides = array<i32>} : memref<32x128xf32, #tpu.memory_space<vmem>>, vector<16xf32>,
      tpu.vector_store %arg29[%swap3A_692, %swap3A_693], %broadcast_in_dim3A_12 {strides = array<i32>} : memref<32x128xf32, #tpu.memory_space<vmem>>, vector<16xf32>,
      %swap3A_695 = arith.index_cast %scan3A_682 : i32 to index
      %swap3A_696 = arith.constant 64 : index
      %swap3A_697 = tpu.vector_load %arg29[%swap3A_695, %swap3A_696] {strides = array<i32>} : memref<32x128xf32, #tpu.memory_space<vmem>>, vector<16xf32>,
      tpu.vector_store %arg29[%swap3A_695, %swap3A_696], %broadcast_in_dim3A_12 {strides = array<i32>} : memref<32x128xf32, #tpu.memory_space<vmem>>, vector<16xf32>,
      %swap3A_698 = arith.index_cast %scan3A_682 : i32 to index
      %swap3A_699 = arith.constant 80 : index
      %swap3A_700 = tpu.vector_load %arg29[%swap3A_698, %swap3A_699] {strides = array<i32>} : memref<32x128xf32, #tpu.memory_space<vmem>>, vector<16xf32>,
      tpu.vector_store %arg29[%swap3A_698, %swap3A_699], %broadcast_in_dim3A_12 {strides = array<i32>} : memref<32x128xf32, #tpu.memory_space<vmem>>, vector<16xf32>,
      %swap3A_701 = arith.index_cast %scan3A_682 : i32 to index
      %swap3A_702 = arith.constant 96 : index
      %swap3A_703 = tpu.vector_load %arg29[%swap3A_701, %swap3A_702] {strides = array<i32>} : memref<32x128xf32, #tpu.memory_space<vmem>>, vector<16xf32>,
      tpu.vector_store %arg29[%swap3A_701, %swap3A_702], %broadcast_in_dim3A_12 {strides = array<i32>} : memref<32x128xf32, #tpu.memory_space<vmem>>, vector<16xf32>,
      %swap3A_704 = arith.index_cast %scan3A_682 : i32 to index
      %swap3A_705 = arith.constant 112 : index
      %swap3A_706 = tpu.vector_load %arg29[%swap3A_704, %swap3A_705] {strides = array<i32>} : memref<32x128xf32, #tpu.memory_space<vmem>>, vector<16xf32>,
      tpu.vector_store %arg29[%swap3A_704, %swap3A_705], %broadcast_in_dim3A_12 {strides = array<i32>} : memref<32x128xf32, #tpu.memory_space<vmem>>, vector<16xf32>,
    }
    %scan3A_17 = arith.constant 32 : i32
    %scan3A_18 = arith.constant 0 : i32
    %scan3A_19 = arith.constant 0 : i32
    %scan3A_20 = arith.constant 40 : i32
    %scan3A_21 = arith.addi %scan3A_19, %scan3A_20 : i32
    %scan3A_22 = arith.constant 1 : i32
    scf.for %scan3A_682 = %scan3A_19 to %scan3A_21 step %scan3A_22  : i32 {
      %mul3A_683 = arith.constant 16 : i32
      %mul3A_684 = arith.muli %scan3A_682, %mul3A_683 : i32
      %swap3A_685 = arith.index_cast %mul3A_684 : i32 to index
      %swap3A_686 = tpu.vector_load %arg37[%swap3A_685] {strides = array<i32>} : memref<640xf32, #tpu.memory_space<vmem>>, vector<16xf32>,
      tpu.vector_store %arg37[%swap3A_685], %broadcast_in_dim3A_12 {strides = array<i32>} : memref<640xf32, #tpu.memory_space<vmem>>, vector<16xf32>,
    }
    %scan3A_23 = arith.constant 40 : i32
    %mul3A_24 = arith.constant 640 : i32
    %mul3A_25 = arith.muli %arg1, %mul3A_24 : i32
    %add3A_26 = arith.constant 0 : i32
    %add3A_27 = arith.addi %mul3A_25, %add3A_26 : i32
    "tpu.region"() ({
      %run_scoped3A = tpu.sem_alloc : memref<!tpu.dma_semaphore, #tpu.memory_space<semaphore_mem>>
      %dma_start3A_682 = arith.constant 0 : i32
      %dma_start3A_683 = tpu.memref_slice %arg38[%add3A_27, %dma_start3A_682] : memref<10240x128xf32, #tpu.memory_space<vmem_shared>> -> memref<32x128xf32, #tpu.memory_space<vmem_shared>>
      %dma_start3A_684 = arith.constant 0 : i32
      %dma_start3A_685 = tpu.memref_slice %arg38[%add3A_27, %dma_start3A_684] : memref<10240x128xf32, #tpu.memory_space<vmem_shared>> -> memref<32x128xf32, #tpu.memory_space<vmem_shared>>
      tpu.enqueue_dma source(%arg29 : memref<32x128xf32, #tpu.memory_space<vmem>>) target(%dma_start3A_685 : memref<32x128xf32, #tpu.memory_space<vmem_shared>>) target_semaphore(%run_scoped3A : memref<!tpu.dma_semaphore, #tpu.memory_space<semaphore_mem>>)
      %dma_wait3A_686 = arith.constant 0 : i32
      %dma_wait3A_687 = tpu.memref_slice %arg38[%add3A_27, %dma_wait3A_686] : memref<10240x128xf32, #tpu.memory_space<vmem_shared>> -> memref<32x128xf32, #tpu.memory_space<vmem_shared>>
      %dma_wait3A_688 = arith.constant 0 : i32
      %dma_wait3A_689 = tpu.memref_slice %arg38[%add3A_27, %dma_wait3A_688] : memref<10240x128xf32, #tpu.memory_space<vmem_shared>> -> memref<32x128xf32, #tpu.memory_space<vmem_shared>>
      tpu.wait_dma2 semaphore(%run_scoped3A : memref<!tpu.dma_semaphore, #tpu.memory_space<semaphore_mem>>) src(%arg29 : memref<32x128xf32, #tpu.memory_space<vmem>>) dst(%dma_wait3A_689 : memref<32x128xf32, #tpu.memory_space<vmem_shared>>)
      tpu.yield
    }) : () -> ()
    %mul3A_28 = arith.constant 640 : i32
    %mul3A_29 = arith.muli %arg1, %mul3A_28 : i32
    %add3A_30 = arith.constant 32 : i32
    %add3A_31 = arith.addi %mul3A_29, %add3A_30 : i32
    "tpu.region"() ({
      %run_scoped3A = tpu.sem_alloc : memref<!tpu.dma_semaphore, #tpu.memory_space<semaphore_mem>>
      %dma_start3A_682 = arith.constant 0 : i32
      %dma_start3A_683 = tpu.memref_slice %arg38[%add3A_31, %dma_start3A_682] : memref<10240x128xf32, #tpu.memory_space<vmem_shared>> -> memref<32x128xf32, #tpu.memory_space<vmem_shared>>
      %dma_start3A_684 = arith.constant 0 : i32
      %dma_start3A_685 = tpu.memref_slice %arg38[%add3A_31, %dma_start3A_684] : memref<10240x128xf32, #tpu.memory_space<vmem_shared>> -> memref<32x128xf32, #tpu.memory_space<vmem_shared>>
      tpu.enqueue_dma source(%arg29 : memref<32x128xf32, #tpu.memory_space<vmem>>) target(%dma_start3A_685 : memref<32x128xf32, #tpu.memory_space<vmem_shared>>) target_semaphore(%run_scoped3A : memref<!tpu.dma_semaphore, #tpu.memory_space<semaphore_mem>>)
      %dma_wait3A_686 = arith.constant 0 : i32
      %dma_wait3A_687 = tpu.memref_slice %arg38[%add3A_31, %dma_wait3A_686] : memref<10240x128xf32, #tpu.memory_space<vmem_shared>> -> memref<32x128xf32, #tpu.memory_space<vmem_shared>>
      %dma_wait3A_688 = arith.constant 0 : i32
      %dma_wait3A_689 = tpu.memref_slice %arg38[%add3A_31, %dma_wait3A_688] : memref<10240x128xf32, #tpu.memory_space<vmem_shared>> -> memref<32x128xf32, #tpu.memory_space<vmem_shared>>
      tpu.wait_dma2 semaphore(%run_scoped3A : memref<!tpu.dma_semaphore, #tpu.memory_space<semaphore_mem>>) src(%arg29 : memref<32x128xf32, #tpu.memory_space<vmem>>) dst(%dma_wait3A_689 : memref<32x128xf32, #tpu.memory_space<vmem_shared>>)
      tpu.yield
    }) : () -> ()
    %mul3A_32 = arith.constant 640 : i32
    %mul3A_33 = arith.muli %arg1, %mul3A_32 : i32
    %add3A_34 = arith.constant 64 : i32
    %add3A_35 = arith.addi %mul3A_33, %add3A_34 : i32
    "tpu.region"() ({
      %run_scoped3A = tpu.sem_alloc : memref<!tpu.dma_semaphore, #tpu.memory_space<semaphore_mem>>
      %dma_start3A_682 = arith.constant 0 : i32
      %dma_start3A_683 = tpu.memref_slice %arg38[%add3A_35, %dma_start3A_682] : memref<10240x128xf32, #tpu.memory_space<vmem_shared>> -> memref<32x128xf32, #tpu.memory_space<vmem_shared>>
      %dma_start3A_684 = arith.constant 0 : i32
      %dma_start3A_685 = tpu.memref_slice %arg38[%add3A_35, %dma_start3A_684] : memref<10240x128xf32, #tpu.memory_space<vmem_shared>> -> memref<32x128xf32, #tpu.memory_space<vmem_shared>>
      tpu.enqueue_dma source(%arg29 : memref<32x128xf32, #tpu.memory_space<vmem>>) target(%dma_start3A_685 : memref<32x128xf32, #tpu.memory_space<vmem_shared>>) target_semaphore(%run_scoped3A : memref<!tpu.dma_semaphore, #tpu.memory_space<semaphore_mem>>)
      %dma_wait3A_686 = arith.constant 0 : i32
      %dma_wait3A_687 = tpu.memref_slice %arg38[%add3A_35, %dma_wait3A_686] : memref<10240x128xf32, #tpu.memory_space<vmem_shared>> -> memref<32x128xf32, #tpu.memory_space<vmem_shared>>
      %dma_wait3A_688 = arith.constant 0 : i32
      %dma_wait3A_689 = tpu.memref_slice %arg38[%add3A_35, %dma_wait3A_688] : memref<10240x128xf32, #tpu.memory_space<vmem_shared>> -> memref<32x128xf32, #tpu.memory_space<vmem_shared>>
      tpu.wait_dma2 semaphore(%run_scoped3A : memref<!tpu.dma_semaphore, #tpu.memory_space<semaphore_mem>>) src(%arg29 : memref<32x128xf32, #tpu.memory_space<vmem>>) dst(%dma_wait3A_689 : memref<32x128xf32, #tpu.memory_space<vmem_shared>>)
      tpu.yield
    }) : () -> ()
    %mul3A_36 = arith.constant 640 : i32
    %mul3A_37 = arith.muli %arg1, %mul3A_36 : i32
    %add3A_38 = arith.constant 96 : i32
    %add3A_39 = arith.addi %mul3A_37, %add3A_38 : i32
    "tpu.region"() ({
      %run_scoped3A = tpu.sem_alloc : memref<!tpu.dma_semaphore, #tpu.memory_space<semaphore_mem>>
      %dma_start3A_682 = arith.constant 0 : i32
      %dma_start3A_683 = tpu.memref_slice %arg38[%add3A_39, %dma_start3A_682] : memref<10240x128xf32, #tpu.memory_space<vmem_shared>> -> memref<32x128xf32, #tpu.memory_space<vmem_shared>>
      %dma_start3A_684 = arith.constant 0 : i32
      %dma_start3A_685 = tpu.memref_slice %arg38[%add3A_39, %dma_start3A_684] : memref<10240x128xf32, #tpu.memory_space<vmem_shared>> -> memref<32x128xf32, #tpu.memory_space<vmem_shared>>
      tpu.enqueue_dma source(%arg29 : memref<32x128xf32, #tpu.memory_space<vmem>>) target(%dma_start3A_685 : memref<32x128xf32, #tpu.memory_space<vmem_shared>>) target_semaphore(%run_scoped3A : memref<!tpu.dma_semaphore, #tpu.memory_space<semaphore_mem>>)
      %dma_wait3A_686 = arith.constant 0 : i32
      %dma_wait3A_687 = tpu.memref_slice %arg38[%add3A_39, %dma_wait3A_686] : memref<10240x128xf32, #tpu.memory_space<vmem_shared>> -> memref<32x128xf32, #tpu.memory_space<vmem_shared>>
      %dma_wait3A_688 = arith.constant 0 : i32
      %dma_wait3A_689 = tpu.memref_slice %arg38[%add3A_39, %dma_wait3A_688] : memref<10240x128xf32, #tpu.memory_space<vmem_shared>> -> memref<32x128xf32, #tpu.memory_space<vmem_shared>>
      tpu.wait_dma2 semaphore(%run_scoped3A : memref<!tpu.dma_semaphore, #tpu.memory_space<semaphore_mem>>) src(%arg29 : memref<32x128xf32, #tpu.memory_space<vmem>>) dst(%dma_wait3A_689 : memref<32x128xf32, #tpu.memory_space<vmem_shared>>)
      tpu.yield
    }) : () -> ()
    %mul3A_40 = arith.constant 640 : i32
    %mul3A_41 = arith.muli %arg1, %mul3A_40 : i32
    %add3A_42 = arith.constant 128 : i32
    %add3A_43 = arith.addi %mul3A_41, %add3A_42 : i32
    "tpu.region"() ({
      %run_scoped3A = tpu.sem_alloc : memref<!tpu.dma_semaphore, #tpu.memory_space<semaphore_mem>>
      %dma_start3A_682 = arith.constant 0 : i32
      %dma_start3A_683 = tpu.memref_slice %arg38[%add3A_43, %dma_start3A_682] : memref<10240x128xf32, #tpu.memory_space<vmem_shared>> -> memref<32x128xf32, #tpu.memory_space<vmem_shared>>
      %dma_start3A_684 = arith.constant 0 : i32
      %dma_start3A_685 = tpu.memref_slice %arg38[%add3A_43, %dma_start3A_684] : memref<10240x128xf32, #tpu.memory_space<vmem_shared>> -> memref<32x128xf32, #tpu.memory_space<vmem_shared>>
      tpu.enqueue_dma source(%arg29 : memref<32x128xf32, #tpu.memory_space<vmem>>) target(%dma_start3A_685 : memref<32x128xf32, #tpu.memory_space<vmem_shared>>) target_semaphore(%run_scoped3A : memref<!tpu.dma_semaphore, #tpu.memory_space<semaphore_mem>>)
      %dma_wait3A_686 = arith.constant 0 : i32
      %dma_wait3A_687 = tpu.memref_slice %arg38[%add3A_43, %dma_wait3A_686] : memref<10240x128xf32, #tpu.memory_space<vmem_shared>> -> memref<32x128xf32, #tpu.memory_space<vmem_shared>>
      %dma_wait3A_688 = arith.constant 0 : i32
      %dma_wait3A_689 = tpu.memref_slice %arg38[%add3A_43, %dma_wait3A_688] : memref<10240x128xf32, #tpu.memory_space<vmem_shared>> -> memref<32x128xf32, #tpu.memory_space<vmem_shared>>
      tpu.wait_dma2 semaphore(%run_scoped3A : memref<!tpu.dma_semaphore, #tpu.memory_space<semaphore_mem>>) src(%arg29 : memref<32x128xf32, #tpu.memory_space<vmem>>) dst(%dma_wait3A_689 : memref<32x128xf32, #tpu.memory_space<vmem_shared>>)
      tpu.yield
    }) : () -> ()
    %mul3A_44 = arith.constant 640 : i32
    %mul3A_45 = arith.muli %arg1, %mul3A_44 : i32
    %add3A_46 = arith.constant 160 : i32
    %add3A_47 = arith.addi %mul3A_45, %add3A_46 : i32
    "tpu.region"() ({
      %run_scoped3A = tpu.sem_alloc : memref<!tpu.dma_semaphore, #tpu.memory_space<semaphore_mem>>
      %dma_start3A_682 = arith.constant 0 : i32
      %dma_start3A_683 = tpu.memref_slice %arg38[%add3A_47, %dma_start3A_682] : memref<10240x128xf32, #tpu.memory_space<vmem_shared>> -> memref<32x128xf32, #tpu.memory_space<vmem_shared>>
      %dma_start3A_684 = arith.constant 0 : i32
      %dma_start3A_685 = tpu.memref_slice %arg38[%add3A_47, %dma_start3A_684] : memref<10240x128xf32, #tpu.memory_space<vmem_shared>> -> memref<32x128xf32, #tpu.memory_space<vmem_shared>>
      tpu.enqueue_dma source(%arg29 : memref<32x128xf32, #tpu.memory_space<vmem>>) target(%dma_start3A_685 : memref<32x128xf32, #tpu.memory_space<vmem_shared>>) target_semaphore(%run_scoped3A : memref<!tpu.dma_semaphore, #tpu.memory_space<semaphore_mem>>)
      %dma_wait3A_686 = arith.constant 0 : i32
      %dma_wait3A_687 = tpu.memref_slice %arg38[%add3A_47, %dma_wait3A_686] : memref<10240x128xf32, #tpu.memory_space<vmem_shared>> -> memref<32x128xf32, #tpu.memory_space<vmem_shared>>
      %dma_wait3A_688 = arith.constant 0 : i32
      %dma_wait3A_689 = tpu.memref_slice %arg38[%add3A_47, %dma_wait3A_688] : memref<10240x128xf32, #tpu.memory_space<vmem_shared>> -> memref<32x128xf32, #tpu.memory_space<vmem_shared>>
      tpu.wait_dma2 semaphore(%run_scoped3A : memref<!tpu.dma_semaphore, #tpu.memory_space<semaphore_mem>>) src(%arg29 : memref<32x128xf32, #tpu.memory_space<vmem>>) dst(%dma_wait3A_689 : memref<32x128xf32, #tpu.memory_space<vmem_shared>>)
      tpu.yield
    }) : () -> ()
    %mul3A_48 = arith.constant 640 : i32
    %mul3A_49 = arith.muli %arg1, %mul3A_48 : i32
    %add3A_50 = arith.constant 192 : i32
    %add3A_51 = arith.addi %mul3A_49, %add3A_50 : i32
    "tpu.region"() ({
      %run_scoped3A = tpu.sem_alloc : memref<!tpu.dma_semaphore, #tpu.memory_space<semaphore_mem>>
      %dma_start3A_682 = arith.constant 0 : i32
      %dma_start3A_683 = tpu.memref_slice %arg38[%add3A_51, %dma_start3A_682] : memref<10240x128xf32, #tpu.memory_space<vmem_shared>> -> memref<32x128xf32, #tpu.memory_space<vmem_shared>>
      %dma_start3A_684 = arith.constant 0 : i32
      %dma_start3A_685 = tpu.memref_slice %arg38[%add3A_51, %dma_start3A_684] : memref<10240x128xf32, #tpu.memory_space<vmem_shared>> -> memref<32x128xf32, #tpu.memory_space<vmem_shared>>
      tpu.enqueue_dma source(%arg29 : memref<32x128xf32, #tpu.memory_space<vmem>>) target(%dma_start3A_685 : memref<32x128xf32, #tpu.memory_space<vmem_shared>>) target_semaphore(%run_scoped3A : memref<!tpu.dma_semaphore, #tpu.memory_space<semaphore_mem>>)
      %dma_wait3A_686 = arith.constant 0 : i32
      %dma_wait3A_687 = tpu.memref_slice %arg38[%add3A_51, %dma_wait3A_686] : memref<10240x128xf32, #tpu.memory_space<vmem_shared>> -> memref<32x128xf32, #tpu.memory_space<vmem_shared>>
      %dma_wait3A_688 = arith.constant 0 : i32
      %dma_wait3A_689 = tpu.memref_slice %arg38[%add3A_51, %dma_wait3A_688] : memref<10240x128xf32, #tpu.memory_space<vmem_shared>> -> memref<32x128xf32, #tpu.memory_space<vmem_shared>>
      tpu.wait_dma2 semaphore(%run_scoped3A : memref<!tpu.dma_semaphore, #tpu.memory_space<semaphore_mem>>) src(%arg29 : memref<32x128xf32, #tpu.memory_space<vmem>>) dst(%dma_wait3A_689 : memref<32x128xf32, #tpu.memory_space<vmem_shared>>)
      tpu.yield
    }) : () -> ()
    %mul3A_52 = arith.constant 640 : i32
    %mul3A_53 = arith.muli %arg1, %mul3A_52 : i32
    %add3A_54 = arith.constant 224 : i32
    %add3A_55 = arith.addi %mul3A_53, %add3A_54 : i32
    "tpu.region"() ({
      %run_scoped3A = tpu.sem_alloc : memref<!tpu.dma_semaphore, #tpu.memory_space<semaphore_mem>>
      %dma_start3A_682 = arith.constant 0 : i32
      %dma_start3A_683 = tpu.memref_slice %arg38[%add3A_55, %dma_start3A_682] : memref<10240x128xf32, #tpu.memory_space<vmem_shared>> -> memref<32x128xf32, #tpu.memory_space<vmem_shared>>
      %dma_start3A_684 = arith.constant 0 : i32
      %dma_start3A_685 = tpu.memref_slice %arg38[%add3A_55, %dma_start3A_684] : memref<10240x128xf32, #tpu.memory_space<vmem_shared>> -> memref<32x128xf32, #tpu.memory_space<vmem_shared>>
      tpu.enqueue_dma source(%arg29 : memref<32x128xf32, #tpu.memory_space<vmem>>) target(%dma_start3A_685 : memref<32x128xf32, #tpu.memory_space<vmem_shared>>) target_semaphore(%run_scoped3A : memref<!tpu.dma_semaphore, #tpu.memory_space<semaphore_mem>>)
      %dma_wait3A_686 = arith.constant 0 : i32
      %dma_wait3A_687 = tpu.memref_slice %arg38[%add3A_55, %dma_wait3A_686] : memref<10240x128xf32, #tpu.memory_space<vmem_shared>> -> memref<32x128xf32, #tpu.memory_space<vmem_shared>>
      %dma_wait3A_688 = arith.constant 0 : i32
      %dma_wait3A_689 = tpu.memref_slice %arg38[%add3A_55, %dma_wait3A_688] : memref<10240x128xf32, #tpu.memory_space<vmem_shared>> -> memref<32x128xf32, #tpu.memory_space<vmem_shared>>
      tpu.wait_dma2 semaphore(%run_scoped3A : memref<!tpu.dma_semaphore, #tpu.memory_space<semaphore_mem>>) src(%arg29 : memref<32x128xf32, #tpu.memory_space<vmem>>) dst(%dma_wait3A_689 : memref<32x128xf32, #tpu.memory_space<vmem_shared>>)
      tpu.yield
    }) : () -> ()
    %mul3A_56 = arith.constant 640 : i32
    %mul3A_57 = arith.muli %arg1, %mul3A_56 : i32
    %add3A_58 = arith.constant 256 : i32
    %add3A_59 = arith.addi %mul3A_57, %add3A_58 : i32
    "tpu.region"() ({
      %run_scoped3A = tpu.sem_alloc : memref<!tpu.dma_semaphore, #tpu.memory_space<semaphore_mem>>
      %dma_start3A_682 = arith.constant 0 : i32
      %dma_start3A_683 = tpu.memref_slice %arg38[%add3A_59, %dma_start3A_682] : memref<10240x128xf32, #tpu.memory_space<vmem_shared>> -> memref<32x128xf32, #tpu.memory_space<vmem_shared>>
      %dma_start3A_684 = arith.constant 0 : i32
      %dma_start3A_685 = tpu.memref_slice %arg38[%add3A_59, %dma_start3A_684] : memref<10240x128xf32, #tpu.memory_space<vmem_shared>> -> memref<32x128xf32, #tpu.memory_space<vmem_shared>>
      tpu.enqueue_dma source(%arg29 : memref<32x128xf32, #tpu.memory_space<vmem>>) target(%dma_start3A_685 : memref<32x128xf32, #tpu.memory_space<vmem_shared>>) target_semaphore(%run_scoped3A : memref<!tpu.dma_semaphore, #tpu.memory_space<semaphore_mem>>)
      %dma_wait3A_686 = arith.constant 0 : i32
      %dma_wait3A_687 = tpu.memref_slice %arg38[%add3A_59, %dma_wait3A_686] : memref<10240x128xf32, #tpu.memory_space<vmem_shared>> -> memref<32x128xf32, #tpu.memory_space<vmem_shared>>
      %dma_wait3A_688 = arith.constant 0 : i32
      %dma_wait3A_689 = tpu.memref_slice %arg38[%add3A_59, %dma_wait3A_688] : memref<10240x128xf32, #tpu.memory_space<vmem_shared>> -> memref<32x128xf32, #tpu.memory_space<vmem_shared>>
      tpu.wait_dma2 semaphore(%run_scoped3A : memref<!tpu.dma_semaphore, #tpu.memory_space<semaphore_mem>>) src(%arg29 : memref<32x128xf32, #tpu.memory_space<vmem>>) dst(%dma_wait3A_689 : memref<32x128xf32, #tpu.memory_space<vmem_shared>>)
      tpu.yield
    }) : () -> ()
    %mul3A_60 = arith.constant 640 : i32
    %mul3A_61 = arith.muli %arg1, %mul3A_60 : i32
    %add3A_62 = arith.constant 288 : i32
    %add3A_63 = arith.addi %mul3A_61, %add3A_62 : i32
    "tpu.region"() ({
      %run_scoped3A = tpu.sem_alloc : memref<!tpu.dma_semaphore, #tpu.memory_space<semaphore_mem>>
      %dma_start3A_682 = arith.constant 0 : i32
      %dma_start3A_683 = tpu.memref_slice %arg38[%add3A_63, %dma_start3A_682] : memref<10240x128xf32, #tpu.memory_space<vmem_shared>> -> memref<32x128xf32, #tpu.memory_space<vmem_shared>>
      %dma_start3A_684 = arith.constant 0 : i32
      %dma_start3A_685 = tpu.memref_slice %arg38[%add3A_63, %dma_start3A_684] : memref<10240x128xf32, #tpu.memory_space<vmem_shared>> -> memref<32x128xf32, #tpu.memory_space<vmem_shared>>
      tpu.enqueue_dma source(%arg29 : memref<32x128xf32, #tpu.memory_space<vmem>>) target(%dma_start3A_685 : memref<32x128xf32, #tpu.memory_space<vmem_shared>>) target_semaphore(%run_scoped3A : memref<!tpu.dma_semaphore, #tpu.memory_space<semaphore_mem>>)
      %dma_wait3A_686 = arith.constant 0 : i32
      %dma_wait3A_687 = tpu.memref_slice %arg38[%add3A_63, %dma_wait3A_686] : memref<10240x128xf32, #tpu.memory_space<vmem_shared>> -> memref<32x128xf32, #tpu.memory_space<vmem_shared>>
      %dma_wait3A_688 = arith.constant 0 : i32
      %dma_wait3A_689 = tpu.memref_slice %arg38[%add3A_63, %dma_wait3A_688] : memref<10240x128xf32, #tpu.memory_space<vmem_shared>> -> memref<32x128xf32, #tpu.memory_space<vmem_shared>>
      tpu.wait_dma2 semaphore(%run_scoped3A : memref<!tpu.dma_semaphore, #tpu.memory_space<semaphore_mem>>) src(%arg29 : memref<32x128xf32, #tpu.memory_space<vmem>>) dst(%dma_wait3A_689 : memref<32x128xf32, #tpu.memory_space<vmem_shared>>)
      tpu.yield
    }) : () -> ()
    %mul3A_64 = arith.constant 640 : i32
    %mul3A_65 = arith.muli %arg1, %mul3A_64 : i32
    %add3A_66 = arith.constant 320 : i32
    %add3A_67 = arith.addi %mul3A_65, %add3A_66 : i32
    "tpu.region"() ({
      %run_scoped3A = tpu.sem_alloc : memref<!tpu.dma_semaphore, #tpu.memory_space<semaphore_mem>>
      %dma_start3A_682 = arith.constant 0 : i32
      %dma_start3A_683 = tpu.memref_slice %arg38[%add3A_67, %dma_start3A_682] : memref<10240x128xf32, #tpu.memory_space<vmem_shared>> -> memref<32x128xf32, #tpu.memory_space<vmem_shared>>
      %dma_start3A_684 = arith.constant 0 : i32
      %dma_start3A_685 = tpu.memref_slice %arg38[%add3A_67, %dma_start3A_684] : memref<10240x128xf32, #tpu.memory_space<vmem_shared>> -> memref<32x128xf32, #tpu.memory_space<vmem_shared>>
      tpu.enqueue_dma source(%arg29 : memref<32x128xf32, #tpu.memory_space<vmem>>) target(%dma_start3A_685 : memref<32x128xf32, #tpu.memory_space<vmem_shared>>) target_semaphore(%run_scoped3A : memref<!tpu.dma_semaphore, #tpu.memory_space<semaphore_mem>>)
      %dma_wait3A_686 = arith.constant 0 : i32
      %dma_wait3A_687 = tpu.memref_slice %arg38[%add3A_67, %dma_wait3A_686] : memref<10240x128xf32, #tpu.memory_space<vmem_shared>> -> memref<32x128xf32, #tpu.memory_space<vmem_shared>>
      %dma_wait3A_688 = arith.constant 0 : i32
      %dma_wait3A_689 = tpu.memref_slice %arg38[%add3A_67, %dma_wait3A_688] : memref<10240x128xf32, #tpu.memory_space<vmem_shared>> -> memref<32x128xf32, #tpu.memory_space<vmem_shared>>
      tpu.wait_dma2 semaphore(%run_scoped3A : memref<!tpu.dma_semaphore, #tpu.memory_space<semaphore_mem>>) src(%arg29 : memref<32x128xf32, #tpu.memory_space<vmem>>) dst(%dma_wait3A_689 : memref<32x128xf32, #tpu.memory_space<vmem_shared>>)
      tpu.yield
    }) : () -> ()
    %mul3A_68 = arith.constant 640 : i32
    %mul3A_69 = arith.muli %arg1, %mul3A_68 : i32
    %add3A_70 = arith.constant 352 : i32
    %add3A_71 = arith.addi %mul3A_69, %add3A_70 : i32
    "tpu.region"() ({
      %run_scoped3A = tpu.sem_alloc : memref<!tpu.dma_semaphore, #tpu.memory_space<semaphore_mem>>
      %dma_start3A_682 = arith.constant 0 : i32
      %dma_start3A_683 = tpu.memref_slice %arg38[%add3A_71, %dma_start3A_682] : memref<10240x128xf32, #tpu.memory_space<vmem_shared>> -> memref<32x128xf32, #tpu.memory_space<vmem_shared>>
      %dma_start3A_684 = arith.constant 0 : i32
      %dma_start3A_685 = tpu.memref_slice %arg38[%add3A_71, %dma_start3A_684] : memref<10240x128xf32, #tpu.memory_space<vmem_shared>> -> memref<32x128xf32, #tpu.memory_space<vmem_shared>>
      tpu.enqueue_dma source(%arg29 : memref<32x128xf32, #tpu.memory_space<vmem>>) target(%dma_start3A_685 : memref<32x128xf32, #tpu.memory_space<vmem_shared>>) target_semaphore(%run_scoped3A : memref<!tpu.dma_semaphore, #tpu.memory_space<semaphore_mem>>)
      %dma_wait3A_686 = arith.constant 0 : i32
      %dma_wait3A_687 = tpu.memref_slice %arg38[%add3A_71, %dma_wait3A_686] : memref<10240x128xf32, #tpu.memory_space<vmem_shared>> -> memref<32x128xf32, #tpu.memory_space<vmem_shared>>
      %dma_wait3A_688 = arith.constant 0 : i32
      %dma_wait3A_689 = tpu.memref_slice %arg38[%add3A_71, %dma_wait3A_688] : memref<10240x128xf32, #tpu.memory_space<vmem_shared>> -> memref<32x128xf32, #tpu.memory_space<vmem_shared>>
      tpu.wait_dma2 semaphore(%run_scoped3A : memref<!tpu.dma_semaphore, #tpu.memory_space<semaphore_mem>>) src(%arg29 : memref<32x128xf32, #tpu.memory_space<vmem>>) dst(%dma_wait3A_689 : memref<32x128xf32, #tpu.memory_space<vmem_shared>>)
      tpu.yield
    }) : () -> ()
    %mul3A_72 = arith.constant 640 : i32
    %mul3A_73 = arith.muli %arg1, %mul3A_72 : i32
    %add3A_74 = arith.constant 384 : i32
    %add3A_75 = arith.addi %mul3A_73, %add3A_74 : i32
    "tpu.region"() ({
      %run_scoped3A = tpu.sem_alloc : memref<!tpu.dma_semaphore, #tpu.memory_space<semaphore_mem>>
      %dma_start3A_682 = arith.constant 0 : i32
      %dma_start3A_683 = tpu.memref_slice %arg38[%add3A_75, %dma_start3A_682] : memref<10240x128xf32, #tpu.memory_space<vmem_shared>> -> memref<32x128xf32, #tpu.memory_space<vmem_shared>>
      %dma_start3A_684 = arith.constant 0 : i32
      %dma_start3A_685 = tpu.memref_slice %arg38[%add3A_75, %dma_start3A_684] : memref<10240x128xf32, #tpu.memory_space<vmem_shared>> -> memref<32x128xf32, #tpu.memory_space<vmem_shared>>
      tpu.enqueue_dma source(%arg29 : memref<32x128xf32, #tpu.memory_space<vmem>>) target(%dma_start3A_685 : memref<32x128xf32, #tpu.memory_space<vmem_shared>>) target_semaphore(%run_scoped3A : memref<!tpu.dma_semaphore, #tpu.memory_space<semaphore_mem>>)
      %dma_wait3A_686 = arith.constant 0 : i32
      %dma_wait3A_687 = tpu.memref_slice %arg38[%add3A_75, %dma_wait3A_686] : memref<10240x128xf32, #tpu.memory_space<vmem_shared>> -> memref<32x128xf32, #tpu.memory_space<vmem_shared>>
      %dma_wait3A_688 = arith.constant 0 : i32
      %dma_wait3A_689 = tpu.memref_slice %arg38[%add3A_75, %dma_wait3A_688] : memref<10240x128xf32, #tpu.memory_space<vmem_shared>> -> memref<32x128xf32, #tpu.memory_space<vmem_shared>>
      tpu.wait_dma2 semaphore(%run_scoped3A : memref<!tpu.dma_semaphore, #tpu.memory_space<semaphore_mem>>) src(%arg29 : memref<32x128xf32, #tpu.memory_space<vmem>>) dst(%dma_wait3A_689 : memref<32x128xf32, #tpu.memory_space<vmem_shared>>)
      tpu.yield
    }) : () -> ()
    %mul3A_76 = arith.constant 640 : i32
    %mul3A_77 = arith.muli %arg1, %mul3A_76 : i32
    %add3A_78 = arith.constant 416 : i32
    %add3A_79 = arith.addi %mul3A_77, %add3A_78 : i32
    "tpu.region"() ({
      %run_scoped3A = tpu.sem_alloc : memref<!tpu.dma_semaphore, #tpu.memory_space<semaphore_mem>>
      %dma_start3A_682 = arith.constant 0 : i32
      %dma_start3A_683 = tpu.memref_slice %arg38[%add3A_79, %dma_start3A_682] : memref<10240x128xf32, #tpu.memory_space<vmem_shared>> -> memref<32x128xf32, #tpu.memory_space<vmem_shared>>
      %dma_start3A_684 = arith.constant 0 : i32
      %dma_start3A_685 = tpu.memref_slice %arg38[%add3A_79, %dma_start3A_684] : memref<10240x128xf32, #tpu.memory_space<vmem_shared>> -> memref<32x128xf32, #tpu.memory_space<vmem_shared>>
      tpu.enqueue_dma source(%arg29 : memref<32x128xf32, #tpu.memory_space<vmem>>) target(%dma_start3A_685 : memref<32x128xf32, #tpu.memory_space<vmem_shared>>) target_semaphore(%run_scoped3A : memref<!tpu.dma_semaphore, #tpu.memory_space<semaphore_mem>>)
      %dma_wait3A_686 = arith.constant 0 : i32
      %dma_wait3A_687 = tpu.memref_slice %arg38[%add3A_79, %dma_wait3A_686] : memref<10240x128xf32, #tpu.memory_space<vmem_shared>> -> memref<32x128xf32, #tpu.memory_space<vmem_shared>>
      %dma_wait3A_688 = arith.constant 0 : i32
      %dma_wait3A_689 = tpu.memref_slice %arg38[%add3A_79, %dma_wait3A_688] : memref<10240x128xf32, #tpu.memory_space<vmem_shared>> -> memref<32x128xf32, #tpu.memory_space<vmem_shared>>
      tpu.wait_dma2 semaphore(%run_scoped3A : memref<!tpu.dma_semaphore, #tpu.memory_space<semaphore_mem>>) src(%arg29 : memref<32x128xf32, #tpu.memory_space<vmem>>) dst(%dma_wait3A_689 : memref<32x128xf32, #tpu.memory_space<vmem_shared>>)
      tpu.yield
    }) : () -> ()
    %mul3A_80 = arith.constant 640 : i32
    %mul3A_81 = arith.muli %arg1, %mul3A_80 : i32
    %add3A_82 = arith.constant 448 : i32
    %add3A_83 = arith.addi %mul3A_81, %add3A_82 : i32
    "tpu.region"() ({
      %run_scoped3A = tpu.sem_alloc : memref<!tpu.dma_semaphore, #tpu.memory_space<semaphore_mem>>
      %dma_start3A_682 = arith.constant 0 : i32
      %dma_start3A_683 = tpu.memref_slice %arg38[%add3A_83, %dma_start3A_682] : memref<10240x128xf32, #tpu.memory_space<vmem_shared>> -> memref<32x128xf32, #tpu.memory_space<vmem_shared>>
      %dma_start3A_684 = arith.constant 0 : i32
      %dma_start3A_685 = tpu.memref_slice %arg38[%add3A_83, %dma_start3A_684] : memref<10240x128xf32, #tpu.memory_space<vmem_shared>> -> memref<32x128xf32, #tpu.memory_space<vmem_shared>>
      tpu.enqueue_dma source(%arg29 : memref<32x128xf32, #tpu.memory_space<vmem>>) target(%dma_start3A_685 : memref<32x128xf32, #tpu.memory_space<vmem_shared>>) target_semaphore(%run_scoped3A : memref<!tpu.dma_semaphore, #tpu.memory_space<semaphore_mem>>)
      %dma_wait3A_686 = arith.constant 0 : i32
      %dma_wait3A_687 = tpu.memref_slice %arg38[%add3A_83, %dma_wait3A_686] : memref<10240x128xf32, #tpu.memory_space<vmem_shared>> -> memref<32x128xf32, #tpu.memory_space<vmem_shared>>
      %dma_wait3A_688 = arith.constant 0 : i32
      %dma_wait3A_689 = tpu.memref_slice %arg38[%add3A_83, %dma_wait3A_688] : memref<10240x128xf32, #tpu.memory_space<vmem_shared>> -> memref<32x128xf32, #tpu.memory_space<vmem_shared>>
      tpu.wait_dma2 semaphore(%run_scoped3A : memref<!tpu.dma_semaphore, #tpu.memory_space<semaphore_mem>>) src(%arg29 : memref<32x128xf32, #tpu.memory_space<vmem>>) dst(%dma_wait3A_689 : memref<32x128xf32, #tpu.memory_space<vmem_shared>>)
      tpu.yield
    }) : () -> ()
    %mul3A_84 = arith.constant 640 : i32
    %mul3A_85 = arith.muli %arg1, %mul3A_84 : i32
    %add3A_86 = arith.constant 480 : i32
    %add3A_87 = arith.addi %mul3A_85, %add3A_86 : i32
    "tpu.region"() ({
      %run_scoped3A = tpu.sem_alloc : memref<!tpu.dma_semaphore, #tpu.memory_space<semaphore_mem>>
      %dma_start3A_682 = arith.constant 0 : i32
      %dma_start3A_683 = tpu.memref_slice %arg38[%add3A_87, %dma_start3A_682] : memref<10240x128xf32, #tpu.memory_space<vmem_shared>> -> memref<32x128xf32, #tpu.memory_space<vmem_shared>>
      %dma_start3A_684 = arith.constant 0 : i32
      %dma_start3A_685 = tpu.memref_slice %arg38[%add3A_87, %dma_start3A_684] : memref<10240x128xf32, #tpu.memory_space<vmem_shared>> -> memref<32x128xf32, #tpu.memory_space<vmem_shared>>
      tpu.enqueue_dma source(%arg29 : memref<32x128xf32, #tpu.memory_space<vmem>>) target(%dma_start3A_685 : memref<32x128xf32, #tpu.memory_space<vmem_shared>>) target_semaphore(%run_scoped3A : memref<!tpu.dma_semaphore, #tpu.memory_space<semaphore_mem>>)
      %dma_wait3A_686 = arith.constant 0 : i32
      %dma_wait3A_687 = tpu.memref_slice %arg38[%add3A_87, %dma_wait3A_686] : memref<10240x128xf32, #tpu.memory_space<vmem_shared>> -> memref<32x128xf32, #tpu.memory_space<vmem_shared>>
      %dma_wait3A_688 = arith.constant 0 : i32
      %dma_wait3A_689 = tpu.memref_slice %arg38[%add3A_87, %dma_wait3A_688] : memref<10240x128xf32, #tpu.memory_space<vmem_shared>> -> memref<32x128xf32, #tpu.memory_space<vmem_shared>>
      tpu.wait_dma2 semaphore(%run_scoped3A : memref<!tpu.dma_semaphore, #tpu.memory_space<semaphore_mem>>) src(%arg29 : memref<32x128xf32, #tpu.memory_space<vmem>>) dst(%dma_wait3A_689 : memref<32x128xf32, #tpu.memory_space<vmem_shared>>)
      tpu.yield
    }) : () -> ()
    %mul3A_88 = arith.constant 640 : i32
    %mul3A_89 = arith.muli %arg1, %mul3A_88 : i32
    %add3A_90 = arith.constant 512 : i32
    %add3A_91 = arith.addi %mul3A_89, %add3A_90 : i32
    "tpu.region"() ({
      %run_scoped3A = tpu.sem_alloc : memref<!tpu.dma_semaphore, #tpu.memory_space<semaphore_mem>>
      %dma_start3A_682 = arith.constant 0 : i32
      %dma_start3A_683 = tpu.memref_slice %arg38[%add3A_91, %dma_start3A_682] : memref<10240x128xf32, #tpu.memory_space<vmem_shared>> -> memref<32x128xf32, #tpu.memory_space<vmem_shared>>
      %dma_start3A_684 = arith.constant 0 : i32
      %dma_start3A_685 = tpu.memref_slice %arg38[%add3A_91, %dma_start3A_684] : memref<10240x128xf32, #tpu.memory_space<vmem_shared>> -> memref<32x128xf32, #tpu.memory_space<vmem_shared>>
      tpu.enqueue_dma source(%arg29 : memref<32x128xf32, #tpu.memory_space<vmem>>) target(%dma_start3A_685 : memref<32x128xf32, #tpu.memory_space<vmem_shared>>) target_semaphore(%run_scoped3A : memref<!tpu.dma_semaphore, #tpu.memory_space<semaphore_mem>>)
      %dma_wait3A_686 = arith.constant 0 : i32
      %dma_wait3A_687 = tpu.memref_slice %arg38[%add3A_91, %dma_wait3A_686] : memref<10240x128xf32, #tpu.memory_space<vmem_shared>> -> memref<32x128xf32, #tpu.memory_space<vmem_shared>>
      %dma_wait3A_688 = arith.constant 0 : i32
      %dma_wait3A_689 = tpu.memref_slice %arg38[%add3A_91, %dma_wait3A_688] : memref<10240x128xf32, #tpu.memory_space<vmem_shared>> -> memref<32x128xf32, #tpu.memory_space<vmem_shared>>
      tpu.wait_dma2 semaphore(%run_scoped3A : memref<!tpu.dma_semaphore, #tpu.memory_space<semaphore_mem>>) src(%arg29 : memref<32x128xf32, #tpu.memory_space<vmem>>) dst(%dma_wait3A_689 : memref<32x128xf32, #tpu.memory_space<vmem_shared>>)
      tpu.yield
    }) : () -> ()
    %mul3A_92 = arith.constant 640 : i32
    %mul3A_93 = arith.muli %arg1, %mul3A_92 : i32
    %add3A_94 = arith.constant 544 : i32
    %add3A_95 = arith.addi %mul3A_93, %add3A_94 : i32
    "tpu.region"() ({
      %run_scoped3A = tpu.sem_alloc : memref<!tpu.dma_semaphore, #tpu.memory_space<semaphore_mem>>
      %dma_start3A_682 = arith.constant 0 : i32
      %dma_start3A_683 = tpu.memref_slice %arg38[%add3A_95, %dma_start3A_682] : memref<10240x128xf32, #tpu.memory_space<vmem_shared>> -> memref<32x128xf32, #tpu.memory_space<vmem_shared>>
      %dma_start3A_684 = arith.constant 0 : i32
      %dma_start3A_685 = tpu.memref_slice %arg38[%add3A_95, %dma_start3A_684] : memref<10240x128xf32, #tpu.memory_space<vmem_shared>> -> memref<32x128xf32, #tpu.memory_space<vmem_shared>>
      tpu.enqueue_dma source(%arg29 : memref<32x128xf32, #tpu.memory_space<vmem>>) target(%dma_start3A_685 : memref<32x128xf32, #tpu.memory_space<vmem_shared>>) target_semaphore(%run_scoped3A : memref<!tpu.dma_semaphore, #tpu.memory_space<semaphore_mem>>)
      %dma_wait3A_686 = arith.constant 0 : i32
      %dma_wait3A_687 = tpu.memref_slice %arg38[%add3A_95, %dma_wait3A_686] : memref<10240x128xf32, #tpu.memory_space<vmem_shared>> -> memref<32x128xf32, #tpu.memory_space<vmem_shared>>
      %dma_wait3A_688 = arith.constant 0 : i32
      %dma_wait3A_689 = tpu.memref_slice %arg38[%add3A_95, %dma_wait3A_688] : memref<10240x128xf32, #tpu.memory_space<vmem_shared>> -> memref<32x128xf32, #tpu.memory_space<vmem_shared>>
      tpu.wait_dma2 semaphore(%run_scoped3A : memref<!tpu.dma_semaphore, #tpu.memory_space<semaphore_mem>>) src(%arg29 : memref<32x128xf32, #tpu.memory_space<vmem>>) dst(%dma_wait3A_689 : memref<32x128xf32, #tpu.memory_space<vmem_shared>>)
      tpu.yield
    }) : () -> ()
    %mul3A_96 = arith.constant 640 : i32
    %mul3A_97 = arith.muli %arg1, %mul3A_96 : i32
    %add3A_98 = arith.constant 576 : i32
    %add3A_99 = arith.addi %mul3A_97, %add3A_98 : i32
    "tpu.region"() ({
      %run_scoped3A = tpu.sem_alloc : memref<!tpu.dma_semaphore, #tpu.memory_space<semaphore_mem>>
      %dma_start3A_682 = arith.constant 0 : i32
      %dma_start3A_683 = tpu.memref_slice %arg38[%add3A_99, %dma_start3A_682] : memref<10240x128xf32, #tpu.memory_space<vmem_shared>> -> memref<32x128xf32, #tpu.memory_space<vmem_shared>>
      %dma_start3A_684 = arith.constant 0 : i32
      %dma_start3A_685 = tpu.memref_slice %arg38[%add3A_99, %dma_start3A_684] : memref<10240x128xf32, #tpu.memory_space<vmem_shared>> -> memref<32x128xf32, #tpu.memory_space<vmem_shared>>
      tpu.enqueue_dma source(%arg29 : memref<32x128xf32, #tpu.memory_space<vmem>>) target(%dma_start3A_685 : memref<32x128xf32, #tpu.memory_space<vmem_shared>>) target_semaphore(%run_scoped3A : memref<!tpu.dma_semaphore, #tpu.memory_space<semaphore_mem>>)
      %dma_wait3A_686 = arith.constant 0 : i32
      %dma_wait3A_687 = tpu.memref_slice %arg38[%add3A_99, %dma_wait3A_686] : memref<10240x128xf32, #tpu.memory_space<vmem_shared>> -> memref<32x128xf32, #tpu.memory_space<vmem_shared>>
      %dma_wait3A_688 = arith.constant 0 : i32
      %dma_wait3A_689 = tpu.memref_slice %arg38[%add3A_99, %dma_wait3A_688] : memref<10240x128xf32, #tpu.memory_space<vmem_shared>> -> memref<32x128xf32, #tpu.memory_space<vmem_shared>>
      tpu.wait_dma2 semaphore(%run_scoped3A : memref<!tpu.dma_semaphore, #tpu.memory_space<semaphore_mem>>) src(%arg29 : memref<32x128xf32, #tpu.memory_space<vmem>>) dst(%dma_wait3A_689 : memref<32x128xf32, #tpu.memory_space<vmem_shared>>)
      tpu.yield
    }) : () -> ()
    %mul3A_100 = arith.constant 640 : i32
    %mul3A_101 = arith.muli %arg1, %mul3A_100 : i32
    %add3A_102 = arith.constant 608 : i32
    %add3A_103 = arith.addi %mul3A_101, %add3A_102 : i32
    "tpu.region"() ({
      %run_scoped3A = tpu.sem_alloc : memref<!tpu.dma_semaphore, #tpu.memory_space<semaphore_mem>>
      %dma_start3A_682 = arith.constant 0 : i32
      %dma_start3A_683 = tpu.memref_slice %arg38[%add3A_103, %dma_start3A_682] : memref<10240x128xf32, #tpu.memory_space<vmem_shared>> -> memref<32x128xf32, #tpu.memory_space<vmem_shared>>
      %dma_start3A_684 = arith.constant 0 : i32
      %dma_start3A_685 = tpu.memref_slice %arg38[%add3A_103, %dma_start3A_684] : memref<10240x128xf32, #tpu.memory_space<vmem_shared>> -> memref<32x128xf32, #tpu.memory_space<vmem_shared>>
      tpu.enqueue_dma source(%arg29 : memref<32x128xf32, #tpu.memory_space<vmem>>) target(%dma_start3A_685 : memref<32x128xf32, #tpu.memory_space<vmem_shared>>) target_semaphore(%run_scoped3A : memref<!tpu.dma_semaphore, #tpu.memory_space<semaphore_mem>>)
      %dma_wait3A_686 = arith.constant 0 : i32
      %dma_wait3A_687 = tpu.memref_slice %arg38[%add3A_103, %dma_wait3A_686] : memref<10240x128xf32, #tpu.memory_space<vmem_shared>> -> memref<32x128xf32, #tpu.memory_space<vmem_shared>>
      %dma_wait3A_688 = arith.constant 0 : i32
      %dma_wait3A_689 = tpu.memref_slice %arg38[%add3A_103, %dma_wait3A_688] : memref<10240x128xf32, #tpu.memory_space<vmem_shared>> -> memref<32x128xf32, #tpu.memory_space<vmem_shared>>
      tpu.wait_dma2 semaphore(%run_scoped3A : memref<!tpu.dma_semaphore, #tpu.memory_space<semaphore_mem>>) src(%arg29 : memref<32x128xf32, #tpu.memory_space<vmem>>) dst(%dma_wait3A_689 : memref<32x128xf32, #tpu.memory_space<vmem_shared>>)
      tpu.yield
    }) : () -> ()
    %mul3A_104 = arith.constant 640 : i32
    %mul3A_105 = arith.muli %arg1, %mul3A_104 : i32
    "tpu.region"() ({
      %run_scoped3A = tpu.sem_alloc : memref<!tpu.dma_semaphore, #tpu.memory_space<semaphore_mem>>
      %dma_start3A_682 = tpu.memref_slice %arg39[%mul3A_105] : memref<10240xf32, #tpu.memory_space<vmem_shared>> -> memref<640xf32, #tpu.memory_space<vmem_shared>>
      %dma_start3A_683 = tpu.memref_slice %arg39[%mul3A_105] : memref<10240xf32, #tpu.memory_space<vmem_shared>> -> memref<640xf32, #tpu.memory_space<vmem_shared>>
      tpu.enqueue_dma source(%arg37 : memref<640xf32, #tpu.memory_space<vmem>>) target(%dma_start3A_683 : memref<640xf32, #tpu.memory_space<vmem_shared>>) target_semaphore(%run_scoped3A : memref<!tpu.dma_semaphore, #tpu.memory_space<semaphore_mem>>)
      %dma_wait3A_684 = tpu.memref_slice %arg39[%mul3A_105] : memref<10240xf32, #tpu.memory_space<vmem_shared>> -> memref<640xf32, #tpu.memory_space<vmem_shared>>
      %dma_wait3A_685 = tpu.memref_slice %arg39[%mul3A_105] : memref<10240xf32, #tpu.memory_space<vmem_shared>> -> memref<640xf32, #tpu.memory_space<vmem_shared>>
      tpu.wait_dma2 semaphore(%run_scoped3A : memref<!tpu.dma_semaphore, #tpu.memory_space<semaphore_mem>>) src(%arg37 : memref<640xf32, #tpu.memory_space<vmem>>) dst(%dma_wait3A_685 : memref<640xf32, #tpu.memory_space<vmem_shared>>)
      tpu.yield
    }) : () -> ()
    %barrier3A = arith.constant 0 : index
    tpu.barrier barrier_id(%barrier3A)
    "tpu.region"() ({
      %run_scoped3A = tpu.sem_alloc : memref<!tpu.dma_semaphore, #tpu.memory_space<semaphore_mem>>
      %dma_start3A_682 = arith.constant 0 : i32
      %dma_start3A_683 = arith.constant 0 : i32
      %dma_start3A_684 = tpu.memref_slice %arg2[%add3A, %dma_start3A_682, %dma_start3A_683] : memref<32x42x288xi32, #tpu.memory_space<hbm>> -> memref<1x42x288xi32, #tpu.memory_space<hbm>>
      %dma_start3A_685 = tpu.memref_squeeze %dma_start3A_684 : memref<1x42x288xi32, #tpu.memory_space<hbm>> -> memref<42x288xi32, #tpu.memory_space<hbm>>
      %dma_start3A_686 = arith.constant 0 : i32
      %dma_start3A_687 = arith.constant 0 : i32
      %dma_start3A_688 = tpu.memref_slice %dma_start3A_685[%dma_start3A_686, %dma_start3A_687] : memref<42x288xi32, #tpu.memory_space<hbm>> -> memref<1x288xi32, #tpu.memory_space<hbm>>
      %dma_start3A_689 = arith.constant 0 : i32
      %dma_start3A_690 = arith.constant 0 : i32
      %dma_start3A_691 = tpu.memref_slice %arg2[%add3A, %dma_start3A_689, %dma_start3A_690] : memref<32x42x288xi32, #tpu.memory_space<hbm>> -> memref<1x42x288xi32, #tpu.memory_space<hbm>>
      %dma_start3A_692 = tpu.memref_squeeze %dma_start3A_691 : memref<1x42x288xi32, #tpu.memory_space<hbm>> -> memref<42x288xi32, #tpu.memory_space<hbm>>
      %dma_start3A_693 = arith.constant 0 : i32
      %dma_start3A_694 = arith.constant 0 : i32
      %dma_start3A_695 = tpu.memref_slice %dma_start3A_692[%dma_start3A_693, %dma_start3A_694] : memref<42x288xi32, #tpu.memory_space<hbm>> -> memref<1x288xi32, #tpu.memory_space<hbm>>
      tpu.enqueue_dma source(%dma_start3A_695 : memref<1x288xi32, #tpu.memory_space<hbm>>) target(%arg9 : memref<1x288xi32, #tpu.memory_space<vmem>>) target_semaphore(%run_scoped3A : memref<!tpu.dma_semaphore, #tpu.memory_space<semaphore_mem>>)
      %dma_wait3A_696 = arith.constant 0 : i32
      %dma_wait3A_697 = arith.constant 0 : i32
      %dma_wait3A_698 = tpu.memref_slice %arg2[%add3A, %dma_wait3A_696, %dma_wait3A_697] : memref<32x42x288xi32, #tpu.memory_space<hbm>> -> memref<1x42x288xi32, #tpu.memory_space<hbm>>
      %dma_wait3A_699 = tpu.memref_squeeze %dma_wait3A_698 : memref<1x42x288xi32, #tpu.memory_space<hbm>> -> memref<42x288xi32, #tpu.memory_space<hbm>>
      %dma_wait3A_700 = arith.constant 0 : i32
      %dma_wait3A_701 = arith.constant 0 : i32
      %dma_wait3A_702 = tpu.memref_slice %dma_wait3A_699[%dma_wait3A_700, %dma_wait3A_701] : memref<42x288xi32, #tpu.memory_space<hbm>> -> memref<1x288xi32, #tpu.memory_space<hbm>>
      %dma_wait3A_703 = arith.constant 0 : i32
      %dma_wait3A_704 = arith.constant 0 : i32
      %dma_wait3A_705 = tpu.memref_slice %arg2[%add3A, %dma_wait3A_703, %dma_wait3A_704] : memref<32x42x288xi32, #tpu.memory_space<hbm>> -> memref<1x42x288xi32, #tpu.memory_space<hbm>>
      %dma_wait3A_706 = tpu.memref_squeeze %dma_wait3A_705 : memref<1x42x288xi32, #tpu.memory_space<hbm>> -> memref<42x288xi32, #tpu.memory_space<hbm>>
      %dma_wait3A_707 = arith.constant 0 : i32
      %dma_wait3A_708 = arith.constant 0 : i32
      %dma_wait3A_709 = tpu.memref_slice %dma_wait3A_706[%dma_wait3A_707, %dma_wait3A_708] : memref<42x288xi32, #tpu.memory_space<hbm>> -> memref<1x288xi32, #tpu.memory_space<hbm>>
      tpu.wait_dma2 semaphore(%run_scoped3A : memref<!tpu.dma_semaphore, #tpu.memory_space<semaphore_mem>>) src(%dma_wait3A_709 : memref<1x288xi32, #tpu.memory_space<hbm>>) dst(%arg9 : memref<1x288xi32, #tpu.memory_space<vmem>>)
      tpu.yield
    }) : () -> ()
    "tpu.region"() ({
      %run_scoped3A = tpu.sem_alloc : memref<!tpu.dma_semaphore, #tpu.memory_space<semaphore_mem>>
      %dma_start3A_682 = arith.constant 0 : i32
      %dma_start3A_683 = arith.constant 0 : i32
      %dma_start3A_684 = tpu.memref_slice %arg3[%add3A, %dma_start3A_682, %dma_start3A_683] : memref<32x42x288xi32, #tpu.memory_space<hbm>> -> memref<1x42x288xi32, #tpu.memory_space<hbm>>
      %dma_start3A_685 = tpu.memref_squeeze %dma_start3A_684 : memref<1x42x288xi32, #tpu.memory_space<hbm>> -> memref<42x288xi32, #tpu.memory_space<hbm>>
      %dma_start3A_686 = arith.constant 0 : i32
      %dma_start3A_687 = arith.constant 0 : i32
      %dma_start3A_688 = tpu.memref_slice %dma_start3A_685[%dma_start3A_686, %dma_start3A_687] : memref<42x288xi32, #tpu.memory_space<hbm>> -> memref<1x288xi32, #tpu.memory_space<hbm>>
      %dma_start3A_689 = arith.constant 0 : i32
      %dma_start3A_690 = arith.constant 0 : i32
      %dma_start3A_691 = tpu.memref_slice %arg3[%add3A, %dma_start3A_689, %dma_start3A_690] : memref<32x42x288xi32, #tpu.memory_space<hbm>> -> memref<1x42x288xi32, #tpu.memory_space<hbm>>
      %dma_start3A_692 = tpu.memref_squeeze %dma_start3A_691 : memref<1x42x288xi32, #tpu.memory_space<hbm>> -> memref<42x288xi32, #tpu.memory_space<hbm>>
      %dma_start3A_693 = arith.constant 0 : i32
      %dma_start3A_694 = arith.constant 0 : i32
      %dma_start3A_695 = tpu.memref_slice %dma_start3A_692[%dma_start3A_693, %dma_start3A_694] : memref<42x288xi32, #tpu.memory_space<hbm>> -> memref<1x288xi32, #tpu.memory_space<hbm>>
      tpu.enqueue_dma source(%dma_start3A_695 : memref<1x288xi32, #tpu.memory_space<hbm>>) target(%arg10 : memref<1x288xi32, #tpu.memory_space<vmem>>) target_semaphore(%run_scoped3A : memref<!tpu.dma_semaphore, #tpu.memory_space<semaphore_mem>>)
      %dma_wait3A_696 = arith.constant 0 : i32
      %dma_wait3A_697 = arith.constant 0 : i32
      %dma_wait3A_698 = tpu.memref_slice %arg3[%add3A, %dma_wait3A_696, %dma_wait3A_697] : memref<32x42x288xi32, #tpu.memory_space<hbm>> -> memref<1x42x288xi32, #tpu.memory_space<hbm>>
      %dma_wait3A_699 = tpu.memref_squeeze %dma_wait3A_698 : memref<1x42x288xi32, #tpu.memory_space<hbm>> -> memref<42x288xi32, #tpu.memory_space<hbm>>
      %dma_wait3A_700 = arith.constant 0 : i32
      %dma_wait3A_701 = arith.constant 0 : i32
      %dma_wait3A_702 = tpu.memref_slice %dma_wait3A_699[%dma_wait3A_700, %dma_wait3A_701] : memref<42x288xi32, #tpu.memory_space<hbm>> -> memref<1x288xi32, #tpu.memory_space<hbm>>
      %dma_wait3A_703 = arith.constant 0 : i32
      %dma_wait3A_704 = arith.constant 0 : i32
      %dma_wait3A_705 = tpu.memref_slice %arg3[%add3A, %dma_wait3A_703, %dma_wait3A_704] : memref<32x42x288xi32, #tpu.memory_space<hbm>> -> memref<1x42x288xi32, #tpu.memory_space<hbm>>
      %dma_wait3A_706 = tpu.memref_squeeze %dma_wait3A_705 : memref<1x42x288xi32, #tpu.memory_space<hbm>> -> memref<42x288xi32, #tpu.memory_space<hbm>>
      %dma_wait3A_707 = arith.constant 0 : i32
      %dma_wait3A_708 = arith.constant 0 : i32
      %dma_wait3A_709 = tpu.memref_slice %dma_wait3A_706[%dma_wait3A_707, %dma_wait3A_708] : memref<42x288xi32, #tpu.memory_space<hbm>> -> memref<1x288xi32, #tpu.memory_space<hbm>>
      tpu.wait_dma2 semaphore(%run_scoped3A : memref<!tpu.dma_semaphore, #tpu.memory_space<semaphore_mem>>) src(%dma_wait3A_709 : memref<1x288xi32, #tpu.memory_space<hbm>>) dst(%arg10 : memref<1x288xi32, #tpu.memory_space<vmem>>)
      tpu.yield
    }) : () -> ()
    %get3A = arith.constant 0 : i32
    %get3A_106 = arith.index_cast %get3A : i32 to index
    %get3A_107 = arith.constant 0 : index
    %get3A_108 = tpu.vector_load %arg9[%get3A_106, %get3A_107] {strides = array<i32>} : memref<1x288xi32, #tpu.memory_space<vmem>>, vector<16xi32>,
    %get3A_109 = arith.constant 0 : i32
    %get3A_110 = arith.index_cast %get3A_109 : i32 to index
    %get3A_111 = arith.constant 0 : index
    %get3A_112 = tpu.vector_load %arg10[%get3A_110, %get3A_111] {strides = array<i32>} : memref<1x288xi32, #tpu.memory_space<vmem>>, vector<16xi32>,
    %swap3A = arith.constant 0 : i32
    %swap3A_113 = arith.index_cast %swap3A : i32 to index
    %swap3A_114 = arith.constant 0 : index
    %swap3A_115 = tpu.vector_load %arg11[%swap3A_113, %swap3A_114] {strides = array<i32>} : memref<1x32xi32, #tpu.memory_space<vmem>>, vector<16xi32>,
    tpu.vector_store %arg11[%swap3A_113, %swap3A_114], %get3A_108 {strides = array<i32>} : memref<1x32xi32, #tpu.memory_space<vmem>>, vector<16xi32>,
    %swap3A_116 = arith.constant 0 : i32
    %swap3A_117 = arith.index_cast %swap3A_116 : i32 to index
    %swap3A_118 = arith.constant 0 : index
    %swap3A_119 = tpu.vector_load %arg17[%swap3A_117, %swap3A_118] {strides = array<i32>} : memref<1x32xi32, #tpu.memory_space<vmem>>, vector<16xi32>,
    tpu.vector_store %arg17[%swap3A_117, %swap3A_118], %get3A_112 {strides = array<i32>} : memref<1x32xi32, #tpu.memory_space<vmem>>, vector<16xi32>,
    %gather3A = tpu.vector_load_idx %arg35[%get3A_108] : memref<10000xf32, #tpu.memory_space<vmem>>[vector<16xi32>], vector<16xf32>,
    %gather3A_120 = tpu.vector_load_idx %arg36[%get3A_112] : memref<10000xf32, #tpu.memory_space<vmem>>[vector<16xi32>], vector<16xf32>,
    %add3A_121 = arith.addf %gather3A, %gather3A_120 : vector<16xf32>
    %get3A_122 = arith.constant 0 : i32
    %get3A_123 = arith.index_cast %get3A_122 : i32 to index
    %get3A_124 = arith.constant 16 : index
    %get3A_125 = tpu.vector_load %arg9[%get3A_123, %get3A_124] {strides = array<i32>} : memref<1x288xi32, #tpu.memory_space<vmem>>, vector<16xi32>,
    %get3A_126 = arith.constant 0 : i32
    %get3A_127 = arith.index_cast %get3A_126 : i32 to index
    %get3A_128 = arith.constant 16 : index
    %get3A_129 = tpu.vector_load %arg10[%get3A_127, %get3A_128] {strides = array<i32>} : memref<1x288xi32, #tpu.memory_space<vmem>>, vector<16xi32>,
    %swap3A_130 = arith.constant 0 : i32
    %swap3A_131 = arith.index_cast %swap3A_130 : i32 to index
    %swap3A_132 = arith.constant 16 : index
    %swap3A_133 = tpu.vector_load %arg11[%swap3A_131, %swap3A_132] {strides = array<i32>} : memref<1x32xi32, #tpu.memory_space<vmem>>, vector<16xi32>,
    tpu.vector_store %arg11[%swap3A_131, %swap3A_132], %get3A_125 {strides = array<i32>} : memref<1x32xi32, #tpu.memory_space<vmem>>, vector<16xi32>,
    %swap3A_134 = arith.constant 0 : i32
    %swap3A_135 = arith.index_cast %swap3A_134 : i32 to index
    %swap3A_136 = arith.constant 16 : index
    %swap3A_137 = tpu.vector_load %arg17[%swap3A_135, %swap3A_136] {strides = array<i32>} : memref<1x32xi32, #tpu.memory_space<vmem>>, vector<16xi32>,
    tpu.vector_store %arg17[%swap3A_135, %swap3A_136], %get3A_129 {strides = array<i32>} : memref<1x32xi32, #tpu.memory_space<vmem>>, vector<16xi32>,
    %gather3A_138 = tpu.vector_load_idx %arg35[%get3A_125] : memref<10000xf32, #tpu.memory_space<vmem>>[vector<16xi32>], vector<16xf32>,
    %gather3A_139 = tpu.vector_load_idx %arg36[%get3A_129] : memref<10000xf32, #tpu.memory_space<vmem>>[vector<16xi32>], vector<16xf32>,
    %add3A_140 = arith.addf %gather3A_138, %gather3A_139 : vector<16xf32>
    %dma_start3A = arith.constant 0 : i32
    %dma_start3A_141 = arith.constant 0 : i32
    %dma_start3A_142 = tpu.memref_slice %arg11[%dma_start3A, %dma_start3A_141] : memref<1x32xi32, #tpu.memory_space<vmem>> -> memref<1x32xi32, #tpu.memory_space<vmem>>
    %dma_start3A_143 = tpu.memref_squeeze %dma_start3A_142 : memref<1x32xi32, #tpu.memory_space<vmem>> -> memref<32xi32, #tpu.memory_space<vmem>>
    %dma_start3A_144 = arith.constant 0 : i32
    %dma_start3A_145 = arith.constant 0 : i32
    %dma_start3A_146 = tpu.memref_slice %arg4[%dma_start3A_144, %dma_start3A_145] : memref<10240x128xf32, #tpu.memory_space<hbm>> -> memref<10240x128xf32, #tpu.memory_space<hbm>>
    tpu.enqueue_indirect_dma source(%dma_start3A_146 : memref<10240x128xf32, #tpu.memory_space<hbm>>) target(%arg29 : memref<32x128xf32, #tpu.memory_space<vmem>>) offsets(%dma_start3A_143 : memref<32xi32, #tpu.memory_space<vmem>>) semaphore(%arg40 : memref<!tpu.dma_semaphore, #tpu.memory_space<semaphore_mem>>)
    %gt3A = arith.constant 0.000000e+00 : f32
    %gt3A_147 = vector.broadcast %gt3A : f32 to vector<16xf32>
    %gt3A_148 = arith.cmpf ogt, %add3A_121, %gt3A_147 : vector<16xf32>
    %mul3A_149 = arith.constant 2.000000e-01 : f32
    %mul3A_150 = vector.broadcast %mul3A_149 : f32 to vector<16xf32>
    %mul3A_151 = arith.mulf %add3A_121, %mul3A_150 : vector<16xf32>
    %select_n3A_152 = arith.select %gt3A_148, %add3A_121, %mul3A_151 : vector<16xi1>, vector<16xf32>
    %exp3A = math.exp %select_n3A_152 : vector<16xf32>
    %add3A_153 = arith.constant 0 : i32
    %add3A_154 = arith.addi %select_n3A_11, %add3A_153 : i32
    %iota3A = tpu.iota {dimensions = array<i32: 0>} : vector<16xi32>
    %add3A_155 = vector.broadcast %add3A_154 : i32 to vector<16xi32>
    %add3A_156 = arith.addi %add3A_155, %iota3A : vector<16xi32>
    %lt3A = arith.constant 330000 : i32
    %lt3A_157 = vector.broadcast %lt3A : i32 to vector<16xi32>
    %lt3A_158 = arith.cmpi slt, %add3A_156, %lt3A_157 : vector<16xi32>
    %jit3A_159 = arith.constant 0.000000e+00 : f32
    %broadcast_in_dim3A_160 = vector.broadcast %jit3A_159 : f32 to vector<16xf32>
    %select_n3A_161 = arith.select %lt3A_158, %exp3A, %broadcast_in_dim3A_160 : vector<16xi1>, vector<16xf32>
    %swap3A_162 = arith.constant 0 : index
    %swap3A_163 = tpu.vector_load %arg23[%swap3A_162] {strides = array<i32>} : memref<32xf32, #tpu.memory_space<vmem>>, vector<16xf32>,
    tpu.vector_store %arg23[%swap3A_162], %select_n3A_161 {strides = array<i32>} : memref<32xf32, #tpu.memory_space<vmem>>, vector<16xf32>,
    %gt3A_164 = arith.constant 0.000000e+00 : f32
    %gt3A_165 = vector.broadcast %gt3A_164 : f32 to vector<16xf32>
    %gt3A_166 = arith.cmpf ogt, %add3A_140, %gt3A_165 : vector<16xf32>
    %mul3A_167 = arith.constant 2.000000e-01 : f32
    %mul3A_168 = vector.broadcast %mul3A_167 : f32 to vector<16xf32>
    %mul3A_169 = arith.mulf %add3A_140, %mul3A_168 : vector<16xf32>
    %select_n3A_170 = arith.select %gt3A_166, %add3A_140, %mul3A_169 : vector<16xi1>, vector<16xf32>
    %exp3A_171 = math.exp %select_n3A_170 : vector<16xf32>
    %add3A_172 = arith.constant 16 : i32
    %add3A_173 = arith.addi %select_n3A_11, %add3A_172 : i32
    %iota3A_174 = tpu.iota {dimensions = array<i32: 0>} : vector<16xi32>
    %add3A_175 = vector.broadcast %add3A_173 : i32 to vector<16xi32>
    %add3A_176 = arith.addi %add3A_175, %iota3A_174 : vector<16xi32>
    %lt3A_177 = arith.constant 330000 : i32
    %lt3A_178 = vector.broadcast %lt3A_177 : i32 to vector<16xi32>
    %lt3A_179 = arith.cmpi slt, %add3A_176, %lt3A_178 : vector<16xi32>
    %jit3A_180 = arith.constant 0.000000e+00 : f32
    %broadcast_in_dim3A_181 = vector.broadcast %jit3A_180 : f32 to vector<16xf32>
    %select_n3A_182 = arith.select %lt3A_179, %exp3A_171, %broadcast_in_dim3A_181 : vector<16xi1>, vector<16xf32>
    %swap3A_183 = arith.constant 16 : index
    %swap3A_184 = tpu.vector_load %arg23[%swap3A_183] {strides = array<i32>} : memref<32xf32, #tpu.memory_space<vmem>>, vector<16xf32>,
    tpu.vector_store %arg23[%swap3A_183], %select_n3A_182 {strides = array<i32>} : memref<32xf32, #tpu.memory_space<vmem>>, vector<16xf32>,
    %get3A_185 = arith.constant 0 : i32
    %get3A_186 = arith.index_cast %get3A_185 : i32 to index
    %get3A_187 = arith.constant 32 : index
    %get3A_188 = tpu.vector_load %arg9[%get3A_186, %get3A_187] {strides = array<i32>} : memref<1x288xi32, #tpu.memory_space<vmem>>, vector<16xi32>,
    %get3A_189 = arith.constant 0 : i32
    %get3A_190 = arith.index_cast %get3A_189 : i32 to index
    %get3A_191 = arith.constant 32 : index
    %get3A_192 = tpu.vector_load %arg10[%get3A_190, %get3A_191] {strides = array<i32>} : memref<1x288xi32, #tpu.memory_space<vmem>>, vector<16xi32>,
    %swap3A_193 = arith.constant 0 : i32
    %swap3A_194 = arith.index_cast %swap3A_193 : i32 to index
    %swap3A_195 = arith.constant 0 : index
    %swap3A_196 = tpu.vector_load %arg12[%swap3A_194, %swap3A_195] {strides = array<i32>} : memref<1x32xi32, #tpu.memory_space<vmem>>, vector<16xi32>,
    tpu.vector_store %arg12[%swap3A_194, %swap3A_195], %get3A_188 {strides = array<i32>} : memref<1x32xi32, #tpu.memory_space<vmem>>, vector<16xi32>,
    %swap3A_197 = arith.constant 0 : i32
    %swap3A_198 = arith.index_cast %swap3A_197 : i32 to index
    %swap3A_199 = arith.constant 0 : index
    %swap3A_200 = tpu.vector_load %arg18[%swap3A_198, %swap3A_199] {strides = array<i32>} : memref<1x32xi32, #tpu.memory_space<vmem>>, vector<16xi32>,
    tpu.vector_store %arg18[%swap3A_198, %swap3A_199], %get3A_192 {strides = array<i32>} : memref<1x32xi32, #tpu.memory_space<vmem>>, vector<16xi32>,
    %gather3A_201 = tpu.vector_load_idx %arg35[%get3A_188] : memref<10000xf32, #tpu.memory_space<vmem>>[vector<16xi32>], vector<16xf32>,
    %gather3A_202 = tpu.vector_load_idx %arg36[%get3A_192] : memref<10000xf32, #tpu.memory_space<vmem>>[vector<16xi32>], vector<16xf32>,
    %add3A_203 = arith.addf %gather3A_201, %gather3A_202 : vector<16xf32>
    %get3A_204 = arith.constant 0 : i32
    %get3A_205 = arith.index_cast %get3A_204 : i32 to index
    %get3A_206 = arith.constant 48 : index
    %get3A_207 = tpu.vector_load %arg9[%get3A_205, %get3A_206] {strides = array<i32>} : memref<1x288xi32, #tpu.memory_space<vmem>>, vector<16xi32>,
    %get3A_208 = arith.constant 0 : i32
    %get3A_209 = arith.index_cast %get3A_208 : i32 to index
    %get3A_210 = arith.constant 48 : index
    %get3A_211 = tpu.vector_load %arg10[%get3A_209, %get3A_210] {strides = array<i32>} : memref<1x288xi32, #tpu.memory_space<vmem>>, vector<16xi32>,
    %swap3A_212 = arith.constant 0 : i32
    %swap3A_213 = arith.index_cast %swap3A_212 : i32 to index
    %swap3A_214 = arith.constant 16 : index
    %swap3A_215 = tpu.vector_load %arg12[%swap3A_213, %swap3A_214] {strides = array<i32>} : memref<1x32xi32, #tpu.memory_space<vmem>>, vector<16xi32>,
    tpu.vector_store %arg12[%swap3A_213, %swap3A_214], %get3A_207 {strides = array<i32>} : memref<1x32xi32, #tpu.memory_space<vmem>>, vector<16xi32>,
    %swap3A_216 = arith.constant 0 : i32
    %swap3A_217 = arith.index_cast %swap3A_216 : i32 to index
    %swap3A_218 = arith.constant 16 : index
    %swap3A_219 = tpu.vector_load %arg18[%swap3A_217, %swap3A_218] {strides = array<i32>} : memref<1x32xi32, #tpu.memory_space<vmem>>, vector<16xi32>,
    tpu.vector_store %arg18[%swap3A_217, %swap3A_218], %get3A_211 {strides = array<i32>} : memref<1x32xi32, #tpu.memory_space<vmem>>, vector<16xi32>,
    %gather3A_220 = tpu.vector_load_idx %arg35[%get3A_207] : memref<10000xf32, #tpu.memory_space<vmem>>[vector<16xi32>], vector<16xf32>,
    %gather3A_221 = tpu.vector_load_idx %arg36[%get3A_211] : memref<10000xf32, #tpu.memory_space<vmem>>[vector<16xi32>], vector<16xf32>,
    %add3A_222 = arith.addf %gather3A_220, %gather3A_221 : vector<16xf32>
    %dma_start3A_223 = arith.constant 0 : i32
    %dma_start3A_224 = arith.constant 0 : i32
    %dma_start3A_225 = tpu.memref_slice %arg12[%dma_start3A_223, %dma_start3A_224] : memref<1x32xi32, #tpu.memory_space<vmem>> -> memref<1x32xi32, #tpu.memory_space<vmem>>
    %dma_start3A_226 = tpu.memref_squeeze %dma_start3A_225 : memref<1x32xi32, #tpu.memory_space<vmem>> -> memref<32xi32, #tpu.memory_space<vmem>>
    %dma_start3A_227 = arith.constant 0 : i32
    %dma_start3A_228 = arith.constant 0 : i32
    %dma_start3A_229 = tpu.memref_slice %arg4[%dma_start3A_227, %dma_start3A_228] : memref<10240x128xf32, #tpu.memory_space<hbm>> -> memref<10240x128xf32, #tpu.memory_space<hbm>>
    tpu.enqueue_indirect_dma source(%dma_start3A_229 : memref<10240x128xf32, #tpu.memory_space<hbm>>) target(%arg30 : memref<32x128xf32, #tpu.memory_space<vmem>>) offsets(%dma_start3A_226 : memref<32xi32, #tpu.memory_space<vmem>>) semaphore(%arg41 : memref<!tpu.dma_semaphore, #tpu.memory_space<semaphore_mem>>)
    %gt3A_230 = arith.constant 0.000000e+00 : f32
    %gt3A_231 = vector.broadcast %gt3A_230 : f32 to vector<16xf32>
    %gt3A_232 = arith.cmpf ogt, %add3A_203, %gt3A_231 : vector<16xf32>
    %mul3A_233 = arith.constant 2.000000e-01 : f32
    %mul3A_234 = vector.broadcast %mul3A_233 : f32 to vector<16xf32>
    %mul3A_235 = arith.mulf %add3A_203, %mul3A_234 : vector<16xf32>
    %select_n3A_236 = arith.select %gt3A_232, %add3A_203, %mul3A_235 : vector<16xi1>, vector<16xf32>
    %exp3A_237 = math.exp %select_n3A_236 : vector<16xf32>
    %add3A_238 = arith.constant 32 : i32
    %add3A_239 = arith.addi %select_n3A_11, %add3A_238 : i32
    %iota3A_240 = tpu.iota {dimensions = array<i32: 0>} : vector<16xi32>
    %add3A_241 = vector.broadcast %add3A_239 : i32 to vector<16xi32>
    %add3A_242 = arith.addi %add3A_241, %iota3A_240 : vector<16xi32>
    %lt3A_243 = arith.constant 330000 : i32
    %lt3A_244 = vector.broadcast %lt3A_243 : i32 to vector<16xi32>
    %lt3A_245 = arith.cmpi slt, %add3A_242, %lt3A_244 : vector<16xi32>
    %jit3A_246 = arith.constant 0.000000e+00 : f32
    %broadcast_in_dim3A_247 = vector.broadcast %jit3A_246 : f32 to vector<16xf32>
    %select_n3A_248 = arith.select %lt3A_245, %exp3A_237, %broadcast_in_dim3A_247 : vector<16xi1>, vector<16xf32>
    %swap3A_249 = arith.constant 0 : index
    %swap3A_250 = tpu.vector_load %arg24[%swap3A_249] {strides = array<i32>} : memref<32xf32, #tpu.memory_space<vmem>>, vector<16xf32>,
    tpu.vector_store %arg24[%swap3A_249], %select_n3A_248 {strides = array<i32>} : memref<32xf32, #tpu.memory_space<vmem>>, vector<16xf32>,
    %gt3A_251 = arith.constant 0.000000e+00 : f32
    %gt3A_252 = vector.broadcast %gt3A_251 : f32 to vector<16xf32>
    %gt3A_253 = arith.cmpf ogt, %add3A_222, %gt3A_252 : vector<16xf32>
    %mul3A_254 = arith.constant 2.000000e-01 : f32
    %mul3A_255 = vector.broadcast %mul3A_254 : f32 to vector<16xf32>
    %mul3A_256 = arith.mulf %add3A_222, %mul3A_255 : vector<16xf32>
    %select_n3A_257 = arith.select %gt3A_253, %add3A_222, %mul3A_256 : vector<16xi1>, vector<16xf32>
    %exp3A_258 = math.exp %select_n3A_257 : vector<16xf32>
    %add3A_259 = arith.constant 48 : i32
    %add3A_260 = arith.addi %select_n3A_11, %add3A_259 : i32
    %iota3A_261 = tpu.iota {dimensions = array<i32: 0>} : vector<16xi32>
    %add3A_262 = vector.broadcast %add3A_260 : i32 to vector<16xi32>
    %add3A_263 = arith.addi %add3A_262, %iota3A_261 : vector<16xi32>
    %lt3A_264 = arith.constant 330000 : i32
    %lt3A_265 = vector.broadcast %lt3A_264 : i32 to vector<16xi32>
    %lt3A_266 = arith.cmpi slt, %add3A_263, %lt3A_265 : vector<16xi32>
    %jit3A_267 = arith.constant 0.000000e+00 : f32
    %broadcast_in_dim3A_268 = vector.broadcast %jit3A_267 : f32 to vector<16xf32>
    %select_n3A_269 = arith.select %lt3A_266, %exp3A_258, %broadcast_in_dim3A_268 : vector<16xi1>, vector<16xf32>
    %swap3A_270 = arith.constant 16 : index
    %swap3A_271 = tpu.vector_load %arg24[%swap3A_270] {strides = array<i32>} : memref<32xf32, #tpu.memory_space<vmem>>, vector<16xf32>,
    tpu.vector_store %arg24[%swap3A_270], %select_n3A_269 {strides = array<i32>} : memref<32xf32, #tpu.memory_space<vmem>>, vector<16xf32>,
    %get3A_272 = arith.constant 0 : i32
    %get3A_273 = arith.index_cast %get3A_272 : i32 to index
    %get3A_274 = arith.constant 64 : index
    %get3A_275 = tpu.vector_load %arg9[%get3A_273, %get3A_274] {strides = array<i32>} : memref<1x288xi32, #tpu.memory_space<vmem>>, vector<16xi32>,
    %get3A_276 = arith.constant 0 : i32
    %get3A_277 = arith.index_cast %get3A_276 : i32 to index
    %get3A_278 = arith.constant 64 : index
    %get3A_279 = tpu.vector_load %arg10[%get3A_277, %get3A_278] {strides = array<i32>} : memref<1x288xi32, #tpu.memory_space<vmem>>, vector<16xi32>,
    %swap3A_280 = arith.constant 0 : i32
    %swap3A_281 = arith.index_cast %swap3A_280 : i32 to index
    %swap3A_282 = arith.constant 0 : index
    %swap3A_283 = tpu.vector_load %arg13[%swap3A_281, %swap3A_282] {strides = array<i32>} : memref<1x32xi32, #tpu.memory_space<vmem>>, vector<16xi32>,
    tpu.vector_store %arg13[%swap3A_281, %swap3A_282], %get3A_275 {strides = array<i32>} : memref<1x32xi32, #tpu.memory_space<vmem>>, vector<16xi32>,
    %swap3A_284 = arith.constant 0 : i32
    %swap3A_285 = arith.index_cast %swap3A_284 : i32 to index
    %swap3A_286 = arith.constant 0 : index
    %swap3A_287 = tpu.vector_load %arg19[%swap3A_285, %swap3A_286] {strides = array<i32>} : memref<1x32xi32, #tpu.memory_space<vmem>>, vector<16xi32>,
    tpu.vector_store %arg19[%swap3A_285, %swap3A_286], %get3A_279 {strides = array<i32>} : memref<1x32xi32, #tpu.memory_space<vmem>>, vector<16xi32>,
    %gather3A_288 = tpu.vector_load_idx %arg35[%get3A_275] : memref<10000xf32, #tpu.memory_space<vmem>>[vector<16xi32>], vector<16xf32>,
    %gather3A_289 = tpu.vector_load_idx %arg36[%get3A_279] : memref<10000xf32, #tpu.memory_space<vmem>>[vector<16xi32>], vector<16xf32>,
    %add3A_290 = arith.addf %gather3A_288, %gather3A_289 : vector<16xf32>
    %get3A_291 = arith.constant 0 : i32
    %get3A_292 = arith.index_cast %get3A_291 : i32 to index
    %get3A_293 = arith.constant 80 : index
    %get3A_294 = tpu.vector_load %arg9[%get3A_292, %get3A_293] {strides = array<i32>} : memref<1x288xi32, #tpu.memory_space<vmem>>, vector<16xi32>,
    %get3A_295 = arith.constant 0 : i32
    %get3A_296 = arith.index_cast %get3A_295 : i32 to index
    %get3A_297 = arith.constant 80 : index
    %get3A_298 = tpu.vector_load %arg10[%get3A_296, %get3A_297] {strides = array<i32>} : memref<1x288xi32, #tpu.memory_space<vmem>>, vector<16xi32>,
    %swap3A_299 = arith.constant 0 : i32
    %swap3A_300 = arith.index_cast %swap3A_299 : i32 to index
    %swap3A_301 = arith.constant 16 : index
    %swap3A_302 = tpu.vector_load %arg13[%swap3A_300, %swap3A_301] {strides = array<i32>} : memref<1x32xi32, #tpu.memory_space<vmem>>, vector<16xi32>,
    tpu.vector_store %arg13[%swap3A_300, %swap3A_301], %get3A_294 {strides = array<i32>} : memref<1x32xi32, #tpu.memory_space<vmem>>, vector<16xi32>,
    %swap3A_303 = arith.constant 0 : i32
    %swap3A_304 = arith.index_cast %swap3A_303 : i32 to index
    %swap3A_305 = arith.constant 16 : index
    %swap3A_306 = tpu.vector_load %arg19[%swap3A_304, %swap3A_305] {strides = array<i32>} : memref<1x32xi32, #tpu.memory_space<vmem>>, vector<16xi32>,
    tpu.vector_store %arg19[%swap3A_304, %swap3A_305], %get3A_298 {strides = array<i32>} : memref<1x32xi32, #tpu.memory_space<vmem>>, vector<16xi32>,
    %gather3A_307 = tpu.vector_load_idx %arg35[%get3A_294] : memref<10000xf32, #tpu.memory_space<vmem>>[vector<16xi32>], vector<16xf32>,
    %gather3A_308 = tpu.vector_load_idx %arg36[%get3A_298] : memref<10000xf32, #tpu.memory_space<vmem>>[vector<16xi32>], vector<16xf32>,
    %add3A_309 = arith.addf %gather3A_307, %gather3A_308 : vector<16xf32>
    %dma_start3A_310 = arith.constant 0 : i32
    %dma_start3A_311 = arith.constant 0 : i32
    %dma_start3A_312 = tpu.memref_slice %arg13[%dma_start3A_310, %dma_start3A_311] : memref<1x32xi32, #tpu.memory_space<vmem>> -> memref<1x32xi32, #tpu.memory_space<vmem>>
    %dma_start3A_313 = tpu.memref_squeeze %dma_start3A_312 : memref<1x32xi32, #tpu.memory_space<vmem>> -> memref<32xi32, #tpu.memory_space<vmem>>
    %dma_start3A_314 = arith.constant 0 : i32
    %dma_start3A_315 = arith.constant 0 : i32
    %dma_start3A_316 = tpu.memref_slice %arg4[%dma_start3A_314, %dma_start3A_315] : memref<10240x128xf32, #tpu.memory_space<hbm>> -> memref<10240x128xf32, #tpu.memory_space<hbm>>
    tpu.enqueue_indirect_dma source(%dma_start3A_316 : memref<10240x128xf32, #tpu.memory_space<hbm>>) target(%arg31 : memref<32x128xf32, #tpu.memory_space<vmem>>) offsets(%dma_start3A_313 : memref<32xi32, #tpu.memory_space<vmem>>) semaphore(%arg42 : memref<!tpu.dma_semaphore, #tpu.memory_space<semaphore_mem>>)
    %gt3A_317 = arith.constant 0.000000e+00 : f32
    %gt3A_318 = vector.broadcast %gt3A_317 : f32 to vector<16xf32>
    %gt3A_319 = arith.cmpf ogt, %add3A_290, %gt3A_318 : vector<16xf32>
    %mul3A_320 = arith.constant 2.000000e-01 : f32
    %mul3A_321 = vector.broadcast %mul3A_320 : f32 to vector<16xf32>
    %mul3A_322 = arith.mulf %add3A_290, %mul3A_321 : vector<16xf32>
    %select_n3A_323 = arith.select %gt3A_319, %add3A_290, %mul3A_322 : vector<16xi1>, vector<16xf32>
    %exp3A_324 = math.exp %select_n3A_323 : vector<16xf32>
    %add3A_325 = arith.constant 64 : i32
    %add3A_326 = arith.addi %select_n3A_11, %add3A_325 : i32
    %iota3A_327 = tpu.iota {dimensions = array<i32: 0>} : vector<16xi32>
    %add3A_328 = vector.broadcast %add3A_326 : i32 to vector<16xi32>
    %add3A_329 = arith.addi %add3A_328, %iota3A_327 : vector<16xi32>
    %lt3A_330 = arith.constant 330000 : i32
    %lt3A_331 = vector.broadcast %lt3A_330 : i32 to vector<16xi32>
    %lt3A_332 = arith.cmpi slt, %add3A_329, %lt3A_331 : vector<16xi32>
    %jit3A_333 = arith.constant 0.000000e+00 : f32
    %broadcast_in_dim3A_334 = vector.broadcast %jit3A_333 : f32 to vector<16xf32>
    %select_n3A_335 = arith.select %lt3A_332, %exp3A_324, %broadcast_in_dim3A_334 : vector<16xi1>, vector<16xf32>
    %swap3A_336 = arith.constant 0 : index
    %swap3A_337 = tpu.vector_load %arg25[%swap3A_336] {strides = array<i32>} : memref<32xf32, #tpu.memory_space<vmem>>, vector<16xf32>,
    tpu.vector_store %arg25[%swap3A_336], %select_n3A_335 {strides = array<i32>} : memref<32xf32, #tpu.memory_space<vmem>>, vector<16xf32>,
    %gt3A_338 = arith.constant 0.000000e+00 : f32
    %gt3A_339 = vector.broadcast %gt3A_338 : f32 to vector<16xf32>
    %gt3A_340 = arith.cmpf ogt, %add3A_309, %gt3A_339 : vector<16xf32>
    %mul3A_341 = arith.constant 2.000000e-01 : f32
    %mul3A_342 = vector.broadcast %mul3A_341 : f32 to vector<16xf32>
    %mul3A_343 = arith.mulf %add3A_309, %mul3A_342 : vector<16xf32>
    %select_n3A_344 = arith.select %gt3A_340, %add3A_309, %mul3A_343 : vector<16xi1>, vector<16xf32>
    %exp3A_345 = math.exp %select_n3A_344 : vector<16xf32>
    %add3A_346 = arith.constant 80 : i32
    %add3A_347 = arith.addi %select_n3A_11, %add3A_346 : i32
    %iota3A_348 = tpu.iota {dimensions = array<i32: 0>} : vector<16xi32>
    %add3A_349 = vector.broadcast %add3A_347 : i32 to vector<16xi32>
    %add3A_350 = arith.addi %add3A_349, %iota3A_348 : vector<16xi32>
    %lt3A_351 = arith.constant 330000 : i32
    %lt3A_352 = vector.broadcast %lt3A_351 : i32 to vector<16xi32>
    %lt3A_353 = arith.cmpi slt, %add3A_350, %lt3A_352 : vector<16xi32>
    %jit3A_354 = arith.constant 0.000000e+00 : f32
    %broadcast_in_dim3A_355 = vector.broadcast %jit3A_354 : f32 to vector<16xf32>
    %select_n3A_356 = arith.select %lt3A_353, %exp3A_345, %broadcast_in_dim3A_355 : vector<16xi1>, vector<16xf32>
    %swap3A_357 = arith.constant 16 : index
    %swap3A_358 = tpu.vector_load %arg25[%swap3A_357] {strides = array<i32>} : memref<32xf32, #tpu.memory_space<vmem>>, vector<16xf32>,
    tpu.vector_store %arg25[%swap3A_357], %select_n3A_356 {strides = array<i32>} : memref<32xf32, #tpu.memory_space<vmem>>, vector<16xf32>,
    %get3A_359 = arith.constant 0 : i32
    %get3A_360 = arith.index_cast %get3A_359 : i32 to index
    %get3A_361 = arith.constant 96 : index
    %get3A_362 = tpu.vector_load %arg9[%get3A_360, %get3A_361] {strides = array<i32>} : memref<1x288xi32, #tpu.memory_space<vmem>>, vector<16xi32>,
    %get3A_363 = arith.constant 0 : i32
    %get3A_364 = arith.index_cast %get3A_363 : i32 to index
    %get3A_365 = arith.constant 96 : index
    %get3A_366 = tpu.vector_load %arg10[%get3A_364, %get3A_365] {strides = array<i32>} : memref<1x288xi32, #tpu.memory_space<vmem>>, vector<16xi32>,
    %swap3A_367 = arith.constant 0 : i32
    %swap3A_368 = arith.index_cast %swap3A_367 : i32 to index
    %swap3A_369 = arith.constant 0 : index
    %swap3A_370 = tpu.vector_load %arg14[%swap3A_368, %swap3A_369] {strides = array<i32>} : memref<1x32xi32, #tpu.memory_space<vmem>>, vector<16xi32>,
    tpu.vector_store %arg14[%swap3A_368, %swap3A_369], %get3A_362 {strides = array<i32>} : memref<1x32xi32, #tpu.memory_space<vmem>>, vector<16xi32>,
    %swap3A_371 = arith.constant 0 : i32
    %swap3A_372 = arith.index_cast %swap3A_371 : i32 to index
    %swap3A_373 = arith.constant 0 : index
    %swap3A_374 = tpu.vector_load %arg20[%swap3A_372, %swap3A_373] {strides = array<i32>} : memref<1x32xi32, #tpu.memory_space<vmem>>, vector<16xi32>,
    tpu.vector_store %arg20[%swap3A_372, %swap3A_373], %get3A_366 {strides = array<i32>} : memref<1x32xi32, #tpu.memory_space<vmem>>, vector<16xi32>,
    %gather3A_375 = tpu.vector_load_idx %arg35[%get3A_362] : memref<10000xf32, #tpu.memory_space<vmem>>[vector<16xi32>], vector<16xf32>,
    %gather3A_376 = tpu.vector_load_idx %arg36[%get3A_366] : memref<10000xf32, #tpu.memory_space<vmem>>[vector<16xi32>], vector<16xf32>,
    %add3A_377 = arith.addf %gather3A_375, %gather3A_376 : vector<16xf32>
    %get3A_378 = arith.constant 0 : i32
    %get3A_379 = arith.index_cast %get3A_378 : i32 to index
    %get3A_380 = arith.constant 112 : index
    %get3A_381 = tpu.vector_load %arg9[%get3A_379, %get3A_380] {strides = array<i32>} : memref<1x288xi32, #tpu.memory_space<vmem>>, vector<16xi32>,
    %get3A_382 = arith.constant 0 : i32
    %get3A_383 = arith.index_cast %get3A_382 : i32 to index
    %get3A_384 = arith.constant 112 : index
    %get3A_385 = tpu.vector_load %arg10[%get3A_383, %get3A_384] {strides = array<i32>} : memref<1x288xi32, #tpu.memory_space<vmem>>, vector<16xi32>,
    %swap3A_386 = arith.constant 0 : i32
    %swap3A_387 = arith.index_cast %swap3A_386 : i32 to index
    %swap3A_388 = arith.constant 16 : index
    %swap3A_389 = tpu.vector_load %arg14[%swap3A_387, %swap3A_388] {strides = array<i32>} : memref<1x32xi32, #tpu.memory_space<vmem>>, vector<16xi32>,
    tpu.vector_store %arg14[%swap3A_387, %swap3A_388], %get3A_381 {strides = array<i32>} : memref<1x32xi32, #tpu.memory_space<vmem>>, vector<16xi32>,
    %swap3A_390 = arith.constant 0 : i32
    %swap3A_391 = arith.index_cast %swap3A_390 : i32 to index
    %swap3A_392 = arith.constant 16 : index
    %swap3A_393 = tpu.vector_load %arg20[%swap3A_391, %swap3A_392] {strides = array<i32>} : memref<1x32xi32, #tpu.memory_space<vmem>>, vector<16xi32>,
    tpu.vector_store %arg20[%swap3A_391, %swap3A_392], %get3A_385 {strides = array<i32>} : memref<1x32xi32, #tpu.memory_space<vmem>>, vector<16xi32>,
    %gather3A_394 = tpu.vector_load_idx %arg35[%get3A_381] : memref<10000xf32, #tpu.memory_space<vmem>>[vector<16xi32>], vector<16xf32>,
    %gather3A_395 = tpu.vector_load_idx %arg36[%get3A_385] : memref<10000xf32, #tpu.memory_space<vmem>>[vector<16xi32>], vector<16xf32>,
    %add3A_396 = arith.addf %gather3A_394, %gather3A_395 : vector<16xf32>
    %dma_start3A_397 = arith.constant 0 : i32
    %dma_start3A_398 = arith.constant 0 : i32
    %dma_start3A_399 = tpu.memref_slice %arg14[%dma_start3A_397, %dma_start3A_398] : memref<1x32xi32, #tpu.memory_space<vmem>> -> memref<1x32xi32, #tpu.memory_space<vmem>>
    %dma_start3A_400 = tpu.memref_squeeze %dma_start3A_399 : memref<1x32xi32, #tpu.memory_space<vmem>> -> memref<32xi32, #tpu.memory_space<vmem>>
    %dma_start3A_401 = arith.constant 0 : i32
    %dma_start3A_402 = arith.constant 0 : i32
    %dma_start3A_403 = tpu.memref_slice %arg4[%dma_start3A_401, %dma_start3A_402] : memref<10240x128xf32, #tpu.memory_space<hbm>> -> memref<10240x128xf32, #tpu.memory_space<hbm>>
    tpu.enqueue_indirect_dma source(%dma_start3A_403 : memref<10240x128xf32, #tpu.memory_space<hbm>>) target(%arg32 : memref<32x128xf32, #tpu.memory_space<vmem>>) offsets(%dma_start3A_400 : memref<32xi32, #tpu.memory_space<vmem>>) semaphore(%arg43 : memref<!tpu.dma_semaphore, #tpu.memory_space<semaphore_mem>>)
    %gt3A_404 = arith.constant 0.000000e+00 : f32
    %gt3A_405 = vector.broadcast %gt3A_404 : f32 to vector<16xf32>
    %gt3A_406 = arith.cmpf ogt, %add3A_377, %gt3A_405 : vector<16xf32>
    %mul3A_407 = arith.constant 2.000000e-01 : f32
    %mul3A_408 = vector.broadcast %mul3A_407 : f32 to vector<16xf32>
    %mul3A_409 = arith.mulf %add3A_377, %mul3A_408 : vector<16xf32>
    %select_n3A_410 = arith.select %gt3A_406, %add3A_377, %mul3A_409 : vector<16xi1>, vector<16xf32>
    %exp3A_411 = math.exp %select_n3A_410 : vector<16xf32>
    %add3A_412 = arith.constant 96 : i32
    %add3A_413 = arith.addi %select_n3A_11, %add3A_412 : i32
    %iota3A_414 = tpu.iota {dimensions = array<i32: 0>} : vector<16xi32>
    %add3A_415 = vector.broadcast %add3A_413 : i32 to vector<16xi32>
    %add3A_416 = arith.addi %add3A_415, %iota3A_414 : vector<16xi32>
    %lt3A_417 = arith.constant 330000 : i32
    %lt3A_418 = vector.broadcast %lt3A_417 : i32 to vector<16xi32>
    %lt3A_419 = arith.cmpi slt, %add3A_416, %lt3A_418 : vector<16xi32>
    %jit3A_420 = arith.constant 0.000000e+00 : f32
    %broadcast_in_dim3A_421 = vector.broadcast %jit3A_420 : f32 to vector<16xf32>
    %select_n3A_422 = arith.select %lt3A_419, %exp3A_411, %broadcast_in_dim3A_421 : vector<16xi1>, vector<16xf32>
    %swap3A_423 = arith.constant 0 : index
    %swap3A_424 = tpu.vector_load %arg26[%swap3A_423] {strides = array<i32>} : memref<32xf32, #tpu.memory_space<vmem>>, vector<16xf32>,
    tpu.vector_store %arg26[%swap3A_423], %select_n3A_422 {strides = array<i32>} : memref<32xf32, #tpu.memory_space<vmem>>, vector<16xf32>,
    %gt3A_425 = arith.constant 0.000000e+00 : f32
    %gt3A_426 = vector.broadcast %gt3A_425 : f32 to vector<16xf32>
    %gt3A_427 = arith.cmpf ogt, %add3A_396, %gt3A_426 : vector<16xf32>
    %mul3A_428 = arith.constant 2.000000e-01 : f32
    %mul3A_429 = vector.broadcast %mul3A_428 : f32 to vector<16xf32>
    %mul3A_430 = arith.mulf %add3A_396, %mul3A_429 : vector<16xf32>
    %select_n3A_431 = arith.select %gt3A_427, %add3A_396, %mul3A_430 : vector<16xi1>, vector<16xf32>
    %exp3A_432 = math.exp %select_n3A_431 : vector<16xf32>
    %add3A_433 = arith.constant 112 : i32
    %add3A_434 = arith.addi %select_n3A_11, %add3A_433 : i32
    %iota3A_435 = tpu.iota {dimensions = array<i32: 0>} : vector<16xi32>
    %add3A_436 = vector.broadcast %add3A_434 : i32 to vector<16xi32>
    %add3A_437 = arith.addi %add3A_436, %iota3A_435 : vector<16xi32>
    %lt3A_438 = arith.constant 330000 : i32
    %lt3A_439 = vector.broadcast %lt3A_438 : i32 to vector<16xi32>
    %lt3A_440 = arith.cmpi slt, %add3A_437, %lt3A_439 : vector<16xi32>
    %jit3A_441 = arith.constant 0.000000e+00 : f32
    %broadcast_in_dim3A_442 = vector.broadcast %jit3A_441 : f32 to vector<16xf32>
    %select_n3A_443 = arith.select %lt3A_440, %exp3A_432, %broadcast_in_dim3A_442 : vector<16xi1>, vector<16xf32>
    %swap3A_444 = arith.constant 16 : index
    %swap3A_445 = tpu.vector_load %arg26[%swap3A_444] {strides = array<i32>} : memref<32xf32, #tpu.memory_space<vmem>>, vector<16xf32>,
    tpu.vector_store %arg26[%swap3A_444], %select_n3A_443 {strides = array<i32>} : memref<32xf32, #tpu.memory_space<vmem>>, vector<16xf32>,
    %get3A_446 = arith.constant 0 : i32
    %get3A_447 = arith.index_cast %get3A_446 : i32 to index
    %get3A_448 = arith.constant 128 : index
    %get3A_449 = tpu.vector_load %arg9[%get3A_447, %get3A_448] {strides = array<i32>} : memref<1x288xi32, #tpu.memory_space<vmem>>, vector<16xi32>,
    %get3A_450 = arith.constant 0 : i32
    %get3A_451 = arith.index_cast %get3A_450 : i32 to index
    %get3A_452 = arith.constant 128 : index
    %get3A_453 = tpu.vector_load %arg10[%get3A_451, %get3A_452] {strides = array<i32>} : memref<1x288xi32, #tpu.memory_space<vmem>>, vector<16xi32>,
    %swap3A_454 = arith.constant 0 : i32
    %swap3A_455 = arith.index_cast %swap3A_454 : i32 to index
    %swap3A_456 = arith.constant 0 : index
    %swap3A_457 = tpu.vector_load %arg15[%swap3A_455, %swap3A_456] {strides = array<i32>} : memref<1x32xi32, #tpu.memory_space<vmem>>, vector<16xi32>,
    tpu.vector_store %arg15[%swap3A_455, %swap3A_456], %get3A_449 {strides = array<i32>} : memref<1x32xi32, #tpu.memory_space<vmem>>, vector<16xi32>,
    %swap3A_458 = arith.constant 0 : i32
    %swap3A_459 = arith.index_cast %swap3A_458 : i32 to index
    %swap3A_460 = arith.constant 0 : index
    %swap3A_461 = tpu.vector_load %arg21[%swap3A_459, %swap3A_460] {strides = array<i32>} : memref<1x32xi32, #tpu.memory_space<vmem>>, vector<16xi32>,
    tpu.vector_store %arg21[%swap3A_459, %swap3A_460], %get3A_453 {strides = array<i32>} : memref<1x32xi32, #tpu.memory_space<vmem>>, vector<16xi32>,
    %gather3A_462 = tpu.vector_load_idx %arg35[%get3A_449] : memref<10000xf32, #tpu.memory_space<vmem>>[vector<16xi32>], vector<16xf32>,
    %gather3A_463 = tpu.vector_load_idx %arg36[%get3A_453] : memref<10000xf32, #tpu.memory_space<vmem>>[vector<16xi32>], vector<16xf32>,
    %add3A_464 = arith.addf %gather3A_462, %gather3A_463 : vector<16xf32>
    %get3A_465 = arith.constant 0 : i32
    %get3A_466 = arith.index_cast %get3A_465 : i32 to index
    %get3A_467 = arith.constant 144 : index
    %get3A_468 = tpu.vector_load %arg9[%get3A_466, %get3A_467] {strides = array<i32>} : memref<1x288xi32, #tpu.memory_space<vmem>>, vector<16xi32>,
    %get3A_469 = arith.constant 0 : i32
    %get3A_470 = arith.index_cast %get3A_469 : i32 to index
    %get3A_471 = arith.constant 144 : index
    %get3A_472 = tpu.vector_load %arg10[%get3A_470, %get3A_471] {strides = array<i32>} : memref<1x288xi32, #tpu.memory_space<vmem>>, vector<16xi32>,
    %swap3A_473 = arith.constant 0 : i32
    %swap3A_474 = arith.index_cast %swap3A_473 : i32 to index
    %swap3A_475 = arith.constant 16 : index
    %swap3A_476 = tpu.vector_load %arg15[%swap3A_474, %swap3A_475] {strides = array<i32>} : memref<1x32xi32, #tpu.memory_space<vmem>>, vector<16xi32>,
    tpu.vector_store %arg15[%swap3A_474, %swap3A_475], %get3A_468 {strides = array<i32>} : memref<1x32xi32, #tpu.memory_space<vmem>>, vector<16xi32>,
    %swap3A_477 = arith.constant 0 : i32
    %swap3A_478 = arith.index_cast %swap3A_477 : i32 to index
    %swap3A_479 = arith.constant 16 : index
    %swap3A_480 = tpu.vector_load %arg21[%swap3A_478, %swap3A_479] {strides = array<i32>} : memref<1x32xi32, #tpu.memory_space<vmem>>, vector<16xi32>,
    tpu.vector_store %arg21[%swap3A_478, %swap3A_479], %get3A_472 {strides = array<i32>} : memref<1x32xi32, #tpu.memory_space<vmem>>, vector<16xi32>,
    %gather3A_481 = tpu.vector_load_idx %arg35[%get3A_468] : memref<10000xf32, #tpu.memory_space<vmem>>[vector<16xi32>], vector<16xf32>,
    %gather3A_482 = tpu.vector_load_idx %arg36[%get3A_472] : memref<10000xf32, #tpu.memory_space<vmem>>[vector<16xi32>], vector<16xf32>,
    %add3A_483 = arith.addf %gather3A_481, %gather3A_482 : vector<16xf32>
    %dma_start3A_484 = arith.constant 0 : i32
    %dma_start3A_485 = arith.constant 0 : i32
    %dma_start3A_486 = tpu.memref_slice %arg15[%dma_start3A_484, %dma_start3A_485] : memref<1x32xi32, #tpu.memory_space<vmem>> -> memref<1x32xi32, #tpu.memory_space<vmem>>
    %dma_start3A_487 = tpu.memref_squeeze %dma_start3A_486 : memref<1x32xi32, #tpu.memory_space<vmem>> -> memref<32xi32, #tpu.memory_space<vmem>>
    %dma_start3A_488 = arith.constant 0 : i32
    %dma_start3A_489 = arith.constant 0 : i32
    %dma_start3A_490 = tpu.memref_slice %arg4[%dma_start3A_488, %dma_start3A_489] : memref<10240x128xf32, #tpu.memory_space<hbm>> -> memref<10240x128xf32, #tpu.memory_space<hbm>>
    tpu.enqueue_indirect_dma source(%dma_start3A_490 : memref<10240x128xf32, #tpu.memory_space<hbm>>) target(%arg33 : memref<32x128xf32, #tpu.memory_space<vmem>>) offsets(%dma_start3A_487 : memref<32xi32, #tpu.memory_space<vmem>>) semaphore(%arg44 : memref<!tpu.dma_semaphore, #tpu.memory_space<semaphore_mem>>)
    %gt3A_491 = arith.constant 0.000000e+00 : f32
    %gt3A_492 = vector.broadcast %gt3A_491 : f32 to vector<16xf32>
    %gt3A_493 = arith.cmpf ogt, %add3A_464, %gt3A_492 : vector<16xf32>
    %mul3A_494 = arith.constant 2.000000e-01 : f32
    %mul3A_495 = vector.broadcast %mul3A_494 : f32 to vector<16xf32>
    %mul3A_496 = arith.mulf %add3A_464, %mul3A_495 : vector<16xf32>
    %select_n3A_497 = arith.select %gt3A_493, %add3A_464, %mul3A_496 : vector<16xi1>, vector<16xf32>
    %exp3A_498 = math.exp %select_n3A_497 : vector<16xf32>
    %add3A_499 = arith.constant 128 : i32
    %add3A_500 = arith.addi %select_n3A_11, %add3A_499 : i32
    %iota3A_501 = tpu.iota {dimensions = array<i32: 0>} : vector<16xi32>
    %add3A_502 = vector.broadcast %add3A_500 : i32 to vector<16xi32>
    %add3A_503 = arith.addi %add3A_502, %iota3A_501 : vector<16xi32>
    %lt3A_504 = arith.constant 330000 : i32
    %lt3A_505 = vector.broadcast %lt3A_504 : i32 to vector<16xi32>
    %lt3A_506 = arith.cmpi slt, %add3A_503, %lt3A_505 : vector<16xi32>
    %jit3A_507 = arith.constant 0.000000e+00 : f32
    %broadcast_in_dim3A_508 = vector.broadcast %jit3A_507 : f32 to vector<16xf32>
    %select_n3A_509 = arith.select %lt3A_506, %exp3A_498, %broadcast_in_dim3A_508 : vector<16xi1>, vector<16xf32>
    %swap3A_510 = arith.constant 0 : index
    %swap3A_511 = tpu.vector_load %arg27[%swap3A_510] {strides = array<i32>} : memref<32xf32, #tpu.memory_space<vmem>>, vector<16xf32>,
    tpu.vector_store %arg27[%swap3A_510], %select_n3A_509 {strides = array<i32>} : memref<32xf32, #tpu.memory_space<vmem>>, vector<16xf32>,
    %gt3A_512 = arith.constant 0.000000e+00 : f32
    %gt3A_513 = vector.broadcast %gt3A_512 : f32 to vector<16xf32>
    %gt3A_514 = arith.cmpf ogt, %add3A_483, %gt3A_513 : vector<16xf32>
    %mul3A_515 = arith.constant 2.000000e-01 : f32
    %mul3A_516 = vector.broadcast %mul3A_515 : f32 to vector<16xf32>
    %mul3A_517 = arith.mulf %add3A_483, %mul3A_516 : vector<16xf32>
    %select_n3A_518 = arith.select %gt3A_514, %add3A_483, %mul3A_517 : vector<16xi1>, vector<16xf32>
    %exp3A_519 = math.exp %select_n3A_518 : vector<16xf32>
    %add3A_520 = arith.constant 144 : i32
    %add3A_521 = arith.addi %select_n3A_11, %add3A_520 : i32
    %iota3A_522 = tpu.iota {dimensions = array<i32: 0>} : vector<16xi32>
    %add3A_523 = vector.broadcast %add3A_521 : i32 to vector<16xi32>
    %add3A_524 = arith.addi %add3A_523, %iota3A_522 : vector<16xi32>
    %lt3A_525 = arith.constant 330000 : i32
    %lt3A_526 = vector.broadcast %lt3A_525 : i32 to vector<16xi32>
    %lt3A_527 = arith.cmpi slt, %add3A_524, %lt3A_526 : vector<16xi32>
    %jit3A_528 = arith.constant 0.000000e+00 : f32
    %broadcast_in_dim3A_529 = vector.broadcast %jit3A_528 : f32 to vector<16xf32>
    %select_n3A_530 = arith.select %lt3A_527, %exp3A_519, %broadcast_in_dim3A_529 : vector<16xi1>, vector<16xf32>
    %swap3A_531 = arith.constant 16 : index
    %swap3A_532 = tpu.vector_load %arg27[%swap3A_531] {strides = array<i32>} : memref<32xf32, #tpu.memory_space<vmem>>, vector<16xf32>,
    tpu.vector_store %arg27[%swap3A_531], %select_n3A_530 {strides = array<i32>} : memref<32xf32, #tpu.memory_space<vmem>>, vector<16xf32>,
    %dma_wait3A = arith.constant 0 : i32
    %dma_wait3A_533 = arith.constant 0 : i32
    %dma_wait3A_534 = tpu.memref_slice %arg11[%dma_wait3A, %dma_wait3A_533] : memref<1x32xi32, #tpu.memory_space<vmem>> -> memref<1x32xi32, #tpu.memory_space<vmem>>
    %dma_wait3A_535 = tpu.memref_squeeze %dma_wait3A_534 : memref<1x32xi32, #tpu.memory_space<vmem>> -> memref<32xi32, #tpu.memory_space<vmem>>
    %dma_wait3A_536 = arith.constant 0 : i32
    %dma_wait3A_537 = arith.constant 0 : i32
    %dma_wait3A_538 = tpu.memref_slice %arg4[%dma_wait3A_536, %dma_wait3A_537] : memref<10240x128xf32, #tpu.memory_space<hbm>> -> memref<10240x128xf32, #tpu.memory_space<hbm>>
    tpu.wait_indirect_dma semaphore(%arg40 : memref<!tpu.dma_semaphore, #tpu.memory_space<semaphore_mem>>) src(%dma_wait3A_538 : memref<10240x128xf32, #tpu.memory_space<hbm>>) dst(%arg29 : memref<32x128xf32, #tpu.memory_space<vmem>>)
    %scan3A_539 = arith.constant 0 : i32
    %scan3A_540 = arith.constant 0 : i32
    %scan3A_541 = arith.constant 32 : i32
    %scan3A_542 = arith.addi %scan3A_540, %scan3A_541 : i32
    %scan3A_543 = arith.constant 1 : i32
    scf.for %scan3A_682 = %scan3A_540 to %scan3A_542 step %scan3A_543  : i32 {
      %broadcast_in_dim3A_683 = vector.broadcast %scan3A_682 : i32 to vector<16xi32>
      %gather3A_684 = tpu.vector_load_idx %arg23[%broadcast_in_dim3A_683] : memref<32xf32, #tpu.memory_space<vmem>>[vector<16xi32>], vector<16xf32>,
      %get3A_685 = arith.index_cast %scan3A_682 : i32 to index
      %get3A_686 = arith.constant 0 : index
      %get3A_687 = tpu.vector_load %arg29[%get3A_685, %get3A_686] {strides = array<i32>} : memref<32x128xf32, #tpu.memory_space<vmem>>, vector<16xf32>,
      %mul3A_688 = arith.mulf %get3A_687, %gather3A_684 : vector<16xf32>
      %swap3A_689 = arith.index_cast %scan3A_682 : i32 to index
      %swap3A_690 = arith.constant 0 : index
      %swap3A_691 = tpu.vector_load %arg29[%swap3A_689, %swap3A_690] {strides = array<i32>} : memref<32x128xf32, #tpu.memory_space<vmem>>, vector<16xf32>,
      tpu.vector_store %arg29[%swap3A_689, %swap3A_690], %mul3A_688 {strides = array<i32>} : memref<32x128xf32, #tpu.memory_space<vmem>>, vector<16xf32>,
      %get3A_692 = arith.index_cast %scan3A_682 : i32 to index
      %get3A_693 = arith.constant 16 : index
      %get3A_694 = tpu.vector_load %arg29[%get3A_692, %get3A_693] {strides = array<i32>} : memref<32x128xf32, #tpu.memory_space<vmem>>, vector<16xf32>,
      %mul3A_695 = arith.mulf %get3A_694, %gather3A_684 : vector<16xf32>
      %swap3A_696 = arith.index_cast %scan3A_682 : i32 to index
      %swap3A_697 = arith.constant 16 : index
      %swap3A_698 = tpu.vector_load %arg29[%swap3A_696, %swap3A_697] {strides = array<i32>} : memref<32x128xf32, #tpu.memory_space<vmem>>, vector<16xf32>,
      tpu.vector_store %arg29[%swap3A_696, %swap3A_697], %mul3A_695 {strides = array<i32>} : memref<32x128xf32, #tpu.memory_space<vmem>>, vector<16xf32>,
      %get3A_699 = arith.index_cast %scan3A_682 : i32 to index
      %get3A_700 = arith.constant 32 : index
      %get3A_701 = tpu.vector_load %arg29[%get3A_699, %get3A_700] {strides = array<i32>} : memref<32x128xf32, #tpu.memory_space<vmem>>, vector<16xf32>,
      %mul3A_702 = arith.mulf %get3A_701, %gather3A_684 : vector<16xf32>
      %swap3A_703 = arith.index_cast %scan3A_682 : i32 to index
      %swap3A_704 = arith.constant 32 : index
      %swap3A_705 = tpu.vector_load %arg29[%swap3A_703, %swap3A_704] {strides = array<i32>} : memref<32x128xf32, #tpu.memory_space<vmem>>, vector<16xf32>,
      tpu.vector_store %arg29[%swap3A_703, %swap3A_704], %mul3A_702 {strides = array<i32>} : memref<32x128xf32, #tpu.memory_space<vmem>>, vector<16xf32>,
      %get3A_706 = arith.index_cast %scan3A_682 : i32 to index
      %get3A_707 = arith.constant 48 : index
      %get3A_708 = tpu.vector_load %arg29[%get3A_706, %get3A_707] {strides = array<i32>} : memref<32x128xf32, #tpu.memory_space<vmem>>, vector<16xf32>,
      %mul3A_709 = arith.mulf %get3A_708, %gather3A_684 : vector<16xf32>
      %swap3A_710 = arith.index_cast %scan3A_682 : i32 to index
      %swap3A_711 = arith.constant 48 : index
      %swap3A_712 = tpu.vector_load %arg29[%swap3A_710, %swap3A_711] {strides = array<i32>} : memref<32x128xf32, #tpu.memory_space<vmem>>, vector<16xf32>,
      tpu.vector_store %arg29[%swap3A_710, %swap3A_711], %mul3A_709 {strides = array<i32>} : memref<32x128xf32, #tpu.memory_space<vmem>>, vector<16xf32>,
      %get3A_713 = arith.index_cast %scan3A_682 : i32 to index
      %get3A_714 = arith.constant 64 : index
      %get3A_715 = tpu.vector_load %arg29[%get3A_713, %get3A_714] {strides = array<i32>} : memref<32x128xf32, #tpu.memory_space<vmem>>, vector<16xf32>,
      %mul3A_716 = arith.mulf %get3A_715, %gather3A_684 : vector<16xf32>
      %swap3A_717 = arith.index_cast %scan3A_682 : i32 to index
      %swap3A_718 = arith.constant 64 : index
      %swap3A_719 = tpu.vector_load %arg29[%swap3A_717, %swap3A_718] {strides = array<i32>} : memref<32x128xf32, #tpu.memory_space<vmem>>, vector<16xf32>,
      tpu.vector_store %arg29[%swap3A_717, %swap3A_718], %mul3A_716 {strides = array<i32>} : memref<32x128xf32, #tpu.memory_space<vmem>>, vector<16xf32>,
      %get3A_720 = arith.index_cast %scan3A_682 : i32 to index
      %get3A_721 = arith.constant 80 : index
      %get3A_722 = tpu.vector_load %arg29[%get3A_720, %get3A_721] {strides = array<i32>} : memref<32x128xf32, #tpu.memory_space<vmem>>, vector<16xf32>,
      %mul3A_723 = arith.mulf %get3A_722, %gather3A_684 : vector<16xf32>
      %swap3A_724 = arith.index_cast %scan3A_682 : i32 to index
      %swap3A_725 = arith.constant 80 : index
      %swap3A_726 = tpu.vector_load %arg29[%swap3A_724, %swap3A_725] {strides = array<i32>} : memref<32x128xf32, #tpu.memory_space<vmem>>, vector<16xf32>,
      tpu.vector_store %arg29[%swap3A_724, %swap3A_725], %mul3A_723 {strides = array<i32>} : memref<32x128xf32, #tpu.memory_space<vmem>>, vector<16xf32>,
      %get3A_727 = arith.index_cast %scan3A_682 : i32 to index
      %get3A_728 = arith.constant 96 : index
      %get3A_729 = tpu.vector_load %arg29[%get3A_727, %get3A_728] {strides = array<i32>} : memref<32x128xf32, #tpu.memory_space<vmem>>, vector<16xf32>,
      %mul3A_730 = arith.mulf %get3A_729, %gather3A_684 : vector<16xf32>
      %swap3A_731 = arith.index_cast %scan3A_682 : i32 to index
      %swap3A_732 = arith.constant 96 : index
      %swap3A_733 = tpu.vector_load %arg29[%swap3A_731, %swap3A_732] {strides = array<i32>} : memref<32x128xf32, #tpu.memory_space<vmem>>, vector<16xf32>,
      tpu.vector_store %arg29[%swap3A_731, %swap3A_732], %mul3A_730 {strides = array<i32>} : memref<32x128xf32, #tpu.memory_space<vmem>>, vector<16xf32>,
      %get3A_734 = arith.index_cast %scan3A_682 : i32 to index
      %get3A_735 = arith.constant 112 : index
      %get3A_736 = tpu.vector_load %arg29[%get3A_734, %get3A_735] {strides = array<i32>} : memref<32x128xf32, #tpu.memory_space<vmem>>, vector<16xf32>,
      %mul3A_737 = arith.mulf %get3A_736, %gather3A_684 : vector<16xf32>
      %swap3A_738 = arith.index_cast %scan3A_682 : i32 to index
      %swap3A_739 = arith.constant 112 : index
      %swap3A_740 = tpu.vector_load %arg29[%swap3A_738, %swap3A_739] {strides = array<i32>} : memref<32x128xf32, #tpu.memory_space<vmem>>, vector<16xf32>,
      tpu.vector_store %arg29[%swap3A_738, %swap3A_739], %mul3A_737 {strides = array<i32>} : memref<32x128xf32, #tpu.memory_space<vmem>>, vector<16xf32>,
    }
    %scan3A_544 = arith.constant 32 : i32
    %dma_start3A_545 = arith.constant 0 : i32
    %dma_start3A_546 = arith.constant 0 : i32
    %dma_start3A_547 = tpu.memref_slice %arg17[%dma_start3A_545, %dma_start3A_546] : memref<1x32xi32, #tpu.memory_space<vmem>> -> memref<1x32xi32, #tpu.memory_space<vmem>>
    %dma_start3A_548 = tpu.memref_squeeze %dma_start3A_547 : memref<1x32xi32, #tpu.memory_space<vmem>> -> memref<32xi32, #tpu.memory_space<vmem>>
    %dma_start3A_549 = arith.constant 0 : i32
    %dma_start3A_550 = arith.constant 0 : i32
    %dma_start3A_551 = tpu.memref_slice %arg38[%dma_start3A_549, %dma_start3A_550] : memref<10240x128xf32, #tpu.memory_space<vmem_shared>> -> memref<10240x128xf32, #tpu.memory_space<vmem_shared>>
    tpu.enqueue_indirect_dma source(%arg29 : memref<32x128xf32, #tpu.memory_space<vmem>>) target(%dma_start3A_551 : memref<10240x128xf32, #tpu.memory_space<vmem_shared>>) offsets(%dma_start3A_548 : memref<32xi32, #tpu.memory_space<vmem>>) semaphore(%arg46 : memref<!tpu.dma_semaphore, #tpu.memory_space<semaphore_mem>>) {add = true}
    %dma_start3A_552 = arith.constant 0 : i32
    %dma_start3A_553 = arith.constant 0 : i32
    %dma_start3A_554 = tpu.memref_slice %arg17[%dma_start3A_552, %dma_start3A_553] : memref<1x32xi32, #tpu.memory_space<vmem>> -> memref<1x32xi32, #tpu.memory_space<vmem>>
    %dma_start3A_555 = tpu.memref_squeeze %dma_start3A_554 : memref<1x32xi32, #tpu.memory_space<vmem>> -> memref<32xi32, #tpu.memory_space<vmem>>
    %dma_start3A_556 = arith.constant 0 : i32
    %dma_start3A_557 = tpu.memref_slice %arg39[%dma_start3A_556] : memref<10240xf32, #tpu.memory_space<vmem_shared>> -> memref<10240xf32, #tpu.memory_space<vmem_shared>>
    tpu.enqueue_indirect_dma source(%arg23 : memref<32xf32, #tpu.memory_space<vmem>>) target(%dma_start3A_557 : memref<10240xf32, #tpu.memory_space<vmem_shared>>) offsets(%dma_start3A_555 : memref<32xi32, #tpu.memory_space<vmem>>) semaphore(%arg52 : memref<!tpu.dma_semaphore, #tpu.memory_space<semaphore_mem>>) {add = true}
    %get3A_558 = arith.constant 0 : i32
    %get3A_559 = arith.index_cast %get3A_558 : i32 to index
    %get3A_560 = arith.constant 160 : index
    %get3A_561 = tpu.vector_load %arg9[%get3A_559, %get3A_560] {strides = array<i32>} : memref<1x288xi32, #tpu.memory_space<vmem>>, vector<16xi32>,
    %get3A_562 = arith.constant 0 : i32
    %get3A_563 = arith.index_cast %get3A_562 : i32 to index
    %get3A_564 = arith.constant 160 : index
    %get3A_565 = tpu.vector_load %arg10[%get3A_563, %get3A_564] {strides = array<i32>} : memref<1x288xi32, #tpu.memory_space<vmem>>, vector<16xi32>,
    %swap3A_566 = arith.constant 0 : i32
    %swap3A_567 = arith.index_cast %swap3A_566 : i32 to index
    %swap3A_568 = arith.constant 0 : index
    %swap3A_569 = tpu.vector_load %arg16[%swap3A_567, %swap3A_568] {strides = array<i32>} : memref<1x32xi32, #tpu.memory_space<vmem>>, vector<16xi32>,
    tpu.vector_store %arg16[%swap3A_567, %swap3A_568], %get3A_561 {strides = array<i32>} : memref<1x32xi32, #tpu.memory_space<vmem>>, vector<16xi32>,
    %swap3A_570 = arith.constant 0 : i32
    %swap3A_571 = arith.index_cast %swap3A_570 : i32 to index
    %swap3A_572 = arith.constant 0 : index
    %swap3A_573 = tpu.vector_load %arg22[%swap3A_571, %swap3A_572] {strides = array<i32>} : memref<1x32xi32, #tpu.memory_space<vmem>>, vector<16xi32>,
    tpu.vector_store %arg22[%swap3A_571, %swap3A_572], %get3A_565 {strides = array<i32>} : memref<1x32xi32, #tpu.memory_space<vmem>>, vector<16xi32>,
    %gather3A_574 = tpu.vector_load_idx %arg35[%get3A_561] : memref<10000xf32, #tpu.memory_space<vmem>>[vector<16xi32>], vector<16xf32>,
    %gather3A_575 = tpu.vector_load_idx %arg36[%get3A_565] : memref<10000xf32, #tpu.memory_space<vmem>>[vector<16xi32>], vector<16xf32>,
    %add3A_576 = arith.addf %gather3A_574, %gather3A_575 : vector<16xf32>
    %get3A_577 = arith.constant 0 : i32
    %get3A_578 = arith.index_cast %get3A_577 : i32 to index
    %get3A_579 = arith.constant 176 : index
    %get3A_580 = tpu.vector_load %arg9[%get3A_578, %get3A_579] {strides = array<i32>} : memref<1x288xi32, #tpu.memory_space<vmem>>, vector<16xi32>,
    %get3A_581 = arith.constant 0 : i32
    %get3A_582 = arith.index_cast %get3A_581 : i32 to index
    %get3A_583 = arith.constant 176 : index
    %get3A_584 = tpu.vector_load %arg10[%get3A_582, %get3A_583] {strides = array<i32>} : memref<1x288xi32, #tpu.memory_space<vmem>>, vector<16xi32>,
    %swap3A_585 = arith.constant 0 : i32
    %swap3A_586 = arith.index_cast %swap3A_585 : i32 to index
    %swap3A_587 = arith.constant 16 : index
    %swap3A_588 = tpu.vector_load %arg16[%swap3A_586, %swap3A_587] {strides = array<i32>} : memref<1x32xi32, #tpu.memory_space<vmem>>, vector<16xi32>,
    tpu.vector_store %arg16[%swap3A_586, %swap3A_587], %get3A_580 {strides = array<i32>} : memref<1x32xi32, #tpu.memory_space<vmem>>, vector<16xi32>,
    %swap3A_589 = arith.constant 0 : i32
    %swap3A_590 = arith.index_cast %swap3A_589 : i32 to index
    %swap3A_591 = arith.constant 16 : index
    %swap3A_592 = tpu.vector_load %arg22[%swap3A_590, %swap3A_591] {strides = array<i32>} : memref<1x32xi32, #tpu.memory_space<vmem>>, vector<16xi32>,
    tpu.vector_store %arg22[%swap3A_590, %swap3A_591], %get3A_584 {strides = array<i32>} : memref<1x32xi32, #tpu.memory_space<vmem>>, vector<16xi32>,
    %gather3A_593 = tpu.vector_load_idx %arg35[%get3A_580] : memref<10000xf32, #tpu.memory_space<vmem>>[vector<16xi32>], vector<16xf32>,
    %gather3A_594 = tpu.vector_load_idx %arg36[%get3A_584] : memref<10000xf32, #tpu.memory_space<vmem>>[vector<16xi32>], vector<16xf32>,
    %add3A_595 = arith.addf %gather3A_593, %gather3A_594 : vector<16xf32>
    %dma_start3A_596 = arith.constant 0 : i32
    %dma_start3A_597 = arith.constant 0 : i32
    %dma_start3A_598 = tpu.memref_slice %arg16[%dma_start3A_596, %dma_start3A_597] : memref<1x32xi32, #tpu.memory_space<vmem>> -> memref<1x32xi32, #tpu.memory_space<vmem>>
    %dma_start3A_599 = tpu.memref_squeeze %dma_start3A_598 : memref<1x32xi32, #tpu.memory_space<vmem>> -> memref<32xi32, #tpu.memory_space<vmem>>
    %dma_start3A_600 = arith.constant 0 : i32
    %dma_start3A_601 = arith.constant 0 : i32
    %dma_start3A_602 = tpu.memref_slice %arg4[%dma_start3A_600, %dma_start3A_601] : memref<10240x128xf32, #tpu.memory_space<hbm>> -> memref<10240x128xf32, #tpu.memory_space<hbm>>
    tpu.enqueue_indirect_dma source(%dma_start3A_602 : memref<10240x128xf32, #tpu.memory_space<hbm>>) target(%arg34 : memref<32x128xf32, #tpu.memory_space<vmem>>) offsets(%dma_start3A_599 : memref<32xi32, #tpu.memory_space<vmem>>) semaphore(%arg45 : memref<!tpu.dma_semaphore, #tpu.memory_space<semaphore_mem>>)
    %gt3A_603 = arith.constant 0.000000e+00 : f32
    %gt3A_604 = vector.broadcast %gt3A_603 : f32 to vector<16xf32>
    %gt3A_605 = arith.cmpf ogt, %add3A_576, %gt3A_604 : vector<16xf32>
    %mul3A_606 = arith.constant 2.000000e-01 : f32
    %mul3A_607 = vector.broadcast %mul3A_606 : f32 to vector<16xf32>
    %mul3A_608 = arith.mulf %add3A_576, %mul3A_607 : vector<16xf32>
    %select_n3A_609 = arith.select %gt3A_605, %add3A_576, %mul3A_608 : vector<16xi1>, vector<16xf32>
    %exp3A_610 = math.exp %select_n3A_609 : vector<16xf32>
    %add3A_611 = arith.constant 160 : i32
    %add3A_612 = arith.addi %select_n3A_11, %add3A_611 : i32
    %iota3A_613 = tpu.iota {dimensions = array<i32: 0>} : vector<16xi32>
    %add3A_614 = vector.broadcast %add3A_612 : i32 to vector<16xi32>
    %add3A_615 = arith.addi %add3A_614, %iota3A_613 : vector<16xi32>
    %lt3A_616 = arith.constant 330000 : i32
    %lt3A_617 = vector.broadcast %lt3A_616 : i32 to vector<16xi32>
    %lt3A_618 = arith.cmpi slt, %add3A_615, %lt3A_617 : vector<16xi32>
    %jit3A_619 = arith.constant 0.000000e+00 : f32
    %broadcast_in_dim3A_620 = vector.broadcast %jit3A_619 : f32 to vector<16xf32>
    %select_n3A_621 = arith.select %lt3A_618, %exp3A_610, %broadcast_in_dim3A_620 : vector<16xi1>, vector<16xf32>
    %swap3A_622 = arith.constant 0 : index
    %swap3A_623 = tpu.vector_load %arg28[%swap3A_622] {strides = array<i32>} : memref<32xf32, #tpu.memory_space<vmem>>, vector<16xf32>,
    tpu.vector_store %arg28[%swap3A_622], %select_n3A_621 {strides = array<i32>} : memref<32xf32, #tpu.memory_space<vmem>>, vector<16xf32>,
    %gt3A_624 = arith.constant 0.000000e+00 : f32
    %gt3A_625 = vector.broadcast %gt3A_624 : f32 to vector<16xf32>
    %gt3A_626 = arith.cmpf ogt, %add3A_595, %gt3A_625 : vector<16xf32>
    %mul3A_627 = arith.constant 2.000000e-01 : f32
    %mul3A_628 = vector.broadcast %mul3A_627 : f32 to vector<16xf32>
    %mul3A_629 = arith.mulf %add3A_595, %mul3A_628 : vector<16xf32>
    %select_n3A_630 = arith.select %gt3A_626, %add3A_595, %mul3A_629 : vector<16xi1>, vector<16xf32>
    %exp3A_631 = math.exp %select_n3A_630 : vector<16xf32>
    %add3A_632 = arith.constant 176 : i32
    %add3A_633 = arith.addi %select_n3A_11, %add3A_632 : i32
    %iota3A_634 = tpu.iota {dimensions = array<i32: 0>} : vector<16xi32>
    %add3A_635 = vector.broadcast %add3A_633 : i32 to vector<16xi32>
    %add3A_636 = arith.addi %add3A_635, %iota3A_634 : vector<16xi32>
    %lt3A_637 = arith.constant 330000 : i32
    %lt3A_638 = vector.broadcast %lt3A_637 : i32 to vector<16xi32>
    %lt3A_639 = arith.cmpi slt, %add3A_636, %lt3A_638 : vector<16xi32>
    %jit3A_640 = arith.constant 0.000000e+00 : f32
    %broadcast_in_dim3A_641 = vector.broadcast %jit3A_640 : f32 to vector<16xf32>
    %select_n3A_642 = arith.select %lt3A_639, %exp3A_631, %broadcast_in_dim3A_641 : vector<16xi1>, vector<16xf32>
    %swap3A_643 = arith.constant 16 : index
    %swap3A_644 = tpu.vector_load %arg28[%swap3A_643] {strides = array<i32>} : memref<32xf32, #tpu.memory_space<vmem>>, vector<16xf32>,
    tpu.vector_store %arg28[%swap3A_643], %select_n3A_642 {strides = array<i32>} : memref<32xf32, #tpu.memory_space<vmem>>, vector<16xf32>,
    %dma_wait3A_645 = arith.constant 0 : i32
    %dma_wait3A_646 = arith.constant 0 : i32
    %dma_wait3A_647 = tpu.memref_slice %arg12[%dma_wait3A_645, %dma_wait3A_646] : memref<1x32xi32, #tpu.memory_space<vmem>> -> memref<1x32xi32, #tpu.memory_space<vmem>>
    %dma_wait3A_648 = tpu.memref_squeeze %dma_wait3A_647 : memref<1x32xi32, #tpu.memory_space<vmem>> -> memref<32xi32, #tpu.memory_space<vmem>>
    %dma_wait3A_649 = arith.constant 0 : i32
    %dma_wait3A_650 = arith.constant 0 : i32
    %dma_wait3A_651 = tpu.memref_slice %arg4[%dma_wait3A_649, %dma_wait3A_650] : memref<10240x128xf32, #tpu.memory_space<hbm>> -> memref<10240x128xf32, #tpu.memory_space<hbm>>
    tpu.wait_indirect_dma semaphore(%arg41 : memref<!tpu.dma_semaphore, #tpu.memory_space<semaphore_mem>>) src(%dma_wait3A_651 : memref<10240x128xf32, #tpu.memory_space<hbm>>) dst(%arg30 : memref<32x128xf32, #tpu.memory_space<vmem>>)
    %scan3A_652 = arith.constant 0 : i32
    %scan3A_653 = arith.constant 0 : i32
    %scan3A_654 = arith.constant 32 : i32
    %scan3A_655 = arith.addi %scan3A_653, %scan3A_654 : i32
    %scan3A_656 = arith.constant 1 : i32
    scf.for %scan3A_682 = %scan3A_653 to %scan3A_655 step %scan3A_656  : i32 {
      %broadcast_in_dim3A_683 = vector.broadcast %scan3A_682 : i32 to vector<16xi32>
      %gather3A_684 = tpu.vector_load_idx %arg24[%broadcast_in_dim3A_683] : memref<32xf32, #tpu.memory_space<vmem>>[vector<16xi32>], vector<16xf32>,
      %get3A_685 = arith.index_cast %scan3A_682 : i32 to index
      %get3A_686 = arith.constant 0 : index
      %get3A_687 = tpu.vector_load %arg30[%get3A_685, %get3A_686] {strides = array<i32>} : memref<32x128xf32, #tpu.memory_space<vmem>>, vector<16xf32>,
      %mul3A_688 = arith.mulf %get3A_687, %gather3A_684 : vector<16xf32>
      %swap3A_689 = arith.index_cast %scan3A_682 : i32 to index
      %swap3A_690 = arith.constant 0 : index
      %swap3A_691 = tpu.vector_load %arg30[%swap3A_689, %swap3A_690] {strides = array<i32>} : memref<32x128xf32, #tpu.memory_space<vmem>>, vector<16xf32>,
      tpu.vector_store %arg30[%swap3A_689, %swap3A_690], %mul3A_688 {strides = array<i32>} : memref<32x128xf32, #tpu.memory_space<vmem>>, vector<16xf32>,
      %get3A_692 = arith.index_cast %scan3A_682 : i32 to index
      %get3A_693 = arith.constant 16 : index
      %get3A_694 = tpu.vector_load %arg30[%get3A_692, %get3A_693] {strides = array<i32>} : memref<32x128xf32, #tpu.memory_space<vmem>>, vector<16xf32>,
      %mul3A_695 = arith.mulf %get3A_694, %gather3A_684 : vector<16xf32>
      %swap3A_696 = arith.index_cast %scan3A_682 : i32 to index
      %swap3A_697 = arith.constant 16 : index
      %swap3A_698 = tpu.vector_load %arg30[%swap3A_696, %swap3A_697] {strides = array<i32>} : memref<32x128xf32, #tpu.memory_space<vmem>>, vector<16xf32>,
      tpu.vector_store %arg30[%swap3A_696, %swap3A_697], %mul3A_695 {strides = array<i32>} : memref<32x128xf32, #tpu.memory_space<vmem>>, vector<16xf32>,
      %get3A_699 = arith.index_cast %scan3A_682 : i32 to index
      %get3A_700 = arith.constant 32 : index
      %get3A_701 = tpu.vector_load %arg30[%get3A_699, %get3A_700] {strides = array<i32>} : memref<32x128xf32, #tpu.memory_space<vmem>>, vector<16xf32>,
      %mul3A_702 = arith.mulf %get3A_701, %gather3A_684 : vector<16xf32>
      %swap3A_703 = arith.index_cast %scan3A_682 : i32 to index
      %swap3A_704 = arith.constant 32 : index
      %swap3A_705 = tpu.vector_load %arg30[%swap3A_703, %swap3A_704] {strides = array<i32>} : memref<32x128xf32, #tpu.memory_space<vmem>>, vector<16xf32>,
      tpu.vector_store %arg30[%swap3A_703, %swap3A_704], %mul3A_702 {strides = array<i32>} : memref<32x128xf32, #tpu.memory_space<vmem>>, vector<16xf32>,
      %get3A_706 = arith.index_cast %scan3A_682 : i32 to index
      %get3A_707 = arith.constant 48 : index
      %get3A_708 = tpu.vector_load %arg30[%get3A_706, %get3A_707] {strides = array<i32>} : memref<32x128xf32, #tpu.memory_space<vmem>>, vector<16xf32>,
      %mul3A_709 = arith.mulf %get3A_708, %gather3A_684 : vector<16xf32>
      %swap3A_710 = arith.index_cast %scan3A_682 : i32 to index
      %swap3A_711 = arith.constant 48 : index
      %swap3A_712 = tpu.vector_load %arg30[%swap3A_710, %swap3A_711] {strides = array<i32>} : memref<32x128xf32, #tpu.memory_space<vmem>>, vector<16xf32>,
      tpu.vector_store %arg30[%swap3A_710, %swap3A_711], %mul3A_709 {strides = array<i32>} : memref<32x128xf32, #tpu.memory_space<vmem>>, vector<16xf32>,
      %get3A_713 = arith.index_cast %scan3A_682 : i32 to index
      %get3A_714 = arith.constant 64 : index
      %get3A_715 = tpu.vector_load %arg30[%get3A_713, %get3A_714] {strides = array<i32>} : memref<32x128xf32, #tpu.memory_space<vmem>>, vector<16xf32>,
      %mul3A_716 = arith.mulf %get3A_715, %gather3A_684 : vector<16xf32>
      %swap3A_717 = arith.index_cast %scan3A_682 : i32 to index
      %swap3A_718 = arith.constant 64 : index
      %swap3A_719 = tpu.vector_load %arg30[%swap3A_717, %swap3A_718] {strides = array<i32>} : memref<32x128xf32, #tpu.memory_space<vmem>>, vector<16xf32>,
      tpu.vector_store %arg30[%swap3A_717, %swap3A_718], %mul3A_716 {strides = array<i32>} : memref<32x128xf32, #tpu.memory_space<vmem>>, vector<16xf32>,
      %get3A_720 = arith.index_cast %scan3A_682 : i32 to index
      %get3A_721 = arith.constant 80 : index
      %get3A_722 = tpu.vector_load %arg30[%get3A_720, %get3A_721] {strides = array<i32>} : memref<32x128xf32, #tpu.memory_space<vmem>>, vector<16xf32>,
      %mul3A_723 = arith.mulf %get3A_722, %gather3A_684 : vector<16xf32>
      %swap3A_724 = arith.index_cast %scan3A_682 : i32 to index
      %swap3A_725 = arith.constant 80 : index
      %swap3A_726 = tpu.vector_load %arg30[%swap3A_724, %swap3A_725] {strides = array<i32>} : memref<32x128xf32, #tpu.memory_space<vmem>>, vector<16xf32>,
      tpu.vector_store %arg30[%swap3A_724, %swap3A_725], %mul3A_723 {strides = array<i32>} : memref<32x128xf32, #tpu.memory_space<vmem>>, vector<16xf32>,
      %get3A_727 = arith.index_cast %scan3A_682 : i32 to index
      %get3A_728 = arith.constant 96 : index
      %get3A_729 = tpu.vector_load %arg30[%get3A_727, %get3A_728] {strides = array<i32>} : memref<32x128xf32, #tpu.memory_space<vmem>>, vector<16xf32>,
      %mul3A_730 = arith.mulf %get3A_729, %gather3A_684 : vector<16xf32>
      %swap3A_731 = arith.index_cast %scan3A_682 : i32 to index
      %swap3A_732 = arith.constant 96 : index
      %swap3A_733 = tpu.vector_load %arg30[%swap3A_731, %swap3A_732] {strides = array<i32>} : memref<32x128xf32, #tpu.memory_space<vmem>>, vector<16xf32>,
      tpu.vector_store %arg30[%swap3A_731, %swap3A_732], %mul3A_730 {strides = array<i32>} : memref<32x128xf32, #tpu.memory_space<vmem>>, vector<16xf32>,
      %get3A_734 = arith.index_cast %scan3A_682 : i32 to index
      %get3A_735 = arith.constant 112 : index
      %get3A_736 = tpu.vector_load %arg30[%get3A_734, %get3A_735] {strides = array<i32>} : memref<32x128xf32, #tpu.memory_space<vmem>>, vector<16xf32>,
      %mul3A_737 = arith.mulf %get3A_736, %gather3A_684 : vector<16xf32>
      %swap3A_738 = arith.index_cast %scan3A_682 : i32 to index
      %swap3A_739 = arith.constant 112 : index
      %swap3A_740 = tpu.vector_load %arg30[%swap3A_738, %swap3A_739] {strides = array<i32>} : memref<32x128xf32, #tpu.memory_space<vmem>>, vector<16xf32>,
      tpu.vector_store %arg30[%swap3A_738, %swap3A_739], %mul3A_737 {strides = array<i32>} : memref<32x128xf32, #tpu.memory_space<vmem>>, vector<16xf32>,
    }
    %scan3A_657 = arith.constant 32 : i32
    %dma_start3A_658 = arith.constant 0 : i32
    %dma_start3A_659 = arith.constant 0 : i32
    %dma_start3A_660 = tpu.memref_slice %arg18[%dma_start3A_658, %dma_start3A_659] : memref<1x32xi32, #tpu.memory_space<vmem>> -> memref<1x32xi32, #tpu.memory_space<vmem>>
    %dma_start3A_661 = tpu.memref_squeeze %dma_start3A_660 : memref<1x32xi32, #tpu.memory_space<vmem>> -> memref<32xi32, #tpu.memory_space<vmem>>
    %dma_start3A_662 = arith.constant 0 : i32
    %dma_start3A_663 = arith.constant 0 : i32
    %dma_start3A_664 = tpu.memref_slice %arg38[%dma_start3A_662, %dma_start3A_663] : memref<10240x128xf32, #tpu.memory_space<vmem_shared>> -> memref<10240x128xf32, #tpu.memory_space<vmem_shared>>
    tpu.enqueue_indirect_dma source(%arg30 : memref<32x128xf32, #tpu.memory_space<vmem>>) target(%dma_start3A_664 : memref<10240x128xf32, #tpu.memory_space<vmem_shared>>) offsets(%dma_start3A_661 : memref<32xi32, #tpu.memory_space<vmem>>) semaphore(%arg47 : memref<!tpu.dma_semaphore, #tpu.memory_space<semaphore_mem>>) {add = true}
    %dma_start3A_665 = arith.constant 0 : i32
    %dma_start3A_666 = arith.constant 0 : i32
    %dma_start3A_667 = tpu.memref_slice %arg18[%dma_start3A_665, %dma_start3A_666] : memref<1x32xi32, #tpu.memory_space<vmem>> -> memref<1x32xi32, #tpu.memory_space<vmem>>
    %dma_start3A_668 = tpu.memref_squeeze %dma_start3A_667 : memref<1x32xi32, #tpu.memory_space<vmem>> -> memref<32xi32, #tpu.memory_space<vmem>>
    %dma_start3A_669 = arith.constant 0 : i32
    %dma_start3A_670 = tpu.memref_slice %arg39[%dma_start3A_669] : memref<10240xf32, #tpu.memory_space<vmem_shared>> -> memref<10240xf32, #tpu.memory_space<vmem_shared>>
    tpu.enqueue_indirect_dma source(%arg24 : memref<32xf32, #tpu.memory_space<vmem>>) target(%dma_start3A_670 : memref<10240xf32, #tpu.memory_space<vmem_shared>>) offsets(%dma_start3A_668 : memref<32xi32, #tpu.memory_space<vmem>>) semaphore(%arg53 : memref<!tpu.dma_semaphore, #tpu.memory_space<semaphore_mem>>) {add = true}
    %scan3A_671 = arith.constant 0 : i32
    %scan3A_672 = arith.constant 1 : i32
    %scan3A_673 = arith.constant 62 : i32
    %scan3A_674 = arith.addi %scan3A_672, %scan3A_673 : i32
    %scan3A_675 = arith.constant 1 : i32
    scf.for %scan3A_682 = %scan3A_672 to %scan3A_674 step %scan3A_675  : i32 {
      %mul3A_683 = arith.constant 6 : i32
      %mul3A_684 = arith.muli %mul3A_683, %scan3A_682 : i32
      %add3A_685 = arith.constant 0 : i32
      %add3A_686 = arith.addi %mul3A_684, %add3A_685 : i32
      %jit3A_687 = arith.constant 9 : i32
      %eq3A_688 = arith.constant 0 : i32
      %eq3A_689 = arith.cmpi eq, %jit3A_687, %eq3A_688 : i32
      %jit3A_690 = arith.constant 1 : i32
      %select_n3A_691 = arith.select %eq3A_689, %jit3A_690, %jit3A_687 : i32
      %rem3A = arith.remsi %add3A_686, %select_n3A_691 : i32
      %ne3A = arith.constant 0 : i32
      %ne3A_692 = arith.cmpi ne, %rem3A, %ne3A : i32
      %lt3A_693 = arith.constant 0 : i32
      %lt3A_694 = arith.cmpi slt, %rem3A, %lt3A_693 : i32
      %lt3A_695 = arith.constant 0 : i32
      %lt3A_696 = arith.cmpi slt, %select_n3A_691, %lt3A_695 : i32
      %ne3A_697 = arith.xori %lt3A_694, %lt3A_696 : i1
      %and3A = arith.andi %ne3A_697, %ne3A_692 : i1
      %add3A_698 = arith.addi %rem3A, %select_n3A_691 : i32
      %select_n3A_699 = arith.select %and3A, %add3A_698, %rem3A : i32
      %eq3A_700 = arith.constant 0 : i32
      %eq3A_701 = arith.cmpi eq, %select_n3A_699, %eq3A_700 : i32
      %lt3A_702 = arith.cmpi slt, %add3A_686, %select_n3A : i32
      %and3A_703 = arith.andi %eq3A_701, %lt3A_702 : i1
      %convert_element_type3A = arith.extui %and3A_703 : i1 to i32
      %cond3A = arith.constant 0 : i32
      %cond3A_704 = arith.cmpi ne, %convert_element_type3A, %cond3A : i32
      scf.if %cond3A_704 {
        %jit3A_935 = arith.constant 9 : i32
        %div3A = arith.divsi %add3A_686, %jit3A_935 : i32
        %sign3A = arith.constant 0 : i32
        %sign3A_936 = arith.cmpi sgt, %add3A_686, %sign3A : i32
        %sign3A_937 = arith.extui %sign3A_936 : i1 to i32
        %sign3A_938 = arith.constant 0 : i32
        %sign3A_939 = arith.cmpi slt, %add3A_686, %sign3A_938 : i32
        %sign3A_940 = arith.extui %sign3A_939 : i1 to i32
        %sign3A_941 = arith.subi %sign3A_937, %sign3A_940 : i32
        %sign3A_942 = arith.constant 0 : i32
        %sign3A_943 = arith.cmpi sgt, %jit3A_935, %sign3A_942 : i32
        %sign3A_944 = arith.extui %sign3A_943 : i1 to i32
        %sign3A_945 = arith.constant 0 : i32
        %sign3A_946 = arith.cmpi slt, %jit3A_935, %sign3A_945 : i32
        %sign3A_947 = arith.extui %sign3A_946 : i1 to i32
        %sign3A_948 = arith.subi %sign3A_944, %sign3A_947 : i32
        %ne3A_949 = arith.cmpi ne, %sign3A_941, %sign3A_948 : i32
        %rem3A_950 = arith.remsi %add3A_686, %jit3A_935 : i32
        %ne3A_951 = arith.constant 0 : i32
        %ne3A_952 = arith.cmpi ne, %rem3A_950, %ne3A_951 : i32
        %and3A_953 = arith.andi %ne3A_949, %ne3A_952 : i1
        %sub3A_954 = arith.constant 1 : i32
        %sub3A_955 = arith.subi %div3A, %sub3A_954 : i32
        %select_n3A_956 = arith.select %and3A_953, %sub3A_955, %div3A : i32
        "tpu.region"() ({
          %run_scoped3A = tpu.sem_alloc : memref<!tpu.dma_semaphore, #tpu.memory_space<semaphore_mem>>
          %dma_start3A_957 = arith.constant 0 : i32
          %dma_start3A_958 = arith.constant 0 : i32
          %dma_start3A_959 = tpu.memref_slice %arg2[%add3A, %dma_start3A_957, %dma_start3A_958] : memref<32x42x288xi32, #tpu.memory_space<hbm>> -> memref<1x42x288xi32, #tpu.memory_space<hbm>>
          %dma_start3A_960 = tpu.memref_squeeze %dma_start3A_959 : memref<1x42x288xi32, #tpu.memory_space<hbm>> -> memref<42x288xi32, #tpu.memory_space<hbm>>
          %dma_start3A_961 = arith.constant 0 : i32
          %dma_start3A_962 = tpu.memref_slice %dma_start3A_960[%select_n3A_956, %dma_start3A_961] : memref<42x288xi32, #tpu.memory_space<hbm>> -> memref<1x288xi32, #tpu.memory_space<hbm>>
          %dma_start3A_963 = arith.constant 0 : i32
          %dma_start3A_964 = arith.constant 0 : i32
          %dma_start3A_965 = tpu.memref_slice %arg2[%add3A, %dma_start3A_963, %dma_start3A_964] : memref<32x42x288xi32, #tpu.memory_space<hbm>> -> memref<1x42x288xi32, #tpu.memory_space<hbm>>
          %dma_start3A_966 = tpu.memref_squeeze %dma_start3A_965 : memref<1x42x288xi32, #tpu.memory_space<hbm>> -> memref<42x288xi32, #tpu.memory_space<hbm>>
          %dma_start3A_967 = arith.constant 0 : i32
          %dma_start3A_968 = tpu.memref_slice %dma_start3A_966[%select_n3A_956, %dma_start3A_967] : memref<42x288xi32, #tpu.memory_space<hbm>> -> memref<1x288xi32, #tpu.memory_space<hbm>>
          tpu.enqueue_dma source(%dma_start3A_968 : memref<1x288xi32, #tpu.memory_space<hbm>>) target(%arg9 : memref<1x288xi32, #tpu.memory_space<vmem>>) target_semaphore(%run_scoped3A : memref<!tpu.dma_semaphore, #tpu.memory_space<semaphore_mem>>)
          %dma_wait3A_969 = arith.constant 0 : i32
          %dma_wait3A_970 = arith.constant 0 : i32
          %dma_wait3A_971 = tpu.memref_slice %arg2[%add3A, %dma_wait3A_969, %dma_wait3A_970] : memref<32x42x288xi32, #tpu.memory_space<hbm>> -> memref<1x42x288xi32, #tpu.memory_space<hbm>>
          %dma_wait3A_972 = tpu.memref_squeeze %dma_wait3A_971 : memref<1x42x288xi32, #tpu.memory_space<hbm>> -> memref<42x288xi32, #tpu.memory_space<hbm>>
          %dma_wait3A_973 = arith.constant 0 : i32
          %dma_wait3A_974 = tpu.memref_slice %dma_wait3A_972[%select_n3A_956, %dma_wait3A_973] : memref<42x288xi32, #tpu.memory_space<hbm>> -> memref<1x288xi32, #tpu.memory_space<hbm>>
          %dma_wait3A_975 = arith.constant 0 : i32
          %dma_wait3A_976 = arith.constant 0 : i32
          %dma_wait3A_977 = tpu.memref_slice %arg2[%add3A, %dma_wait3A_975, %dma_wait3A_976] : memref<32x42x288xi32, #tpu.memory_space<hbm>> -> memref<1x42x288xi32, #tpu.memory_space<hbm>>
          %dma_wait3A_978 = tpu.memref_squeeze %dma_wait3A_977 : memref<1x42x288xi32, #tpu.memory_space<hbm>> -> memref<42x288xi32, #tpu.memory_space<hbm>>
          %dma_wait3A_979 = arith.constant 0 : i32
          %dma_wait3A_980 = tpu.memref_slice %dma_wait3A_978[%select_n3A_956, %dma_wait3A_979] : memref<42x288xi32, #tpu.memory_space<hbm>> -> memref<1x288xi32, #tpu.memory_space<hbm>>
          tpu.wait_dma2 semaphore(%run_scoped3A : memref<!tpu.dma_semaphore, #tpu.memory_space<semaphore_mem>>) src(%dma_wait3A_980 : memref<1x288xi32, #tpu.memory_space<hbm>>) dst(%arg9 : memref<1x288xi32, #tpu.memory_space<vmem>>)
          tpu.yield
        }) : () -> ()
        "tpu.region"() ({
          %run_scoped3A = tpu.sem_alloc : memref<!tpu.dma_semaphore, #tpu.memory_space<semaphore_mem>>
          %dma_start3A_957 = arith.constant 0 : i32
          %dma_start3A_958 = arith.constant 0 : i32
          %dma_start3A_959 = tpu.memref_slice %arg3[%add3A, %dma_start3A_957, %dma_start3A_958] : memref<32x42x288xi32, #tpu.memory_space<hbm>> -> memref<1x42x288xi32, #tpu.memory_space<hbm>>
          %dma_start3A_960 = tpu.memref_squeeze %dma_start3A_959 : memref<1x42x288xi32, #tpu.memory_space<hbm>> -> memref<42x288xi32, #tpu.memory_space<hbm>>
          %dma_start3A_961 = arith.constant 0 : i32
          %dma_start3A_962 = tpu.memref_slice %dma_start3A_960[%select_n3A_956, %dma_start3A_961] : memref<42x288xi32, #tpu.memory_space<hbm>> -> memref<1x288xi32, #tpu.memory_space<hbm>>
          %dma_start3A_963 = arith.constant 0 : i32
          %dma_start3A_964 = arith.constant 0 : i32
          %dma_start3A_965 = tpu.memref_slice %arg3[%add3A, %dma_start3A_963, %dma_start3A_964] : memref<32x42x288xi32, #tpu.memory_space<hbm>> -> memref<1x42x288xi32, #tpu.memory_space<hbm>>
          %dma_start3A_966 = tpu.memref_squeeze %dma_start3A_965 : memref<1x42x288xi32, #tpu.memory_space<hbm>> -> memref<42x288xi32, #tpu.memory_space<hbm>>
          %dma_start3A_967 = arith.constant 0 : i32
          %dma_start3A_968 = tpu.memref_slice %dma_start3A_966[%select_n3A_956, %dma_start3A_967] : memref<42x288xi32, #tpu.memory_space<hbm>> -> memref<1x288xi32, #tpu.memory_space<hbm>>
          tpu.enqueue_dma source(%dma_start3A_968 : memref<1x288xi32, #tpu.memory_space<hbm>>) target(%arg10 : memref<1x288xi32, #tpu.memory_space<vmem>>) target_semaphore(%run_scoped3A : memref<!tpu.dma_semaphore, #tpu.memory_space<semaphore_mem>>)
          %dma_wait3A_969 = arith.constant 0 : i32
          %dma_wait3A_970 = arith.constant 0 : i32
          %dma_wait3A_971 = tpu.memref_slice %arg3[%add3A, %dma_wait3A_969, %dma_wait3A_970] : memref<32x42x288xi32, #tpu.memory_space<hbm>> -> memref<1x42x288xi32, #tpu.memory_space<hbm>>
          %dma_wait3A_972 = tpu.memref_squeeze %dma_wait3A_971 : memref<1x42x288xi32, #tpu.memory_space<hbm>> -> memref<42x288xi32, #tpu.memory_space<hbm>>
          %dma_wait3A_973 = arith.constant 0 : i32
          %dma_wait3A_974 = tpu.memref_slice %dma_wait3A_972[%select_n3A_956, %dma_wait3A_973] : memref<42x288xi32, #tpu.memory_space<hbm>> -> memref<1x288xi32, #tpu.memory_space<hbm>>
          %dma_wait3A_975 = arith.constant 0 : i32
          %dma_wait3A_976 = arith.constant 0 : i32
          %dma_wait3A_977 = tpu.memref_slice %arg3[%add3A, %dma_wait3A_975, %dma_wait3A_976] : memref<32x42x288xi32, #tpu.memory_space<hbm>> -> memref<1x42x288xi32, #tpu.memory_space<hbm>>
          %dma_wait3A_978 = tpu.memref_squeeze %dma_wait3A_977 : memref<1x42x288xi32, #tpu.memory_space<hbm>> -> memref<42x288xi32, #tpu.memory_space<hbm>>
          %dma_wait3A_979 = arith.constant 0 : i32
          %dma_wait3A_980 = tpu.memref_slice %dma_wait3A_978[%select_n3A_956, %dma_wait3A_979] : memref<42x288xi32, #tpu.memory_space<hbm>> -> memref<1x288xi32, #tpu.memory_space<hbm>>
          tpu.wait_dma2 semaphore(%run_scoped3A : memref<!tpu.dma_semaphore, #tpu.memory_space<semaphore_mem>>) src(%dma_wait3A_980 : memref<1x288xi32, #tpu.memory_space<hbm>>) dst(%arg10 : memref<1x288xi32, #tpu.memory_space<vmem>>)
          tpu.yield
        }) : () -> ()
      } else {
      }
      %sub3A = arith.constant 6 : i32
      %sub3A_705 = arith.subi %add3A_686, %sub3A : i32
      %lt3A_706 = arith.cmpi slt, %sub3A_705, %select_n3A : i32
      %convert_element_type3A_707 = arith.extui %lt3A_706 : i1 to i32
      %cond3A_708 = arith.constant 0 : i32
      %cond3A_709 = arith.cmpi ne, %convert_element_type3A_707, %cond3A_708 : i32
      scf.if %cond3A_709 {
        %dma_wait3A_935 = arith.constant 0 : i32
        %dma_wait3A_936 = arith.constant 0 : i32
        %dma_wait3A_937 = tpu.memref_slice %arg17[%dma_wait3A_935, %dma_wait3A_936] : memref<1x32xi32, #tpu.memory_space<vmem>> -> memref<1x32xi32, #tpu.memory_space<vmem>>
        %dma_wait3A_938 = tpu.memref_squeeze %dma_wait3A_937 : memref<1x32xi32, #tpu.memory_space<vmem>> -> memref<32xi32, #tpu.memory_space<vmem>>
        %dma_wait3A_939 = arith.constant 0 : i32
        %dma_wait3A_940 = arith.constant 0 : i32
        %dma_wait3A_941 = tpu.memref_slice %arg38[%dma_wait3A_939, %dma_wait3A_940] : memref<10240x128xf32, #tpu.memory_space<vmem_shared>> -> memref<10240x128xf32, #tpu.memory_space<vmem_shared>>
        tpu.wait_indirect_dma semaphore(%arg46 : memref<!tpu.dma_semaphore, #tpu.memory_space<semaphore_mem>>) src(%arg29 : memref<32x128xf32, #tpu.memory_space<vmem>>) dst(%dma_wait3A_941 : memref<10240x128xf32, #tpu.memory_space<vmem_shared>>)
        %dma_wait3A_942 = arith.constant 0 : i32
        %dma_wait3A_943 = arith.constant 0 : i32
        %dma_wait3A_944 = tpu.memref_slice %arg17[%dma_wait3A_942, %dma_wait3A_943] : memref<1x32xi32, #tpu.memory_space<vmem>> -> memref<1x32xi32, #tpu.memory_space<vmem>>
        %dma_wait3A_945 = tpu.memref_squeeze %dma_wait3A_944 : memref<1x32xi32, #tpu.memory_space<vmem>> -> memref<32xi32, #tpu.memory_space<vmem>>
        %dma_wait3A_946 = arith.constant 0 : i32
        %dma_wait3A_947 = tpu.memref_slice %arg39[%dma_wait3A_946] : memref<10240xf32, #tpu.memory_space<vmem_shared>> -> memref<10240xf32, #tpu.memory_space<vmem_shared>>
        tpu.wait_indirect_dma semaphore(%arg52 : memref<!tpu.dma_semaphore, #tpu.memory_space<semaphore_mem>>) src(%arg23 : memref<32xf32, #tpu.memory_space<vmem>>) dst(%dma_wait3A_947 : memref<10240xf32, #tpu.memory_space<vmem_shared>>)
      } else {
      }
      %lt3A_710 = arith.cmpi slt, %add3A_686, %select_n3A : i32
      %convert_element_type3A_711 = arith.extui %lt3A_710 : i1 to i32
      %cond3A_712 = arith.constant 0 : i32
      %cond3A_713 = arith.cmpi ne, %convert_element_type3A_711, %cond3A_712 : i32
      scf.if %cond3A_713 {
        %jit3A_935 = arith.constant 9 : i32
        %eq3A_936 = arith.constant 0 : i32
        %eq3A_937 = arith.cmpi eq, %jit3A_935, %eq3A_936 : i32
        %jit3A_938 = arith.constant 1 : i32
        %select_n3A_939 = arith.select %eq3A_937, %jit3A_938, %jit3A_935 : i32
        %rem3A_940 = arith.remsi %add3A_686, %select_n3A_939 : i32
        %ne3A_941 = arith.constant 0 : i32
        %ne3A_942 = arith.cmpi ne, %rem3A_940, %ne3A_941 : i32
        %lt3A_943 = arith.constant 0 : i32
        %lt3A_944 = arith.cmpi slt, %rem3A_940, %lt3A_943 : i32
        %lt3A_945 = arith.constant 0 : i32
        %lt3A_946 = arith.cmpi slt, %select_n3A_939, %lt3A_945 : i32
        %ne3A_947 = arith.xori %lt3A_944, %lt3A_946 : i1
        %and3A_948 = arith.andi %ne3A_947, %ne3A_942 : i1
        %add3A_949 = arith.addi %rem3A_940, %select_n3A_939 : i32
        %select_n3A_950 = arith.select %and3A_948, %add3A_949, %rem3A_940 : i32
        %mul3A_951 = arith.constant 32 : i32
        %mul3A_952 = arith.muli %select_n3A_950, %mul3A_951 : i32
        %add3A_953 = arith.constant 0 : i32
        %add3A_954 = arith.addi %mul3A_952, %add3A_953 : i32
        %get3A_955 = arith.constant 0 : i32
        %get3A_956 = arith.index_cast %get3A_955 : i32 to index
        %get3A_957 = arith.index_cast %add3A_954 : i32 to index
        %get3A_958 = tpu.vector_load %arg9[%get3A_956, %get3A_957] {strides = array<i32>} : memref<1x288xi32, #tpu.memory_space<vmem>>, vector<16xi32>,
        %mul3A_959 = arith.constant 32 : i32
        %mul3A_960 = arith.muli %select_n3A_950, %mul3A_959 : i32
        %add3A_961 = arith.constant 0 : i32
        %add3A_962 = arith.addi %mul3A_960, %add3A_961 : i32
        %get3A_963 = arith.constant 0 : i32
        %get3A_964 = arith.index_cast %get3A_963 : i32 to index
        %get3A_965 = arith.index_cast %add3A_962 : i32 to index
        %get3A_966 = tpu.vector_load %arg10[%get3A_964, %get3A_965] {strides = array<i32>} : memref<1x288xi32, #tpu.memory_space<vmem>>, vector<16xi32>,
        %swap3A_967 = arith.constant 0 : i32
        %swap3A_968 = arith.index_cast %swap3A_967 : i32 to index
        %swap3A_969 = arith.constant 0 : index
        %swap3A_970 = tpu.vector_load %arg11[%swap3A_968, %swap3A_969] {strides = array<i32>} : memref<1x32xi32, #tpu.memory_space<vmem>>, vector<16xi32>,
        tpu.vector_store %arg11[%swap3A_968, %swap3A_969], %get3A_958 {strides = array<i32>} : memref<1x32xi32, #tpu.memory_space<vmem>>, vector<16xi32>,
        %swap3A_971 = arith.constant 0 : i32
        %swap3A_972 = arith.index_cast %swap3A_971 : i32 to index
        %swap3A_973 = arith.constant 0 : index
        %swap3A_974 = tpu.vector_load %arg17[%swap3A_972, %swap3A_973] {strides = array<i32>} : memref<1x32xi32, #tpu.memory_space<vmem>>, vector<16xi32>,
        tpu.vector_store %arg17[%swap3A_972, %swap3A_973], %get3A_966 {strides = array<i32>} : memref<1x32xi32, #tpu.memory_space<vmem>>, vector<16xi32>,
        %gather3A_975 = tpu.vector_load_idx %arg35[%get3A_958] : memref<10000xf32, #tpu.memory_space<vmem>>[vector<16xi32>], vector<16xf32>,
        %gather3A_976 = tpu.vector_load_idx %arg36[%get3A_966] : memref<10000xf32, #tpu.memory_space<vmem>>[vector<16xi32>], vector<16xf32>,
        %add3A_977 = arith.addf %gather3A_975, %gather3A_976 : vector<16xf32>
        %mul3A_978 = arith.constant 32 : i32
        %mul3A_979 = arith.muli %add3A_686, %mul3A_978 : i32
        %add3A_980 = arith.constant 0 : i32
        %add3A_981 = arith.addi %mul3A_979, %add3A_980 : i32
        %mul3A_982 = arith.constant 32 : i32
        %mul3A_983 = arith.muli %select_n3A_950, %mul3A_982 : i32
        %add3A_984 = arith.constant 16 : i32
        %add3A_985 = arith.addi %mul3A_983, %add3A_984 : i32
        %get3A_986 = arith.constant 0 : i32
        %get3A_987 = arith.index_cast %get3A_986 : i32 to index
        %get3A_988 = arith.index_cast %add3A_985 : i32 to index
        %get3A_989 = tpu.vector_load %arg9[%get3A_987, %get3A_988] {strides = array<i32>} : memref<1x288xi32, #tpu.memory_space<vmem>>, vector<16xi32>,
        %mul3A_990 = arith.constant 32 : i32
        %mul3A_991 = arith.muli %select_n3A_950, %mul3A_990 : i32
        %add3A_992 = arith.constant 16 : i32
        %add3A_993 = arith.addi %mul3A_991, %add3A_992 : i32
        %get3A_994 = arith.constant 0 : i32
        %get3A_995 = arith.index_cast %get3A_994 : i32 to index
        %get3A_996 = arith.index_cast %add3A_993 : i32 to index
        %get3A_997 = tpu.vector_load %arg10[%get3A_995, %get3A_996] {strides = array<i32>} : memref<1x288xi32, #tpu.memory_space<vmem>>, vector<16xi32>,
        %swap3A_998 = arith.constant 0 : i32
        %swap3A_999 = arith.index_cast %swap3A_998 : i32 to index
        %swap3A_1000 = arith.constant 16 : index
        %swap3A_1001 = tpu.vector_load %arg11[%swap3A_999, %swap3A_1000] {strides = array<i32>} : memref<1x32xi32, #tpu.memory_space<vmem>>, vector<16xi32>,
        tpu.vector_store %arg11[%swap3A_999, %swap3A_1000], %get3A_989 {strides = array<i32>} : memref<1x32xi32, #tpu.memory_space<vmem>>, vector<16xi32>,
        %swap3A_1002 = arith.constant 0 : i32
        %swap3A_1003 = arith.index_cast %swap3A_1002 : i32 to index
        %swap3A_1004 = arith.constant 16 : index
        %swap3A_1005 = tpu.vector_load %arg17[%swap3A_1003, %swap3A_1004] {strides = array<i32>} : memref<1x32xi32, #tpu.memory_space<vmem>>, vector<16xi32>,
        tpu.vector_store %arg17[%swap3A_1003, %swap3A_1004], %get3A_997 {strides = array<i32>} : memref<1x32xi32, #tpu.memory_space<vmem>>, vector<16xi32>,
        %gather3A_1006 = tpu.vector_load_idx %arg35[%get3A_989] : memref<10000xf32, #tpu.memory_space<vmem>>[vector<16xi32>], vector<16xf32>,
        %gather3A_1007 = tpu.vector_load_idx %arg36[%get3A_997] : memref<10000xf32, #tpu.memory_space<vmem>>[vector<16xi32>], vector<16xf32>,
        %add3A_1008 = arith.addf %gather3A_1006, %gather3A_1007 : vector<16xf32>
        %mul3A_1009 = arith.constant 32 : i32
        %mul3A_1010 = arith.muli %add3A_686, %mul3A_1009 : i32
        %add3A_1011 = arith.constant 16 : i32
        %add3A_1012 = arith.addi %mul3A_1010, %add3A_1011 : i32
        %dma_start3A_1013 = arith.constant 0 : i32
        %dma_start3A_1014 = arith.constant 0 : i32
        %dma_start3A_1015 = tpu.memref_slice %arg11[%dma_start3A_1013, %dma_start3A_1014] : memref<1x32xi32, #tpu.memory_space<vmem>> -> memref<1x32xi32, #tpu.memory_space<vmem>>
        %dma_start3A_1016 = tpu.memref_squeeze %dma_start3A_1015 : memref<1x32xi32, #tpu.memory_space<vmem>> -> memref<32xi32, #tpu.memory_space<vmem>>
        %dma_start3A_1017 = arith.constant 0 : i32
        %dma_start3A_1018 = arith.constant 0 : i32
        %dma_start3A_1019 = tpu.memref_slice %arg4[%dma_start3A_1017, %dma_start3A_1018] : memref<10240x128xf32, #tpu.memory_space<hbm>> -> memref<10240x128xf32, #tpu.memory_space<hbm>>
        tpu.enqueue_indirect_dma source(%dma_start3A_1019 : memref<10240x128xf32, #tpu.memory_space<hbm>>) target(%arg29 : memref<32x128xf32, #tpu.memory_space<vmem>>) offsets(%dma_start3A_1016 : memref<32xi32, #tpu.memory_space<vmem>>) semaphore(%arg40 : memref<!tpu.dma_semaphore, #tpu.memory_space<semaphore_mem>>)
        %gt3A_1020 = arith.constant 0.000000e+00 : f32
        %gt3A_1021 = vector.broadcast %gt3A_1020 : f32 to vector<16xf32>
        %gt3A_1022 = arith.cmpf ogt, %add3A_977, %gt3A_1021 : vector<16xf32>
        %mul3A_1023 = arith.constant 2.000000e-01 : f32
        %mul3A_1024 = vector.broadcast %mul3A_1023 : f32 to vector<16xf32>
        %mul3A_1025 = arith.mulf %add3A_977, %mul3A_1024 : vector<16xf32>
        %select_n3A_1026 = arith.select %gt3A_1022, %add3A_977, %mul3A_1025 : vector<16xi1>, vector<16xf32>
        %exp3A_1027 = math.exp %select_n3A_1026 : vector<16xf32>
        %add3A_1028 = arith.addi %select_n3A_11, %add3A_981 : i32
        %iota3A_1029 = tpu.iota {dimensions = array<i32: 0>} : vector<16xi32>
        %add3A_1030 = vector.broadcast %add3A_1028 : i32 to vector<16xi32>
        %add3A_1031 = arith.addi %add3A_1030, %iota3A_1029 : vector<16xi32>
        %lt3A_1032 = arith.constant 330000 : i32
        %lt3A_1033 = vector.broadcast %lt3A_1032 : i32 to vector<16xi32>
        %lt3A_1034 = arith.cmpi slt, %add3A_1031, %lt3A_1033 : vector<16xi32>
        %jit3A_1035 = arith.constant 0.000000e+00 : f32
        %broadcast_in_dim3A_1036 = vector.broadcast %jit3A_1035 : f32 to vector<16xf32>
        %select_n3A_1037 = arith.select %lt3A_1034, %exp3A_1027, %broadcast_in_dim3A_1036 : vector<16xi1>, vector<16xf32>
        %swap3A_1038 = arith.constant 0 : index
        %swap3A_1039 = tpu.vector_load %arg23[%swap3A_1038] {strides = array<i32>} : memref<32xf32, #tpu.memory_space<vmem>>, vector<16xf32>,
        tpu.vector_store %arg23[%swap3A_1038], %select_n3A_1037 {strides = array<i32>} : memref<32xf32, #tpu.memory_space<vmem>>, vector<16xf32>,
        %gt3A_1040 = arith.constant 0.000000e+00 : f32
        %gt3A_1041 = vector.broadcast %gt3A_1040 : f32 to vector<16xf32>
        %gt3A_1042 = arith.cmpf ogt, %add3A_1008, %gt3A_1041 : vector<16xf32>
        %mul3A_1043 = arith.constant 2.000000e-01 : f32
        %mul3A_1044 = vector.broadcast %mul3A_1043 : f32 to vector<16xf32>
        %mul3A_1045 = arith.mulf %add3A_1008, %mul3A_1044 : vector<16xf32>
        %select_n3A_1046 = arith.select %gt3A_1042, %add3A_1008, %mul3A_1045 : vector<16xi1>, vector<16xf32>
        %exp3A_1047 = math.exp %select_n3A_1046 : vector<16xf32>
        %add3A_1048 = arith.addi %select_n3A_11, %add3A_1012 : i32
        %iota3A_1049 = tpu.iota {dimensions = array<i32: 0>} : vector<16xi32>
        %add3A_1050 = vector.broadcast %add3A_1048 : i32 to vector<16xi32>
        %add3A_1051 = arith.addi %add3A_1050, %iota3A_1049 : vector<16xi32>
        %lt3A_1052 = arith.constant 330000 : i32
        %lt3A_1053 = vector.broadcast %lt3A_1052 : i32 to vector<16xi32>
        %lt3A_1054 = arith.cmpi slt, %add3A_1051, %lt3A_1053 : vector<16xi32>
        %jit3A_1055 = arith.constant 0.000000e+00 : f32
        %broadcast_in_dim3A_1056 = vector.broadcast %jit3A_1055 : f32 to vector<16xf32>
        %select_n3A_1057 = arith.select %lt3A_1054, %exp3A_1047, %broadcast_in_dim3A_1056 : vector<16xi1>, vector<16xf32>
        %swap3A_1058 = arith.constant 16 : index
        %swap3A_1059 = tpu.vector_load %arg23[%swap3A_1058] {strides = array<i32>} : memref<32xf32, #tpu.memory_space<vmem>>, vector<16xf32>,
        tpu.vector_store %arg23[%swap3A_1058], %select_n3A_1057 {strides = array<i32>} : memref<32xf32, #tpu.memory_space<vmem>>, vector<16xf32>,
      } else {
      }
      %sub3A_714 = arith.constant 4 : i32
      %sub3A_715 = arith.subi %add3A_686, %sub3A_714 : i32
      %lt3A_716 = arith.cmpi slt, %sub3A_715, %select_n3A : i32
      %convert_element_type3A_717 = arith.extui %lt3A_716 : i1 to i32
      %cond3A_718 = arith.constant 0 : i32
      %cond3A_719 = arith.cmpi ne, %convert_element_type3A_717, %cond3A_718 : i32
      scf.if %cond3A_719 {
        %dma_wait3A_935 = arith.constant 0 : i32
        %dma_wait3A_936 = arith.constant 0 : i32
        %dma_wait3A_937 = tpu.memref_slice %arg13[%dma_wait3A_935, %dma_wait3A_936] : memref<1x32xi32, #tpu.memory_space<vmem>> -> memref<1x32xi32, #tpu.memory_space<vmem>>
        %dma_wait3A_938 = tpu.memref_squeeze %dma_wait3A_937 : memref<1x32xi32, #tpu.memory_space<vmem>> -> memref<32xi32, #tpu.memory_space<vmem>>
        %dma_wait3A_939 = arith.constant 0 : i32
        %dma_wait3A_940 = arith.constant 0 : i32
        %dma_wait3A_941 = tpu.memref_slice %arg4[%dma_wait3A_939, %dma_wait3A_940] : memref<10240x128xf32, #tpu.memory_space<hbm>> -> memref<10240x128xf32, #tpu.memory_space<hbm>>
        tpu.wait_indirect_dma semaphore(%arg42 : memref<!tpu.dma_semaphore, #tpu.memory_space<semaphore_mem>>) src(%dma_wait3A_941 : memref<10240x128xf32, #tpu.memory_space<hbm>>) dst(%arg31 : memref<32x128xf32, #tpu.memory_space<vmem>>)
        %scan3A_942 = arith.constant 0 : i32
        %scan3A_943 = arith.constant 0 : i32
        %scan3A_944 = arith.constant 32 : i32
        %scan3A_945 = arith.addi %scan3A_943, %scan3A_944 : i32
        %scan3A_946 = arith.constant 1 : i32
        scf.for %scan3A_961 = %scan3A_943 to %scan3A_945 step %scan3A_946  : i32 {
          %broadcast_in_dim3A_962 = vector.broadcast %scan3A_961 : i32 to vector<16xi32>
          %gather3A_963 = tpu.vector_load_idx %arg25[%broadcast_in_dim3A_962] : memref<32xf32, #tpu.memory_space<vmem>>[vector<16xi32>], vector<16xf32>,
          %get3A_964 = arith.index_cast %scan3A_961 : i32 to index
          %get3A_965 = arith.constant 0 : index
          %get3A_966 = tpu.vector_load %arg31[%get3A_964, %get3A_965] {strides = array<i32>} : memref<32x128xf32, #tpu.memory_space<vmem>>, vector<16xf32>,
          %mul3A_967 = arith.mulf %get3A_966, %gather3A_963 : vector<16xf32>
          %swap3A_968 = arith.index_cast %scan3A_961 : i32 to index
          %swap3A_969 = arith.constant 0 : index
          %swap3A_970 = tpu.vector_load %arg31[%swap3A_968, %swap3A_969] {strides = array<i32>} : memref<32x128xf32, #tpu.memory_space<vmem>>, vector<16xf32>,
          tpu.vector_store %arg31[%swap3A_968, %swap3A_969], %mul3A_967 {strides = array<i32>} : memref<32x128xf32, #tpu.memory_space<vmem>>, vector<16xf32>,
          %get3A_971 = arith.index_cast %scan3A_961 : i32 to index
          %get3A_972 = arith.constant 16 : index
          %get3A_973 = tpu.vector_load %arg31[%get3A_971, %get3A_972] {strides = array<i32>} : memref<32x128xf32, #tpu.memory_space<vmem>>, vector<16xf32>,
          %mul3A_974 = arith.mulf %get3A_973, %gather3A_963 : vector<16xf32>
          %swap3A_975 = arith.index_cast %scan3A_961 : i32 to index
          %swap3A_976 = arith.constant 16 : index
          %swap3A_977 = tpu.vector_load %arg31[%swap3A_975, %swap3A_976] {strides = array<i32>} : memref<32x128xf32, #tpu.memory_space<vmem>>, vector<16xf32>,
          tpu.vector_store %arg31[%swap3A_975, %swap3A_976], %mul3A_974 {strides = array<i32>} : memref<32x128xf32, #tpu.memory_space<vmem>>, vector<16xf32>,
          %get3A_978 = arith.index_cast %scan3A_961 : i32 to index
          %get3A_979 = arith.constant 32 : index
          %get3A_980 = tpu.vector_load %arg31[%get3A_978, %get3A_979] {strides = array<i32>} : memref<32x128xf32, #tpu.memory_space<vmem>>, vector<16xf32>,
          %mul3A_981 = arith.mulf %get3A_980, %gather3A_963 : vector<16xf32>
          %swap3A_982 = arith.index_cast %scan3A_961 : i32 to index
          %swap3A_983 = arith.constant 32 : index
          %swap3A_984 = tpu.vector_load %arg31[%swap3A_982, %swap3A_983] {strides = array<i32>} : memref<32x128xf32, #tpu.memory_space<vmem>>, vector<16xf32>,
          tpu.vector_store %arg31[%swap3A_982, %swap3A_983], %mul3A_981 {strides = array<i32>} : memref<32x128xf32, #tpu.memory_space<vmem>>, vector<16xf32>,
          %get3A_985 = arith.index_cast %scan3A_961 : i32 to index
          %get3A_986 = arith.constant 48 : index
          %get3A_987 = tpu.vector_load %arg31[%get3A_985, %get3A_986] {strides = array<i32>} : memref<32x128xf32, #tpu.memory_space<vmem>>, vector<16xf32>,
          %mul3A_988 = arith.mulf %get3A_987, %gather3A_963 : vector<16xf32>
          %swap3A_989 = arith.index_cast %scan3A_961 : i32 to index
          %swap3A_990 = arith.constant 48 : index
          %swap3A_991 = tpu.vector_load %arg31[%swap3A_989, %swap3A_990] {strides = array<i32>} : memref<32x128xf32, #tpu.memory_space<vmem>>, vector<16xf32>,
          tpu.vector_store %arg31[%swap3A_989, %swap3A_990], %mul3A_988 {strides = array<i32>} : memref<32x128xf32, #tpu.memory_space<vmem>>, vector<16xf32>,
          %get3A_992 = arith.index_cast %scan3A_961 : i32 to index
          %get3A_993 = arith.constant 64 : index
          %get3A_994 = tpu.vector_load %arg31[%get3A_992, %get3A_993] {strides = array<i32>} : memref<32x128xf32, #tpu.memory_space<vmem>>, vector<16xf32>,
          %mul3A_995 = arith.mulf %get3A_994, %gather3A_963 : vector<16xf32>
          %swap3A_996 = arith.index_cast %scan3A_961 : i32 to index
          %swap3A_997 = arith.constant 64 : index
          %swap3A_998 = tpu.vector_load %arg31[%swap3A_996, %swap3A_997] {strides = array<i32>} : memref<32x128xf32, #tpu.memory_space<vmem>>, vector<16xf32>,
          tpu.vector_store %arg31[%swap3A_996, %swap3A_997], %mul3A_995 {strides = array<i32>} : memref<32x128xf32, #tpu.memory_space<vmem>>, vector<16xf32>,
          %get3A_999 = arith.index_cast %scan3A_961 : i32 to index
          %get3A_1000 = arith.constant 80 : index
          %get3A_1001 = tpu.vector_load %arg31[%get3A_999, %get3A_1000] {strides = array<i32>} : memref<32x128xf32, #tpu.memory_space<vmem>>, vector<16xf32>,
          %mul3A_1002 = arith.mulf %get3A_1001, %gather3A_963 : vector<16xf32>
          %swap3A_1003 = arith.index_cast %scan3A_961 : i32 to index
          %swap3A_1004 = arith.constant 80 : index
          %swap3A_1005 = tpu.vector_load %arg31[%swap3A_1003, %swap3A_1004] {strides = array<i32>} : memref<32x128xf32, #tpu.memory_space<vmem>>, vector<16xf32>,
          tpu.vector_store %arg31[%swap3A_1003, %swap3A_1004], %mul3A_1002 {strides = array<i32>} : memref<32x128xf32, #tpu.memory_space<vmem>>, vector<16xf32>,
          %get3A_1006 = arith.index_cast %scan3A_961 : i32 to index
          %get3A_1007 = arith.constant 96 : index
          %get3A_1008 = tpu.vector_load %arg31[%get3A_1006, %get3A_1007] {strides = array<i32>} : memref<32x128xf32, #tpu.memory_space<vmem>>, vector<16xf32>,
          %mul3A_1009 = arith.mulf %get3A_1008, %gather3A_963 : vector<16xf32>
          %swap3A_1010 = arith.index_cast %scan3A_961 : i32 to index
          %swap3A_1011 = arith.constant 96 : index
          %swap3A_1012 = tpu.vector_load %arg31[%swap3A_1010, %swap3A_1011] {strides = array<i32>} : memref<32x128xf32, #tpu.memory_space<vmem>>, vector<16xf32>,
          tpu.vector_store %arg31[%swap3A_1010, %swap3A_1011], %mul3A_1009 {strides = array<i32>} : memref<32x128xf32, #tpu.memory_space<vmem>>, vector<16xf32>,
          %get3A_1013 = arith.index_cast %scan3A_961 : i32 to index
          %get3A_1014 = arith.constant 112 : index
          %get3A_1015 = tpu.vector_load %arg31[%get3A_1013, %get3A_1014] {strides = array<i32>} : memref<32x128xf32, #tpu.memory_space<vmem>>, vector<16xf32>,
          %mul3A_1016 = arith.mulf %get3A_1015, %gather3A_963 : vector<16xf32>
          %swap3A_1017 = arith.index_cast %scan3A_961 : i32 to index
          %swap3A_1018 = arith.constant 112 : index
          %swap3A_1019 = tpu.vector_load %arg31[%swap3A_1017, %swap3A_1018] {strides = array<i32>} : memref<32x128xf32, #tpu.memory_space<vmem>>, vector<16xf32>,
          tpu.vector_store %arg31[%swap3A_1017, %swap3A_1018], %mul3A_1016 {strides = array<i32>} : memref<32x128xf32, #tpu.memory_space<vmem>>, vector<16xf32>,
        }
        %scan3A_947 = arith.constant 32 : i32
        %dma_start3A_948 = arith.constant 0 : i32
        %dma_start3A_949 = arith.constant 0 : i32
        %dma_start3A_950 = tpu.memref_slice %arg19[%dma_start3A_948, %dma_start3A_949] : memref<1x32xi32, #tpu.memory_space<vmem>> -> memref<1x32xi32, #tpu.memory_space<vmem>>
        %dma_start3A_951 = tpu.memref_squeeze %dma_start3A_950 : memref<1x32xi32, #tpu.memory_space<vmem>> -> memref<32xi32, #tpu.memory_space<vmem>>
        %dma_start3A_952 = arith.constant 0 : i32
        %dma_start3A_953 = arith.constant 0 : i32
        %dma_start3A_954 = tpu.memref_slice %arg38[%dma_start3A_952, %dma_start3A_953] : memref<10240x128xf32, #tpu.memory_space<vmem_shared>> -> memref<10240x128xf32, #tpu.memory_space<vmem_shared>>
        tpu.enqueue_indirect_dma source(%arg31 : memref<32x128xf32, #tpu.memory_space<vmem>>) target(%dma_start3A_954 : memref<10240x128xf32, #tpu.memory_space<vmem_shared>>) offsets(%dma_start3A_951 : memref<32xi32, #tpu.memory_space<vmem>>) semaphore(%arg48 : memref<!tpu.dma_semaphore, #tpu.memory_space<semaphore_mem>>) {add = true}
        %dma_start3A_955 = arith.constant 0 : i32
        %dma_start3A_956 = arith.constant 0 : i32
        %dma_start3A_957 = tpu.memref_slice %arg19[%dma_start3A_955, %dma_start3A_956] : memref<1x32xi32, #tpu.memory_space<vmem>> -> memref<1x32xi32, #tpu.memory_space<vmem>>
        %dma_start3A_958 = tpu.memref_squeeze %dma_start3A_957 : memref<1x32xi32, #tpu.memory_space<vmem>> -> memref<32xi32, #tpu.memory_space<vmem>>
        %dma_start3A_959 = arith.constant 0 : i32
        %dma_start3A_960 = tpu.memref_slice %arg39[%dma_start3A_959] : memref<10240xf32, #tpu.memory_space<vmem_shared>> -> memref<10240xf32, #tpu.memory_space<vmem_shared>>
        tpu.enqueue_indirect_dma source(%arg25 : memref<32xf32, #tpu.memory_space<vmem>>) target(%dma_start3A_960 : memref<10240xf32, #tpu.memory_space<vmem_shared>>) offsets(%dma_start3A_958 : memref<32xi32, #tpu.memory_space<vmem>>) semaphore(%arg54 : memref<!tpu.dma_semaphore, #tpu.memory_space<semaphore_mem>>) {add = true}
      } else {
      }
      %mul3A_720 = arith.constant 6 : i32
      %mul3A_721 = arith.muli %mul3A_720, %scan3A_682 : i32
      %add3A_722 = arith.constant 1 : i32
      %add3A_723 = arith.addi %mul3A_721, %add3A_722 : i32
      %jit3A_724 = arith.constant 9 : i32
      %eq3A_725 = arith.constant 0 : i32
      %eq3A_726 = arith.cmpi eq, %jit3A_724, %eq3A_725 : i32
      %jit3A_727 = arith.constant 1 : i32
      %select_n3A_728 = arith.select %eq3A_726, %jit3A_727, %jit3A_724 : i32
      %rem3A_729 = arith.remsi %add3A_723, %select_n3A_728 : i32
      %ne3A_730 = arith.constant 0 : i32
      %ne3A_731 = arith.cmpi ne, %rem3A_729, %ne3A_730 : i32
      %lt3A_732 = arith.constant 0 : i32
      %lt3A_733 = arith.cmpi slt, %rem3A_729, %lt3A_732 : i32
      %lt3A_734 = arith.constant 0 : i32
      %lt3A_735 = arith.cmpi slt, %select_n3A_728, %lt3A_734 : i32
      %ne3A_736 = arith.xori %lt3A_733, %lt3A_735 : i1
      %and3A_737 = arith.andi %ne3A_736, %ne3A_731 : i1
      %add3A_738 = arith.addi %rem3A_729, %select_n3A_728 : i32
      %select_n3A_739 = arith.select %and3A_737, %add3A_738, %rem3A_729 : i32
      %eq3A_740 = arith.constant 0 : i32
      %eq3A_741 = arith.cmpi eq, %select_n3A_739, %eq3A_740 : i32
      %lt3A_742 = arith.cmpi slt, %add3A_723, %select_n3A : i32
      %and3A_743 = arith.andi %eq3A_741, %lt3A_742 : i1
      %convert_element_type3A_744 = arith.extui %and3A_743 : i1 to i32
      %cond3A_745 = arith.constant 0 : i32
      %cond3A_746 = arith.cmpi ne, %convert_element_type3A_744, %cond3A_745 : i32
      scf.if %cond3A_746 {
        %jit3A_935 = arith.constant 9 : i32
        %div3A = arith.divsi %add3A_723, %jit3A_935 : i32
        %sign3A = arith.constant 0 : i32
        %sign3A_936 = arith.cmpi sgt, %add3A_723, %sign3A : i32
        %sign3A_937 = arith.extui %sign3A_936 : i1 to i32
        %sign3A_938 = arith.constant 0 : i32
        %sign3A_939 = arith.cmpi slt, %add3A_723, %sign3A_938 : i32
        %sign3A_940 = arith.extui %sign3A_939 : i1 to i32
        %sign3A_941 = arith.subi %sign3A_937, %sign3A_940 : i32
        %sign3A_942 = arith.constant 0 : i32
        %sign3A_943 = arith.cmpi sgt, %jit3A_935, %sign3A_942 : i32
        %sign3A_944 = arith.extui %sign3A_943 : i1 to i32
        %sign3A_945 = arith.constant 0 : i32
        %sign3A_946 = arith.cmpi slt, %jit3A_935, %sign3A_945 : i32
        %sign3A_947 = arith.extui %sign3A_946 : i1 to i32
        %sign3A_948 = arith.subi %sign3A_944, %sign3A_947 : i32
        %ne3A_949 = arith.cmpi ne, %sign3A_941, %sign3A_948 : i32
        %rem3A_950 = arith.remsi %add3A_723, %jit3A_935 : i32
        %ne3A_951 = arith.constant 0 : i32
        %ne3A_952 = arith.cmpi ne, %rem3A_950, %ne3A_951 : i32
        %and3A_953 = arith.andi %ne3A_949, %ne3A_952 : i1
        %sub3A_954 = arith.constant 1 : i32
        %sub3A_955 = arith.subi %div3A, %sub3A_954 : i32
        %select_n3A_956 = arith.select %and3A_953, %sub3A_955, %div3A : i32
        "tpu.region"() ({
          %run_scoped3A = tpu.sem_alloc : memref<!tpu.dma_semaphore, #tpu.memory_space<semaphore_mem>>
          %dma_start3A_957 = arith.constant 0 : i32
          %dma_start3A_958 = arith.constant 0 : i32
          %dma_start3A_959 = tpu.memref_slice %arg2[%add3A, %dma_start3A_957, %dma_start3A_958] : memref<32x42x288xi32, #tpu.memory_space<hbm>> -> memref<1x42x288xi32, #tpu.memory_space<hbm>>
          %dma_start3A_960 = tpu.memref_squeeze %dma_start3A_959 : memref<1x42x288xi32, #tpu.memory_space<hbm>> -> memref<42x288xi32, #tpu.memory_space<hbm>>
          %dma_start3A_961 = arith.constant 0 : i32
          %dma_start3A_962 = tpu.memref_slice %dma_start3A_960[%select_n3A_956, %dma_start3A_961] : memref<42x288xi32, #tpu.memory_space<hbm>> -> memref<1x288xi32, #tpu.memory_space<hbm>>
          %dma_start3A_963 = arith.constant 0 : i32
          %dma_start3A_964 = arith.constant 0 : i32
          %dma_start3A_965 = tpu.memref_slice %arg2[%add3A, %dma_start3A_963, %dma_start3A_964] : memref<32x42x288xi32, #tpu.memory_space<hbm>> -> memref<1x42x288xi32, #tpu.memory_space<hbm>>
          %dma_start3A_966 = tpu.memref_squeeze %dma_start3A_965 : memref<1x42x288xi32, #tpu.memory_space<hbm>> -> memref<42x288xi32, #tpu.memory_space<hbm>>
          %dma_start3A_967 = arith.constant 0 : i32
          %dma_start3A_968 = tpu.memref_slice %dma_start3A_966[%select_n3A_956, %dma_start3A_967] : memref<42x288xi32, #tpu.memory_space<hbm>> -> memref<1x288xi32, #tpu.memory_space<hbm>>
          tpu.enqueue_dma source(%dma_start3A_968 : memref<1x288xi32, #tpu.memory_space<hbm>>) target(%arg9 : memref<1x288xi32, #tpu.memory_space<vmem>>) target_semaphore(%run_scoped3A : memref<!tpu.dma_semaphore, #tpu.memory_space<semaphore_mem>>)
          %dma_wait3A_969 = arith.constant 0 : i32
          %dma_wait3A_970 = arith.constant 0 : i32
          %dma_wait3A_971 = tpu.memref_slice %arg2[%add3A, %dma_wait3A_969, %dma_wait3A_970] : memref<32x42x288xi32, #tpu.memory_space<hbm>> -> memref<1x42x288xi32, #tpu.memory_space<hbm>>
          %dma_wait3A_972 = tpu.memref_squeeze %dma_wait3A_971 : memref<1x42x288xi32, #tpu.memory_space<hbm>> -> memref<42x288xi32, #tpu.memory_space<hbm>>
          %dma_wait3A_973 = arith.constant 0 : i32
          %dma_wait3A_974 = tpu.memref_slice %dma_wait3A_972[%select_n3A_956, %dma_wait3A_973] : memref<42x288xi32, #tpu.memory_space<hbm>> -> memref<1x288xi32, #tpu.memory_space<hbm>>
          %dma_wait3A_975 = arith.constant 0 : i32
          %dma_wait3A_976 = arith.constant 0 : i32
          %dma_wait3A_977 = tpu.memref_slice %arg2[%add3A, %dma_wait3A_975, %dma_wait3A_976] : memref<32x42x288xi32, #tpu.memory_space<hbm>> -> memref<1x42x288xi32, #tpu.memory_space<hbm>>
          %dma_wait3A_978 = tpu.memref_squeeze %dma_wait3A_977 : memref<1x42x288xi32, #tpu.memory_space<hbm>> -> memref<42x288xi32, #tpu.memory_space<hbm>>
          %dma_wait3A_979 = arith.constant 0 : i32
          %dma_wait3A_980 = tpu.memref_slice %dma_wait3A_978[%select_n3A_956, %dma_wait3A_979] : memref<42x288xi32, #tpu.memory_space<hbm>> -> memref<1x288xi32, #tpu.memory_space<hbm>>
          tpu.wait_dma2 semaphore(%run_scoped3A : memref<!tpu.dma_semaphore, #tpu.memory_space<semaphore_mem>>) src(%dma_wait3A_980 : memref<1x288xi32, #tpu.memory_space<hbm>>) dst(%arg9 : memref<1x288xi32, #tpu.memory_space<vmem>>)
          tpu.yield
        }) : () -> ()
        "tpu.region"() ({
          %run_scoped3A = tpu.sem_alloc : memref<!tpu.dma_semaphore, #tpu.memory_space<semaphore_mem>>
          %dma_start3A_957 = arith.constant 0 : i32
          %dma_start3A_958 = arith.constant 0 : i32
          %dma_start3A_959 = tpu.memref_slice %arg3[%add3A, %dma_start3A_957, %dma_start3A_958] : memref<32x42x288xi32, #tpu.memory_space<hbm>> -> memref<1x42x288xi32, #tpu.memory_space<hbm>>
          %dma_start3A_960 = tpu.memref_squeeze %dma_start3A_959 : memref<1x42x288xi32, #tpu.memory_space<hbm>> -> memref<42x288xi32, #tpu.memory_space<hbm>>
          %dma_start3A_961 = arith.constant 0 : i32
          %dma_start3A_962 = tpu.memref_slice %dma_start3A_960[%select_n3A_956, %dma_start3A_961] : memref<42x288xi32, #tpu.memory_space<hbm>> -> memref<1x288xi32, #tpu.memory_space<hbm>>
          %dma_start3A_963 = arith.constant 0 : i32
          %dma_start3A_964 = arith.constant 0 : i32
          %dma_start3A_965 = tpu.memref_slice %arg3[%add3A, %dma_start3A_963, %dma_start3A_964] : memref<32x42x288xi32, #tpu.memory_space<hbm>> -> memref<1x42x288xi32, #tpu.memory_space<hbm>>
          %dma_start3A_966 = tpu.memref_squeeze %dma_start3A_965 : memref<1x42x288xi32, #tpu.memory_space<hbm>> -> memref<42x288xi32, #tpu.memory_space<hbm>>
          %dma_start3A_967 = arith.constant 0 : i32
          %dma_start3A_968 = tpu.memref_slice %dma_start3A_966[%select_n3A_956, %dma_start3A_967] : memref<42x288xi32, #tpu.memory_space<hbm>> -> memref<1x288xi32, #tpu.memory_space<hbm>>
          tpu.enqueue_dma source(%dma_start3A_968 : memref<1x288xi32, #tpu.memory_space<hbm>>) target(%arg10 : memref<1x288xi32, #tpu.memory_space<vmem>>) target_semaphore(%run_scoped3A : memref<!tpu.dma_semaphore, #tpu.memory_space<semaphore_mem>>)
          %dma_wait3A_969 = arith.constant 0 : i32
          %dma_wait3A_970 = arith.constant 0 : i32
          %dma_wait3A_971 = tpu.memref_slice %arg3[%add3A, %dma_wait3A_969, %dma_wait3A_970] : memref<32x42x288xi32, #tpu.memory_space<hbm>> -> memref<1x42x288xi32, #tpu.memory_space<hbm>>
          %dma_wait3A_972 = tpu.memref_squeeze %dma_wait3A_971 : memref<1x42x288xi32, #tpu.memory_space<hbm>> -> memref<42x288xi32, #tpu.memory_space<hbm>>
          %dma_wait3A_973 = arith.constant 0 : i32
          %dma_wait3A_974 = tpu.memref_slice %dma_wait3A_972[%select_n3A_956, %dma_wait3A_973] : memref<42x288xi32, #tpu.memory_space<hbm>> -> memref<1x288xi32, #tpu.memory_space<hbm>>
          %dma_wait3A_975 = arith.constant 0 : i32
          %dma_wait3A_976 = arith.constant 0 : i32
          %dma_wait3A_977 = tpu.memref_slice %arg3[%add3A, %dma_wait3A_975, %dma_wait3A_976] : memref<32x42x288xi32, #tpu.memory_space<hbm>> -> memref<1x42x288xi32, #tpu.memory_space<hbm>>
          %dma_wait3A_978 = tpu.memref_squeeze %dma_wait3A_977 : memref<1x42x288xi32, #tpu.memory_space<hbm>> -> memref<42x288xi32, #tpu.memory_space<hbm>>
          %dma_wait3A_979 = arith.constant 0 : i32
          %dma_wait3A_980 = tpu.memref_slice %dma_wait3A_978[%select_n3A_956, %dma_wait3A_979] : memref<42x288xi32, #tpu.memory_space<hbm>> -> memref<1x288xi32, #tpu.memory_space<hbm>>
          tpu.wait_dma2 semaphore(%run_scoped3A : memref<!tpu.dma_semaphore, #tpu.memory_space<semaphore_mem>>) src(%dma_wait3A_980 : memref<1x288xi32, #tpu.memory_space<hbm>>) dst(%arg10 : memref<1x288xi32, #tpu.memory_space<vmem>>)
          tpu.yield
        }) : () -> ()
      } else {
      }
      %sub3A_747 = arith.constant 6 : i32
      %sub3A_748 = arith.subi %add3A_723, %sub3A_747 : i32
      %lt3A_749 = arith.cmpi slt, %sub3A_748, %select_n3A : i32
      %convert_element_type3A_750 = arith.extui %lt3A_749 : i1 to i32
      %cond3A_751 = arith.constant 0 : i32
      %cond3A_752 = arith.cmpi ne, %convert_element_type3A_750, %cond3A_751 : i32
      scf.if %cond3A_752 {
        %dma_wait3A_935 = arith.constant 0 : i32
        %dma_wait3A_936 = arith.constant 0 : i32
        %dma_wait3A_937 = tpu.memref_slice %arg18[%dma_wait3A_935, %dma_wait3A_936] : memref<1x32xi32, #tpu.memory_space<vmem>> -> memref<1x32xi32, #tpu.memory_space<vmem>>
        %dma_wait3A_938 = tpu.memref_squeeze %dma_wait3A_937 : memref<1x32xi32, #tpu.memory_space<vmem>> -> memref<32xi32, #tpu.memory_space<vmem>>
        %dma_wait3A_939 = arith.constant 0 : i32
        %dma_wait3A_940 = arith.constant 0 : i32
        %dma_wait3A_941 = tpu.memref_slice %arg38[%dma_wait3A_939, %dma_wait3A_940] : memref<10240x128xf32, #tpu.memory_space<vmem_shared>> -> memref<10240x128xf32, #tpu.memory_space<vmem_shared>>
        tpu.wait_indirect_dma semaphore(%arg47 : memref<!tpu.dma_semaphore, #tpu.memory_space<semaphore_mem>>) src(%arg30 : memref<32x128xf32, #tpu.memory_space<vmem>>) dst(%dma_wait3A_941 : memref<10240x128xf32, #tpu.memory_space<vmem_shared>>)
        %dma_wait3A_942 = arith.constant 0 : i32
        %dma_wait3A_943 = arith.constant 0 : i32
        %dma_wait3A_944 = tpu.memref_slice %arg18[%dma_wait3A_942, %dma_wait3A_943] : memref<1x32xi32, #tpu.memory_space<vmem>> -> memref<1x32xi32, #tpu.memory_space<vmem>>
        %dma_wait3A_945 = tpu.memref_squeeze %dma_wait3A_944 : memref<1x32xi32, #tpu.memory_space<vmem>> -> memref<32xi32, #tpu.memory_space<vmem>>
        %dma_wait3A_946 = arith.constant 0 : i32
        %dma_wait3A_947 = tpu.memref_slice %arg39[%dma_wait3A_946] : memref<10240xf32, #tpu.memory_space<vmem_shared>> -> memref<10240xf32, #tpu.memory_space<vmem_shared>>
        tpu.wait_indirect_dma semaphore(%arg53 : memref<!tpu.dma_semaphore, #tpu.memory_space<semaphore_mem>>) src(%arg24 : memref<32xf32, #tpu.memory_space<vmem>>) dst(%dma_wait3A_947 : memref<10240xf32, #tpu.memory_space<vmem_shared>>)
      } else {
      }
      %lt3A_753 = arith.cmpi slt, %add3A_723, %select_n3A : i32
      %convert_element_type3A_754 = arith.extui %lt3A_753 : i1 to i32
      %cond3A_755 = arith.constant 0 : i32
      %cond3A_756 = arith.cmpi ne, %convert_element_type3A_754, %cond3A_755 : i32
      scf.if %cond3A_756 {
        %jit3A_935 = arith.constant 9 : i32
        %eq3A_936 = arith.constant 0 : i32
        %eq3A_937 = arith.cmpi eq, %jit3A_935, %eq3A_936 : i32
        %jit3A_938 = arith.constant 1 : i32
        %select_n3A_939 = arith.select %eq3A_937, %jit3A_938, %jit3A_935 : i32
        %rem3A_940 = arith.remsi %add3A_723, %select_n3A_939 : i32
        %ne3A_941 = arith.constant 0 : i32
        %ne3A_942 = arith.cmpi ne, %rem3A_940, %ne3A_941 : i32
        %lt3A_943 = arith.constant 0 : i32
        %lt3A_944 = arith.cmpi slt, %rem3A_940, %lt3A_943 : i32
        %lt3A_945 = arith.constant 0 : i32
        %lt3A_946 = arith.cmpi slt, %select_n3A_939, %lt3A_945 : i32
        %ne3A_947 = arith.xori %lt3A_944, %lt3A_946 : i1
        %and3A_948 = arith.andi %ne3A_947, %ne3A_942 : i1
        %add3A_949 = arith.addi %rem3A_940, %select_n3A_939 : i32
        %select_n3A_950 = arith.select %and3A_948, %add3A_949, %rem3A_940 : i32
        %mul3A_951 = arith.constant 32 : i32
        %mul3A_952 = arith.muli %select_n3A_950, %mul3A_951 : i32
        %add3A_953 = arith.constant 0 : i32
        %add3A_954 = arith.addi %mul3A_952, %add3A_953 : i32
        %get3A_955 = arith.constant 0 : i32
        %get3A_956 = arith.index_cast %get3A_955 : i32 to index
        %get3A_957 = arith.index_cast %add3A_954 : i32 to index
        %get3A_958 = tpu.vector_load %arg9[%get3A_956, %get3A_957] {strides = array<i32>} : memref<1x288xi32, #tpu.memory_space<vmem>>, vector<16xi32>,
        %mul3A_959 = arith.constant 32 : i32
        %mul3A_960 = arith.muli %select_n3A_950, %mul3A_959 : i32
        %add3A_961 = arith.constant 0 : i32
        %add3A_962 = arith.addi %mul3A_960, %add3A_961 : i32
        %get3A_963 = arith.constant 0 : i32
        %get3A_964 = arith.index_cast %get3A_963 : i32 to index
        %get3A_965 = arith.index_cast %add3A_962 : i32 to index
        %get3A_966 = tpu.vector_load %arg10[%get3A_964, %get3A_965] {strides = array<i32>} : memref<1x288xi32, #tpu.memory_space<vmem>>, vector<16xi32>,
        %swap3A_967 = arith.constant 0 : i32
        %swap3A_968 = arith.index_cast %swap3A_967 : i32 to index
        %swap3A_969 = arith.constant 0 : index
        %swap3A_970 = tpu.vector_load %arg12[%swap3A_968, %swap3A_969] {strides = array<i32>} : memref<1x32xi32, #tpu.memory_space<vmem>>, vector<16xi32>,
        tpu.vector_store %arg12[%swap3A_968, %swap3A_969], %get3A_958 {strides = array<i32>} : memref<1x32xi32, #tpu.memory_space<vmem>>, vector<16xi32>,
        %swap3A_971 = arith.constant 0 : i32
        %swap3A_972 = arith.index_cast %swap3A_971 : i32 to index
        %swap3A_973 = arith.constant 0 : index
        %swap3A_974 = tpu.vector_load %arg18[%swap3A_972, %swap3A_973] {strides = array<i32>} : memref<1x32xi32, #tpu.memory_space<vmem>>, vector<16xi32>,
        tpu.vector_store %arg18[%swap3A_972, %swap3A_973], %get3A_966 {strides = array<i32>} : memref<1x32xi32, #tpu.memory_space<vmem>>, vector<16xi32>,
        %gather3A_975 = tpu.vector_load_idx %arg35[%get3A_958] : memref<10000xf32, #tpu.memory_space<vmem>>[vector<16xi32>], vector<16xf32>,
        %gather3A_976 = tpu.vector_load_idx %arg36[%get3A_966] : memref<10000xf32, #tpu.memory_space<vmem>>[vector<16xi32>], vector<16xf32>,
        %add3A_977 = arith.addf %gather3A_975, %gather3A_976 : vector<16xf32>
        %mul3A_978 = arith.constant 32 : i32
        %mul3A_979 = arith.muli %add3A_723, %mul3A_978 : i32
        %add3A_980 = arith.constant 0 : i32
        %add3A_981 = arith.addi %mul3A_979, %add3A_980 : i32
        %mul3A_982 = arith.constant 32 : i32
        %mul3A_983 = arith.muli %select_n3A_950, %mul3A_982 : i32
        %add3A_984 = arith.constant 16 : i32
        %add3A_985 = arith.addi %mul3A_983, %add3A_984 : i32
        %get3A_986 = arith.constant 0 : i32
        %get3A_987 = arith.index_cast %get3A_986 : i32 to index
        %get3A_988 = arith.index_cast %add3A_985 : i32 to index
        %get3A_989 = tpu.vector_load %arg9[%get3A_987, %get3A_988] {strides = array<i32>} : memref<1x288xi32, #tpu.memory_space<vmem>>, vector<16xi32>,
        %mul3A_990 = arith.constant 32 : i32
        %mul3A_991 = arith.muli %select_n3A_950, %mul3A_990 : i32
        %add3A_992 = arith.constant 16 : i32
        %add3A_993 = arith.addi %mul3A_991, %add3A_992 : i32
        %get3A_994 = arith.constant 0 : i32
        %get3A_995 = arith.index_cast %get3A_994 : i32 to index
        %get3A_996 = arith.index_cast %add3A_993 : i32 to index
        %get3A_997 = tpu.vector_load %arg10[%get3A_995, %get3A_996] {strides = array<i32>} : memref<1x288xi32, #tpu.memory_space<vmem>>, vector<16xi32>,
        %swap3A_998 = arith.constant 0 : i32
        %swap3A_999 = arith.index_cast %swap3A_998 : i32 to index
        %swap3A_1000 = arith.constant 16 : index
        %swap3A_1001 = tpu.vector_load %arg12[%swap3A_999, %swap3A_1000] {strides = array<i32>} : memref<1x32xi32, #tpu.memory_space<vmem>>, vector<16xi32>,
        tpu.vector_store %arg12[%swap3A_999, %swap3A_1000], %get3A_989 {strides = array<i32>} : memref<1x32xi32, #tpu.memory_space<vmem>>, vector<16xi32>,
        %swap3A_1002 = arith.constant 0 : i32
        %swap3A_1003 = arith.index_cast %swap3A_1002 : i32 to index
        %swap3A_1004 = arith.constant 16 : index
        %swap3A_1005 = tpu.vector_load %arg18[%swap3A_1003, %swap3A_1004] {strides = array<i32>} : memref<1x32xi32, #tpu.memory_space<vmem>>, vector<16xi32>,
        tpu.vector_store %arg18[%swap3A_1003, %swap3A_1004], %get3A_997 {strides = array<i32>} : memref<1x32xi32, #tpu.memory_space<vmem>>, vector<16xi32>,
        %gather3A_1006 = tpu.vector_load_idx %arg35[%get3A_989] : memref<10000xf32, #tpu.memory_space<vmem>>[vector<16xi32>], vector<16xf32>,
        %gather3A_1007 = tpu.vector_load_idx %arg36[%get3A_997] : memref<10000xf32, #tpu.memory_space<vmem>>[vector<16xi32>], vector<16xf32>,
        %add3A_1008 = arith.addf %gather3A_1006, %gather3A_1007 : vector<16xf32>
        %mul3A_1009 = arith.constant 32 : i32
        %mul3A_1010 = arith.muli %add3A_723, %mul3A_1009 : i32
        %add3A_1011 = arith.constant 16 : i32
        %add3A_1012 = arith.addi %mul3A_1010, %add3A_1011 : i32
        %dma_start3A_1013 = arith.constant 0 : i32
        %dma_start3A_1014 = arith.constant 0 : i32
        %dma_start3A_1015 = tpu.memref_slice %arg12[%dma_start3A_1013, %dma_start3A_1014] : memref<1x32xi32, #tpu.memory_space<vmem>> -> memref<1x32xi32, #tpu.memory_space<vmem>>
        %dma_start3A_1016 = tpu.memref_squeeze %dma_start3A_1015 : memref<1x32xi32, #tpu.memory_space<vmem>> -> memref<32xi32, #tpu.memory_space<vmem>>
        %dma_start3A_1017 = arith.constant 0 : i32
        %dma_start3A_1018 = arith.constant 0 : i32
        %dma_start3A_1019 = tpu.memref_slice %arg4[%dma_start3A_1017, %dma_start3A_1018] : memref<10240x128xf32, #tpu.memory_space<hbm>> -> memref<10240x128xf32, #tpu.memory_space<hbm>>
        tpu.enqueue_indirect_dma source(%dma_start3A_1019 : memref<10240x128xf32, #tpu.memory_space<hbm>>) target(%arg30 : memref<32x128xf32, #tpu.memory_space<vmem>>) offsets(%dma_start3A_1016 : memref<32xi32, #tpu.memory_space<vmem>>) semaphore(%arg41 : memref<!tpu.dma_semaphore, #tpu.memory_space<semaphore_mem>>)
        %gt3A_1020 = arith.constant 0.000000e+00 : f32
        %gt3A_1021 = vector.broadcast %gt3A_1020 : f32 to vector<16xf32>
        %gt3A_1022 = arith.cmpf ogt, %add3A_977, %gt3A_1021 : vector<16xf32>
        %mul3A_1023 = arith.constant 2.000000e-01 : f32
        %mul3A_1024 = vector.broadcast %mul3A_1023 : f32 to vector<16xf32>
        %mul3A_1025 = arith.mulf %add3A_977, %mul3A_1024 : vector<16xf32>
        %select_n3A_1026 = arith.select %gt3A_1022, %add3A_977, %mul3A_1025 : vector<16xi1>, vector<16xf32>
        %exp3A_1027 = math.exp %select_n3A_1026 : vector<16xf32>
        %add3A_1028 = arith.addi %select_n3A_11, %add3A_981 : i32
        %iota3A_1029 = tpu.iota {dimensions = array<i32: 0>} : vector<16xi32>
        %add3A_1030 = vector.broadcast %add3A_1028 : i32 to vector<16xi32>
        %add3A_1031 = arith.addi %add3A_1030, %iota3A_1029 : vector<16xi32>
        %lt3A_1032 = arith.constant 330000 : i32
        %lt3A_1033 = vector.broadcast %lt3A_1032 : i32 to vector<16xi32>
        %lt3A_1034 = arith.cmpi slt, %add3A_1031, %lt3A_1033 : vector<16xi32>
        %jit3A_1035 = arith.constant 0.000000e+00 : f32
        %broadcast_in_dim3A_1036 = vector.broadcast %jit3A_1035 : f32 to vector<16xf32>
        %select_n3A_1037 = arith.select %lt3A_1034, %exp3A_1027, %broadcast_in_dim3A_1036 : vector<16xi1>, vector<16xf32>
        %swap3A_1038 = arith.constant 0 : index
        %swap3A_1039 = tpu.vector_load %arg24[%swap3A_1038] {strides = array<i32>} : memref<32xf32, #tpu.memory_space<vmem>>, vector<16xf32>,
        tpu.vector_store %arg24[%swap3A_1038], %select_n3A_1037 {strides = array<i32>} : memref<32xf32, #tpu.memory_space<vmem>>, vector<16xf32>,
        %gt3A_1040 = arith.constant 0.000000e+00 : f32
        %gt3A_1041 = vector.broadcast %gt3A_1040 : f32 to vector<16xf32>
        %gt3A_1042 = arith.cmpf ogt, %add3A_1008, %gt3A_1041 : vector<16xf32>
        %mul3A_1043 = arith.constant 2.000000e-01 : f32
        %mul3A_1044 = vector.broadcast %mul3A_1043 : f32 to vector<16xf32>
        %mul3A_1045 = arith.mulf %add3A_1008, %mul3A_1044 : vector<16xf32>
        %select_n3A_1046 = arith.select %gt3A_1042, %add3A_1008, %mul3A_1045 : vector<16xi1>, vector<16xf32>
        %exp3A_1047 = math.exp %select_n3A_1046 : vector<16xf32>
        %add3A_1048 = arith.addi %select_n3A_11, %add3A_1012 : i32
        %iota3A_1049 = tpu.iota {dimensions = array<i32: 0>} : vector<16xi32>
        %add3A_1050 = vector.broadcast %add3A_1048 : i32 to vector<16xi32>
        %add3A_1051 = arith.addi %add3A_1050, %iota3A_1049 : vector<16xi32>
        %lt3A_1052 = arith.constant 330000 : i32
        %lt3A_1053 = vector.broadcast %lt3A_1052 : i32 to vector<16xi32>
        %lt3A_1054 = arith.cmpi slt, %add3A_1051, %lt3A_1053 : vector<16xi32>
        %jit3A_1055 = arith.constant 0.000000e+00 : f32
        %broadcast_in_dim3A_1056 = vector.broadcast %jit3A_1055 : f32 to vector<16xf32>
        %select_n3A_1057 = arith.select %lt3A_1054, %exp3A_1047, %broadcast_in_dim3A_1056 : vector<16xi1>, vector<16xf32>
        %swap3A_1058 = arith.constant 16 : index
        %swap3A_1059 = tpu.vector_load %arg24[%swap3A_1058] {strides = array<i32>} : memref<32xf32, #tpu.memory_space<vmem>>, vector<16xf32>,
        tpu.vector_store %arg24[%swap3A_1058], %select_n3A_1057 {strides = array<i32>} : memref<32xf32, #tpu.memory_space<vmem>>, vector<16xf32>,
      } else {
      }
      %sub3A_757 = arith.constant 4 : i32
      %sub3A_758 = arith.subi %add3A_723, %sub3A_757 : i32
      %lt3A_759 = arith.cmpi slt, %sub3A_758, %select_n3A : i32
      %convert_element_type3A_760 = arith.extui %lt3A_759 : i1 to i32
      %cond3A_761 = arith.constant 0 : i32
      %cond3A_762 = arith.cmpi ne, %convert_element_type3A_760, %cond3A_761 : i32
      scf.if %cond3A_762 {
        %dma_wait3A_935 = arith.constant 0 : i32
        %dma_wait3A_936 = arith.constant 0 : i32
        %dma_wait3A_937 = tpu.memref_slice %arg14[%dma_wait3A_935, %dma_wait3A_936] : memref<1x32xi32, #tpu.memory_space<vmem>> -> memref<1x32xi32, #tpu.memory_space<vmem>>
        %dma_wait3A_938 = tpu.memref_squeeze %dma_wait3A_937 : memref<1x32xi32, #tpu.memory_space<vmem>> -> memref<32xi32, #tpu.memory_space<vmem>>
        %dma_wait3A_939 = arith.constant 0 : i32
        %dma_wait3A_940 = arith.constant 0 : i32
        %dma_wait3A_941 = tpu.memref_slice %arg4[%dma_wait3A_939, %dma_wait3A_940] : memref<10240x128xf32, #tpu.memory_space<hbm>> -> memref<10240x128xf32, #tpu.memory_space<hbm>>
        tpu.wait_indirect_dma semaphore(%arg43 : memref<!tpu.dma_semaphore, #tpu.memory_space<semaphore_mem>>) src(%dma_wait3A_941 : memref<10240x128xf32, #tpu.memory_space<hbm>>) dst(%arg32 : memref<32x128xf32, #tpu.memory_space<vmem>>)
        %scan3A_942 = arith.constant 0 : i32
        %scan3A_943 = arith.constant 0 : i32
        %scan3A_944 = arith.constant 32 : i32
        %scan3A_945 = arith.addi %scan3A_943, %scan3A_944 : i32
        %scan3A_946 = arith.constant 1 : i32
        scf.for %scan3A_961 = %scan3A_943 to %scan3A_945 step %scan3A_946  : i32 {
          %broadcast_in_dim3A_962 = vector.broadcast %scan3A_961 : i32 to vector<16xi32>
          %gather3A_963 = tpu.vector_load_idx %arg26[%broadcast_in_dim3A_962] : memref<32xf32, #tpu.memory_space<vmem>>[vector<16xi32>], vector<16xf32>,
          %get3A_964 = arith.index_cast %scan3A_961 : i32 to index
          %get3A_965 = arith.constant 0 : index
          %get3A_966 = tpu.vector_load %arg32[%get3A_964, %get3A_965] {strides = array<i32>} : memref<32x128xf32, #tpu.memory_space<vmem>>, vector<16xf32>,
          %mul3A_967 = arith.mulf %get3A_966, %gather3A_963 : vector<16xf32>
          %swap3A_968 = arith.index_cast %scan3A_961 : i32 to index
          %swap3A_969 = arith.constant 0 : index
          %swap3A_970 = tpu.vector_load %arg32[%swap3A_968, %swap3A_969] {strides = array<i32>} : memref<32x128xf32, #tpu.memory_space<vmem>>, vector<16xf32>,
          tpu.vector_store %arg32[%swap3A_968, %swap3A_969], %mul3A_967 {strides = array<i32>} : memref<32x128xf32, #tpu.memory_space<vmem>>, vector<16xf32>,
          %get3A_971 = arith.index_cast %scan3A_961 : i32 to index
          %get3A_972 = arith.constant 16 : index
          %get3A_973 = tpu.vector_load %arg32[%get3A_971, %get3A_972] {strides = array<i32>} : memref<32x128xf32, #tpu.memory_space<vmem>>, vector<16xf32>,
          %mul3A_974 = arith.mulf %get3A_973, %gather3A_963 : vector<16xf32>
          %swap3A_975 = arith.index_cast %scan3A_961 : i32 to index
          %swap3A_976 = arith.constant 16 : index
          %swap3A_977 = tpu.vector_load %arg32[%swap3A_975, %swap3A_976] {strides = array<i32>} : memref<32x128xf32, #tpu.memory_space<vmem>>, vector<16xf32>,
          tpu.vector_store %arg32[%swap3A_975, %swap3A_976], %mul3A_974 {strides = array<i32>} : memref<32x128xf32, #tpu.memory_space<vmem>>, vector<16xf32>,
          %get3A_978 = arith.index_cast %scan3A_961 : i32 to index
          %get3A_979 = arith.constant 32 : index
          %get3A_980 = tpu.vector_load %arg32[%get3A_978, %get3A_979] {strides = array<i32>} : memref<32x128xf32, #tpu.memory_space<vmem>>, vector<16xf32>,
          %mul3A_981 = arith.mulf %get3A_980, %gather3A_963 : vector<16xf32>
          %swap3A_982 = arith.index_cast %scan3A_961 : i32 to index
          %swap3A_983 = arith.constant 32 : index
          %swap3A_984 = tpu.vector_load %arg32[%swap3A_982, %swap3A_983] {strides = array<i32>} : memref<32x128xf32, #tpu.memory_space<vmem>>, vector<16xf32>,
          tpu.vector_store %arg32[%swap3A_982, %swap3A_983], %mul3A_981 {strides = array<i32>} : memref<32x128xf32, #tpu.memory_space<vmem>>, vector<16xf32>,
          %get3A_985 = arith.index_cast %scan3A_961 : i32 to index
          %get3A_986 = arith.constant 48 : index
          %get3A_987 = tpu.vector_load %arg32[%get3A_985, %get3A_986] {strides = array<i32>} : memref<32x128xf32, #tpu.memory_space<vmem>>, vector<16xf32>,
          %mul3A_988 = arith.mulf %get3A_987, %gather3A_963 : vector<16xf32>
          %swap3A_989 = arith.index_cast %scan3A_961 : i32 to index
          %swap3A_990 = arith.constant 48 : index
          %swap3A_991 = tpu.vector_load %arg32[%swap3A_989, %swap3A_990] {strides = array<i32>} : memref<32x128xf32, #tpu.memory_space<vmem>>, vector<16xf32>,
          tpu.vector_store %arg32[%swap3A_989, %swap3A_990], %mul3A_988 {strides = array<i32>} : memref<32x128xf32, #tpu.memory_space<vmem>>, vector<16xf32>,
          %get3A_992 = arith.index_cast %scan3A_961 : i32 to index
          %get3A_993 = arith.constant 64 : index
          %get3A_994 = tpu.vector_load %arg32[%get3A_992, %get3A_993] {strides = array<i32>} : memref<32x128xf32, #tpu.memory_space<vmem>>, vector<16xf32>,
          %mul3A_995 = arith.mulf %get3A_994, %gather3A_963 : vector<16xf32>
          %swap3A_996 = arith.index_cast %scan3A_961 : i32 to index
          %swap3A_997 = arith.constant 64 : index
          %swap3A_998 = tpu.vector_load %arg32[%swap3A_996, %swap3A_997] {strides = array<i32>} : memref<32x128xf32, #tpu.memory_space<vmem>>, vector<16xf32>,
          tpu.vector_store %arg32[%swap3A_996, %swap3A_997], %mul3A_995 {strides = array<i32>} : memref<32x128xf32, #tpu.memory_space<vmem>>, vector<16xf32>,
          %get3A_999 = arith.index_cast %scan3A_961 : i32 to index
          %get3A_1000 = arith.constant 80 : index
          %get3A_1001 = tpu.vector_load %arg32[%get3A_999, %get3A_1000] {strides = array<i32>} : memref<32x128xf32, #tpu.memory_space<vmem>>, vector<16xf32>,
          %mul3A_1002 = arith.mulf %get3A_1001, %gather3A_963 : vector<16xf32>
          %swap3A_1003 = arith.index_cast %scan3A_961 : i32 to index
          %swap3A_1004 = arith.constant 80 : index
          %swap3A_1005 = tpu.vector_load %arg32[%swap3A_1003, %swap3A_1004] {strides = array<i32>} : memref<32x128xf32, #tpu.memory_space<vmem>>, vector<16xf32>,
          tpu.vector_store %arg32[%swap3A_1003, %swap3A_1004], %mul3A_1002 {strides = array<i32>} : memref<32x128xf32, #tpu.memory_space<vmem>>, vector<16xf32>,
          %get3A_1006 = arith.index_cast %scan3A_961 : i32 to index
          %get3A_1007 = arith.constant 96 : index
          %get3A_1008 = tpu.vector_load %arg32[%get3A_1006, %get3A_1007] {strides = array<i32>} : memref<32x128xf32, #tpu.memory_space<vmem>>, vector<16xf32>,
          %mul3A_1009 = arith.mulf %get3A_1008, %gather3A_963 : vector<16xf32>
          %swap3A_1010 = arith.index_cast %scan3A_961 : i32 to index
          %swap3A_1011 = arith.constant 96 : index
          %swap3A_1012 = tpu.vector_load %arg32[%swap3A_1010, %swap3A_1011] {strides = array<i32>} : memref<32x128xf32, #tpu.memory_space<vmem>>, vector<16xf32>,
          tpu.vector_store %arg32[%swap3A_1010, %swap3A_1011], %mul3A_1009 {strides = array<i32>} : memref<32x128xf32, #tpu.memory_space<vmem>>, vector<16xf32>,
          %get3A_1013 = arith.index_cast %scan3A_961 : i32 to index
          %get3A_1014 = arith.constant 112 : index
          %get3A_1015 = tpu.vector_load %arg32[%get3A_1013, %get3A_1014] {strides = array<i32>} : memref<32x128xf32, #tpu.memory_space<vmem>>, vector<16xf32>,
          %mul3A_1016 = arith.mulf %get3A_1015, %gather3A_963 : vector<16xf32>
          %swap3A_1017 = arith.index_cast %scan3A_961 : i32 to index
          %swap3A_1018 = arith.constant 112 : index
          %swap3A_1019 = tpu.vector_load %arg32[%swap3A_1017, %swap3A_1018] {strides = array<i32>} : memref<32x128xf32, #tpu.memory_space<vmem>>, vector<16xf32>,
          tpu.vector_store %arg32[%swap3A_1017, %swap3A_1018], %mul3A_1016 {strides = array<i32>} : memref<32x128xf32, #tpu.memory_space<vmem>>, vector<16xf32>,
        }
        %scan3A_947 = arith.constant 32 : i32
        %dma_start3A_948 = arith.constant 0 : i32
        %dma_start3A_949 = arith.constant 0 : i32
        %dma_start3A_950 = tpu.memref_slice %arg20[%dma_start3A_948, %dma_start3A_949] : memref<1x32xi32, #tpu.memory_space<vmem>> -> memref<1x32xi32, #tpu.memory_space<vmem>>
        %dma_start3A_951 = tpu.memref_squeeze %dma_start3A_950 : memref<1x32xi32, #tpu.memory_space<vmem>> -> memref<32xi32, #tpu.memory_space<vmem>>
        %dma_start3A_952 = arith.constant 0 : i32
        %dma_start3A_953 = arith.constant 0 : i32
        %dma_start3A_954 = tpu.memref_slice %arg38[%dma_start3A_952, %dma_start3A_953] : memref<10240x128xf32, #tpu.memory_space<vmem_shared>> -> memref<10240x128xf32, #tpu.memory_space<vmem_shared>>
        tpu.enqueue_indirect_dma source(%arg32 : memref<32x128xf32, #tpu.memory_space<vmem>>) target(%dma_start3A_954 : memref<10240x128xf32, #tpu.memory_space<vmem_shared>>) offsets(%dma_start3A_951 : memref<32xi32, #tpu.memory_space<vmem>>) semaphore(%arg49 : memref<!tpu.dma_semaphore, #tpu.memory_space<semaphore_mem>>) {add = true}
        %dma_start3A_955 = arith.constant 0 : i32
        %dma_start3A_956 = arith.constant 0 : i32
        %dma_start3A_957 = tpu.memref_slice %arg20[%dma_start3A_955, %dma_start3A_956] : memref<1x32xi32, #tpu.memory_space<vmem>> -> memref<1x32xi32, #tpu.memory_space<vmem>>
        %dma_start3A_958 = tpu.memref_squeeze %dma_start3A_957 : memref<1x32xi32, #tpu.memory_space<vmem>> -> memref<32xi32, #tpu.memory_space<vmem>>
        %dma_start3A_959 = arith.constant 0 : i32
        %dma_start3A_960 = tpu.memref_slice %arg39[%dma_start3A_959] : memref<10240xf32, #tpu.memory_space<vmem_shared>> -> memref<10240xf32, #tpu.memory_space<vmem_shared>>
        tpu.enqueue_indirect_dma source(%arg26 : memref<32xf32, #tpu.memory_space<vmem>>) target(%dma_start3A_960 : memref<10240xf32, #tpu.memory_space<vmem_shared>>) offsets(%dma_start3A_958 : memref<32xi32, #tpu.memory_space<vmem>>) semaphore(%arg55 : memref<!tpu.dma_semaphore, #tpu.memory_space<semaphore_mem>>) {add = true}
      } else {
      }
      %mul3A_763 = arith.constant 6 : i32
      %mul3A_764 = arith.muli %mul3A_763, %scan3A_682 : i32
      %add3A_765 = arith.constant 2 : i32
      %add3A_766 = arith.addi %mul3A_764, %add3A_765 : i32
      %jit3A_767 = arith.constant 9 : i32
      %eq3A_768 = arith.constant 0 : i32
      %eq3A_769 = arith.cmpi eq, %jit3A_767, %eq3A_768 : i32
      %jit3A_770 = arith.constant 1 : i32
      %select_n3A_771 = arith.select %eq3A_769, %jit3A_770, %jit3A_767 : i32
      %rem3A_772 = arith.remsi %add3A_766, %select_n3A_771 : i32
      %ne3A_773 = arith.constant 0 : i32
      %ne3A_774 = arith.cmpi ne, %rem3A_772, %ne3A_773 : i32
      %lt3A_775 = arith.constant 0 : i32
      %lt3A_776 = arith.cmpi slt, %rem3A_772, %lt3A_775 : i32
      %lt3A_777 = arith.constant 0 : i32
      %lt3A_778 = arith.cmpi slt, %select_n3A_771, %lt3A_777 : i32
      %ne3A_779 = arith.xori %lt3A_776, %lt3A_778 : i1
      %and3A_780 = arith.andi %ne3A_779, %ne3A_774 : i1
      %add3A_781 = arith.addi %rem3A_772, %select_n3A_771 : i32
      %select_n3A_782 = arith.select %and3A_780, %add3A_781, %rem3A_772 : i32
      %eq3A_783 = arith.constant 0 : i32
      %eq3A_784 = arith.cmpi eq, %select_n3A_782, %eq3A_783 : i32
      %lt3A_785 = arith.cmpi slt, %add3A_766, %select_n3A : i32
      %and3A_786 = arith.andi %eq3A_784, %lt3A_785 : i1
      %convert_element_type3A_787 = arith.extui %and3A_786 : i1 to i32
      %cond3A_788 = arith.constant 0 : i32
      %cond3A_789 = arith.cmpi ne, %convert_element_type3A_787, %cond3A_788 : i32
      scf.if %cond3A_789 {
        %jit3A_935 = arith.constant 9 : i32
        %div3A = arith.divsi %add3A_766, %jit3A_935 : i32
        %sign3A = arith.constant 0 : i32
        %sign3A_936 = arith.cmpi sgt, %add3A_766, %sign3A : i32
        %sign3A_937 = arith.extui %sign3A_936 : i1 to i32
        %sign3A_938 = arith.constant 0 : i32
        %sign3A_939 = arith.cmpi slt, %add3A_766, %sign3A_938 : i32
        %sign3A_940 = arith.extui %sign3A_939 : i1 to i32
        %sign3A_941 = arith.subi %sign3A_937, %sign3A_940 : i32
        %sign3A_942 = arith.constant 0 : i32
        %sign3A_943 = arith.cmpi sgt, %jit3A_935, %sign3A_942 : i32
        %sign3A_944 = arith.extui %sign3A_943 : i1 to i32
        %sign3A_945 = arith.constant 0 : i32
        %sign3A_946 = arith.cmpi slt, %jit3A_935, %sign3A_945 : i32
        %sign3A_947 = arith.extui %sign3A_946 : i1 to i32
        %sign3A_948 = arith.subi %sign3A_944, %sign3A_947 : i32
        %ne3A_949 = arith.cmpi ne, %sign3A_941, %sign3A_948 : i32
        %rem3A_950 = arith.remsi %add3A_766, %jit3A_935 : i32
        %ne3A_951 = arith.constant 0 : i32
        %ne3A_952 = arith.cmpi ne, %rem3A_950, %ne3A_951 : i32
        %and3A_953 = arith.andi %ne3A_949, %ne3A_952 : i1
        %sub3A_954 = arith.constant 1 : i32
        %sub3A_955 = arith.subi %div3A, %sub3A_954 : i32
        %select_n3A_956 = arith.select %and3A_953, %sub3A_955, %div3A : i32
        "tpu.region"() ({
          %run_scoped3A = tpu.sem_alloc : memref<!tpu.dma_semaphore, #tpu.memory_space<semaphore_mem>>
          %dma_start3A_957 = arith.constant 0 : i32
          %dma_start3A_958 = arith.constant 0 : i32
          %dma_start3A_959 = tpu.memref_slice %arg2[%add3A, %dma_start3A_957, %dma_start3A_958] : memref<32x42x288xi32, #tpu.memory_space<hbm>> -> memref<1x42x288xi32, #tpu.memory_space<hbm>>
          %dma_start3A_960 = tpu.memref_squeeze %dma_start3A_959 : memref<1x42x288xi32, #tpu.memory_space<hbm>> -> memref<42x288xi32, #tpu.memory_space<hbm>>
          %dma_start3A_961 = arith.constant 0 : i32
          %dma_start3A_962 = tpu.memref_slice %dma_start3A_960[%select_n3A_956, %dma_start3A_961] : memref<42x288xi32, #tpu.memory_space<hbm>> -> memref<1x288xi32, #tpu.memory_space<hbm>>
          %dma_start3A_963 = arith.constant 0 : i32
          %dma_start3A_964 = arith.constant 0 : i32
          %dma_start3A_965 = tpu.memref_slice %arg2[%add3A, %dma_start3A_963, %dma_start3A_964] : memref<32x42x288xi32, #tpu.memory_space<hbm>> -> memref<1x42x288xi32, #tpu.memory_space<hbm>>
          %dma_start3A_966 = tpu.memref_squeeze %dma_start3A_965 : memref<1x42x288xi32, #tpu.memory_space<hbm>> -> memref<42x288xi32, #tpu.memory_space<hbm>>
          %dma_start3A_967 = arith.constant 0 : i32
          %dma_start3A_968 = tpu.memref_slice %dma_start3A_966[%select_n3A_956, %dma_start3A_967] : memref<42x288xi32, #tpu.memory_space<hbm>> -> memref<1x288xi32, #tpu.memory_space<hbm>>
          tpu.enqueue_dma source(%dma_start3A_968 : memref<1x288xi32, #tpu.memory_space<hbm>>) target(%arg9 : memref<1x288xi32, #tpu.memory_space<vmem>>) target_semaphore(%run_scoped3A : memref<!tpu.dma_semaphore, #tpu.memory_space<semaphore_mem>>)
          %dma_wait3A_969 = arith.constant 0 : i32
          %dma_wait3A_970 = arith.constant 0 : i32
          %dma_wait3A_971 = tpu.memref_slice %arg2[%add3A, %dma_wait3A_969, %dma_wait3A_970] : memref<32x42x288xi32, #tpu.memory_space<hbm>> -> memref<1x42x288xi32, #tpu.memory_space<hbm>>
          %dma_wait3A_972 = tpu.memref_squeeze %dma_wait3A_971 : memref<1x42x288xi32, #tpu.memory_space<hbm>> -> memref<42x288xi32, #tpu.memory_space<hbm>>
          %dma_wait3A_973 = arith.constant 0 : i32
          %dma_wait3A_974 = tpu.memref_slice %dma_wait3A_972[%select_n3A_956, %dma_wait3A_973] : memref<42x288xi32, #tpu.memory_space<hbm>> -> memref<1x288xi32, #tpu.memory_space<hbm>>
          %dma_wait3A_975 = arith.constant 0 : i32
          %dma_wait3A_976 = arith.constant 0 : i32
          %dma_wait3A_977 = tpu.memref_slice %arg2[%add3A, %dma_wait3A_975, %dma_wait3A_976] : memref<32x42x288xi32, #tpu.memory_space<hbm>> -> memref<1x42x288xi32, #tpu.memory_space<hbm>>
          %dma_wait3A_978 = tpu.memref_squeeze %dma_wait3A_977 : memref<1x42x288xi32, #tpu.memory_space<hbm>> -> memref<42x288xi32, #tpu.memory_space<hbm>>
          %dma_wait3A_979 = arith.constant 0 : i32
          %dma_wait3A_980 = tpu.memref_slice %dma_wait3A_978[%select_n3A_956, %dma_wait3A_979] : memref<42x288xi32, #tpu.memory_space<hbm>> -> memref<1x288xi32, #tpu.memory_space<hbm>>
          tpu.wait_dma2 semaphore(%run_scoped3A : memref<!tpu.dma_semaphore, #tpu.memory_space<semaphore_mem>>) src(%dma_wait3A_980 : memref<1x288xi32, #tpu.memory_space<hbm>>) dst(%arg9 : memref<1x288xi32, #tpu.memory_space<vmem>>)
          tpu.yield
        }) : () -> ()
        "tpu.region"() ({
          %run_scoped3A = tpu.sem_alloc : memref<!tpu.dma_semaphore, #tpu.memory_space<semaphore_mem>>
          %dma_start3A_957 = arith.constant 0 : i32
          %dma_start3A_958 = arith.constant 0 : i32
          %dma_start3A_959 = tpu.memref_slice %arg3[%add3A, %dma_start3A_957, %dma_start3A_958] : memref<32x42x288xi32, #tpu.memory_space<hbm>> -> memref<1x42x288xi32, #tpu.memory_space<hbm>>
          %dma_start3A_960 = tpu.memref_squeeze %dma_start3A_959 : memref<1x42x288xi32, #tpu.memory_space<hbm>> -> memref<42x288xi32, #tpu.memory_space<hbm>>
          %dma_start3A_961 = arith.constant 0 : i32
          %dma_start3A_962 = tpu.memref_slice %dma_start3A_960[%select_n3A_956, %dma_start3A_961] : memref<42x288xi32, #tpu.memory_space<hbm>> -> memref<1x288xi32, #tpu.memory_space<hbm>>
          %dma_start3A_963 = arith.constant 0 : i32
          %dma_start3A_964 = arith.constant 0 : i32
          %dma_start3A_965 = tpu.memref_slice %arg3[%add3A, %dma_start3A_963, %dma_start3A_964] : memref<32x42x288xi32, #tpu.memory_space<hbm>> -> memref<1x42x288xi32, #tpu.memory_space<hbm>>
          %dma_start3A_966 = tpu.memref_squeeze %dma_start3A_965 : memref<1x42x288xi32, #tpu.memory_space<hbm>> -> memref<42x288xi32, #tpu.memory_space<hbm>>
          %dma_start3A_967 = arith.constant 0 : i32
          %dma_start3A_968 = tpu.memref_slice %dma_start3A_966[%select_n3A_956, %dma_start3A_967] : memref<42x288xi32, #tpu.memory_space<hbm>> -> memref<1x288xi32, #tpu.memory_space<hbm>>
          tpu.enqueue_dma source(%dma_start3A_968 : memref<1x288xi32, #tpu.memory_space<hbm>>) target(%arg10 : memref<1x288xi32, #tpu.memory_space<vmem>>) target_semaphore(%run_scoped3A : memref<!tpu.dma_semaphore, #tpu.memory_space<semaphore_mem>>)
          %dma_wait3A_969 = arith.constant 0 : i32
          %dma_wait3A_970 = arith.constant 0 : i32
          %dma_wait3A_971 = tpu.memref_slice %arg3[%add3A, %dma_wait3A_969, %dma_wait3A_970] : memref<32x42x288xi32, #tpu.memory_space<hbm>> -> memref<1x42x288xi32, #tpu.memory_space<hbm>>
          %dma_wait3A_972 = tpu.memref_squeeze %dma_wait3A_971 : memref<1x42x288xi32, #tpu.memory_space<hbm>> -> memref<42x288xi32, #tpu.memory_space<hbm>>
          %dma_wait3A_973 = arith.constant 0 : i32
          %dma_wait3A_974 = tpu.memref_slice %dma_wait3A_972[%select_n3A_956, %dma_wait3A_973] : memref<42x288xi32, #tpu.memory_space<hbm>> -> memref<1x288xi32, #tpu.memory_space<hbm>>
          %dma_wait3A_975 = arith.constant 0 : i32
          %dma_wait3A_976 = arith.constant 0 : i32
          %dma_wait3A_977 = tpu.memref_slice %arg3[%add3A, %dma_wait3A_975, %dma_wait3A_976] : memref<32x42x288xi32, #tpu.memory_space<hbm>> -> memref<1x42x288xi32, #tpu.memory_space<hbm>>
          %dma_wait3A_978 = tpu.memref_squeeze %dma_wait3A_977 : memref<1x42x288xi32, #tpu.memory_space<hbm>> -> memref<42x288xi32, #tpu.memory_space<hbm>>
          %dma_wait3A_979 = arith.constant 0 : i32
          %dma_wait3A_980 = tpu.memref_slice %dma_wait3A_978[%select_n3A_956, %dma_wait3A_979] : memref<42x288xi32, #tpu.memory_space<hbm>> -> memref<1x288xi32, #tpu.memory_space<hbm>>
          tpu.wait_dma2 semaphore(%run_scoped3A : memref<!tpu.dma_semaphore, #tpu.memory_space<semaphore_mem>>) src(%dma_wait3A_980 : memref<1x288xi32, #tpu.memory_space<hbm>>) dst(%arg10 : memref<1x288xi32, #tpu.memory_space<vmem>>)
          tpu.yield
        }) : () -> ()
      } else {
      }
      %sub3A_790 = arith.constant 6 : i32
      %sub3A_791 = arith.subi %add3A_766, %sub3A_790 : i32
      %lt3A_792 = arith.cmpi slt, %sub3A_791, %select_n3A : i32
      %convert_element_type3A_793 = arith.extui %lt3A_792 : i1 to i32
      %cond3A_794 = arith.constant 0 : i32
      %cond3A_795 = arith.cmpi ne, %convert_element_type3A_793, %cond3A_794 : i32
      scf.if %cond3A_795 {
        %dma_wait3A_935 = arith.constant 0 : i32
        %dma_wait3A_936 = arith.constant 0 : i32
        %dma_wait3A_937 = tpu.memref_slice %arg19[%dma_wait3A_935, %dma_wait3A_936] : memref<1x32xi32, #tpu.memory_space<vmem>> -> memref<1x32xi32, #tpu.memory_space<vmem>>
        %dma_wait3A_938 = tpu.memref_squeeze %dma_wait3A_937 : memref<1x32xi32, #tpu.memory_space<vmem>> -> memref<32xi32, #tpu.memory_space<vmem>>
        %dma_wait3A_939 = arith.constant 0 : i32
        %dma_wait3A_940 = arith.constant 0 : i32
        %dma_wait3A_941 = tpu.memref_slice %arg38[%dma_wait3A_939, %dma_wait3A_940] : memref<10240x128xf32, #tpu.memory_space<vmem_shared>> -> memref<10240x128xf32, #tpu.memory_space<vmem_shared>>
        tpu.wait_indirect_dma semaphore(%arg48 : memref<!tpu.dma_semaphore, #tpu.memory_space<semaphore_mem>>) src(%arg31 : memref<32x128xf32, #tpu.memory_space<vmem>>) dst(%dma_wait3A_941 : memref<10240x128xf32, #tpu.memory_space<vmem_shared>>)
        %dma_wait3A_942 = arith.constant 0 : i32
        %dma_wait3A_943 = arith.constant 0 : i32
        %dma_wait3A_944 = tpu.memref_slice %arg19[%dma_wait3A_942, %dma_wait3A_943] : memref<1x32xi32, #tpu.memory_space<vmem>> -> memref<1x32xi32, #tpu.memory_space<vmem>>
        %dma_wait3A_945 = tpu.memref_squeeze %dma_wait3A_944 : memref<1x32xi32, #tpu.memory_space<vmem>> -> memref<32xi32, #tpu.memory_space<vmem>>
        %dma_wait3A_946 = arith.constant 0 : i32
        %dma_wait3A_947 = tpu.memref_slice %arg39[%dma_wait3A_946] : memref<10240xf32, #tpu.memory_space<vmem_shared>> -> memref<10240xf32, #tpu.memory_space<vmem_shared>>
        tpu.wait_indirect_dma semaphore(%arg54 : memref<!tpu.dma_semaphore, #tpu.memory_space<semaphore_mem>>) src(%arg25 : memref<32xf32, #tpu.memory_space<vmem>>) dst(%dma_wait3A_947 : memref<10240xf32, #tpu.memory_space<vmem_shared>>)
      } else {
      }
      %lt3A_796 = arith.cmpi slt, %add3A_766, %select_n3A : i32
      %convert_element_type3A_797 = arith.extui %lt3A_796 : i1 to i32
      %cond3A_798 = arith.constant 0 : i32
      %cond3A_799 = arith.cmpi ne, %convert_element_type3A_797, %cond3A_798 : i32
      scf.if %cond3A_799 {
        %jit3A_935 = arith.constant 9 : i32
        %eq3A_936 = arith.constant 0 : i32
        %eq3A_937 = arith.cmpi eq, %jit3A_935, %eq3A_936 : i32
        %jit3A_938 = arith.constant 1 : i32
        %select_n3A_939 = arith.select %eq3A_937, %jit3A_938, %jit3A_935 : i32
        %rem3A_940 = arith.remsi %add3A_766, %select_n3A_939 : i32
        %ne3A_941 = arith.constant 0 : i32
        %ne3A_942 = arith.cmpi ne, %rem3A_940, %ne3A_941 : i32
        %lt3A_943 = arith.constant 0 : i32
        %lt3A_944 = arith.cmpi slt, %rem3A_940, %lt3A_943 : i32
        %lt3A_945 = arith.constant 0 : i32
        %lt3A_946 = arith.cmpi slt, %select_n3A_939, %lt3A_945 : i32
        %ne3A_947 = arith.xori %lt3A_944, %lt3A_946 : i1
        %and3A_948 = arith.andi %ne3A_947, %ne3A_942 : i1
        %add3A_949 = arith.addi %rem3A_940, %select_n3A_939 : i32
        %select_n3A_950 = arith.select %and3A_948, %add3A_949, %rem3A_940 : i32
        %mul3A_951 = arith.constant 32 : i32
        %mul3A_952 = arith.muli %select_n3A_950, %mul3A_951 : i32
        %add3A_953 = arith.constant 0 : i32
        %add3A_954 = arith.addi %mul3A_952, %add3A_953 : i32
        %get3A_955 = arith.constant 0 : i32
        %get3A_956 = arith.index_cast %get3A_955 : i32 to index
        %get3A_957 = arith.index_cast %add3A_954 : i32 to index
        %get3A_958 = tpu.vector_load %arg9[%get3A_956, %get3A_957] {strides = array<i32>} : memref<1x288xi32, #tpu.memory_space<vmem>>, vector<16xi32>,
        %mul3A_959 = arith.constant 32 : i32
        %mul3A_960 = arith.muli %select_n3A_950, %mul3A_959 : i32
        %add3A_961 = arith.constant 0 : i32
        %add3A_962 = arith.addi %mul3A_960, %add3A_961 : i32
        %get3A_963 = arith.constant 0 : i32
        %get3A_964 = arith.index_cast %get3A_963 : i32 to index
        %get3A_965 = arith.index_cast %add3A_962 : i32 to index
        %get3A_966 = tpu.vector_load %arg10[%get3A_964, %get3A_965] {strides = array<i32>} : memref<1x288xi32, #tpu.memory_space<vmem>>, vector<16xi32>,
        %swap3A_967 = arith.constant 0 : i32
        %swap3A_968 = arith.index_cast %swap3A_967 : i32 to index
        %swap3A_969 = arith.constant 0 : index
        %swap3A_970 = tpu.vector_load %arg13[%swap3A_968, %swap3A_969] {strides = array<i32>} : memref<1x32xi32, #tpu.memory_space<vmem>>, vector<16xi32>,
        tpu.vector_store %arg13[%swap3A_968, %swap3A_969], %get3A_958 {strides = array<i32>} : memref<1x32xi32, #tpu.memory_space<vmem>>, vector<16xi32>,
        %swap3A_971 = arith.constant 0 : i32
        %swap3A_972 = arith.index_cast %swap3A_971 : i32 to index
        %swap3A_973 = arith.constant 0 : index
        %swap3A_974 = tpu.vector_load %arg19[%swap3A_972, %swap3A_973] {strides = array<i32>} : memref<1x32xi32, #tpu.memory_space<vmem>>, vector<16xi32>,
        tpu.vector_store %arg19[%swap3A_972, %swap3A_973], %get3A_966 {strides = array<i32>} : memref<1x32xi32, #tpu.memory_space<vmem>>, vector<16xi32>,
        %gather3A_975 = tpu.vector_load_idx %arg35[%get3A_958] : memref<10000xf32, #tpu.memory_space<vmem>>[vector<16xi32>], vector<16xf32>,
        %gather3A_976 = tpu.vector_load_idx %arg36[%get3A_966] : memref<10000xf32, #tpu.memory_space<vmem>>[vector<16xi32>], vector<16xf32>,
        %add3A_977 = arith.addf %gather3A_975, %gather3A_976 : vector<16xf32>
        %mul3A_978 = arith.constant 32 : i32
        %mul3A_979 = arith.muli %add3A_766, %mul3A_978 : i32
        %add3A_980 = arith.constant 0 : i32
        %add3A_981 = arith.addi %mul3A_979, %add3A_980 : i32
        %mul3A_982 = arith.constant 32 : i32
        %mul3A_983 = arith.muli %select_n3A_950, %mul3A_982 : i32
        %add3A_984 = arith.constant 16 : i32
        %add3A_985 = arith.addi %mul3A_983, %add3A_984 : i32
        %get3A_986 = arith.constant 0 : i32
        %get3A_987 = arith.index_cast %get3A_986 : i32 to index
        %get3A_988 = arith.index_cast %add3A_985 : i32 to index
        %get3A_989 = tpu.vector_load %arg9[%get3A_987, %get3A_988] {strides = array<i32>} : memref<1x288xi32, #tpu.memory_space<vmem>>, vector<16xi32>,
        %mul3A_990 = arith.constant 32 : i32
        %mul3A_991 = arith.muli %select_n3A_950, %mul3A_990 : i32
        %add3A_992 = arith.constant 16 : i32
        %add3A_993 = arith.addi %mul3A_991, %add3A_992 : i32
        %get3A_994 = arith.constant 0 : i32
        %get3A_995 = arith.index_cast %get3A_994 : i32 to index
        %get3A_996 = arith.index_cast %add3A_993 : i32 to index
        %get3A_997 = tpu.vector_load %arg10[%get3A_995, %get3A_996] {strides = array<i32>} : memref<1x288xi32, #tpu.memory_space<vmem>>, vector<16xi32>,
        %swap3A_998 = arith.constant 0 : i32
        %swap3A_999 = arith.index_cast %swap3A_998 : i32 to index
        %swap3A_1000 = arith.constant 16 : index
        %swap3A_1001 = tpu.vector_load %arg13[%swap3A_999, %swap3A_1000] {strides = array<i32>} : memref<1x32xi32, #tpu.memory_space<vmem>>, vector<16xi32>,
        tpu.vector_store %arg13[%swap3A_999, %swap3A_1000], %get3A_989 {strides = array<i32>} : memref<1x32xi32, #tpu.memory_space<vmem>>, vector<16xi32>,
        %swap3A_1002 = arith.constant 0 : i32
        %swap3A_1003 = arith.index_cast %swap3A_1002 : i32 to index
        %swap3A_1004 = arith.constant 16 : index
        %swap3A_1005 = tpu.vector_load %arg19[%swap3A_1003, %swap3A_1004] {strides = array<i32>} : memref<1x32xi32, #tpu.memory_space<vmem>>, vector<16xi32>,
        tpu.vector_store %arg19[%swap3A_1003, %swap3A_1004], %get3A_997 {strides = array<i32>} : memref<1x32xi32, #tpu.memory_space<vmem>>, vector<16xi32>,
        %gather3A_1006 = tpu.vector_load_idx %arg35[%get3A_989] : memref<10000xf32, #tpu.memory_space<vmem>>[vector<16xi32>], vector<16xf32>,
        %gather3A_1007 = tpu.vector_load_idx %arg36[%get3A_997] : memref<10000xf32, #tpu.memory_space<vmem>>[vector<16xi32>], vector<16xf32>,
        %add3A_1008 = arith.addf %gather3A_1006, %gather3A_1007 : vector<16xf32>
        %mul3A_1009 = arith.constant 32 : i32
        %mul3A_1010 = arith.muli %add3A_766, %mul3A_1009 : i32
        %add3A_1011 = arith.constant 16 : i32
        %add3A_1012 = arith.addi %mul3A_1010, %add3A_1011 : i32
        %dma_start3A_1013 = arith.constant 0 : i32
        %dma_start3A_1014 = arith.constant 0 : i32
        %dma_start3A_1015 = tpu.memref_slice %arg13[%dma_start3A_1013, %dma_start3A_1014] : memref<1x32xi32, #tpu.memory_space<vmem>> -> memref<1x32xi32, #tpu.memory_space<vmem>>
        %dma_start3A_1016 = tpu.memref_squeeze %dma_start3A_1015 : memref<1x32xi32, #tpu.memory_space<vmem>> -> memref<32xi32, #tpu.memory_space<vmem>>
        %dma_start3A_1017 = arith.constant 0 : i32
        %dma_start3A_1018 = arith.constant 0 : i32
        %dma_start3A_1019 = tpu.memref_slice %arg4[%dma_start3A_1017, %dma_start3A_1018] : memref<10240x128xf32, #tpu.memory_space<hbm>> -> memref<10240x128xf32, #tpu.memory_space<hbm>>
        tpu.enqueue_indirect_dma source(%dma_start3A_1019 : memref<10240x128xf32, #tpu.memory_space<hbm>>) target(%arg31 : memref<32x128xf32, #tpu.memory_space<vmem>>) offsets(%dma_start3A_1016 : memref<32xi32, #tpu.memory_space<vmem>>) semaphore(%arg42 : memref<!tpu.dma_semaphore, #tpu.memory_space<semaphore_mem>>)
        %gt3A_1020 = arith.constant 0.000000e+00 : f32
        %gt3A_1021 = vector.broadcast %gt3A_1020 : f32 to vector<16xf32>
        %gt3A_1022 = arith.cmpf ogt, %add3A_977, %gt3A_1021 : vector<16xf32>
        %mul3A_1023 = arith.constant 2.000000e-01 : f32
        %mul3A_1024 = vector.broadcast %mul3A_1023 : f32 to vector<16xf32>
        %mul3A_1025 = arith.mulf %add3A_977, %mul3A_1024 : vector<16xf32>
        %select_n3A_1026 = arith.select %gt3A_1022, %add3A_977, %mul3A_1025 : vector<16xi1>, vector<16xf32>
        %exp3A_1027 = math.exp %select_n3A_1026 : vector<16xf32>
        %add3A_1028 = arith.addi %select_n3A_11, %add3A_981 : i32
        %iota3A_1029 = tpu.iota {dimensions = array<i32: 0>} : vector<16xi32>
        %add3A_1030 = vector.broadcast %add3A_1028 : i32 to vector<16xi32>
        %add3A_1031 = arith.addi %add3A_1030, %iota3A_1029 : vector<16xi32>
        %lt3A_1032 = arith.constant 330000 : i32
        %lt3A_1033 = vector.broadcast %lt3A_1032 : i32 to vector<16xi32>
        %lt3A_1034 = arith.cmpi slt, %add3A_1031, %lt3A_1033 : vector<16xi32>
        %jit3A_1035 = arith.constant 0.000000e+00 : f32
        %broadcast_in_dim3A_1036 = vector.broadcast %jit3A_1035 : f32 to vector<16xf32>
        %select_n3A_1037 = arith.select %lt3A_1034, %exp3A_1027, %broadcast_in_dim3A_1036 : vector<16xi1>, vector<16xf32>
        %swap3A_1038 = arith.constant 0 : index
        %swap3A_1039 = tpu.vector_load %arg25[%swap3A_1038] {strides = array<i32>} : memref<32xf32, #tpu.memory_space<vmem>>, vector<16xf32>,
        tpu.vector_store %arg25[%swap3A_1038], %select_n3A_1037 {strides = array<i32>} : memref<32xf32, #tpu.memory_space<vmem>>, vector<16xf32>,
        %gt3A_1040 = arith.constant 0.000000e+00 : f32
        %gt3A_1041 = vector.broadcast %gt3A_1040 : f32 to vector<16xf32>
        %gt3A_1042 = arith.cmpf ogt, %add3A_1008, %gt3A_1041 : vector<16xf32>
        %mul3A_1043 = arith.constant 2.000000e-01 : f32
        %mul3A_1044 = vector.broadcast %mul3A_1043 : f32 to vector<16xf32>
        %mul3A_1045 = arith.mulf %add3A_1008, %mul3A_1044 : vector<16xf32>
        %select_n3A_1046 = arith.select %gt3A_1042, %add3A_1008, %mul3A_1045 : vector<16xi1>, vector<16xf32>
        %exp3A_1047 = math.exp %select_n3A_1046 : vector<16xf32>
        %add3A_1048 = arith.addi %select_n3A_11, %add3A_1012 : i32
        %iota3A_1049 = tpu.iota {dimensions = array<i32: 0>} : vector<16xi32>
        %add3A_1050 = vector.broadcast %add3A_1048 : i32 to vector<16xi32>
        %add3A_1051 = arith.addi %add3A_1050, %iota3A_1049 : vector<16xi32>
        %lt3A_1052 = arith.constant 330000 : i32
        %lt3A_1053 = vector.broadcast %lt3A_1052 : i32 to vector<16xi32>
        %lt3A_1054 = arith.cmpi slt, %add3A_1051, %lt3A_1053 : vector<16xi32>
        %jit3A_1055 = arith.constant 0.000000e+00 : f32
        %broadcast_in_dim3A_1056 = vector.broadcast %jit3A_1055 : f32 to vector<16xf32>
        %select_n3A_1057 = arith.select %lt3A_1054, %exp3A_1047, %broadcast_in_dim3A_1056 : vector<16xi1>, vector<16xf32>
        %swap3A_1058 = arith.constant 16 : index
        %swap3A_1059 = tpu.vector_load %arg25[%swap3A_1058] {strides = array<i32>} : memref<32xf32, #tpu.memory_space<vmem>>, vector<16xf32>,
        tpu.vector_store %arg25[%swap3A_1058], %select_n3A_1057 {strides = array<i32>} : memref<32xf32, #tpu.memory_space<vmem>>, vector<16xf32>,
      } else {
      }
      %sub3A_800 = arith.constant 4 : i32
      %sub3A_801 = arith.subi %add3A_766, %sub3A_800 : i32
      %lt3A_802 = arith.cmpi slt, %sub3A_801, %select_n3A : i32
      %convert_element_type3A_803 = arith.extui %lt3A_802 : i1 to i32
      %cond3A_804 = arith.constant 0 : i32
      %cond3A_805 = arith.cmpi ne, %convert_element_type3A_803, %cond3A_804 : i32
      scf.if %cond3A_805 {
        %dma_wait3A_935 = arith.constant 0 : i32
        %dma_wait3A_936 = arith.constant 0 : i32
        %dma_wait3A_937 = tpu.memref_slice %arg15[%dma_wait3A_935, %dma_wait3A_936] : memref<1x32xi32, #tpu.memory_space<vmem>> -> memref<1x32xi32, #tpu.memory_space<vmem>>
        %dma_wait3A_938 = tpu.memref_squeeze %dma_wait3A_937 : memref<1x32xi32, #tpu.memory_space<vmem>> -> memref<32xi32, #tpu.memory_space<vmem>>
        %dma_wait3A_939 = arith.constant 0 : i32
        %dma_wait3A_940 = arith.constant 0 : i32
        %dma_wait3A_941 = tpu.memref_slice %arg4[%dma_wait3A_939, %dma_wait3A_940] : memref<10240x128xf32, #tpu.memory_space<hbm>> -> memref<10240x128xf32, #tpu.memory_space<hbm>>
        tpu.wait_indirect_dma semaphore(%arg44 : memref<!tpu.dma_semaphore, #tpu.memory_space<semaphore_mem>>) src(%dma_wait3A_941 : memref<10240x128xf32, #tpu.memory_space<hbm>>) dst(%arg33 : memref<32x128xf32, #tpu.memory_space<vmem>>)
        %scan3A_942 = arith.constant 0 : i32
        %scan3A_943 = arith.constant 0 : i32
        %scan3A_944 = arith.constant 32 : i32
        %scan3A_945 = arith.addi %scan3A_943, %scan3A_944 : i32
        %scan3A_946 = arith.constant 1 : i32
        scf.for %scan3A_961 = %scan3A_943 to %scan3A_945 step %scan3A_946  : i32 {
          %broadcast_in_dim3A_962 = vector.broadcast %scan3A_961 : i32 to vector<16xi32>
          %gather3A_963 = tpu.vector_load_idx %arg27[%broadcast_in_dim3A_962] : memref<32xf32, #tpu.memory_space<vmem>>[vector<16xi32>], vector<16xf32>,
          %get3A_964 = arith.index_cast %scan3A_961 : i32 to index
          %get3A_965 = arith.constant 0 : index
          %get3A_966 = tpu.vector_load %arg33[%get3A_964, %get3A_965] {strides = array<i32>} : memref<32x128xf32, #tpu.memory_space<vmem>>, vector<16xf32>,
          %mul3A_967 = arith.mulf %get3A_966, %gather3A_963 : vector<16xf32>
          %swap3A_968 = arith.index_cast %scan3A_961 : i32 to index
          %swap3A_969 = arith.constant 0 : index
          %swap3A_970 = tpu.vector_load %arg33[%swap3A_968, %swap3A_969] {strides = array<i32>} : memref<32x128xf32, #tpu.memory_space<vmem>>, vector<16xf32>,
          tpu.vector_store %arg33[%swap3A_968, %swap3A_969], %mul3A_967 {strides = array<i32>} : memref<32x128xf32, #tpu.memory_space<vmem>>, vector<16xf32>,
          %get3A_971 = arith.index_cast %scan3A_961 : i32 to index
          %get3A_972 = arith.constant 16 : index
          %get3A_973 = tpu.vector_load %arg33[%get3A_971, %get3A_972] {strides = array<i32>} : memref<32x128xf32, #tpu.memory_space<vmem>>, vector<16xf32>,
          %mul3A_974 = arith.mulf %get3A_973, %gather3A_963 : vector<16xf32>
          %swap3A_975 = arith.index_cast %scan3A_961 : i32 to index
          %swap3A_976 = arith.constant 16 : index
          %swap3A_977 = tpu.vector_load %arg33[%swap3A_975, %swap3A_976] {strides = array<i32>} : memref<32x128xf32, #tpu.memory_space<vmem>>, vector<16xf32>,
          tpu.vector_store %arg33[%swap3A_975, %swap3A_976], %mul3A_974 {strides = array<i32>} : memref<32x128xf32, #tpu.memory_space<vmem>>, vector<16xf32>,
          %get3A_978 = arith.index_cast %scan3A_961 : i32 to index
          %get3A_979 = arith.constant 32 : index
          %get3A_980 = tpu.vector_load %arg33[%get3A_978, %get3A_979] {strides = array<i32>} : memref<32x128xf32, #tpu.memory_space<vmem>>, vector<16xf32>,
          %mul3A_981 = arith.mulf %get3A_980, %gather3A_963 : vector<16xf32>
          %swap3A_982 = arith.index_cast %scan3A_961 : i32 to index
          %swap3A_983 = arith.constant 32 : index
          %swap3A_984 = tpu.vector_load %arg33[%swap3A_982, %swap3A_983] {strides = array<i32>} : memref<32x128xf32, #tpu.memory_space<vmem>>, vector<16xf32>,
          tpu.vector_store %arg33[%swap3A_982, %swap3A_983], %mul3A_981 {strides = array<i32>} : memref<32x128xf32, #tpu.memory_space<vmem>>, vector<16xf32>,
          %get3A_985 = arith.index_cast %scan3A_961 : i32 to index
          %get3A_986 = arith.constant 48 : index
          %get3A_987 = tpu.vector_load %arg33[%get3A_985, %get3A_986] {strides = array<i32>} : memref<32x128xf32, #tpu.memory_space<vmem>>, vector<16xf32>,
          %mul3A_988 = arith.mulf %get3A_987, %gather3A_963 : vector<16xf32>
          %swap3A_989 = arith.index_cast %scan3A_961 : i32 to index
          %swap3A_990 = arith.constant 48 : index
          %swap3A_991 = tpu.vector_load %arg33[%swap3A_989, %swap3A_990] {strides = array<i32>} : memref<32x128xf32, #tpu.memory_space<vmem>>, vector<16xf32>,
          tpu.vector_store %arg33[%swap3A_989, %swap3A_990], %mul3A_988 {strides = array<i32>} : memref<32x128xf32, #tpu.memory_space<vmem>>, vector<16xf32>,
          %get3A_992 = arith.index_cast %scan3A_961 : i32 to index
          %get3A_993 = arith.constant 64 : index
          %get3A_994 = tpu.vector_load %arg33[%get3A_992, %get3A_993] {strides = array<i32>} : memref<32x128xf32, #tpu.memory_space<vmem>>, vector<16xf32>,
          %mul3A_995 = arith.mulf %get3A_994, %gather3A_963 : vector<16xf32>
          %swap3A_996 = arith.index_cast %scan3A_961 : i32 to index
          %swap3A_997 = arith.constant 64 : index
          %swap3A_998 = tpu.vector_load %arg33[%swap3A_996, %swap3A_997] {strides = array<i32>} : memref<32x128xf32, #tpu.memory_space<vmem>>, vector<16xf32>,
          tpu.vector_store %arg33[%swap3A_996, %swap3A_997], %mul3A_995 {strides = array<i32>} : memref<32x128xf32, #tpu.memory_space<vmem>>, vector<16xf32>,
          %get3A_999 = arith.index_cast %scan3A_961 : i32 to index
          %get3A_1000 = arith.constant 80 : index
          %get3A_1001 = tpu.vector_load %arg33[%get3A_999, %get3A_1000] {strides = array<i32>} : memref<32x128xf32, #tpu.memory_space<vmem>>, vector<16xf32>,
          %mul3A_1002 = arith.mulf %get3A_1001, %gather3A_963 : vector<16xf32>
          %swap3A_1003 = arith.index_cast %scan3A_961 : i32 to index
          %swap3A_1004 = arith.constant 80 : index
          %swap3A_1005 = tpu.vector_load %arg33[%swap3A_1003, %swap3A_1004] {strides = array<i32>} : memref<32x128xf32, #tpu.memory_space<vmem>>, vector<16xf32>,
          tpu.vector_store %arg33[%swap3A_1003, %swap3A_1004], %mul3A_1002 {strides = array<i32>} : memref<32x128xf32, #tpu.memory_space<vmem>>, vector<16xf32>,
          %get3A_1006 = arith.index_cast %scan3A_961 : i32 to index
          %get3A_1007 = arith.constant 96 : index
          %get3A_1008 = tpu.vector_load %arg33[%get3A_1006, %get3A_1007] {strides = array<i32>} : memref<32x128xf32, #tpu.memory_space<vmem>>, vector<16xf32>,
          %mul3A_1009 = arith.mulf %get3A_1008, %gather3A_963 : vector<16xf32>
          %swap3A_1010 = arith.index_cast %scan3A_961 : i32 to index
          %swap3A_1011 = arith.constant 96 : index
          %swap3A_1012 = tpu.vector_load %arg33[%swap3A_1010, %swap3A_1011] {strides = array<i32>} : memref<32x128xf32, #tpu.memory_space<vmem>>, vector<16xf32>,
          tpu.vector_store %arg33[%swap3A_1010, %swap3A_1011], %mul3A_1009 {strides = array<i32>} : memref<32x128xf32, #tpu.memory_space<vmem>>, vector<16xf32>,
          %get3A_1013 = arith.index_cast %scan3A_961 : i32 to index
          %get3A_1014 = arith.constant 112 : index
          %get3A_1015 = tpu.vector_load %arg33[%get3A_1013, %get3A_1014] {strides = array<i32>} : memref<32x128xf32, #tpu.memory_space<vmem>>, vector<16xf32>,
          %mul3A_1016 = arith.mulf %get3A_1015, %gather3A_963 : vector<16xf32>
          %swap3A_1017 = arith.index_cast %scan3A_961 : i32 to index
          %swap3A_1018 = arith.constant 112 : index
          %swap3A_1019 = tpu.vector_load %arg33[%swap3A_1017, %swap3A_1018] {strides = array<i32>} : memref<32x128xf32, #tpu.memory_space<vmem>>, vector<16xf32>,
          tpu.vector_store %arg33[%swap3A_1017, %swap3A_1018], %mul3A_1016 {strides = array<i32>} : memref<32x128xf32, #tpu.memory_space<vmem>>, vector<16xf32>,
        }
        %scan3A_947 = arith.constant 32 : i32
        %dma_start3A_948 = arith.constant 0 : i32
        %dma_start3A_949 = arith.constant 0 : i32
        %dma_start3A_950 = tpu.memref_slice %arg21[%dma_start3A_948, %dma_start3A_949] : memref<1x32xi32, #tpu.memory_space<vmem>> -> memref<1x32xi32, #tpu.memory_space<vmem>>
        %dma_start3A_951 = tpu.memref_squeeze %dma_start3A_950 : memref<1x32xi32, #tpu.memory_space<vmem>> -> memref<32xi32, #tpu.memory_space<vmem>>
        %dma_start3A_952 = arith.constant 0 : i32
        %dma_start3A_953 = arith.constant 0 : i32
        %dma_start3A_954 = tpu.memref_slice %arg38[%dma_start3A_952, %dma_start3A_953] : memref<10240x128xf32, #tpu.memory_space<vmem_shared>> -> memref<10240x128xf32, #tpu.memory_space<vmem_shared>>
        tpu.enqueue_indirect_dma source(%arg33 : memref<32x128xf32, #tpu.memory_space<vmem>>) target(%dma_start3A_954 : memref<10240x128xf32, #tpu.memory_space<vmem_shared>>) offsets(%dma_start3A_951 : memref<32xi32, #tpu.memory_space<vmem>>) semaphore(%arg50 : memref<!tpu.dma_semaphore, #tpu.memory_space<semaphore_mem>>) {add = true}
        %dma_start3A_955 = arith.constant 0 : i32
        %dma_start3A_956 = arith.constant 0 : i32
        %dma_start3A_957 = tpu.memref_slice %arg21[%dma_start3A_955, %dma_start3A_956] : memref<1x32xi32, #tpu.memory_space<vmem>> -> memref<1x32xi32, #tpu.memory_space<vmem>>
        %dma_start3A_958 = tpu.memref_squeeze %dma_start3A_957 : memref<1x32xi32, #tpu.memory_space<vmem>> -> memref<32xi32, #tpu.memory_space<vmem>>
        %dma_start3A_959 = arith.constant 0 : i32
        %dma_start3A_960 = tpu.memref_slice %arg39[%dma_start3A_959] : memref<10240xf32, #tpu.memory_space<vmem_shared>> -> memref<10240xf32, #tpu.memory_space<vmem_shared>>
        tpu.enqueue_indirect_dma source(%arg27 : memref<32xf32, #tpu.memory_space<vmem>>) target(%dma_start3A_960 : memref<10240xf32, #tpu.memory_space<vmem_shared>>) offsets(%dma_start3A_958 : memref<32xi32, #tpu.memory_space<vmem>>) semaphore(%arg56 : memref<!tpu.dma_semaphore, #tpu.memory_space<semaphore_mem>>) {add = true}
      } else {
      }
      %mul3A_806 = arith.constant 6 : i32
      %mul3A_807 = arith.muli %mul3A_806, %scan3A_682 : i32
      %add3A_808 = arith.constant 3 : i32
      %add3A_809 = arith.addi %mul3A_807, %add3A_808 : i32
      %jit3A_810 = arith.constant 9 : i32
      %eq3A_811 = arith.constant 0 : i32
      %eq3A_812 = arith.cmpi eq, %jit3A_810, %eq3A_811 : i32
      %jit3A_813 = arith.constant 1 : i32
      %select_n3A_814 = arith.select %eq3A_812, %jit3A_813, %jit3A_810 : i32
      %rem3A_815 = arith.remsi %add3A_809, %select_n3A_814 : i32
      %ne3A_816 = arith.constant 0 : i32
      %ne3A_817 = arith.cmpi ne, %rem3A_815, %ne3A_816 : i32
      %lt3A_818 = arith.constant 0 : i32
      %lt3A_819 = arith.cmpi slt, %rem3A_815, %lt3A_818 : i32
      %lt3A_820 = arith.constant 0 : i32
      %lt3A_821 = arith.cmpi slt, %select_n3A_814, %lt3A_820 : i32
      %ne3A_822 = arith.xori %lt3A_819, %lt3A_821 : i1
      %and3A_823 = arith.andi %ne3A_822, %ne3A_817 : i1
      %add3A_824 = arith.addi %rem3A_815, %select_n3A_814 : i32
      %select_n3A_825 = arith.select %and3A_823, %add3A_824, %rem3A_815 : i32
      %eq3A_826 = arith.constant 0 : i32
      %eq3A_827 = arith.cmpi eq, %select_n3A_825, %eq3A_826 : i32
      %lt3A_828 = arith.cmpi slt, %add3A_809, %select_n3A : i32
      %and3A_829 = arith.andi %eq3A_827, %lt3A_828 : i1
      %convert_element_type3A_830 = arith.extui %and3A_829 : i1 to i32
      %cond3A_831 = arith.constant 0 : i32
      %cond3A_832 = arith.cmpi ne, %convert_element_type3A_830, %cond3A_831 : i32
      scf.if %cond3A_832 {
        %jit3A_935 = arith.constant 9 : i32
        %div3A = arith.divsi %add3A_809, %jit3A_935 : i32
        %sign3A = arith.constant 0 : i32
        %sign3A_936 = arith.cmpi sgt, %add3A_809, %sign3A : i32
        %sign3A_937 = arith.extui %sign3A_936 : i1 to i32
        %sign3A_938 = arith.constant 0 : i32
        %sign3A_939 = arith.cmpi slt, %add3A_809, %sign3A_938 : i32
        %sign3A_940 = arith.extui %sign3A_939 : i1 to i32
        %sign3A_941 = arith.subi %sign3A_937, %sign3A_940 : i32
        %sign3A_942 = arith.constant 0 : i32
        %sign3A_943 = arith.cmpi sgt, %jit3A_935, %sign3A_942 : i32
        %sign3A_944 = arith.extui %sign3A_943 : i1 to i32
        %sign3A_945 = arith.constant 0 : i32
        %sign3A_946 = arith.cmpi slt, %jit3A_935, %sign3A_945 : i32
        %sign3A_947 = arith.extui %sign3A_946 : i1 to i32
        %sign3A_948 = arith.subi %sign3A_944, %sign3A_947 : i32
        %ne3A_949 = arith.cmpi ne, %sign3A_941, %sign3A_948 : i32
        %rem3A_950 = arith.remsi %add3A_809, %jit3A_935 : i32
        %ne3A_951 = arith.constant 0 : i32
        %ne3A_952 = arith.cmpi ne, %rem3A_950, %ne3A_951 : i32
        %and3A_953 = arith.andi %ne3A_949, %ne3A_952 : i1
        %sub3A_954 = arith.constant 1 : i32
        %sub3A_955 = arith.subi %div3A, %sub3A_954 : i32
        %select_n3A_956 = arith.select %and3A_953, %sub3A_955, %div3A : i32
        "tpu.region"() ({
          %run_scoped3A = tpu.sem_alloc : memref<!tpu.dma_semaphore, #tpu.memory_space<semaphore_mem>>
          %dma_start3A_957 = arith.constant 0 : i32
          %dma_start3A_958 = arith.constant 0 : i32
          %dma_start3A_959 = tpu.memref_slice %arg2[%add3A, %dma_start3A_957, %dma_start3A_958] : memref<32x42x288xi32, #tpu.memory_space<hbm>> -> memref<1x42x288xi32, #tpu.memory_space<hbm>>
          %dma_start3A_960 = tpu.memref_squeeze %dma_start3A_959 : memref<1x42x288xi32, #tpu.memory_space<hbm>> -> memref<42x288xi32, #tpu.memory_space<hbm>>
          %dma_start3A_961 = arith.constant 0 : i32
          %dma_start3A_962 = tpu.memref_slice %dma_start3A_960[%select_n3A_956, %dma_start3A_961] : memref<42x288xi32, #tpu.memory_space<hbm>> -> memref<1x288xi32, #tpu.memory_space<hbm>>
          %dma_start3A_963 = arith.constant 0 : i32
          %dma_start3A_964 = arith.constant 0 : i32
          %dma_start3A_965 = tpu.memref_slice %arg2[%add3A, %dma_start3A_963, %dma_start3A_964] : memref<32x42x288xi32, #tpu.memory_space<hbm>> -> memref<1x42x288xi32, #tpu.memory_space<hbm>>
          %dma_start3A_966 = tpu.memref_squeeze %dma_start3A_965 : memref<1x42x288xi32, #tpu.memory_space<hbm>> -> memref<42x288xi32, #tpu.memory_space<hbm>>
          %dma_start3A_967 = arith.constant 0 : i32
          %dma_start3A_968 = tpu.memref_slice %dma_start3A_966[%select_n3A_956, %dma_start3A_967] : memref<42x288xi32, #tpu.memory_space<hbm>> -> memref<1x288xi32, #tpu.memory_space<hbm>>
          tpu.enqueue_dma source(%dma_start3A_968 : memref<1x288xi32, #tpu.memory_space<hbm>>) target(%arg9 : memref<1x288xi32, #tpu.memory_space<vmem>>) target_semaphore(%run_scoped3A : memref<!tpu.dma_semaphore, #tpu.memory_space<semaphore_mem>>)
          %dma_wait3A_969 = arith.constant 0 : i32
          %dma_wait3A_970 = arith.constant 0 : i32
          %dma_wait3A_971 = tpu.memref_slice %arg2[%add3A, %dma_wait3A_969, %dma_wait3A_970] : memref<32x42x288xi32, #tpu.memory_space<hbm>> -> memref<1x42x288xi32, #tpu.memory_space<hbm>>
          %dma_wait3A_972 = tpu.memref_squeeze %dma_wait3A_971 : memref<1x42x288xi32, #tpu.memory_space<hbm>> -> memref<42x288xi32, #tpu.memory_space<hbm>>
          %dma_wait3A_973 = arith.constant 0 : i32
          %dma_wait3A_974 = tpu.memref_slice %dma_wait3A_972[%select_n3A_956, %dma_wait3A_973] : memref<42x288xi32, #tpu.memory_space<hbm>> -> memref<1x288xi32, #tpu.memory_space<hbm>>
          %dma_wait3A_975 = arith.constant 0 : i32
          %dma_wait3A_976 = arith.constant 0 : i32
          %dma_wait3A_977 = tpu.memref_slice %arg2[%add3A, %dma_wait3A_975, %dma_wait3A_976] : memref<32x42x288xi32, #tpu.memory_space<hbm>> -> memref<1x42x288xi32, #tpu.memory_space<hbm>>
          %dma_wait3A_978 = tpu.memref_squeeze %dma_wait3A_977 : memref<1x42x288xi32, #tpu.memory_space<hbm>> -> memref<42x288xi32, #tpu.memory_space<hbm>>
          %dma_wait3A_979 = arith.constant 0 : i32
          %dma_wait3A_980 = tpu.memref_slice %dma_wait3A_978[%select_n3A_956, %dma_wait3A_979] : memref<42x288xi32, #tpu.memory_space<hbm>> -> memref<1x288xi32, #tpu.memory_space<hbm>>
          tpu.wait_dma2 semaphore(%run_scoped3A : memref<!tpu.dma_semaphore, #tpu.memory_space<semaphore_mem>>) src(%dma_wait3A_980 : memref<1x288xi32, #tpu.memory_space<hbm>>) dst(%arg9 : memref<1x288xi32, #tpu.memory_space<vmem>>)
          tpu.yield
        }) : () -> ()
        "tpu.region"() ({
          %run_scoped3A = tpu.sem_alloc : memref<!tpu.dma_semaphore, #tpu.memory_space<semaphore_mem>>
          %dma_start3A_957 = arith.constant 0 : i32
          %dma_start3A_958 = arith.constant 0 : i32
          %dma_start3A_959 = tpu.memref_slice %arg3[%add3A, %dma_start3A_957, %dma_start3A_958] : memref<32x42x288xi32, #tpu.memory_space<hbm>> -> memref<1x42x288xi32, #tpu.memory_space<hbm>>
          %dma_start3A_960 = tpu.memref_squeeze %dma_start3A_959 : memref<1x42x288xi32, #tpu.memory_space<hbm>> -> memref<42x288xi32, #tpu.memory_space<hbm>>
          %dma_start3A_961 = arith.constant 0 : i32
          %dma_start3A_962 = tpu.memref_slice %dma_start3A_960[%select_n3A_956, %dma_start3A_961] : memref<42x288xi32, #tpu.memory_space<hbm>> -> memref<1x288xi32, #tpu.memory_space<hbm>>
          %dma_start3A_963 = arith.constant 0 : i32
          %dma_start3A_964 = arith.constant 0 : i32
          %dma_start3A_965 = tpu.memref_slice %arg3[%add3A, %dma_start3A_963, %dma_start3A_964] : memref<32x42x288xi32, #tpu.memory_space<hbm>> -> memref<1x42x288xi32, #tpu.memory_space<hbm>>
          %dma_start3A_966 = tpu.memref_squeeze %dma_start3A_965 : memref<1x42x288xi32, #tpu.memory_space<hbm>> -> memref<42x288xi32, #tpu.memory_space<hbm>>
          %dma_start3A_967 = arith.constant 0 : i32
          %dma_start3A_968 = tpu.memref_slice %dma_start3A_966[%select_n3A_956, %dma_start3A_967] : memref<42x288xi32, #tpu.memory_space<hbm>> -> memref<1x288xi32, #tpu.memory_space<hbm>>
          tpu.enqueue_dma source(%dma_start3A_968 : memref<1x288xi32, #tpu.memory_space<hbm>>) target(%arg10 : memref<1x288xi32, #tpu.memory_space<vmem>>) target_semaphore(%run_scoped3A : memref<!tpu.dma_semaphore, #tpu.memory_space<semaphore_mem>>)
          %dma_wait3A_969 = arith.constant 0 : i32
          %dma_wait3A_970 = arith.constant 0 : i32
          %dma_wait3A_971 = tpu.memref_slice %arg3[%add3A, %dma_wait3A_969, %dma_wait3A_970] : memref<32x42x288xi32, #tpu.memory_space<hbm>> -> memref<1x42x288xi32, #tpu.memory_space<hbm>>
          %dma_wait3A_972 = tpu.memref_squeeze %dma_wait3A_971 : memref<1x42x288xi32, #tpu.memory_space<hbm>> -> memref<42x288xi32, #tpu.memory_space<hbm>>
          %dma_wait3A_973 = arith.constant 0 : i32
          %dma_wait3A_974 = tpu.memref_slice %dma_wait3A_972[%select_n3A_956, %dma_wait3A_973] : memref<42x288xi32, #tpu.memory_space<hbm>> -> memref<1x288xi32, #tpu.memory_space<hbm>>
          %dma_wait3A_975 = arith.constant 0 : i32
          %dma_wait3A_976 = arith.constant 0 : i32
          %dma_wait3A_977 = tpu.memref_slice %arg3[%add3A, %dma_wait3A_975, %dma_wait3A_976] : memref<32x42x288xi32, #tpu.memory_space<hbm>> -> memref<1x42x288xi32, #tpu.memory_space<hbm>>
          %dma_wait3A_978 = tpu.memref_squeeze %dma_wait3A_977 : memref<1x42x288xi32, #tpu.memory_space<hbm>> -> memref<42x288xi32, #tpu.memory_space<hbm>>
          %dma_wait3A_979 = arith.constant 0 : i32
          %dma_wait3A_980 = tpu.memref_slice %dma_wait3A_978[%select_n3A_956, %dma_wait3A_979] : memref<42x288xi32, #tpu.memory_space<hbm>> -> memref<1x288xi32, #tpu.memory_space<hbm>>
          tpu.wait_dma2 semaphore(%run_scoped3A : memref<!tpu.dma_semaphore, #tpu.memory_space<semaphore_mem>>) src(%dma_wait3A_980 : memref<1x288xi32, #tpu.memory_space<hbm>>) dst(%arg10 : memref<1x288xi32, #tpu.memory_space<vmem>>)
          tpu.yield
        }) : () -> ()
      } else {
      }
      %sub3A_833 = arith.constant 6 : i32
      %sub3A_834 = arith.subi %add3A_809, %sub3A_833 : i32
      %lt3A_835 = arith.cmpi slt, %sub3A_834, %select_n3A : i32
      %convert_element_type3A_836 = arith.extui %lt3A_835 : i1 to i32
      %cond3A_837 = arith.constant 0 : i32
      %cond3A_838 = arith.cmpi ne, %convert_element_type3A_836, %cond3A_837 : i32
      scf.if %cond3A_838 {
        %dma_wait3A_935 = arith.constant 0 : i32
        %dma_wait3A_936 = arith.constant 0 : i32
        %dma_wait3A_937 = tpu.memref_slice %arg20[%dma_wait3A_935, %dma_wait3A_936] : memref<1x32xi32, #tpu.memory_space<vmem>> -> memref<1x32xi32, #tpu.memory_space<vmem>>
        %dma_wait3A_938 = tpu.memref_squeeze %dma_wait3A_937 : memref<1x32xi32, #tpu.memory_space<vmem>> -> memref<32xi32, #tpu.memory_space<vmem>>
        %dma_wait3A_939 = arith.constant 0 : i32
        %dma_wait3A_940 = arith.constant 0 : i32
        %dma_wait3A_941 = tpu.memref_slice %arg38[%dma_wait3A_939, %dma_wait3A_940] : memref<10240x128xf32, #tpu.memory_space<vmem_shared>> -> memref<10240x128xf32, #tpu.memory_space<vmem_shared>>
        tpu.wait_indirect_dma semaphore(%arg49 : memref<!tpu.dma_semaphore, #tpu.memory_space<semaphore_mem>>) src(%arg32 : memref<32x128xf32, #tpu.memory_space<vmem>>) dst(%dma_wait3A_941 : memref<10240x128xf32, #tpu.memory_space<vmem_shared>>)
        %dma_wait3A_942 = arith.constant 0 : i32
        %dma_wait3A_943 = arith.constant 0 : i32
        %dma_wait3A_944 = tpu.memref_slice %arg20[%dma_wait3A_942, %dma_wait3A_943] : memref<1x32xi32, #tpu.memory_space<vmem>> -> memref<1x32xi32, #tpu.memory_space<vmem>>
        %dma_wait3A_945 = tpu.memref_squeeze %dma_wait3A_944 : memref<1x32xi32, #tpu.memory_space<vmem>> -> memref<32xi32, #tpu.memory_space<vmem>>
        %dma_wait3A_946 = arith.constant 0 : i32
        %dma_wait3A_947 = tpu.memref_slice %arg39[%dma_wait3A_946] : memref<10240xf32, #tpu.memory_space<vmem_shared>> -> memref<10240xf32, #tpu.memory_space<vmem_shared>>
        tpu.wait_indirect_dma semaphore(%arg55 : memref<!tpu.dma_semaphore, #tpu.memory_space<semaphore_mem>>) src(%arg26 : memref<32xf32, #tpu.memory_space<vmem>>) dst(%dma_wait3A_947 : memref<10240xf32, #tpu.memory_space<vmem_shared>>)
      } else {
      }
      %lt3A_839 = arith.cmpi slt, %add3A_809, %select_n3A : i32
      %convert_element_type3A_840 = arith.extui %lt3A_839 : i1 to i32
      %cond3A_841 = arith.constant 0 : i32
      %cond3A_842 = arith.cmpi ne, %convert_element_type3A_840, %cond3A_841 : i32
      scf.if %cond3A_842 {
        %jit3A_935 = arith.constant 9 : i32
        %eq3A_936 = arith.constant 0 : i32
        %eq3A_937 = arith.cmpi eq, %jit3A_935, %eq3A_936 : i32
        %jit3A_938 = arith.constant 1 : i32
        %select_n3A_939 = arith.select %eq3A_937, %jit3A_938, %jit3A_935 : i32
        %rem3A_940 = arith.remsi %add3A_809, %select_n3A_939 : i32
        %ne3A_941 = arith.constant 0 : i32
        %ne3A_942 = arith.cmpi ne, %rem3A_940, %ne3A_941 : i32
        %lt3A_943 = arith.constant 0 : i32
        %lt3A_944 = arith.cmpi slt, %rem3A_940, %lt3A_943 : i32
        %lt3A_945 = arith.constant 0 : i32
        %lt3A_946 = arith.cmpi slt, %select_n3A_939, %lt3A_945 : i32
        %ne3A_947 = arith.xori %lt3A_944, %lt3A_946 : i1
        %and3A_948 = arith.andi %ne3A_947, %ne3A_942 : i1
        %add3A_949 = arith.addi %rem3A_940, %select_n3A_939 : i32
        %select_n3A_950 = arith.select %and3A_948, %add3A_949, %rem3A_940 : i32
        %mul3A_951 = arith.constant 32 : i32
        %mul3A_952 = arith.muli %select_n3A_950, %mul3A_951 : i32
        %add3A_953 = arith.constant 0 : i32
        %add3A_954 = arith.addi %mul3A_952, %add3A_953 : i32
        %get3A_955 = arith.constant 0 : i32
        %get3A_956 = arith.index_cast %get3A_955 : i32 to index
        %get3A_957 = arith.index_cast %add3A_954 : i32 to index
        %get3A_958 = tpu.vector_load %arg9[%get3A_956, %get3A_957] {strides = array<i32>} : memref<1x288xi32, #tpu.memory_space<vmem>>, vector<16xi32>,
        %mul3A_959 = arith.constant 32 : i32
        %mul3A_960 = arith.muli %select_n3A_950, %mul3A_959 : i32
        %add3A_961 = arith.constant 0 : i32
        %add3A_962 = arith.addi %mul3A_960, %add3A_961 : i32
        %get3A_963 = arith.constant 0 : i32
        %get3A_964 = arith.index_cast %get3A_963 : i32 to index
        %get3A_965 = arith.index_cast %add3A_962 : i32 to index
        %get3A_966 = tpu.vector_load %arg10[%get3A_964, %get3A_965] {strides = array<i32>} : memref<1x288xi32, #tpu.memory_space<vmem>>, vector<16xi32>,
        %swap3A_967 = arith.constant 0 : i32
        %swap3A_968 = arith.index_cast %swap3A_967 : i32 to index
        %swap3A_969 = arith.constant 0 : index
        %swap3A_970 = tpu.vector_load %arg14[%swap3A_968, %swap3A_969] {strides = array<i32>} : memref<1x32xi32, #tpu.memory_space<vmem>>, vector<16xi32>,
        tpu.vector_store %arg14[%swap3A_968, %swap3A_969], %get3A_958 {strides = array<i32>} : memref<1x32xi32, #tpu.memory_space<vmem>>, vector<16xi32>,
        %swap3A_971 = arith.constant 0 : i32
        %swap3A_972 = arith.index_cast %swap3A_971 : i32 to index
        %swap3A_973 = arith.constant 0 : index
        %swap3A_974 = tpu.vector_load %arg20[%swap3A_972, %swap3A_973] {strides = array<i32>} : memref<1x32xi32, #tpu.memory_space<vmem>>, vector<16xi32>,
        tpu.vector_store %arg20[%swap3A_972, %swap3A_973], %get3A_966 {strides = array<i32>} : memref<1x32xi32, #tpu.memory_space<vmem>>, vector<16xi32>,
        %gather3A_975 = tpu.vector_load_idx %arg35[%get3A_958] : memref<10000xf32, #tpu.memory_space<vmem>>[vector<16xi32>], vector<16xf32>,
        %gather3A_976 = tpu.vector_load_idx %arg36[%get3A_966] : memref<10000xf32, #tpu.memory_space<vmem>>[vector<16xi32>], vector<16xf32>,
        %add3A_977 = arith.addf %gather3A_975, %gather3A_976 : vector<16xf32>
        %mul3A_978 = arith.constant 32 : i32
        %mul3A_979 = arith.muli %add3A_809, %mul3A_978 : i32
        %add3A_980 = arith.constant 0 : i32
        %add3A_981 = arith.addi %mul3A_979, %add3A_980 : i32
        %mul3A_982 = arith.constant 32 : i32
        %mul3A_983 = arith.muli %select_n3A_950, %mul3A_982 : i32
        %add3A_984 = arith.constant 16 : i32
        %add3A_985 = arith.addi %mul3A_983, %add3A_984 : i32
        %get3A_986 = arith.constant 0 : i32
        %get3A_987 = arith.index_cast %get3A_986 : i32 to index
        %get3A_988 = arith.index_cast %add3A_985 : i32 to index
        %get3A_989 = tpu.vector_load %arg9[%get3A_987, %get3A_988] {strides = array<i32>} : memref<1x288xi32, #tpu.memory_space<vmem>>, vector<16xi32>,
        %mul3A_990 = arith.constant 32 : i32
        %mul3A_991 = arith.muli %select_n3A_950, %mul3A_990 : i32
        %add3A_992 = arith.constant 16 : i32
        %add3A_993 = arith.addi %mul3A_991, %add3A_992 : i32
        %get3A_994 = arith.constant 0 : i32
        %get3A_995 = arith.index_cast %get3A_994 : i32 to index
        %get3A_996 = arith.index_cast %add3A_993 : i32 to index
        %get3A_997 = tpu.vector_load %arg10[%get3A_995, %get3A_996] {strides = array<i32>} : memref<1x288xi32, #tpu.memory_space<vmem>>, vector<16xi32>,
        %swap3A_998 = arith.constant 0 : i32
        %swap3A_999 = arith.index_cast %swap3A_998 : i32 to index
        %swap3A_1000 = arith.constant 16 : index
        %swap3A_1001 = tpu.vector_load %arg14[%swap3A_999, %swap3A_1000] {strides = array<i32>} : memref<1x32xi32, #tpu.memory_space<vmem>>, vector<16xi32>,
        tpu.vector_store %arg14[%swap3A_999, %swap3A_1000], %get3A_989 {strides = array<i32>} : memref<1x32xi32, #tpu.memory_space<vmem>>, vector<16xi32>,
        %swap3A_1002 = arith.constant 0 : i32
        %swap3A_1003 = arith.index_cast %swap3A_1002 : i32 to index
        %swap3A_1004 = arith.constant 16 : index
        %swap3A_1005 = tpu.vector_load %arg20[%swap3A_1003, %swap3A_1004] {strides = array<i32>} : memref<1x32xi32, #tpu.memory_space<vmem>>, vector<16xi32>,
        tpu.vector_store %arg20[%swap3A_1003, %swap3A_1004], %get3A_997 {strides = array<i32>} : memref<1x32xi32, #tpu.memory_space<vmem>>, vector<16xi32>,
        %gather3A_1006 = tpu.vector_load_idx %arg35[%get3A_989] : memref<10000xf32, #tpu.memory_space<vmem>>[vector<16xi32>], vector<16xf32>,
        %gather3A_1007 = tpu.vector_load_idx %arg36[%get3A_997] : memref<10000xf32, #tpu.memory_space<vmem>>[vector<16xi32>], vector<16xf32>,
        %add3A_1008 = arith.addf %gather3A_1006, %gather3A_1007 : vector<16xf32>
        %mul3A_1009 = arith.constant 32 : i32
        %mul3A_1010 = arith.muli %add3A_809, %mul3A_1009 : i32
        %add3A_1011 = arith.constant 16 : i32
        %add3A_1012 = arith.addi %mul3A_1010, %add3A_1011 : i32
        %dma_start3A_1013 = arith.constant 0 : i32
        %dma_start3A_1014 = arith.constant 0 : i32
        %dma_start3A_1015 = tpu.memref_slice %arg14[%dma_start3A_1013, %dma_start3A_1014] : memref<1x32xi32, #tpu.memory_space<vmem>> -> memref<1x32xi32, #tpu.memory_space<vmem>>
        %dma_start3A_1016 = tpu.memref_squeeze %dma_start3A_1015 : memref<1x32xi32, #tpu.memory_space<vmem>> -> memref<32xi32, #tpu.memory_space<vmem>>
        %dma_start3A_1017 = arith.constant 0 : i32
        %dma_start3A_1018 = arith.constant 0 : i32
        %dma_start3A_1019 = tpu.memref_slice %arg4[%dma_start3A_1017, %dma_start3A_1018] : memref<10240x128xf32, #tpu.memory_space<hbm>> -> memref<10240x128xf32, #tpu.memory_space<hbm>>
        tpu.enqueue_indirect_dma source(%dma_start3A_1019 : memref<10240x128xf32, #tpu.memory_space<hbm>>) target(%arg32 : memref<32x128xf32, #tpu.memory_space<vmem>>) offsets(%dma_start3A_1016 : memref<32xi32, #tpu.memory_space<vmem>>) semaphore(%arg43 : memref<!tpu.dma_semaphore, #tpu.memory_space<semaphore_mem>>)
        %gt3A_1020 = arith.constant 0.000000e+00 : f32
        %gt3A_1021 = vector.broadcast %gt3A_1020 : f32 to vector<16xf32>
        %gt3A_1022 = arith.cmpf ogt, %add3A_977, %gt3A_1021 : vector<16xf32>
        %mul3A_1023 = arith.constant 2.000000e-01 : f32
        %mul3A_1024 = vector.broadcast %mul3A_1023 : f32 to vector<16xf32>
        %mul3A_1025 = arith.mulf %add3A_977, %mul3A_1024 : vector<16xf32>
        %select_n3A_1026 = arith.select %gt3A_1022, %add3A_977, %mul3A_1025 : vector<16xi1>, vector<16xf32>
        %exp3A_1027 = math.exp %select_n3A_1026 : vector<16xf32>
        %add3A_1028 = arith.addi %select_n3A_11, %add3A_981 : i32
        %iota3A_1029 = tpu.iota {dimensions = array<i32: 0>} : vector<16xi32>
        %add3A_1030 = vector.broadcast %add3A_1028 : i32 to vector<16xi32>
        %add3A_1031 = arith.addi %add3A_1030, %iota3A_1029 : vector<16xi32>
        %lt3A_1032 = arith.constant 330000 : i32
        %lt3A_1033 = vector.broadcast %lt3A_1032 : i32 to vector<16xi32>
        %lt3A_1034 = arith.cmpi slt, %add3A_1031, %lt3A_1033 : vector<16xi32>
        %jit3A_1035 = arith.constant 0.000000e+00 : f32
        %broadcast_in_dim3A_1036 = vector.broadcast %jit3A_1035 : f32 to vector<16xf32>
        %select_n3A_1037 = arith.select %lt3A_1034, %exp3A_1027, %broadcast_in_dim3A_1036 : vector<16xi1>, vector<16xf32>
        %swap3A_1038 = arith.constant 0 : index
        %swap3A_1039 = tpu.vector_load %arg26[%swap3A_1038] {strides = array<i32>} : memref<32xf32, #tpu.memory_space<vmem>>, vector<16xf32>,
        tpu.vector_store %arg26[%swap3A_1038], %select_n3A_1037 {strides = array<i32>} : memref<32xf32, #tpu.memory_space<vmem>>, vector<16xf32>,
        %gt3A_1040 = arith.constant 0.000000e+00 : f32
        %gt3A_1041 = vector.broadcast %gt3A_1040 : f32 to vector<16xf32>
        %gt3A_1042 = arith.cmpf ogt, %add3A_1008, %gt3A_1041 : vector<16xf32>
        %mul3A_1043 = arith.constant 2.000000e-01 : f32
        %mul3A_1044 = vector.broadcast %mul3A_1043 : f32 to vector<16xf32>
        %mul3A_1045 = arith.mulf %add3A_1008, %mul3A_1044 : vector<16xf32>
        %select_n3A_1046 = arith.select %gt3A_1042, %add3A_1008, %mul3A_1045 : vector<16xi1>, vector<16xf32>
        %exp3A_1047 = math.exp %select_n3A_1046 : vector<16xf32>
        %add3A_1048 = arith.addi %select_n3A_11, %add3A_1012 : i32
        %iota3A_1049 = tpu.iota {dimensions = array<i32: 0>} : vector<16xi32>
        %add3A_1050 = vector.broadcast %add3A_1048 : i32 to vector<16xi32>
        %add3A_1051 = arith.addi %add3A_1050, %iota3A_1049 : vector<16xi32>
        %lt3A_1052 = arith.constant 330000 : i32
        %lt3A_1053 = vector.broadcast %lt3A_1052 : i32 to vector<16xi32>
        %lt3A_1054 = arith.cmpi slt, %add3A_1051, %lt3A_1053 : vector<16xi32>
        %jit3A_1055 = arith.constant 0.000000e+00 : f32
        %broadcast_in_dim3A_1056 = vector.broadcast %jit3A_1055 : f32 to vector<16xf32>
        %select_n3A_1057 = arith.select %lt3A_1054, %exp3A_1047, %broadcast_in_dim3A_1056 : vector<16xi1>, vector<16xf32>
        %swap3A_1058 = arith.constant 16 : index
        %swap3A_1059 = tpu.vector_load %arg26[%swap3A_1058] {strides = array<i32>} : memref<32xf32, #tpu.memory_space<vmem>>, vector<16xf32>,
        tpu.vector_store %arg26[%swap3A_1058], %select_n3A_1057 {strides = array<i32>} : memref<32xf32, #tpu.memory_space<vmem>>, vector<16xf32>,
      } else {
      }
      %sub3A_843 = arith.constant 4 : i32
      %sub3A_844 = arith.subi %add3A_809, %sub3A_843 : i32
      %lt3A_845 = arith.cmpi slt, %sub3A_844, %select_n3A : i32
      %convert_element_type3A_846 = arith.extui %lt3A_845 : i1 to i32
      %cond3A_847 = arith.constant 0 : i32
      %cond3A_848 = arith.cmpi ne, %convert_element_type3A_846, %cond3A_847 : i32
      scf.if %cond3A_848 {
        %dma_wait3A_935 = arith.constant 0 : i32
        %dma_wait3A_936 = arith.constant 0 : i32
        %dma_wait3A_937 = tpu.memref_slice %arg16[%dma_wait3A_935, %dma_wait3A_936] : memref<1x32xi32, #tpu.memory_space<vmem>> -> memref<1x32xi32, #tpu.memory_space<vmem>>
        %dma_wait3A_938 = tpu.memref_squeeze %dma_wait3A_937 : memref<1x32xi32, #tpu.memory_space<vmem>> -> memref<32xi32, #tpu.memory_space<vmem>>
        %dma_wait3A_939 = arith.constant 0 : i32
        %dma_wait3A_940 = arith.constant 0 : i32
        %dma_wait3A_941 = tpu.memref_slice %arg4[%dma_wait3A_939, %dma_wait3A_940] : memref<10240x128xf32, #tpu.memory_space<hbm>> -> memref<10240x128xf32, #tpu.memory_space<hbm>>
        tpu.wait_indirect_dma semaphore(%arg45 : memref<!tpu.dma_semaphore, #tpu.memory_space<semaphore_mem>>) src(%dma_wait3A_941 : memref<10240x128xf32, #tpu.memory_space<hbm>>) dst(%arg34 : memref<32x128xf32, #tpu.memory_space<vmem>>)
        %scan3A_942 = arith.constant 0 : i32
        %scan3A_943 = arith.constant 0 : i32
        %scan3A_944 = arith.constant 32 : i32
        %scan3A_945 = arith.addi %scan3A_943, %scan3A_944 : i32
        %scan3A_946 = arith.constant 1 : i32
        scf.for %scan3A_961 = %scan3A_943 to %scan3A_945 step %scan3A_946  : i32 {
          %broadcast_in_dim3A_962 = vector.broadcast %scan3A_961 : i32 to vector<16xi32>
          %gather3A_963 = tpu.vector_load_idx %arg28[%broadcast_in_dim3A_962] : memref<32xf32, #tpu.memory_space<vmem>>[vector<16xi32>], vector<16xf32>,
          %get3A_964 = arith.index_cast %scan3A_961 : i32 to index
          %get3A_965 = arith.constant 0 : index
          %get3A_966 = tpu.vector_load %arg34[%get3A_964, %get3A_965] {strides = array<i32>} : memref<32x128xf32, #tpu.memory_space<vmem>>, vector<16xf32>,
          %mul3A_967 = arith.mulf %get3A_966, %gather3A_963 : vector<16xf32>
          %swap3A_968 = arith.index_cast %scan3A_961 : i32 to index
          %swap3A_969 = arith.constant 0 : index
          %swap3A_970 = tpu.vector_load %arg34[%swap3A_968, %swap3A_969] {strides = array<i32>} : memref<32x128xf32, #tpu.memory_space<vmem>>, vector<16xf32>,
          tpu.vector_store %arg34[%swap3A_968, %swap3A_969], %mul3A_967 {strides = array<i32>} : memref<32x128xf32, #tpu.memory_space<vmem>>, vector<16xf32>,
          %get3A_971 = arith.index_cast %scan3A_961 : i32 to index
          %get3A_972 = arith.constant 16 : index
          %get3A_973 = tpu.vector_load %arg34[%get3A_971, %get3A_972] {strides = array<i32>} : memref<32x128xf32, #tpu.memory_space<vmem>>, vector<16xf32>,
          %mul3A_974 = arith.mulf %get3A_973, %gather3A_963 : vector<16xf32>
          %swap3A_975 = arith.index_cast %scan3A_961 : i32 to index
          %swap3A_976 = arith.constant 16 : index
          %swap3A_977 = tpu.vector_load %arg34[%swap3A_975, %swap3A_976] {strides = array<i32>} : memref<32x128xf32, #tpu.memory_space<vmem>>, vector<16xf32>,
          tpu.vector_store %arg34[%swap3A_975, %swap3A_976], %mul3A_974 {strides = array<i32>} : memref<32x128xf32, #tpu.memory_space<vmem>>, vector<16xf32>,
          %get3A_978 = arith.index_cast %scan3A_961 : i32 to index
          %get3A_979 = arith.constant 32 : index
          %get3A_980 = tpu.vector_load %arg34[%get3A_978, %get3A_979] {strides = array<i32>} : memref<32x128xf32, #tpu.memory_space<vmem>>, vector<16xf32>,
          %mul3A_981 = arith.mulf %get3A_980, %gather3A_963 : vector<16xf32>
          %swap3A_982 = arith.index_cast %scan3A_961 : i32 to index
          %swap3A_983 = arith.constant 32 : index
          %swap3A_984 = tpu.vector_load %arg34[%swap3A_982, %swap3A_983] {strides = array<i32>} : memref<32x128xf32, #tpu.memory_space<vmem>>, vector<16xf32>,
          tpu.vector_store %arg34[%swap3A_982, %swap3A_983], %mul3A_981 {strides = array<i32>} : memref<32x128xf32, #tpu.memory_space<vmem>>, vector<16xf32>,
          %get3A_985 = arith.index_cast %scan3A_961 : i32 to index
          %get3A_986 = arith.constant 48 : index
          %get3A_987 = tpu.vector_load %arg34[%get3A_985, %get3A_986] {strides = array<i32>} : memref<32x128xf32, #tpu.memory_space<vmem>>, vector<16xf32>,
          %mul3A_988 = arith.mulf %get3A_987, %gather3A_963 : vector<16xf32>
          %swap3A_989 = arith.index_cast %scan3A_961 : i32 to index
          %swap3A_990 = arith.constant 48 : index
          %swap3A_991 = tpu.vector_load %arg34[%swap3A_989, %swap3A_990] {strides = array<i32>} : memref<32x128xf32, #tpu.memory_space<vmem>>, vector<16xf32>,
          tpu.vector_store %arg34[%swap3A_989, %swap3A_990], %mul3A_988 {strides = array<i32>} : memref<32x128xf32, #tpu.memory_space<vmem>>, vector<16xf32>,
          %get3A_992 = arith.index_cast %scan3A_961 : i32 to index
          %get3A_993 = arith.constant 64 : index
          %get3A_994 = tpu.vector_load %arg34[%get3A_992, %get3A_993] {strides = array<i32>} : memref<32x128xf32, #tpu.memory_space<vmem>>, vector<16xf32>,
          %mul3A_995 = arith.mulf %get3A_994, %gather3A_963 : vector<16xf32>
          %swap3A_996 = arith.index_cast %scan3A_961 : i32 to index
          %swap3A_997 = arith.constant 64 : index
          %swap3A_998 = tpu.vector_load %arg34[%swap3A_996, %swap3A_997] {strides = array<i32>} : memref<32x128xf32, #tpu.memory_space<vmem>>, vector<16xf32>,
          tpu.vector_store %arg34[%swap3A_996, %swap3A_997], %mul3A_995 {strides = array<i32>} : memref<32x128xf32, #tpu.memory_space<vmem>>, vector<16xf32>,
          %get3A_999 = arith.index_cast %scan3A_961 : i32 to index
          %get3A_1000 = arith.constant 80 : index
          %get3A_1001 = tpu.vector_load %arg34[%get3A_999, %get3A_1000] {strides = array<i32>} : memref<32x128xf32, #tpu.memory_space<vmem>>, vector<16xf32>,
          %mul3A_1002 = arith.mulf %get3A_1001, %gather3A_963 : vector<16xf32>
          %swap3A_1003 = arith.index_cast %scan3A_961 : i32 to index
          %swap3A_1004 = arith.constant 80 : index
          %swap3A_1005 = tpu.vector_load %arg34[%swap3A_1003, %swap3A_1004] {strides = array<i32>} : memref<32x128xf32, #tpu.memory_space<vmem>>, vector<16xf32>,
          tpu.vector_store %arg34[%swap3A_1003, %swap3A_1004], %mul3A_1002 {strides = array<i32>} : memref<32x128xf32, #tpu.memory_space<vmem>>, vector<16xf32>,
          %get3A_1006 = arith.index_cast %scan3A_961 : i32 to index
          %get3A_1007 = arith.constant 96 : index
          %get3A_1008 = tpu.vector_load %arg34[%get3A_1006, %get3A_1007] {strides = array<i32>} : memref<32x128xf32, #tpu.memory_space<vmem>>, vector<16xf32>,
          %mul3A_1009 = arith.mulf %get3A_1008, %gather3A_963 : vector<16xf32>
          %swap3A_1010 = arith.index_cast %scan3A_961 : i32 to index
          %swap3A_1011 = arith.constant 96 : index
          %swap3A_1012 = tpu.vector_load %arg34[%swap3A_1010, %swap3A_1011] {strides = array<i32>} : memref<32x128xf32, #tpu.memory_space<vmem>>, vector<16xf32>,
          tpu.vector_store %arg34[%swap3A_1010, %swap3A_1011], %mul3A_1009 {strides = array<i32>} : memref<32x128xf32, #tpu.memory_space<vmem>>, vector<16xf32>,
          %get3A_1013 = arith.index_cast %scan3A_961 : i32 to index
          %get3A_1014 = arith.constant 112 : index
          %get3A_1015 = tpu.vector_load %arg34[%get3A_1013, %get3A_1014] {strides = array<i32>} : memref<32x128xf32, #tpu.memory_space<vmem>>, vector<16xf32>,
          %mul3A_1016 = arith.mulf %get3A_1015, %gather3A_963 : vector<16xf32>
          %swap3A_1017 = arith.index_cast %scan3A_961 : i32 to index
          %swap3A_1018 = arith.constant 112 : index
          %swap3A_1019 = tpu.vector_load %arg34[%swap3A_1017, %swap3A_1018] {strides = array<i32>} : memref<32x128xf32, #tpu.memory_space<vmem>>, vector<16xf32>,
          tpu.vector_store %arg34[%swap3A_1017, %swap3A_1018], %mul3A_1016 {strides = array<i32>} : memref<32x128xf32, #tpu.memory_space<vmem>>, vector<16xf32>,
        }
        %scan3A_947 = arith.constant 32 : i32
        %dma_start3A_948 = arith.constant 0 : i32
        %dma_start3A_949 = arith.constant 0 : i32
        %dma_start3A_950 = tpu.memref_slice %arg22[%dma_start3A_948, %dma_start3A_949] : memref<1x32xi32, #tpu.memory_space<vmem>> -> memref<1x32xi32, #tpu.memory_space<vmem>>
        %dma_start3A_951 = tpu.memref_squeeze %dma_start3A_950 : memref<1x32xi32, #tpu.memory_space<vmem>> -> memref<32xi32, #tpu.memory_space<vmem>>
        %dma_start3A_952 = arith.constant 0 : i32
        %dma_start3A_953 = arith.constant 0 : i32
        %dma_start3A_954 = tpu.memref_slice %arg38[%dma_start3A_952, %dma_start3A_953] : memref<10240x128xf32, #tpu.memory_space<vmem_shared>> -> memref<10240x128xf32, #tpu.memory_space<vmem_shared>>
        tpu.enqueue_indirect_dma source(%arg34 : memref<32x128xf32, #tpu.memory_space<vmem>>) target(%dma_start3A_954 : memref<10240x128xf32, #tpu.memory_space<vmem_shared>>) offsets(%dma_start3A_951 : memref<32xi32, #tpu.memory_space<vmem>>) semaphore(%arg51 : memref<!tpu.dma_semaphore, #tpu.memory_space<semaphore_mem>>) {add = true}
        %dma_start3A_955 = arith.constant 0 : i32
        %dma_start3A_956 = arith.constant 0 : i32
        %dma_start3A_957 = tpu.memref_slice %arg22[%dma_start3A_955, %dma_start3A_956] : memref<1x32xi32, #tpu.memory_space<vmem>> -> memref<1x32xi32, #tpu.memory_space<vmem>>
        %dma_start3A_958 = tpu.memref_squeeze %dma_start3A_957 : memref<1x32xi32, #tpu.memory_space<vmem>> -> memref<32xi32, #tpu.memory_space<vmem>>
        %dma_start3A_959 = arith.constant 0 : i32
        %dma_start3A_960 = tpu.memref_slice %arg39[%dma_start3A_959] : memref<10240xf32, #tpu.memory_space<vmem_shared>> -> memref<10240xf32, #tpu.memory_space<vmem_shared>>
        tpu.enqueue_indirect_dma source(%arg28 : memref<32xf32, #tpu.memory_space<vmem>>) target(%dma_start3A_960 : memref<10240xf32, #tpu.memory_space<vmem_shared>>) offsets(%dma_start3A_958 : memref<32xi32, #tpu.memory_space<vmem>>) semaphore(%arg57 : memref<!tpu.dma_semaphore, #tpu.memory_space<semaphore_mem>>) {add = true}
      } else {
      }
      %mul3A_849 = arith.constant 6 : i32
      %mul3A_850 = arith.muli %mul3A_849, %scan3A_682 : i32
      %add3A_851 = arith.constant 4 : i32
      %add3A_852 = arith.addi %mul3A_850, %add3A_851 : i32
      %jit3A_853 = arith.constant 9 : i32
      %eq3A_854 = arith.constant 0 : i32
      %eq3A_855 = arith.cmpi eq, %jit3A_853, %eq3A_854 : i32
      %jit3A_856 = arith.constant 1 : i32
      %select_n3A_857 = arith.select %eq3A_855, %jit3A_856, %jit3A_853 : i32
      %rem3A_858 = arith.remsi %add3A_852, %select_n3A_857 : i32
      %ne3A_859 = arith.constant 0 : i32
      %ne3A_860 = arith.cmpi ne, %rem3A_858, %ne3A_859 : i32
      %lt3A_861 = arith.constant 0 : i32
      %lt3A_862 = arith.cmpi slt, %rem3A_858, %lt3A_861 : i32
      %lt3A_863 = arith.constant 0 : i32
      %lt3A_864 = arith.cmpi slt, %select_n3A_857, %lt3A_863 : i32
      %ne3A_865 = arith.xori %lt3A_862, %lt3A_864 : i1
      %and3A_866 = arith.andi %ne3A_865, %ne3A_860 : i1
      %add3A_867 = arith.addi %rem3A_858, %select_n3A_857 : i32
      %select_n3A_868 = arith.select %and3A_866, %add3A_867, %rem3A_858 : i32
      %eq3A_869 = arith.constant 0 : i32
      %eq3A_870 = arith.cmpi eq, %select_n3A_868, %eq3A_869 : i32
      %lt3A_871 = arith.cmpi slt, %add3A_852, %select_n3A : i32
      %and3A_872 = arith.andi %eq3A_870, %lt3A_871 : i1
      %convert_element_type3A_873 = arith.extui %and3A_872 : i1 to i32
      %cond3A_874 = arith.constant 0 : i32
      %cond3A_875 = arith.cmpi ne, %convert_element_type3A_873, %cond3A_874 : i32
      scf.if %cond3A_875 {
        %jit3A_935 = arith.constant 9 : i32
        %div3A = arith.divsi %add3A_852, %jit3A_935 : i32
        %sign3A = arith.constant 0 : i32
        %sign3A_936 = arith.cmpi sgt, %add3A_852, %sign3A : i32
        %sign3A_937 = arith.extui %sign3A_936 : i1 to i32
        %sign3A_938 = arith.constant 0 : i32
        %sign3A_939 = arith.cmpi slt, %add3A_852, %sign3A_938 : i32
        %sign3A_940 = arith.extui %sign3A_939 : i1 to i32
        %sign3A_941 = arith.subi %sign3A_937, %sign3A_940 : i32
        %sign3A_942 = arith.constant 0 : i32
        %sign3A_943 = arith.cmpi sgt, %jit3A_935, %sign3A_942 : i32
        %sign3A_944 = arith.extui %sign3A_943 : i1 to i32
        %sign3A_945 = arith.constant 0 : i32
        %sign3A_946 = arith.cmpi slt, %jit3A_935, %sign3A_945 : i32
        %sign3A_947 = arith.extui %sign3A_946 : i1 to i32
        %sign3A_948 = arith.subi %sign3A_944, %sign3A_947 : i32
        %ne3A_949 = arith.cmpi ne, %sign3A_941, %sign3A_948 : i32
        %rem3A_950 = arith.remsi %add3A_852, %jit3A_935 : i32
        %ne3A_951 = arith.constant 0 : i32
        %ne3A_952 = arith.cmpi ne, %rem3A_950, %ne3A_951 : i32
        %and3A_953 = arith.andi %ne3A_949, %ne3A_952 : i1
        %sub3A_954 = arith.constant 1 : i32
        %sub3A_955 = arith.subi %div3A, %sub3A_954 : i32
        %select_n3A_956 = arith.select %and3A_953, %sub3A_955, %div3A : i32
        "tpu.region"() ({
          %run_scoped3A = tpu.sem_alloc : memref<!tpu.dma_semaphore, #tpu.memory_space<semaphore_mem>>
          %dma_start3A_957 = arith.constant 0 : i32
          %dma_start3A_958 = arith.constant 0 : i32
          %dma_start3A_959 = tpu.memref_slice %arg2[%add3A, %dma_start3A_957, %dma_start3A_958] : memref<32x42x288xi32, #tpu.memory_space<hbm>> -> memref<1x42x288xi32, #tpu.memory_space<hbm>>
          %dma_start3A_960 = tpu.memref_squeeze %dma_start3A_959 : memref<1x42x288xi32, #tpu.memory_space<hbm>> -> memref<42x288xi32, #tpu.memory_space<hbm>>
          %dma_start3A_961 = arith.constant 0 : i32
          %dma_start3A_962 = tpu.memref_slice %dma_start3A_960[%select_n3A_956, %dma_start3A_961] : memref<42x288xi32, #tpu.memory_space<hbm>> -> memref<1x288xi32, #tpu.memory_space<hbm>>
          %dma_start3A_963 = arith.constant 0 : i32
          %dma_start3A_964 = arith.constant 0 : i32
          %dma_start3A_965 = tpu.memref_slice %arg2[%add3A, %dma_start3A_963, %dma_start3A_964] : memref<32x42x288xi32, #tpu.memory_space<hbm>> -> memref<1x42x288xi32, #tpu.memory_space<hbm>>
          %dma_start3A_966 = tpu.memref_squeeze %dma_start3A_965 : memref<1x42x288xi32, #tpu.memory_space<hbm>> -> memref<42x288xi32, #tpu.memory_space<hbm>>
          %dma_start3A_967 = arith.constant 0 : i32
          %dma_start3A_968 = tpu.memref_slice %dma_start3A_966[%select_n3A_956, %dma_start3A_967] : memref<42x288xi32, #tpu.memory_space<hbm>> -> memref<1x288xi32, #tpu.memory_space<hbm>>
          tpu.enqueue_dma source(%dma_start3A_968 : memref<1x288xi32, #tpu.memory_space<hbm>>) target(%arg9 : memref<1x288xi32, #tpu.memory_space<vmem>>) target_semaphore(%run_scoped3A : memref<!tpu.dma_semaphore, #tpu.memory_space<semaphore_mem>>)
          %dma_wait3A_969 = arith.constant 0 : i32
          %dma_wait3A_970 = arith.constant 0 : i32
          %dma_wait3A_971 = tpu.memref_slice %arg2[%add3A, %dma_wait3A_969, %dma_wait3A_970] : memref<32x42x288xi32, #tpu.memory_space<hbm>> -> memref<1x42x288xi32, #tpu.memory_space<hbm>>
          %dma_wait3A_972 = tpu.memref_squeeze %dma_wait3A_971 : memref<1x42x288xi32, #tpu.memory_space<hbm>> -> memref<42x288xi32, #tpu.memory_space<hbm>>
          %dma_wait3A_973 = arith.constant 0 : i32
          %dma_wait3A_974 = tpu.memref_slice %dma_wait3A_972[%select_n3A_956, %dma_wait3A_973] : memref<42x288xi32, #tpu.memory_space<hbm>> -> memref<1x288xi32, #tpu.memory_space<hbm>>
          %dma_wait3A_975 = arith.constant 0 : i32
          %dma_wait3A_976 = arith.constant 0 : i32
          %dma_wait3A_977 = tpu.memref_slice %arg2[%add3A, %dma_wait3A_975, %dma_wait3A_976] : memref<32x42x288xi32, #tpu.memory_space<hbm>> -> memref<1x42x288xi32, #tpu.memory_space<hbm>>
          %dma_wait3A_978 = tpu.memref_squeeze %dma_wait3A_977 : memref<1x42x288xi32, #tpu.memory_space<hbm>> -> memref<42x288xi32, #tpu.memory_space<hbm>>
          %dma_wait3A_979 = arith.constant 0 : i32
          %dma_wait3A_980 = tpu.memref_slice %dma_wait3A_978[%select_n3A_956, %dma_wait3A_979] : memref<42x288xi32, #tpu.memory_space<hbm>> -> memref<1x288xi32, #tpu.memory_space<hbm>>
          tpu.wait_dma2 semaphore(%run_scoped3A : memref<!tpu.dma_semaphore, #tpu.memory_space<semaphore_mem>>) src(%dma_wait3A_980 : memref<1x288xi32, #tpu.memory_space<hbm>>) dst(%arg9 : memref<1x288xi32, #tpu.memory_space<vmem>>)
          tpu.yield
        }) : () -> ()
        "tpu.region"() ({
          %run_scoped3A = tpu.sem_alloc : memref<!tpu.dma_semaphore, #tpu.memory_space<semaphore_mem>>
          %dma_start3A_957 = arith.constant 0 : i32
          %dma_start3A_958 = arith.constant 0 : i32
          %dma_start3A_959 = tpu.memref_slice %arg3[%add3A, %dma_start3A_957, %dma_start3A_958] : memref<32x42x288xi32, #tpu.memory_space<hbm>> -> memref<1x42x288xi32, #tpu.memory_space<hbm>>
          %dma_start3A_960 = tpu.memref_squeeze %dma_start3A_959 : memref<1x42x288xi32, #tpu.memory_space<hbm>> -> memref<42x288xi32, #tpu.memory_space<hbm>>
          %dma_start3A_961 = arith.constant 0 : i32
          %dma_start3A_962 = tpu.memref_slice %dma_start3A_960[%select_n3A_956, %dma_start3A_961] : memref<42x288xi32, #tpu.memory_space<hbm>> -> memref<1x288xi32, #tpu.memory_space<hbm>>
          %dma_start3A_963 = arith.constant 0 : i32
          %dma_start3A_964 = arith.constant 0 : i32
          %dma_start3A_965 = tpu.memref_slice %arg3[%add3A, %dma_start3A_963, %dma_start3A_964] : memref<32x42x288xi32, #tpu.memory_space<hbm>> -> memref<1x42x288xi32, #tpu.memory_space<hbm>>
          %dma_start3A_966 = tpu.memref_squeeze %dma_start3A_965 : memref<1x42x288xi32, #tpu.memory_space<hbm>> -> memref<42x288xi32, #tpu.memory_space<hbm>>
          %dma_start3A_967 = arith.constant 0 : i32
          %dma_start3A_968 = tpu.memref_slice %dma_start3A_966[%select_n3A_956, %dma_start3A_967] : memref<42x288xi32, #tpu.memory_space<hbm>> -> memref<1x288xi32, #tpu.memory_space<hbm>>
          tpu.enqueue_dma source(%dma_start3A_968 : memref<1x288xi32, #tpu.memory_space<hbm>>) target(%arg10 : memref<1x288xi32, #tpu.memory_space<vmem>>) target_semaphore(%run_scoped3A : memref<!tpu.dma_semaphore, #tpu.memory_space<semaphore_mem>>)
          %dma_wait3A_969 = arith.constant 0 : i32
          %dma_wait3A_970 = arith.constant 0 : i32
          %dma_wait3A_971 = tpu.memref_slice %arg3[%add3A, %dma_wait3A_969, %dma_wait3A_970] : memref<32x42x288xi32, #tpu.memory_space<hbm>> -> memref<1x42x288xi32, #tpu.memory_space<hbm>>
          %dma_wait3A_972 = tpu.memref_squeeze %dma_wait3A_971 : memref<1x42x288xi32, #tpu.memory_space<hbm>> -> memref<42x288xi32, #tpu.memory_space<hbm>>
          %dma_wait3A_973 = arith.constant 0 : i32
          %dma_wait3A_974 = tpu.memref_slice %dma_wait3A_972[%select_n3A_956, %dma_wait3A_973] : memref<42x288xi32, #tpu.memory_space<hbm>> -> memref<1x288xi32, #tpu.memory_space<hbm>>
          %dma_wait3A_975 = arith.constant 0 : i32
          %dma_wait3A_976 = arith.constant 0 : i32
          %dma_wait3A_977 = tpu.memref_slice %arg3[%add3A, %dma_wait3A_975, %dma_wait3A_976] : memref<32x42x288xi32, #tpu.memory_space<hbm>> -> memref<1x42x288xi32, #tpu.memory_space<hbm>>
          %dma_wait3A_978 = tpu.memref_squeeze %dma_wait3A_977 : memref<1x42x288xi32, #tpu.memory_space<hbm>> -> memref<42x288xi32, #tpu.memory_space<hbm>>
          %dma_wait3A_979 = arith.constant 0 : i32
          %dma_wait3A_980 = tpu.memref_slice %dma_wait3A_978[%select_n3A_956, %dma_wait3A_979] : memref<42x288xi32, #tpu.memory_space<hbm>> -> memref<1x288xi32, #tpu.memory_space<hbm>>
          tpu.wait_dma2 semaphore(%run_scoped3A : memref<!tpu.dma_semaphore, #tpu.memory_space<semaphore_mem>>) src(%dma_wait3A_980 : memref<1x288xi32, #tpu.memory_space<hbm>>) dst(%arg10 : memref<1x288xi32, #tpu.memory_space<vmem>>)
          tpu.yield
        }) : () -> ()
      } else {
      }
      %sub3A_876 = arith.constant 6 : i32
      %sub3A_877 = arith.subi %add3A_852, %sub3A_876 : i32
      %lt3A_878 = arith.cmpi slt, %sub3A_877, %select_n3A : i32
      %convert_element_type3A_879 = arith.extui %lt3A_878 : i1 to i32
      %cond3A_880 = arith.constant 0 : i32
      %cond3A_881 = arith.cmpi ne, %convert_element_type3A_879, %cond3A_880 : i32
      scf.if %cond3A_881 {
        %dma_wait3A_935 = arith.constant 0 : i32
        %dma_wait3A_936 = arith.constant 0 : i32
        %dma_wait3A_937 = tpu.memref_slice %arg21[%dma_wait3A_935, %dma_wait3A_936] : memref<1x32xi32, #tpu.memory_space<vmem>> -> memref<1x32xi32, #tpu.memory_space<vmem>>
        %dma_wait3A_938 = tpu.memref_squeeze %dma_wait3A_937 : memref<1x32xi32, #tpu.memory_space<vmem>> -> memref<32xi32, #tpu.memory_space<vmem>>
        %dma_wait3A_939 = arith.constant 0 : i32
        %dma_wait3A_940 = arith.constant 0 : i32
        %dma_wait3A_941 = tpu.memref_slice %arg38[%dma_wait3A_939, %dma_wait3A_940] : memref<10240x128xf32, #tpu.memory_space<vmem_shared>> -> memref<10240x128xf32, #tpu.memory_space<vmem_shared>>
        tpu.wait_indirect_dma semaphore(%arg50 : memref<!tpu.dma_semaphore, #tpu.memory_space<semaphore_mem>>) src(%arg33 : memref<32x128xf32, #tpu.memory_space<vmem>>) dst(%dma_wait3A_941 : memref<10240x128xf32, #tpu.memory_space<vmem_shared>>)
        %dma_wait3A_942 = arith.constant 0 : i32
        %dma_wait3A_943 = arith.constant 0 : i32
        %dma_wait3A_944 = tpu.memref_slice %arg21[%dma_wait3A_942, %dma_wait3A_943] : memref<1x32xi32, #tpu.memory_space<vmem>> -> memref<1x32xi32, #tpu.memory_space<vmem>>
        %dma_wait3A_945 = tpu.memref_squeeze %dma_wait3A_944 : memref<1x32xi32, #tpu.memory_space<vmem>> -> memref<32xi32, #tpu.memory_space<vmem>>
        %dma_wait3A_946 = arith.constant 0 : i32
        %dma_wait3A_947 = tpu.memref_slice %arg39[%dma_wait3A_946] : memref<10240xf32, #tpu.memory_space<vmem_shared>> -> memref<10240xf32, #tpu.memory_space<vmem_shared>>
        tpu.wait_indirect_dma semaphore(%arg56 : memref<!tpu.dma_semaphore, #tpu.memory_space<semaphore_mem>>) src(%arg27 : memref<32xf32, #tpu.memory_space<vmem>>) dst(%dma_wait3A_947 : memref<10240xf32, #tpu.memory_space<vmem_shared>>)
      } else {
      }
      %lt3A_882 = arith.cmpi slt, %add3A_852, %select_n3A : i32
      %convert_element_type3A_883 = arith.extui %lt3A_882 : i1 to i32
      %cond3A_884 = arith.constant 0 : i32
      %cond3A_885 = arith.cmpi ne, %convert_element_type3A_883, %cond3A_884 : i32
      scf.if %cond3A_885 {
        %jit3A_935 = arith.constant 9 : i32
        %eq3A_936 = arith.constant 0 : i32
        %eq3A_937 = arith.cmpi eq, %jit3A_935, %eq3A_936 : i32
        %jit3A_938 = arith.constant 1 : i32
        %select_n3A_939 = arith.select %eq3A_937, %jit3A_938, %jit3A_935 : i32
        %rem3A_940 = arith.remsi %add3A_852, %select_n3A_939 : i32
        %ne3A_941 = arith.constant 0 : i32
        %ne3A_942 = arith.cmpi ne, %rem3A_940, %ne3A_941 : i32
        %lt3A_943 = arith.constant 0 : i32
        %lt3A_944 = arith.cmpi slt, %rem3A_940, %lt3A_943 : i32
        %lt3A_945 = arith.constant 0 : i32
        %lt3A_946 = arith.cmpi slt, %select_n3A_939, %lt3A_945 : i32
        %ne3A_947 = arith.xori %lt3A_944, %lt3A_946 : i1
        %and3A_948 = arith.andi %ne3A_947, %ne3A_942 : i1
        %add3A_949 = arith.addi %rem3A_940, %select_n3A_939 : i32
        %select_n3A_950 = arith.select %and3A_948, %add3A_949, %rem3A_940 : i32
        %mul3A_951 = arith.constant 32 : i32
        %mul3A_952 = arith.muli %select_n3A_950, %mul3A_951 : i32
        %add3A_953 = arith.constant 0 : i32
        %add3A_954 = arith.addi %mul3A_952, %add3A_953 : i32
        %get3A_955 = arith.constant 0 : i32
        %get3A_956 = arith.index_cast %get3A_955 : i32 to index
        %get3A_957 = arith.index_cast %add3A_954 : i32 to index
        %get3A_958 = tpu.vector_load %arg9[%get3A_956, %get3A_957] {strides = array<i32>} : memref<1x288xi32, #tpu.memory_space<vmem>>, vector<16xi32>,
        %mul3A_959 = arith.constant 32 : i32
        %mul3A_960 = arith.muli %select_n3A_950, %mul3A_959 : i32
        %add3A_961 = arith.constant 0 : i32
        %add3A_962 = arith.addi %mul3A_960, %add3A_961 : i32
        %get3A_963 = arith.constant 0 : i32
        %get3A_964 = arith.index_cast %get3A_963 : i32 to index
        %get3A_965 = arith.index_cast %add3A_962 : i32 to index
        %get3A_966 = tpu.vector_load %arg10[%get3A_964, %get3A_965] {strides = array<i32>} : memref<1x288xi32, #tpu.memory_space<vmem>>, vector<16xi32>,
        %swap3A_967 = arith.constant 0 : i32
        %swap3A_968 = arith.index_cast %swap3A_967 : i32 to index
        %swap3A_969 = arith.constant 0 : index
        %swap3A_970 = tpu.vector_load %arg15[%swap3A_968, %swap3A_969] {strides = array<i32>} : memref<1x32xi32, #tpu.memory_space<vmem>>, vector<16xi32>,
        tpu.vector_store %arg15[%swap3A_968, %swap3A_969], %get3A_958 {strides = array<i32>} : memref<1x32xi32, #tpu.memory_space<vmem>>, vector<16xi32>,
        %swap3A_971 = arith.constant 0 : i32
        %swap3A_972 = arith.index_cast %swap3A_971 : i32 to index
        %swap3A_973 = arith.constant 0 : index
        %swap3A_974 = tpu.vector_load %arg21[%swap3A_972, %swap3A_973] {strides = array<i32>} : memref<1x32xi32, #tpu.memory_space<vmem>>, vector<16xi32>,
        tpu.vector_store %arg21[%swap3A_972, %swap3A_973], %get3A_966 {strides = array<i32>} : memref<1x32xi32, #tpu.memory_space<vmem>>, vector<16xi32>,
        %gather3A_975 = tpu.vector_load_idx %arg35[%get3A_958] : memref<10000xf32, #tpu.memory_space<vmem>>[vector<16xi32>], vector<16xf32>,
        %gather3A_976 = tpu.vector_load_idx %arg36[%get3A_966] : memref<10000xf32, #tpu.memory_space<vmem>>[vector<16xi32>], vector<16xf32>,
        %add3A_977 = arith.addf %gather3A_975, %gather3A_976 : vector<16xf32>
        %mul3A_978 = arith.constant 32 : i32
        %mul3A_979 = arith.muli %add3A_852, %mul3A_978 : i32
        %add3A_980 = arith.constant 0 : i32
        %add3A_981 = arith.addi %mul3A_979, %add3A_980 : i32
        %mul3A_982 = arith.constant 32 : i32
        %mul3A_983 = arith.muli %select_n3A_950, %mul3A_982 : i32
        %add3A_984 = arith.constant 16 : i32
        %add3A_985 = arith.addi %mul3A_983, %add3A_984 : i32
        %get3A_986 = arith.constant 0 : i32
        %get3A_987 = arith.index_cast %get3A_986 : i32 to index
        %get3A_988 = arith.index_cast %add3A_985 : i32 to index
        %get3A_989 = tpu.vector_load %arg9[%get3A_987, %get3A_988] {strides = array<i32>} : memref<1x288xi32, #tpu.memory_space<vmem>>, vector<16xi32>,
        %mul3A_990 = arith.constant 32 : i32
        %mul3A_991 = arith.muli %select_n3A_950, %mul3A_990 : i32
        %add3A_992 = arith.constant 16 : i32
        %add3A_993 = arith.addi %mul3A_991, %add3A_992 : i32
        %get3A_994 = arith.constant 0 : i32
        %get3A_995 = arith.index_cast %get3A_994 : i32 to index
        %get3A_996 = arith.index_cast %add3A_993 : i32 to index
        %get3A_997 = tpu.vector_load %arg10[%get3A_995, %get3A_996] {strides = array<i32>} : memref<1x288xi32, #tpu.memory_space<vmem>>, vector<16xi32>,
        %swap3A_998 = arith.constant 0 : i32
        %swap3A_999 = arith.index_cast %swap3A_998 : i32 to index
        %swap3A_1000 = arith.constant 16 : index
        %swap3A_1001 = tpu.vector_load %arg15[%swap3A_999, %swap3A_1000] {strides = array<i32>} : memref<1x32xi32, #tpu.memory_space<vmem>>, vector<16xi32>,
        tpu.vector_store %arg15[%swap3A_999, %swap3A_1000], %get3A_989 {strides = array<i32>} : memref<1x32xi32, #tpu.memory_space<vmem>>, vector<16xi32>,
        %swap3A_1002 = arith.constant 0 : i32
        %swap3A_1003 = arith.index_cast %swap3A_1002 : i32 to index
        %swap3A_1004 = arith.constant 16 : index
        %swap3A_1005 = tpu.vector_load %arg21[%swap3A_1003, %swap3A_1004] {strides = array<i32>} : memref<1x32xi32, #tpu.memory_space<vmem>>, vector<16xi32>,
        tpu.vector_store %arg21[%swap3A_1003, %swap3A_1004], %get3A_997 {strides = array<i32>} : memref<1x32xi32, #tpu.memory_space<vmem>>, vector<16xi32>,
        %gather3A_1006 = tpu.vector_load_idx %arg35[%get3A_989] : memref<10000xf32, #tpu.memory_space<vmem>>[vector<16xi32>], vector<16xf32>,
        %gather3A_1007 = tpu.vector_load_idx %arg36[%get3A_997] : memref<10000xf32, #tpu.memory_space<vmem>>[vector<16xi32>], vector<16xf32>,
        %add3A_1008 = arith.addf %gather3A_1006, %gather3A_1007 : vector<16xf32>
        %mul3A_1009 = arith.constant 32 : i32
        %mul3A_1010 = arith.muli %add3A_852, %mul3A_1009 : i32
        %add3A_1011 = arith.constant 16 : i32
        %add3A_1012 = arith.addi %mul3A_1010, %add3A_1011 : i32
        %dma_start3A_1013 = arith.constant 0 : i32
        %dma_start3A_1014 = arith.constant 0 : i32
        %dma_start3A_1015 = tpu.memref_slice %arg15[%dma_start3A_1013, %dma_start3A_1014] : memref<1x32xi32, #tpu.memory_space<vmem>> -> memref<1x32xi32, #tpu.memory_space<vmem>>
        %dma_start3A_1016 = tpu.memref_squeeze %dma_start3A_1015 : memref<1x32xi32, #tpu.memory_space<vmem>> -> memref<32xi32, #tpu.memory_space<vmem>>
        %dma_start3A_1017 = arith.constant 0 : i32
        %dma_start3A_1018 = arith.constant 0 : i32
        %dma_start3A_1019 = tpu.memref_slice %arg4[%dma_start3A_1017, %dma_start3A_1018] : memref<10240x128xf32, #tpu.memory_space<hbm>> -> memref<10240x128xf32, #tpu.memory_space<hbm>>
        tpu.enqueue_indirect_dma source(%dma_start3A_1019 : memref<10240x128xf32, #tpu.memory_space<hbm>>) target(%arg33 : memref<32x128xf32, #tpu.memory_space<vmem>>) offsets(%dma_start3A_1016 : memref<32xi32, #tpu.memory_space<vmem>>) semaphore(%arg44 : memref<!tpu.dma_semaphore, #tpu.memory_space<semaphore_mem>>)
        %gt3A_1020 = arith.constant 0.000000e+00 : f32
        %gt3A_1021 = vector.broadcast %gt3A_1020 : f32 to vector<16xf32>
        %gt3A_1022 = arith.cmpf ogt, %add3A_977, %gt3A_1021 : vector<16xf32>
        %mul3A_1023 = arith.constant 2.000000e-01 : f32
        %mul3A_1024 = vector.broadcast %mul3A_1023 : f32 to vector<16xf32>
        %mul3A_1025 = arith.mulf %add3A_977, %mul3A_1024 : vector<16xf32>
        %select_n3A_1026 = arith.select %gt3A_1022, %add3A_977, %mul3A_1025 : vector<16xi1>, vector<16xf32>
        %exp3A_1027 = math.exp %select_n3A_1026 : vector<16xf32>
        %add3A_1028 = arith.addi %select_n3A_11, %add3A_981 : i32
        %iota3A_1029 = tpu.iota {dimensions = array<i32: 0>} : vector<16xi32>
        %add3A_1030 = vector.broadcast %add3A_1028 : i32 to vector<16xi32>
        %add3A_1031 = arith.addi %add3A_1030, %iota3A_1029 : vector<16xi32>
        %lt3A_1032 = arith.constant 330000 : i32
        %lt3A_1033 = vector.broadcast %lt3A_1032 : i32 to vector<16xi32>
        %lt3A_1034 = arith.cmpi slt, %add3A_1031, %lt3A_1033 : vector<16xi32>
        %jit3A_1035 = arith.constant 0.000000e+00 : f32
        %broadcast_in_dim3A_1036 = vector.broadcast %jit3A_1035 : f32 to vector<16xf32>
        %select_n3A_1037 = arith.select %lt3A_1034, %exp3A_1027, %broadcast_in_dim3A_1036 : vector<16xi1>, vector<16xf32>
        %swap3A_1038 = arith.constant 0 : index
        %swap3A_1039 = tpu.vector_load %arg27[%swap3A_1038] {strides = array<i32>} : memref<32xf32, #tpu.memory_space<vmem>>, vector<16xf32>,
        tpu.vector_store %arg27[%swap3A_1038], %select_n3A_1037 {strides = array<i32>} : memref<32xf32, #tpu.memory_space<vmem>>, vector<16xf32>,
        %gt3A_1040 = arith.constant 0.000000e+00 : f32
        %gt3A_1041 = vector.broadcast %gt3A_1040 : f32 to vector<16xf32>
        %gt3A_1042 = arith.cmpf ogt, %add3A_1008, %gt3A_1041 : vector<16xf32>
        %mul3A_1043 = arith.constant 2.000000e-01 : f32
        %mul3A_1044 = vector.broadcast %mul3A_1043 : f32 to vector<16xf32>
        %mul3A_1045 = arith.mulf %add3A_1008, %mul3A_1044 : vector<16xf32>
        %select_n3A_1046 = arith.select %gt3A_1042, %add3A_1008, %mul3A_1045 : vector<16xi1>, vector<16xf32>
        %exp3A_1047 = math.exp %select_n3A_1046 : vector<16xf32>
        %add3A_1048 = arith.addi %select_n3A_11, %add3A_1012 : i32
        %iota3A_1049 = tpu.iota {dimensions = array<i32: 0>} : vector<16xi32>
        %add3A_1050 = vector.broadcast %add3A_1048 : i32 to vector<16xi32>
        %add3A_1051 = arith.addi %add3A_1050, %iota3A_1049 : vector<16xi32>
        %lt3A_1052 = arith.constant 330000 : i32
        %lt3A_1053 = vector.broadcast %lt3A_1052 : i32 to vector<16xi32>
        %lt3A_1054 = arith.cmpi slt, %add3A_1051, %lt3A_1053 : vector<16xi32>
        %jit3A_1055 = arith.constant 0.000000e+00 : f32
        %broadcast_in_dim3A_1056 = vector.broadcast %jit3A_1055 : f32 to vector<16xf32>
        %select_n3A_1057 = arith.select %lt3A_1054, %exp3A_1047, %broadcast_in_dim3A_1056 : vector<16xi1>, vector<16xf32>
        %swap3A_1058 = arith.constant 16 : index
        %swap3A_1059 = tpu.vector_load %arg27[%swap3A_1058] {strides = array<i32>} : memref<32xf32, #tpu.memory_space<vmem>>, vector<16xf32>,
        tpu.vector_store %arg27[%swap3A_1058], %select_n3A_1057 {strides = array<i32>} : memref<32xf32, #tpu.memory_space<vmem>>, vector<16xf32>,
      } else {
      }
      %sub3A_886 = arith.constant 4 : i32
      %sub3A_887 = arith.subi %add3A_852, %sub3A_886 : i32
      %lt3A_888 = arith.cmpi slt, %sub3A_887, %select_n3A : i32
      %convert_element_type3A_889 = arith.extui %lt3A_888 : i1 to i32
      %cond3A_890 = arith.constant 0 : i32
      %cond3A_891 = arith.cmpi ne, %convert_element_type3A_889, %cond3A_890 : i32
      scf.if %cond3A_891 {
        %dma_wait3A_935 = arith.constant 0 : i32
        %dma_wait3A_936 = arith.constant 0 : i32
        %dma_wait3A_937 = tpu.memref_slice %arg11[%dma_wait3A_935, %dma_wait3A_936] : memref<1x32xi32, #tpu.memory_space<vmem>> -> memref<1x32xi32, #tpu.memory_space<vmem>>
        %dma_wait3A_938 = tpu.memref_squeeze %dma_wait3A_937 : memref<1x32xi32, #tpu.memory_space<vmem>> -> memref<32xi32, #tpu.memory_space<vmem>>
        %dma_wait3A_939 = arith.constant 0 : i32
        %dma_wait3A_940 = arith.constant 0 : i32
        %dma_wait3A_941 = tpu.memref_slice %arg4[%dma_wait3A_939, %dma_wait3A_940] : memref<10240x128xf32, #tpu.memory_space<hbm>> -> memref<10240x128xf32, #tpu.memory_space<hbm>>
        tpu.wait_indirect_dma semaphore(%arg40 : memref<!tpu.dma_semaphore, #tpu.memory_space<semaphore_mem>>) src(%dma_wait3A_941 : memref<10240x128xf32, #tpu.memory_space<hbm>>) dst(%arg29 : memref<32x128xf32, #tpu.memory_space<vmem>>)
        %scan3A_942 = arith.constant 0 : i32
        %scan3A_943 = arith.constant 0 : i32
        %scan3A_944 = arith.constant 32 : i32
        %scan3A_945 = arith.addi %scan3A_943, %scan3A_944 : i32
        %scan3A_946 = arith.constant 1 : i32
        scf.for %scan3A_961 = %scan3A_943 to %scan3A_945 step %scan3A_946  : i32 {
          %broadcast_in_dim3A_962 = vector.broadcast %scan3A_961 : i32 to vector<16xi32>
          %gather3A_963 = tpu.vector_load_idx %arg23[%broadcast_in_dim3A_962] : memref<32xf32, #tpu.memory_space<vmem>>[vector<16xi32>], vector<16xf32>,
          %get3A_964 = arith.index_cast %scan3A_961 : i32 to index
          %get3A_965 = arith.constant 0 : index
          %get3A_966 = tpu.vector_load %arg29[%get3A_964, %get3A_965] {strides = array<i32>} : memref<32x128xf32, #tpu.memory_space<vmem>>, vector<16xf32>,
          %mul3A_967 = arith.mulf %get3A_966, %gather3A_963 : vector<16xf32>
          %swap3A_968 = arith.index_cast %scan3A_961 : i32 to index
          %swap3A_969 = arith.constant 0 : index
          %swap3A_970 = tpu.vector_load %arg29[%swap3A_968, %swap3A_969] {strides = array<i32>} : memref<32x128xf32, #tpu.memory_space<vmem>>, vector<16xf32>,
          tpu.vector_store %arg29[%swap3A_968, %swap3A_969], %mul3A_967 {strides = array<i32>} : memref<32x128xf32, #tpu.memory_space<vmem>>, vector<16xf32>,
          %get3A_971 = arith.index_cast %scan3A_961 : i32 to index
          %get3A_972 = arith.constant 16 : index
          %get3A_973 = tpu.vector_load %arg29[%get3A_971, %get3A_972] {strides = array<i32>} : memref<32x128xf32, #tpu.memory_space<vmem>>, vector<16xf32>,
          %mul3A_974 = arith.mulf %get3A_973, %gather3A_963 : vector<16xf32>
          %swap3A_975 = arith.index_cast %scan3A_961 : i32 to index
          %swap3A_976 = arith.constant 16 : index
          %swap3A_977 = tpu.vector_load %arg29[%swap3A_975, %swap3A_976] {strides = array<i32>} : memref<32x128xf32, #tpu.memory_space<vmem>>, vector<16xf32>,
          tpu.vector_store %arg29[%swap3A_975, %swap3A_976], %mul3A_974 {strides = array<i32>} : memref<32x128xf32, #tpu.memory_space<vmem>>, vector<16xf32>,
          %get3A_978 = arith.index_cast %scan3A_961 : i32 to index
          %get3A_979 = arith.constant 32 : index
          %get3A_980 = tpu.vector_load %arg29[%get3A_978, %get3A_979] {strides = array<i32>} : memref<32x128xf32, #tpu.memory_space<vmem>>, vector<16xf32>,
          %mul3A_981 = arith.mulf %get3A_980, %gather3A_963 : vector<16xf32>
          %swap3A_982 = arith.index_cast %scan3A_961 : i32 to index
          %swap3A_983 = arith.constant 32 : index
          %swap3A_984 = tpu.vector_load %arg29[%swap3A_982, %swap3A_983] {strides = array<i32>} : memref<32x128xf32, #tpu.memory_space<vmem>>, vector<16xf32>,
          tpu.vector_store %arg29[%swap3A_982, %swap3A_983], %mul3A_981 {strides = array<i32>} : memref<32x128xf32, #tpu.memory_space<vmem>>, vector<16xf32>,
          %get3A_985 = arith.index_cast %scan3A_961 : i32 to index
          %get3A_986 = arith.constant 48 : index
          %get3A_987 = tpu.vector_load %arg29[%get3A_985, %get3A_986] {strides = array<i32>} : memref<32x128xf32, #tpu.memory_space<vmem>>, vector<16xf32>,
          %mul3A_988 = arith.mulf %get3A_987, %gather3A_963 : vector<16xf32>
          %swap3A_989 = arith.index_cast %scan3A_961 : i32 to index
          %swap3A_990 = arith.constant 48 : index
          %swap3A_991 = tpu.vector_load %arg29[%swap3A_989, %swap3A_990] {strides = array<i32>} : memref<32x128xf32, #tpu.memory_space<vmem>>, vector<16xf32>,
          tpu.vector_store %arg29[%swap3A_989, %swap3A_990], %mul3A_988 {strides = array<i32>} : memref<32x128xf32, #tpu.memory_space<vmem>>, vector<16xf32>,
          %get3A_992 = arith.index_cast %scan3A_961 : i32 to index
          %get3A_993 = arith.constant 64 : index
          %get3A_994 = tpu.vector_load %arg29[%get3A_992, %get3A_993] {strides = array<i32>} : memref<32x128xf32, #tpu.memory_space<vmem>>, vector<16xf32>,
          %mul3A_995 = arith.mulf %get3A_994, %gather3A_963 : vector<16xf32>
          %swap3A_996 = arith.index_cast %scan3A_961 : i32 to index
          %swap3A_997 = arith.constant 64 : index
          %swap3A_998 = tpu.vector_load %arg29[%swap3A_996, %swap3A_997] {strides = array<i32>} : memref<32x128xf32, #tpu.memory_space<vmem>>, vector<16xf32>,
          tpu.vector_store %arg29[%swap3A_996, %swap3A_997], %mul3A_995 {strides = array<i32>} : memref<32x128xf32, #tpu.memory_space<vmem>>, vector<16xf32>,
          %get3A_999 = arith.index_cast %scan3A_961 : i32 to index
          %get3A_1000 = arith.constant 80 : index
          %get3A_1001 = tpu.vector_load %arg29[%get3A_999, %get3A_1000] {strides = array<i32>} : memref<32x128xf32, #tpu.memory_space<vmem>>, vector<16xf32>,
          %mul3A_1002 = arith.mulf %get3A_1001, %gather3A_963 : vector<16xf32>
          %swap3A_1003 = arith.index_cast %scan3A_961 : i32 to index
          %swap3A_1004 = arith.constant 80 : index
          %swap3A_1005 = tpu.vector_load %arg29[%swap3A_1003, %swap3A_1004] {strides = array<i32>} : memref<32x128xf32, #tpu.memory_space<vmem>>, vector<16xf32>,
          tpu.vector_store %arg29[%swap3A_1003, %swap3A_1004], %mul3A_1002 {strides = array<i32>} : memref<32x128xf32, #tpu.memory_space<vmem>>, vector<16xf32>,
          %get3A_1006 = arith.index_cast %scan3A_961 : i32 to index
          %get3A_1007 = arith.constant 96 : index
          %get3A_1008 = tpu.vector_load %arg29[%get3A_1006, %get3A_1007] {strides = array<i32>} : memref<32x128xf32, #tpu.memory_space<vmem>>, vector<16xf32>,
          %mul3A_1009 = arith.mulf %get3A_1008, %gather3A_963 : vector<16xf32>
          %swap3A_1010 = arith.index_cast %scan3A_961 : i32 to index
          %swap3A_1011 = arith.constant 96 : index
          %swap3A_1012 = tpu.vector_load %arg29[%swap3A_1010, %swap3A_1011] {strides = array<i32>} : memref<32x128xf32, #tpu.memory_space<vmem>>, vector<16xf32>,
          tpu.vector_store %arg29[%swap3A_1010, %swap3A_1011], %mul3A_1009 {strides = array<i32>} : memref<32x128xf32, #tpu.memory_space<vmem>>, vector<16xf32>,
          %get3A_1013 = arith.index_cast %scan3A_961 : i32 to index
          %get3A_1014 = arith.constant 112 : index
          %get3A_1015 = tpu.vector_load %arg29[%get3A_1013, %get3A_1014] {strides = array<i32>} : memref<32x128xf32, #tpu.memory_space<vmem>>, vector<16xf32>,
          %mul3A_1016 = arith.mulf %get3A_1015, %gather3A_963 : vector<16xf32>
          %swap3A_1017 = arith.index_cast %scan3A_961 : i32 to index
          %swap3A_1018 = arith.constant 112 : index
          %swap3A_1019 = tpu.vector_load %arg29[%swap3A_1017, %swap3A_1018] {strides = array<i32>} : memref<32x128xf32, #tpu.memory_space<vmem>>, vector<16xf32>,
          tpu.vector_store %arg29[%swap3A_1017, %swap3A_1018], %mul3A_1016 {strides = array<i32>} : memref<32x128xf32, #tpu.memory_space<vmem>>, vector<16xf32>,
        }
        %scan3A_947 = arith.constant 32 : i32
        %dma_start3A_948 = arith.constant 0 : i32
        %dma_start3A_949 = arith.constant 0 : i32
        %dma_start3A_950 = tpu.memref_slice %arg17[%dma_start3A_948, %dma_start3A_949] : memref<1x32xi32, #tpu.memory_space<vmem>> -> memref<1x32xi32, #tpu.memory_space<vmem>>
        %dma_start3A_951 = tpu.memref_squeeze %dma_start3A_950 : memref<1x32xi32, #tpu.memory_space<vmem>> -> memref<32xi32, #tpu.memory_space<vmem>>
        %dma_start3A_952 = arith.constant 0 : i32
        %dma_start3A_953 = arith.constant 0 : i32
        %dma_start3A_954 = tpu.memref_slice %arg38[%dma_start3A_952, %dma_start3A_953] : memref<10240x128xf32, #tpu.memory_space<vmem_shared>> -> memref<10240x128xf32, #tpu.memory_space<vmem_shared>>
        tpu.enqueue_indirect_dma source(%arg29 : memref<32x128xf32, #tpu.memory_space<vmem>>) target(%dma_start3A_954 : memref<10240x128xf32, #tpu.memory_space<vmem_shared>>) offsets(%dma_start3A_951 : memref<32xi32, #tpu.memory_space<vmem>>) semaphore(%arg46 : memref<!tpu.dma_semaphore, #tpu.memory_space<semaphore_mem>>) {add = true}
        %dma_start3A_955 = arith.constant 0 : i32
        %dma_start3A_956 = arith.constant 0 : i32
        %dma_start3A_957 = tpu.memref_slice %arg17[%dma_start3A_955, %dma_start3A_956] : memref<1x32xi32, #tpu.memory_space<vmem>> -> memref<1x32xi32, #tpu.memory_space<vmem>>
        %dma_start3A_958 = tpu.memref_squeeze %dma_start3A_957 : memref<1x32xi32, #tpu.memory_space<vmem>> -> memref<32xi32, #tpu.memory_space<vmem>>
        %dma_start3A_959 = arith.constant 0 : i32
        %dma_start3A_960 = tpu.memref_slice %arg39[%dma_start3A_959] : memref<10240xf32, #tpu.memory_space<vmem_shared>> -> memref<10240xf32, #tpu.memory_space<vmem_shared>>
        tpu.enqueue_indirect_dma source(%arg23 : memref<32xf32, #tpu.memory_space<vmem>>) target(%dma_start3A_960 : memref<10240xf32, #tpu.memory_space<vmem_shared>>) offsets(%dma_start3A_958 : memref<32xi32, #tpu.memory_space<vmem>>) semaphore(%arg52 : memref<!tpu.dma_semaphore, #tpu.memory_space<semaphore_mem>>) {add = true}
      } else {
      }
      %mul3A_892 = arith.constant 6 : i32
      %mul3A_893 = arith.muli %mul3A_892, %scan3A_682 : i32
      %add3A_894 = arith.constant 5 : i32
      %add3A_895 = arith.addi %mul3A_893, %add3A_894 : i32
      %jit3A_896 = arith.constant 9 : i32
      %eq3A_897 = arith.constant 0 : i32
      %eq3A_898 = arith.cmpi eq, %jit3A_896, %eq3A_897 : i32
      %jit3A_899 = arith.constant 1 : i32
      %select_n3A_900 = arith.select %eq3A_898, %jit3A_899, %jit3A_896 : i32
      %rem3A_901 = arith.remsi %add3A_895, %select_n3A_900 : i32
      %ne3A_902 = arith.constant 0 : i32
      %ne3A_903 = arith.cmpi ne, %rem3A_901, %ne3A_902 : i32
      %lt3A_904 = arith.constant 0 : i32
      %lt3A_905 = arith.cmpi slt, %rem3A_901, %lt3A_904 : i32
      %lt3A_906 = arith.constant 0 : i32
      %lt3A_907 = arith.cmpi slt, %select_n3A_900, %lt3A_906 : i32
      %ne3A_908 = arith.xori %lt3A_905, %lt3A_907 : i1
      %and3A_909 = arith.andi %ne3A_908, %ne3A_903 : i1
      %add3A_910 = arith.addi %rem3A_901, %select_n3A_900 : i32
      %select_n3A_911 = arith.select %and3A_909, %add3A_910, %rem3A_901 : i32
      %eq3A_912 = arith.constant 0 : i32
      %eq3A_913 = arith.cmpi eq, %select_n3A_911, %eq3A_912 : i32
      %lt3A_914 = arith.cmpi slt, %add3A_895, %select_n3A : i32
      %and3A_915 = arith.andi %eq3A_913, %lt3A_914 : i1
      %convert_element_type3A_916 = arith.extui %and3A_915 : i1 to i32
      %cond3A_917 = arith.constant 0 : i32
      %cond3A_918 = arith.cmpi ne, %convert_element_type3A_916, %cond3A_917 : i32
      scf.if %cond3A_918 {
        %jit3A_935 = arith.constant 9 : i32
        %div3A = arith.divsi %add3A_895, %jit3A_935 : i32
        %sign3A = arith.constant 0 : i32
        %sign3A_936 = arith.cmpi sgt, %add3A_895, %sign3A : i32
        %sign3A_937 = arith.extui %sign3A_936 : i1 to i32
        %sign3A_938 = arith.constant 0 : i32
        %sign3A_939 = arith.cmpi slt, %add3A_895, %sign3A_938 : i32
        %sign3A_940 = arith.extui %sign3A_939 : i1 to i32
        %sign3A_941 = arith.subi %sign3A_937, %sign3A_940 : i32
        %sign3A_942 = arith.constant 0 : i32
        %sign3A_943 = arith.cmpi sgt, %jit3A_935, %sign3A_942 : i32
        %sign3A_944 = arith.extui %sign3A_943 : i1 to i32
        %sign3A_945 = arith.constant 0 : i32
        %sign3A_946 = arith.cmpi slt, %jit3A_935, %sign3A_945 : i32
        %sign3A_947 = arith.extui %sign3A_946 : i1 to i32
        %sign3A_948 = arith.subi %sign3A_944, %sign3A_947 : i32
        %ne3A_949 = arith.cmpi ne, %sign3A_941, %sign3A_948 : i32
        %rem3A_950 = arith.remsi %add3A_895, %jit3A_935 : i32
        %ne3A_951 = arith.constant 0 : i32
        %ne3A_952 = arith.cmpi ne, %rem3A_950, %ne3A_951 : i32
        %and3A_953 = arith.andi %ne3A_949, %ne3A_952 : i1
        %sub3A_954 = arith.constant 1 : i32
        %sub3A_955 = arith.subi %div3A, %sub3A_954 : i32
        %select_n3A_956 = arith.select %and3A_953, %sub3A_955, %div3A : i32
        "tpu.region"() ({
          %run_scoped3A = tpu.sem_alloc : memref<!tpu.dma_semaphore, #tpu.memory_space<semaphore_mem>>
          %dma_start3A_957 = arith.constant 0 : i32
          %dma_start3A_958 = arith.constant 0 : i32
          %dma_start3A_959 = tpu.memref_slice %arg2[%add3A, %dma_start3A_957, %dma_start3A_958] : memref<32x42x288xi32, #tpu.memory_space<hbm>> -> memref<1x42x288xi32, #tpu.memory_space<hbm>>
          %dma_start3A_960 = tpu.memref_squeeze %dma_start3A_959 : memref<1x42x288xi32, #tpu.memory_space<hbm>> -> memref<42x288xi32, #tpu.memory_space<hbm>>
          %dma_start3A_961 = arith.constant 0 : i32
          %dma_start3A_962 = tpu.memref_slice %dma_start3A_960[%select_n3A_956, %dma_start3A_961] : memref<42x288xi32, #tpu.memory_space<hbm>> -> memref<1x288xi32, #tpu.memory_space<hbm>>
          %dma_start3A_963 = arith.constant 0 : i32
          %dma_start3A_964 = arith.constant 0 : i32
          %dma_start3A_965 = tpu.memref_slice %arg2[%add3A, %dma_start3A_963, %dma_start3A_964] : memref<32x42x288xi32, #tpu.memory_space<hbm>> -> memref<1x42x288xi32, #tpu.memory_space<hbm>>
          %dma_start3A_966 = tpu.memref_squeeze %dma_start3A_965 : memref<1x42x288xi32, #tpu.memory_space<hbm>> -> memref<42x288xi32, #tpu.memory_space<hbm>>
          %dma_start3A_967 = arith.constant 0 : i32
          %dma_start3A_968 = tpu.memref_slice %dma_start3A_966[%select_n3A_956, %dma_start3A_967] : memref<42x288xi32, #tpu.memory_space<hbm>> -> memref<1x288xi32, #tpu.memory_space<hbm>>
          tpu.enqueue_dma source(%dma_start3A_968 : memref<1x288xi32, #tpu.memory_space<hbm>>) target(%arg9 : memref<1x288xi32, #tpu.memory_space<vmem>>) target_semaphore(%run_scoped3A : memref<!tpu.dma_semaphore, #tpu.memory_space<semaphore_mem>>)
          %dma_wait3A_969 = arith.constant 0 : i32
          %dma_wait3A_970 = arith.constant 0 : i32
          %dma_wait3A_971 = tpu.memref_slice %arg2[%add3A, %dma_wait3A_969, %dma_wait3A_970] : memref<32x42x288xi32, #tpu.memory_space<hbm>> -> memref<1x42x288xi32, #tpu.memory_space<hbm>>
          %dma_wait3A_972 = tpu.memref_squeeze %dma_wait3A_971 : memref<1x42x288xi32, #tpu.memory_space<hbm>> -> memref<42x288xi32, #tpu.memory_space<hbm>>
          %dma_wait3A_973 = arith.constant 0 : i32
          %dma_wait3A_974 = tpu.memref_slice %dma_wait3A_972[%select_n3A_956, %dma_wait3A_973] : memref<42x288xi32, #tpu.memory_space<hbm>> -> memref<1x288xi32, #tpu.memory_space<hbm>>
          %dma_wait3A_975 = arith.constant 0 : i32
          %dma_wait3A_976 = arith.constant 0 : i32
          %dma_wait3A_977 = tpu.memref_slice %arg2[%add3A, %dma_wait3A_975, %dma_wait3A_976] : memref<32x42x288xi32, #tpu.memory_space<hbm>> -> memref<1x42x288xi32, #tpu.memory_space<hbm>>
          %dma_wait3A_978 = tpu.memref_squeeze %dma_wait3A_977 : memref<1x42x288xi32, #tpu.memory_space<hbm>> -> memref<42x288xi32, #tpu.memory_space<hbm>>
          %dma_wait3A_979 = arith.constant 0 : i32
          %dma_wait3A_980 = tpu.memref_slice %dma_wait3A_978[%select_n3A_956, %dma_wait3A_979] : memref<42x288xi32, #tpu.memory_space<hbm>> -> memref<1x288xi32, #tpu.memory_space<hbm>>
          tpu.wait_dma2 semaphore(%run_scoped3A : memref<!tpu.dma_semaphore, #tpu.memory_space<semaphore_mem>>) src(%dma_wait3A_980 : memref<1x288xi32, #tpu.memory_space<hbm>>) dst(%arg9 : memref<1x288xi32, #tpu.memory_space<vmem>>)
          tpu.yield
        }) : () -> ()
        "tpu.region"() ({
          %run_scoped3A = tpu.sem_alloc : memref<!tpu.dma_semaphore, #tpu.memory_space<semaphore_mem>>
          %dma_start3A_957 = arith.constant 0 : i32
          %dma_start3A_958 = arith.constant 0 : i32
          %dma_start3A_959 = tpu.memref_slice %arg3[%add3A, %dma_start3A_957, %dma_start3A_958] : memref<32x42x288xi32, #tpu.memory_space<hbm>> -> memref<1x42x288xi32, #tpu.memory_space<hbm>>
          %dma_start3A_960 = tpu.memref_squeeze %dma_start3A_959 : memref<1x42x288xi32, #tpu.memory_space<hbm>> -> memref<42x288xi32, #tpu.memory_space<hbm>>
          %dma_start3A_961 = arith.constant 0 : i32
          %dma_start3A_962 = tpu.memref_slice %dma_start3A_960[%select_n3A_956, %dma_start3A_961] : memref<42x288xi32, #tpu.memory_space<hbm>> -> memref<1x288xi32, #tpu.memory_space<hbm>>
          %dma_start3A_963 = arith.constant 0 : i32
          %dma_start3A_964 = arith.constant 0 : i32
          %dma_start3A_965 = tpu.memref_slice %arg3[%add3A, %dma_start3A_963, %dma_start3A_964] : memref<32x42x288xi32, #tpu.memory_space<hbm>> -> memref<1x42x288xi32, #tpu.memory_space<hbm>>
          %dma_start3A_966 = tpu.memref_squeeze %dma_start3A_965 : memref<1x42x288xi32, #tpu.memory_space<hbm>> -> memref<42x288xi32, #tpu.memory_space<hbm>>
          %dma_start3A_967 = arith.constant 0 : i32
          %dma_start3A_968 = tpu.memref_slice %dma_start3A_966[%select_n3A_956, %dma_start3A_967] : memref<42x288xi32, #tpu.memory_space<hbm>> -> memref<1x288xi32, #tpu.memory_space<hbm>>
          tpu.enqueue_dma source(%dma_start3A_968 : memref<1x288xi32, #tpu.memory_space<hbm>>) target(%arg10 : memref<1x288xi32, #tpu.memory_space<vmem>>) target_semaphore(%run_scoped3A : memref<!tpu.dma_semaphore, #tpu.memory_space<semaphore_mem>>)
          %dma_wait3A_969 = arith.constant 0 : i32
          %dma_wait3A_970 = arith.constant 0 : i32
          %dma_wait3A_971 = tpu.memref_slice %arg3[%add3A, %dma_wait3A_969, %dma_wait3A_970] : memref<32x42x288xi32, #tpu.memory_space<hbm>> -> memref<1x42x288xi32, #tpu.memory_space<hbm>>
          %dma_wait3A_972 = tpu.memref_squeeze %dma_wait3A_971 : memref<1x42x288xi32, #tpu.memory_space<hbm>> -> memref<42x288xi32, #tpu.memory_space<hbm>>
          %dma_wait3A_973 = arith.constant 0 : i32
          %dma_wait3A_974 = tpu.memref_slice %dma_wait3A_972[%select_n3A_956, %dma_wait3A_973] : memref<42x288xi32, #tpu.memory_space<hbm>> -> memref<1x288xi32, #tpu.memory_space<hbm>>
          %dma_wait3A_975 = arith.constant 0 : i32
          %dma_wait3A_976 = arith.constant 0 : i32
          %dma_wait3A_977 = tpu.memref_slice %arg3[%add3A, %dma_wait3A_975, %dma_wait3A_976] : memref<32x42x288xi32, #tpu.memory_space<hbm>> -> memref<1x42x288xi32, #tpu.memory_space<hbm>>
          %dma_wait3A_978 = tpu.memref_squeeze %dma_wait3A_977 : memref<1x42x288xi32, #tpu.memory_space<hbm>> -> memref<42x288xi32, #tpu.memory_space<hbm>>
          %dma_wait3A_979 = arith.constant 0 : i32
          %dma_wait3A_980 = tpu.memref_slice %dma_wait3A_978[%select_n3A_956, %dma_wait3A_979] : memref<42x288xi32, #tpu.memory_space<hbm>> -> memref<1x288xi32, #tpu.memory_space<hbm>>
          tpu.wait_dma2 semaphore(%run_scoped3A : memref<!tpu.dma_semaphore, #tpu.memory_space<semaphore_mem>>) src(%dma_wait3A_980 : memref<1x288xi32, #tpu.memory_space<hbm>>) dst(%arg10 : memref<1x288xi32, #tpu.memory_space<vmem>>)
          tpu.yield
        }) : () -> ()
      } else {
      }
      %sub3A_919 = arith.constant 6 : i32
      %sub3A_920 = arith.subi %add3A_895, %sub3A_919 : i32
      %lt3A_921 = arith.cmpi slt, %sub3A_920, %select_n3A : i32
      %convert_element_type3A_922 = arith.extui %lt3A_921 : i1 to i32
      %cond3A_923 = arith.constant 0 : i32
      %cond3A_924 = arith.cmpi ne, %convert_element_type3A_922, %cond3A_923 : i32
      scf.if %cond3A_924 {
        %dma_wait3A_935 = arith.constant 0 : i32
        %dma_wait3A_936 = arith.constant 0 : i32
        %dma_wait3A_937 = tpu.memref_slice %arg22[%dma_wait3A_935, %dma_wait3A_936] : memref<1x32xi32, #tpu.memory_space<vmem>> -> memref<1x32xi32, #tpu.memory_space<vmem>>
        %dma_wait3A_938 = tpu.memref_squeeze %dma_wait3A_937 : memref<1x32xi32, #tpu.memory_space<vmem>> -> memref<32xi32, #tpu.memory_space<vmem>>
        %dma_wait3A_939 = arith.constant 0 : i32
        %dma_wait3A_940 = arith.constant 0 : i32
        %dma_wait3A_941 = tpu.memref_slice %arg38[%dma_wait3A_939, %dma_wait3A_940] : memref<10240x128xf32, #tpu.memory_space<vmem_shared>> -> memref<10240x128xf32, #tpu.memory_space<vmem_shared>>
        tpu.wait_indirect_dma semaphore(%arg51 : memref<!tpu.dma_semaphore, #tpu.memory_space<semaphore_mem>>) src(%arg34 : memref<32x128xf32, #tpu.memory_space<vmem>>) dst(%dma_wait3A_941 : memref<10240x128xf32, #tpu.memory_space<vmem_shared>>)
        %dma_wait3A_942 = arith.constant 0 : i32
        %dma_wait3A_943 = arith.constant 0 : i32
        %dma_wait3A_944 = tpu.memref_slice %arg22[%dma_wait3A_942, %dma_wait3A_943] : memref<1x32xi32, #tpu.memory_space<vmem>> -> memref<1x32xi32, #tpu.memory_space<vmem>>
        %dma_wait3A_945 = tpu.memref_squeeze %dma_wait3A_944 : memref<1x32xi32, #tpu.memory_space<vmem>> -> memref<32xi32, #tpu.memory_space<vmem>>
        %dma_wait3A_946 = arith.constant 0 : i32
        %dma_wait3A_947 = tpu.memref_slice %arg39[%dma_wait3A_946] : memref<10240xf32, #tpu.memory_space<vmem_shared>> -> memref<10240xf32, #tpu.memory_space<vmem_shared>>
        tpu.wait_indirect_dma semaphore(%arg57 : memref<!tpu.dma_semaphore, #tpu.memory_space<semaphore_mem>>) src(%arg28 : memref<32xf32, #tpu.memory_space<vmem>>) dst(%dma_wait3A_947 : memref<10240xf32, #tpu.memory_space<vmem_shared>>)
      } else {
      }
      %lt3A_925 = arith.cmpi slt, %add3A_895, %select_n3A : i32
      %convert_element_type3A_926 = arith.extui %lt3A_925 : i1 to i32
      %cond3A_927 = arith.constant 0 : i32
      %cond3A_928 = arith.cmpi ne, %convert_element_type3A_926, %cond3A_927 : i32
      scf.if %cond3A_928 {
        %jit3A_935 = arith.constant 9 : i32
        %eq3A_936 = arith.constant 0 : i32
        %eq3A_937 = arith.cmpi eq, %jit3A_935, %eq3A_936 : i32
        %jit3A_938 = arith.constant 1 : i32
        %select_n3A_939 = arith.select %eq3A_937, %jit3A_938, %jit3A_935 : i32
        %rem3A_940 = arith.remsi %add3A_895, %select_n3A_939 : i32
        %ne3A_941 = arith.constant 0 : i32
        %ne3A_942 = arith.cmpi ne, %rem3A_940, %ne3A_941 : i32
        %lt3A_943 = arith.constant 0 : i32
        %lt3A_944 = arith.cmpi slt, %rem3A_940, %lt3A_943 : i32
        %lt3A_945 = arith.constant 0 : i32
        %lt3A_946 = arith.cmpi slt, %select_n3A_939, %lt3A_945 : i32
        %ne3A_947 = arith.xori %lt3A_944, %lt3A_946 : i1
        %and3A_948 = arith.andi %ne3A_947, %ne3A_942 : i1
        %add3A_949 = arith.addi %rem3A_940, %select_n3A_939 : i32
        %select_n3A_950 = arith.select %and3A_948, %add3A_949, %rem3A_940 : i32
        %mul3A_951 = arith.constant 32 : i32
        %mul3A_952 = arith.muli %select_n3A_950, %mul3A_951 : i32
        %add3A_953 = arith.constant 0 : i32
        %add3A_954 = arith.addi %mul3A_952, %add3A_953 : i32
        %get3A_955 = arith.constant 0 : i32
        %get3A_956 = arith.index_cast %get3A_955 : i32 to index
        %get3A_957 = arith.index_cast %add3A_954 : i32 to index
        %get3A_958 = tpu.vector_load %arg9[%get3A_956, %get3A_957] {strides = array<i32>} : memref<1x288xi32, #tpu.memory_space<vmem>>, vector<16xi32>,
        %mul3A_959 = arith.constant 32 : i32
        %mul3A_960 = arith.muli %select_n3A_950, %mul3A_959 : i32
        %add3A_961 = arith.constant 0 : i32
        %add3A_962 = arith.addi %mul3A_960, %add3A_961 : i32
        %get3A_963 = arith.constant 0 : i32
        %get3A_964 = arith.index_cast %get3A_963 : i32 to index
        %get3A_965 = arith.index_cast %add3A_962 : i32 to index
        %get3A_966 = tpu.vector_load %arg10[%get3A_964, %get3A_965] {strides = array<i32>} : memref<1x288xi32, #tpu.memory_space<vmem>>, vector<16xi32>,
        %swap3A_967 = arith.constant 0 : i32
        %swap3A_968 = arith.index_cast %swap3A_967 : i32 to index
        %swap3A_969 = arith.constant 0 : index
        %swap3A_970 = tpu.vector_load %arg16[%swap3A_968, %swap3A_969] {strides = array<i32>} : memref<1x32xi32, #tpu.memory_space<vmem>>, vector<16xi32>,
        tpu.vector_store %arg16[%swap3A_968, %swap3A_969], %get3A_958 {strides = array<i32>} : memref<1x32xi32, #tpu.memory_space<vmem>>, vector<16xi32>,
        %swap3A_971 = arith.constant 0 : i32
        %swap3A_972 = arith.index_cast %swap3A_971 : i32 to index
        %swap3A_973 = arith.constant 0 : index
        %swap3A_974 = tpu.vector_load %arg22[%swap3A_972, %swap3A_973] {strides = array<i32>} : memref<1x32xi32, #tpu.memory_space<vmem>>, vector<16xi32>,
        tpu.vector_store %arg22[%swap3A_972, %swap3A_973], %get3A_966 {strides = array<i32>} : memref<1x32xi32, #tpu.memory_space<vmem>>, vector<16xi32>,
        %gather3A_975 = tpu.vector_load_idx %arg35[%get3A_958] : memref<10000xf32, #tpu.memory_space<vmem>>[vector<16xi32>], vector<16xf32>,
        %gather3A_976 = tpu.vector_load_idx %arg36[%get3A_966] : memref<10000xf32, #tpu.memory_space<vmem>>[vector<16xi32>], vector<16xf32>,
        %add3A_977 = arith.addf %gather3A_975, %gather3A_976 : vector<16xf32>
        %mul3A_978 = arith.constant 32 : i32
        %mul3A_979 = arith.muli %add3A_895, %mul3A_978 : i32
        %add3A_980 = arith.constant 0 : i32
        %add3A_981 = arith.addi %mul3A_979, %add3A_980 : i32
        %mul3A_982 = arith.constant 32 : i32
        %mul3A_983 = arith.muli %select_n3A_950, %mul3A_982 : i32
        %add3A_984 = arith.constant 16 : i32
        %add3A_985 = arith.addi %mul3A_983, %add3A_984 : i32
        %get3A_986 = arith.constant 0 : i32
        %get3A_987 = arith.index_cast %get3A_986 : i32 to index
        %get3A_988 = arith.index_cast %add3A_985 : i32 to index
        %get3A_989 = tpu.vector_load %arg9[%get3A_987, %get3A_988] {strides = array<i32>} : memref<1x288xi32, #tpu.memory_space<vmem>>, vector<16xi32>,
        %mul3A_990 = arith.constant 32 : i32
        %mul3A_991 = arith.muli %select_n3A_950, %mul3A_990 : i32
        %add3A_992 = arith.constant 16 : i32
        %add3A_993 = arith.addi %mul3A_991, %add3A_992 : i32
        %get3A_994 = arith.constant 0 : i32
        %get3A_995 = arith.index_cast %get3A_994 : i32 to index
        %get3A_996 = arith.index_cast %add3A_993 : i32 to index
        %get3A_997 = tpu.vector_load %arg10[%get3A_995, %get3A_996] {strides = array<i32>} : memref<1x288xi32, #tpu.memory_space<vmem>>, vector<16xi32>,
        %swap3A_998 = arith.constant 0 : i32
        %swap3A_999 = arith.index_cast %swap3A_998 : i32 to index
        %swap3A_1000 = arith.constant 16 : index
        %swap3A_1001 = tpu.vector_load %arg16[%swap3A_999, %swap3A_1000] {strides = array<i32>} : memref<1x32xi32, #tpu.memory_space<vmem>>, vector<16xi32>,
        tpu.vector_store %arg16[%swap3A_999, %swap3A_1000], %get3A_989 {strides = array<i32>} : memref<1x32xi32, #tpu.memory_space<vmem>>, vector<16xi32>,
        %swap3A_1002 = arith.constant 0 : i32
        %swap3A_1003 = arith.index_cast %swap3A_1002 : i32 to index
        %swap3A_1004 = arith.constant 16 : index
        %swap3A_1005 = tpu.vector_load %arg22[%swap3A_1003, %swap3A_1004] {strides = array<i32>} : memref<1x32xi32, #tpu.memory_space<vmem>>, vector<16xi32>,
        tpu.vector_store %arg22[%swap3A_1003, %swap3A_1004], %get3A_997 {strides = array<i32>} : memref<1x32xi32, #tpu.memory_space<vmem>>, vector<16xi32>,
        %gather3A_1006 = tpu.vector_load_idx %arg35[%get3A_989] : memref<10000xf32, #tpu.memory_space<vmem>>[vector<16xi32>], vector<16xf32>,
        %gather3A_1007 = tpu.vector_load_idx %arg36[%get3A_997] : memref<10000xf32, #tpu.memory_space<vmem>>[vector<16xi32>], vector<16xf32>,
        %add3A_1008 = arith.addf %gather3A_1006, %gather3A_1007 : vector<16xf32>
        %mul3A_1009 = arith.constant 32 : i32
        %mul3A_1010 = arith.muli %add3A_895, %mul3A_1009 : i32
        %add3A_1011 = arith.constant 16 : i32
        %add3A_1012 = arith.addi %mul3A_1010, %add3A_1011 : i32
        %dma_start3A_1013 = arith.constant 0 : i32
        %dma_start3A_1014 = arith.constant 0 : i32
        %dma_start3A_1015 = tpu.memref_slice %arg16[%dma_start3A_1013, %dma_start3A_1014] : memref<1x32xi32, #tpu.memory_space<vmem>> -> memref<1x32xi32, #tpu.memory_space<vmem>>
        %dma_start3A_1016 = tpu.memref_squeeze %dma_start3A_1015 : memref<1x32xi32, #tpu.memory_space<vmem>> -> memref<32xi32, #tpu.memory_space<vmem>>
        %dma_start3A_1017 = arith.constant 0 : i32
        %dma_start3A_1018 = arith.constant 0 : i32
        %dma_start3A_1019 = tpu.memref_slice %arg4[%dma_start3A_1017, %dma_start3A_1018] : memref<10240x128xf32, #tpu.memory_space<hbm>> -> memref<10240x128xf32, #tpu.memory_space<hbm>>
        tpu.enqueue_indirect_dma source(%dma_start3A_1019 : memref<10240x128xf32, #tpu.memory_space<hbm>>) target(%arg34 : memref<32x128xf32, #tpu.memory_space<vmem>>) offsets(%dma_start3A_1016 : memref<32xi32, #tpu.memory_space<vmem>>) semaphore(%arg45 : memref<!tpu.dma_semaphore, #tpu.memory_space<semaphore_mem>>)
        %gt3A_1020 = arith.constant 0.000000e+00 : f32
        %gt3A_1021 = vector.broadcast %gt3A_1020 : f32 to vector<16xf32>
        %gt3A_1022 = arith.cmpf ogt, %add3A_977, %gt3A_1021 : vector<16xf32>
        %mul3A_1023 = arith.constant 2.000000e-01 : f32
        %mul3A_1024 = vector.broadcast %mul3A_1023 : f32 to vector<16xf32>
        %mul3A_1025 = arith.mulf %add3A_977, %mul3A_1024 : vector<16xf32>
        %select_n3A_1026 = arith.select %gt3A_1022, %add3A_977, %mul3A_1025 : vector<16xi1>, vector<16xf32>
        %exp3A_1027 = math.exp %select_n3A_1026 : vector<16xf32>
        %add3A_1028 = arith.addi %select_n3A_11, %add3A_981 : i32
        %iota3A_1029 = tpu.iota {dimensions = array<i32: 0>} : vector<16xi32>
        %add3A_1030 = vector.broadcast %add3A_1028 : i32 to vector<16xi32>
        %add3A_1031 = arith.addi %add3A_1030, %iota3A_1029 : vector<16xi32>
        %lt3A_1032 = arith.constant 330000 : i32
        %lt3A_1033 = vector.broadcast %lt3A_1032 : i32 to vector<16xi32>
        %lt3A_1034 = arith.cmpi slt, %add3A_1031, %lt3A_1033 : vector<16xi32>
        %jit3A_1035 = arith.constant 0.000000e+00 : f32
        %broadcast_in_dim3A_1036 = vector.broadcast %jit3A_1035 : f32 to vector<16xf32>
        %select_n3A_1037 = arith.select %lt3A_1034, %exp3A_1027, %broadcast_in_dim3A_1036 : vector<16xi1>, vector<16xf32>
        %swap3A_1038 = arith.constant 0 : index
        %swap3A_1039 = tpu.vector_load %arg28[%swap3A_1038] {strides = array<i32>} : memref<32xf32, #tpu.memory_space<vmem>>, vector<16xf32>,
        tpu.vector_store %arg28[%swap3A_1038], %select_n3A_1037 {strides = array<i32>} : memref<32xf32, #tpu.memory_space<vmem>>, vector<16xf32>,
        %gt3A_1040 = arith.constant 0.000000e+00 : f32
        %gt3A_1041 = vector.broadcast %gt3A_1040 : f32 to vector<16xf32>
        %gt3A_1042 = arith.cmpf ogt, %add3A_1008, %gt3A_1041 : vector<16xf32>
        %mul3A_1043 = arith.constant 2.000000e-01 : f32
        %mul3A_1044 = vector.broadcast %mul3A_1043 : f32 to vector<16xf32>
        %mul3A_1045 = arith.mulf %add3A_1008, %mul3A_1044 : vector<16xf32>
        %select_n3A_1046 = arith.select %gt3A_1042, %add3A_1008, %mul3A_1045 : vector<16xi1>, vector<16xf32>
        %exp3A_1047 = math.exp %select_n3A_1046 : vector<16xf32>
        %add3A_1048 = arith.addi %select_n3A_11, %add3A_1012 : i32
        %iota3A_1049 = tpu.iota {dimensions = array<i32: 0>} : vector<16xi32>
        %add3A_1050 = vector.broadcast %add3A_1048 : i32 to vector<16xi32>
        %add3A_1051 = arith.addi %add3A_1050, %iota3A_1049 : vector<16xi32>
        %lt3A_1052 = arith.constant 330000 : i32
        %lt3A_1053 = vector.broadcast %lt3A_1052 : i32 to vector<16xi32>
        %lt3A_1054 = arith.cmpi slt, %add3A_1051, %lt3A_1053 : vector<16xi32>
        %jit3A_1055 = arith.constant 0.000000e+00 : f32
        %broadcast_in_dim3A_1056 = vector.broadcast %jit3A_1055 : f32 to vector<16xf32>
        %select_n3A_1057 = arith.select %lt3A_1054, %exp3A_1047, %broadcast_in_dim3A_1056 : vector<16xi1>, vector<16xf32>
        %swap3A_1058 = arith.constant 16 : index
        %swap3A_1059 = tpu.vector_load %arg28[%swap3A_1058] {strides = array<i32>} : memref<32xf32, #tpu.memory_space<vmem>>, vector<16xf32>,
        tpu.vector_store %arg28[%swap3A_1058], %select_n3A_1057 {strides = array<i32>} : memref<32xf32, #tpu.memory_space<vmem>>, vector<16xf32>,
      } else {
      }
      %sub3A_929 = arith.constant 4 : i32
      %sub3A_930 = arith.subi %add3A_895, %sub3A_929 : i32
      %lt3A_931 = arith.cmpi slt, %sub3A_930, %select_n3A : i32
      %convert_element_type3A_932 = arith.extui %lt3A_931 : i1 to i32
      %cond3A_933 = arith.constant 0 : i32
      %cond3A_934 = arith.cmpi ne, %convert_element_type3A_932, %cond3A_933 : i32
      scf.if %cond3A_934 {
        %dma_wait3A_935 = arith.constant 0 : i32
        %dma_wait3A_936 = arith.constant 0 : i32
        %dma_wait3A_937 = tpu.memref_slice %arg12[%dma_wait3A_935, %dma_wait3A_936] : memref<1x32xi32, #tpu.memory_space<vmem>> -> memref<1x32xi32, #tpu.memory_space<vmem>>
        %dma_wait3A_938 = tpu.memref_squeeze %dma_wait3A_937 : memref<1x32xi32, #tpu.memory_space<vmem>> -> memref<32xi32, #tpu.memory_space<vmem>>
        %dma_wait3A_939 = arith.constant 0 : i32
        %dma_wait3A_940 = arith.constant 0 : i32
        %dma_wait3A_941 = tpu.memref_slice %arg4[%dma_wait3A_939, %dma_wait3A_940] : memref<10240x128xf32, #tpu.memory_space<hbm>> -> memref<10240x128xf32, #tpu.memory_space<hbm>>
        tpu.wait_indirect_dma semaphore(%arg41 : memref<!tpu.dma_semaphore, #tpu.memory_space<semaphore_mem>>) src(%dma_wait3A_941 : memref<10240x128xf32, #tpu.memory_space<hbm>>) dst(%arg30 : memref<32x128xf32, #tpu.memory_space<vmem>>)
        %scan3A_942 = arith.constant 0 : i32
        %scan3A_943 = arith.constant 0 : i32
        %scan3A_944 = arith.constant 32 : i32
        %scan3A_945 = arith.addi %scan3A_943, %scan3A_944 : i32
        %scan3A_946 = arith.constant 1 : i32
        scf.for %scan3A_961 = %scan3A_943 to %scan3A_945 step %scan3A_946  : i32 {
          %broadcast_in_dim3A_962 = vector.broadcast %scan3A_961 : i32 to vector<16xi32>
          %gather3A_963 = tpu.vector_load_idx %arg24[%broadcast_in_dim3A_962] : memref<32xf32, #tpu.memory_space<vmem>>[vector<16xi32>], vector<16xf32>,
          %get3A_964 = arith.index_cast %scan3A_961 : i32 to index
          %get3A_965 = arith.constant 0 : index
          %get3A_966 = tpu.vector_load %arg30[%get3A_964, %get3A_965] {strides = array<i32>} : memref<32x128xf32, #tpu.memory_space<vmem>>, vector<16xf32>,
          %mul3A_967 = arith.mulf %get3A_966, %gather3A_963 : vector<16xf32>
          %swap3A_968 = arith.index_cast %scan3A_961 : i32 to index
          %swap3A_969 = arith.constant 0 : index
          %swap3A_970 = tpu.vector_load %arg30[%swap3A_968, %swap3A_969] {strides = array<i32>} : memref<32x128xf32, #tpu.memory_space<vmem>>, vector<16xf32>,
          tpu.vector_store %arg30[%swap3A_968, %swap3A_969], %mul3A_967 {strides = array<i32>} : memref<32x128xf32, #tpu.memory_space<vmem>>, vector<16xf32>,
          %get3A_971 = arith.index_cast %scan3A_961 : i32 to index
          %get3A_972 = arith.constant 16 : index
          %get3A_973 = tpu.vector_load %arg30[%get3A_971, %get3A_972] {strides = array<i32>} : memref<32x128xf32, #tpu.memory_space<vmem>>, vector<16xf32>,
          %mul3A_974 = arith.mulf %get3A_973, %gather3A_963 : vector<16xf32>
          %swap3A_975 = arith.index_cast %scan3A_961 : i32 to index
          %swap3A_976 = arith.constant 16 : index
          %swap3A_977 = tpu.vector_load %arg30[%swap3A_975, %swap3A_976] {strides = array<i32>} : memref<32x128xf32, #tpu.memory_space<vmem>>, vector<16xf32>,
          tpu.vector_store %arg30[%swap3A_975, %swap3A_976], %mul3A_974 {strides = array<i32>} : memref<32x128xf32, #tpu.memory_space<vmem>>, vector<16xf32>,
          %get3A_978 = arith.index_cast %scan3A_961 : i32 to index
          %get3A_979 = arith.constant 32 : index
          %get3A_980 = tpu.vector_load %arg30[%get3A_978, %get3A_979] {strides = array<i32>} : memref<32x128xf32, #tpu.memory_space<vmem>>, vector<16xf32>,
          %mul3A_981 = arith.mulf %get3A_980, %gather3A_963 : vector<16xf32>
          %swap3A_982 = arith.index_cast %scan3A_961 : i32 to index
          %swap3A_983 = arith.constant 32 : index
          %swap3A_984 = tpu.vector_load %arg30[%swap3A_982, %swap3A_983] {strides = array<i32>} : memref<32x128xf32, #tpu.memory_space<vmem>>, vector<16xf32>,
          tpu.vector_store %arg30[%swap3A_982, %swap3A_983], %mul3A_981 {strides = array<i32>} : memref<32x128xf32, #tpu.memory_space<vmem>>, vector<16xf32>,
          %get3A_985 = arith.index_cast %scan3A_961 : i32 to index
          %get3A_986 = arith.constant 48 : index
          %get3A_987 = tpu.vector_load %arg30[%get3A_985, %get3A_986] {strides = array<i32>} : memref<32x128xf32, #tpu.memory_space<vmem>>, vector<16xf32>,
          %mul3A_988 = arith.mulf %get3A_987, %gather3A_963 : vector<16xf32>
          %swap3A_989 = arith.index_cast %scan3A_961 : i32 to index
          %swap3A_990 = arith.constant 48 : index
          %swap3A_991 = tpu.vector_load %arg30[%swap3A_989, %swap3A_990] {strides = array<i32>} : memref<32x128xf32, #tpu.memory_space<vmem>>, vector<16xf32>,
          tpu.vector_store %arg30[%swap3A_989, %swap3A_990], %mul3A_988 {strides = array<i32>} : memref<32x128xf32, #tpu.memory_space<vmem>>, vector<16xf32>,
          %get3A_992 = arith.index_cast %scan3A_961 : i32 to index
          %get3A_993 = arith.constant 64 : index
          %get3A_994 = tpu.vector_load %arg30[%get3A_992, %get3A_993] {strides = array<i32>} : memref<32x128xf32, #tpu.memory_space<vmem>>, vector<16xf32>,
          %mul3A_995 = arith.mulf %get3A_994, %gather3A_963 : vector<16xf32>
          %swap3A_996 = arith.index_cast %scan3A_961 : i32 to index
          %swap3A_997 = arith.constant 64 : index
          %swap3A_998 = tpu.vector_load %arg30[%swap3A_996, %swap3A_997] {strides = array<i32>} : memref<32x128xf32, #tpu.memory_space<vmem>>, vector<16xf32>,
          tpu.vector_store %arg30[%swap3A_996, %swap3A_997], %mul3A_995 {strides = array<i32>} : memref<32x128xf32, #tpu.memory_space<vmem>>, vector<16xf32>,
          %get3A_999 = arith.index_cast %scan3A_961 : i32 to index
          %get3A_1000 = arith.constant 80 : index
          %get3A_1001 = tpu.vector_load %arg30[%get3A_999, %get3A_1000] {strides = array<i32>} : memref<32x128xf32, #tpu.memory_space<vmem>>, vector<16xf32>,
          %mul3A_1002 = arith.mulf %get3A_1001, %gather3A_963 : vector<16xf32>
          %swap3A_1003 = arith.index_cast %scan3A_961 : i32 to index
          %swap3A_1004 = arith.constant 80 : index
          %swap3A_1005 = tpu.vector_load %arg30[%swap3A_1003, %swap3A_1004] {strides = array<i32>} : memref<32x128xf32, #tpu.memory_space<vmem>>, vector<16xf32>,
          tpu.vector_store %arg30[%swap3A_1003, %swap3A_1004], %mul3A_1002 {strides = array<i32>} : memref<32x128xf32, #tpu.memory_space<vmem>>, vector<16xf32>,
          %get3A_1006 = arith.index_cast %scan3A_961 : i32 to index
          %get3A_1007 = arith.constant 96 : index
          %get3A_1008 = tpu.vector_load %arg30[%get3A_1006, %get3A_1007] {strides = array<i32>} : memref<32x128xf32, #tpu.memory_space<vmem>>, vector<16xf32>,
          %mul3A_1009 = arith.mulf %get3A_1008, %gather3A_963 : vector<16xf32>
          %swap3A_1010 = arith.index_cast %scan3A_961 : i32 to index
          %swap3A_1011 = arith.constant 96 : index
          %swap3A_1012 = tpu.vector_load %arg30[%swap3A_1010, %swap3A_1011] {strides = array<i32>} : memref<32x128xf32, #tpu.memory_space<vmem>>, vector<16xf32>,
          tpu.vector_store %arg30[%swap3A_1010, %swap3A_1011], %mul3A_1009 {strides = array<i32>} : memref<32x128xf32, #tpu.memory_space<vmem>>, vector<16xf32>,
          %get3A_1013 = arith.index_cast %scan3A_961 : i32 to index
          %get3A_1014 = arith.constant 112 : index
          %get3A_1015 = tpu.vector_load %arg30[%get3A_1013, %get3A_1014] {strides = array<i32>} : memref<32x128xf32, #tpu.memory_space<vmem>>, vector<16xf32>,
          %mul3A_1016 = arith.mulf %get3A_1015, %gather3A_963 : vector<16xf32>
          %swap3A_1017 = arith.index_cast %scan3A_961 : i32 to index
          %swap3A_1018 = arith.constant 112 : index
          %swap3A_1019 = tpu.vector_load %arg30[%swap3A_1017, %swap3A_1018] {strides = array<i32>} : memref<32x128xf32, #tpu.memory_space<vmem>>, vector<16xf32>,
          tpu.vector_store %arg30[%swap3A_1017, %swap3A_1018], %mul3A_1016 {strides = array<i32>} : memref<32x128xf32, #tpu.memory_space<vmem>>, vector<16xf32>,
        }
        %scan3A_947 = arith.constant 32 : i32
        %dma_start3A_948 = arith.constant 0 : i32
        %dma_start3A_949 = arith.constant 0 : i32
        %dma_start3A_950 = tpu.memref_slice %arg18[%dma_start3A_948, %dma_start3A_949] : memref<1x32xi32, #tpu.memory_space<vmem>> -> memref<1x32xi32, #tpu.memory_space<vmem>>
        %dma_start3A_951 = tpu.memref_squeeze %dma_start3A_950 : memref<1x32xi32, #tpu.memory_space<vmem>> -> memref<32xi32, #tpu.memory_space<vmem>>
        %dma_start3A_952 = arith.constant 0 : i32
        %dma_start3A_953 = arith.constant 0 : i32
        %dma_start3A_954 = tpu.memref_slice %arg38[%dma_start3A_952, %dma_start3A_953] : memref<10240x128xf32, #tpu.memory_space<vmem_shared>> -> memref<10240x128xf32, #tpu.memory_space<vmem_shared>>
        tpu.enqueue_indirect_dma source(%arg30 : memref<32x128xf32, #tpu.memory_space<vmem>>) target(%dma_start3A_954 : memref<10240x128xf32, #tpu.memory_space<vmem_shared>>) offsets(%dma_start3A_951 : memref<32xi32, #tpu.memory_space<vmem>>) semaphore(%arg47 : memref<!tpu.dma_semaphore, #tpu.memory_space<semaphore_mem>>) {add = true}
        %dma_start3A_955 = arith.constant 0 : i32
        %dma_start3A_956 = arith.constant 0 : i32
        %dma_start3A_957 = tpu.memref_slice %arg18[%dma_start3A_955, %dma_start3A_956] : memref<1x32xi32, #tpu.memory_space<vmem>> -> memref<1x32xi32, #tpu.memory_space<vmem>>
        %dma_start3A_958 = tpu.memref_squeeze %dma_start3A_957 : memref<1x32xi32, #tpu.memory_space<vmem>> -> memref<32xi32, #tpu.memory_space<vmem>>
        %dma_start3A_959 = arith.constant 0 : i32
        %dma_start3A_960 = tpu.memref_slice %arg39[%dma_start3A_959] : memref<10240xf32, #tpu.memory_space<vmem_shared>> -> memref<10240xf32, #tpu.memory_space<vmem_shared>>
        tpu.enqueue_indirect_dma source(%arg24 : memref<32xf32, #tpu.memory_space<vmem>>) target(%dma_start3A_960 : memref<10240xf32, #tpu.memory_space<vmem_shared>>) offsets(%dma_start3A_958 : memref<32xi32, #tpu.memory_space<vmem>>) semaphore(%arg53 : memref<!tpu.dma_semaphore, #tpu.memory_space<semaphore_mem>>) {add = true}
      } else {
      }
    }
    %scan3A_676 = arith.constant 62 : i32
    %barrier3A_677 = arith.constant 0 : index
    tpu.barrier barrier_id(%barrier3A_677)
    %mul3A_678 = arith.constant 640 : i32
    %mul3A_679 = arith.muli %arg1, %mul3A_678 : i32
    "tpu.region"() ({
      %run_scoped3A = tpu.sem_alloc : memref<!tpu.dma_semaphore, #tpu.memory_space<semaphore_mem>>
      %dma_start3A_682 = arith.constant 0 : i32
      %dma_start3A_683 = arith.constant 0 : i32
      %dma_start3A_684 = tpu.memref_slice %arg7[%arg0, %arg1, %dma_start3A_682, %dma_start3A_683] : memref<2x16x640x128xf32, #tpu.memory_space<hbm>> -> memref<1x1x640x128xf32, #tpu.memory_space<hbm>>
      %dma_start3A_685 = tpu.memref_squeeze %dma_start3A_684 : memref<1x1x640x128xf32, #tpu.memory_space<hbm>> -> memref<640x128xf32, #tpu.memory_space<hbm>>
      %dma_start3A_686 = arith.constant 0 : i32
      %dma_start3A_687 = tpu.memref_slice %arg38[%mul3A_679, %dma_start3A_686] : memref<10240x128xf32, #tpu.memory_space<vmem_shared>> -> memref<640x128xf32, #tpu.memory_space<vmem_shared>>
      tpu.enqueue_dma source(%dma_start3A_687 : memref<640x128xf32, #tpu.memory_space<vmem_shared>>) target(%dma_start3A_685 : memref<640x128xf32, #tpu.memory_space<hbm>>) target_semaphore(%run_scoped3A : memref<!tpu.dma_semaphore, #tpu.memory_space<semaphore_mem>>)
      %dma_wait3A_688 = arith.constant 0 : i32
      %dma_wait3A_689 = arith.constant 0 : i32
      %dma_wait3A_690 = tpu.memref_slice %arg7[%arg0, %arg1, %dma_wait3A_688, %dma_wait3A_689] : memref<2x16x640x128xf32, #tpu.memory_space<hbm>> -> memref<1x1x640x128xf32, #tpu.memory_space<hbm>>
      %dma_wait3A_691 = tpu.memref_squeeze %dma_wait3A_690 : memref<1x1x640x128xf32, #tpu.memory_space<hbm>> -> memref<640x128xf32, #tpu.memory_space<hbm>>
      %dma_wait3A_692 = arith.constant 0 : i32
      %dma_wait3A_693 = tpu.memref_slice %arg38[%mul3A_679, %dma_wait3A_692] : memref<10240x128xf32, #tpu.memory_space<vmem_shared>> -> memref<640x128xf32, #tpu.memory_space<vmem_shared>>
      tpu.wait_dma2 semaphore(%run_scoped3A : memref<!tpu.dma_semaphore, #tpu.memory_space<semaphore_mem>>) src(%dma_wait3A_693 : memref<640x128xf32, #tpu.memory_space<vmem_shared>>) dst(%dma_wait3A_691 : memref<640x128xf32, #tpu.memory_space<hbm>>)
      tpu.yield
    }) : () -> ()
    %mul3A_680 = arith.constant 640 : i32
    %mul3A_681 = arith.muli %arg1, %mul3A_680 : i32
    "tpu.region"() ({
      %run_scoped3A = tpu.sem_alloc : memref<!tpu.dma_semaphore, #tpu.memory_space<semaphore_mem>>
      %dma_start3A_682 = arith.constant 0 : i32
      %dma_start3A_683 = tpu.memref_slice %arg8[%arg0, %arg1, %dma_start3A_682] : memref<2x16x640xf32, #tpu.memory_space<hbm>> -> memref<1x1x640xf32, #tpu.memory_space<hbm>>
      %dma_start3A_684 = tpu.memref_squeeze %dma_start3A_683 : memref<1x1x640xf32, #tpu.memory_space<hbm>> -> memref<640xf32, #tpu.memory_space<hbm>>
      %dma_start3A_685 = tpu.memref_slice %arg39[%mul3A_681] : memref<10240xf32, #tpu.memory_space<vmem_shared>> -> memref<640xf32, #tpu.memory_space<vmem_shared>>
      tpu.enqueue_dma source(%dma_start3A_685 : memref<640xf32, #tpu.memory_space<vmem_shared>>) target(%dma_start3A_684 : memref<640xf32, #tpu.memory_space<hbm>>) target_semaphore(%run_scoped3A : memref<!tpu.dma_semaphore, #tpu.memory_space<semaphore_mem>>)
      %dma_wait3A_686 = arith.constant 0 : i32
      %dma_wait3A_687 = tpu.memref_slice %arg8[%arg0, %arg1, %dma_wait3A_686] : memref<2x16x640xf32, #tpu.memory_space<hbm>> -> memref<1x1x640xf32, #tpu.memory_space<hbm>>
      %dma_wait3A_688 = tpu.memref_squeeze %dma_wait3A_687 : memref<1x1x640xf32, #tpu.memory_space<hbm>> -> memref<640xf32, #tpu.memory_space<hbm>>
      %dma_wait3A_689 = tpu.memref_slice %arg39[%mul3A_681] : memref<10240xf32, #tpu.memory_space<vmem_shared>> -> memref<640xf32, #tpu.memory_space<vmem_shared>>
      tpu.wait_dma2 semaphore(%run_scoped3A : memref<!tpu.dma_semaphore, #tpu.memory_space<semaphore_mem>>) src(%dma_wait3A_689 : memref<640xf32, #tpu.memory_space<vmem_shared>>) dst(%dma_wait3A_688 : memref<640xf32, #tpu.memory_space<hbm>>)
      tpu.yield
    }) : () -> ()
    return
  }
}

module attributes {stable_mosaic.version = 14 : i64} {
  func.func @_proj_body(%arg0: i32, %arg1: memref<512x128xf32, #tpu.memory_space<vmem>>, %arg2: memref<128x128xf32, #tpu.memory_space<vmem>>, %arg3: memref<128x128xf32, #tpu.memory_space<vmem>>, %arg4: memref<512x128xf32, #tpu.memory_space<vmem>>, %arg5: memref<512x128xf32, #tpu.memory_space<vmem>>) attributes {dimension_semantics = [#tpu.dimension_semantics<arbitrary>], iteration_bounds = array<i64: 20>, scalar_prefetch = 0 : i64, scratch_operands = 0 : i64, tpu.core_type = #tpu.core_type<tc>, window_params = [{transform_indices = @transform_0, window_bounds = array<i64: 512, 128>}, {pipeline_mode = #tpu.pipeline_mode<synchronous>, transform_indices = @transform_1, window_bounds = array<i64: 128, 128>}, {pipeline_mode = #tpu.pipeline_mode<synchronous>, transform_indices = @transform_2, window_bounds = array<i64: 128, 128>}, {transform_indices = @transform_3, window_bounds = array<i64: 512, 128>}, {transform_indices = @transform_4, window_bounds = array<i64: 512, 128>}]} {
    %get3A = arith.constant 0 : index
    %get3A_0 = arith.constant 0 : index
    %get3A_1 = vector.load %arg1[%get3A, %get3A_0] : memref<512x128xf32, #tpu.memory_space<vmem>>, vector<512x128xf32>
    %get3A_2 = arith.constant 0 : index
    %get3A_3 = arith.constant 0 : index
    %get3A_4 = vector.load %arg2[%get3A_2, %get3A_3] : memref<128x128xf32, #tpu.memory_space<vmem>>, vector<128x128xf32>
    %dot_general3A = arith.constant dense<0.000000e+00> : vector<512x128xf32>
    %dot_general3A_5 = tpu.matmul %get3A_1, %get3A_4, %dot_general3A {dimension_numbers = #tpu.dot_dimension_numbers<[1], [0], [0], [1], [0, 0, 1, 1], [], []>, transpose_lhs_hint = false} : vector<512x128xf32>, vector<128x128xf32>, vector<512x128xf32> -> vector<512x128xf32>
    %swap3A = arith.constant 0 : index
    %swap3A_6 = arith.constant 0 : index
    %swap3A_7 = vector.load %arg4[%swap3A, %swap3A_6] : memref<512x128xf32, #tpu.memory_space<vmem>>, vector<512x128xf32>
    tpu.vector_store %arg4[%swap3A, %swap3A_6], %dot_general3A_5 {strides = array<i32>} : memref<512x128xf32, #tpu.memory_space<vmem>>, vector<512x128xf32>,
    %get3A_8 = arith.constant 0 : index
    %get3A_9 = arith.constant 0 : index
    %get3A_10 = vector.load %arg3[%get3A_8, %get3A_9] : memref<128x128xf32, #tpu.memory_space<vmem>>, vector<128x128xf32>
    %dot_general3A_11 = arith.constant dense<0.000000e+00> : vector<512x128xf32>
    %dot_general3A_12 = tpu.matmul %dot_general3A_5, %get3A_10, %dot_general3A_11 {dimension_numbers = #tpu.dot_dimension_numbers<[1], [0], [0], [1], [0, 0, 1, 1], [], []>, transpose_lhs_hint = false} : vector<512x128xf32>, vector<128x128xf32>, vector<512x128xf32> -> vector<512x128xf32>
    %swap3A_13 = arith.constant 0 : index
    %swap3A_14 = arith.constant 0 : index
    %swap3A_15 = vector.load %arg5[%swap3A_13, %swap3A_14] : memref<512x128xf32, #tpu.memory_space<vmem>>, vector<512x128xf32>
    tpu.vector_store %arg5[%swap3A_13, %swap3A_14], %dot_general3A_12 {strides = array<i32>} : memref<512x128xf32, #tpu.memory_space<vmem>>, vector<512x128xf32>,
    return
  }
  func.func @transform_0(%arg0: i32) -> (i32, i32) {
    %c0_i32 = arith.constant 0 : i32
    %c0_i32_0 = arith.constant 0 : i32
    return %arg0, %c0_i32 : i32, i32
  }
  func.func @transform_1(%arg0: i32) -> (i32, i32) {
    %c0_i32 = arith.constant 0 : i32
    %c0_i32_0 = arith.constant 0 : i32
    %c0_i32_1 = arith.constant 0 : i32
    return %c0_i32, %c0_i32_0 : i32, i32
  }
  func.func @transform_2(%arg0: i32) -> (i32, i32) {
    %c0_i32 = arith.constant 0 : i32
    %c0_i32_0 = arith.constant 0 : i32
    %c0_i32_1 = arith.constant 0 : i32
    return %c0_i32, %c0_i32_0 : i32, i32
  }
  func.func @transform_3(%arg0: i32) -> (i32, i32) {
    %c0_i32 = arith.constant 0 : i32
    %c0_i32_0 = arith.constant 0 : i32
    return %arg0, %c0_i32 : i32, i32
  }
  func.func @transform_4(%arg0: i32) -> (i32, i32) {
    %c0_i32 = arith.constant 0 : i32
    %c0_i32_0 = arith.constant 0 : i32
    return %arg0, %c0_i32 : i32, i32
  }
}

module attributes {stable_mosaic.version = 14 : i64} {
  func.func @_comb_body(%arg0: i32, %arg1: memref<1000x128xf32, #tpu.memory_space<vmem>>, %arg2: memref<1000x128xf32, #tpu.memory_space<vmem>>, %arg3: memref<1000x1xf32, #tpu.memory_space<vmem>>, %arg4: memref<1000x1xf32, #tpu.memory_space<vmem>>, %arg5: memref<1x128xf32, #tpu.memory_space<vmem>>, %arg6: memref<1000x128xf32, #tpu.memory_space<vmem>>) attributes {dimension_semantics = [#tpu.dimension_semantics<arbitrary>], iteration_bounds = array<i64: 10>, scalar_prefetch = 0 : i64, scratch_operands = 0 : i64, tpu.core_type = #tpu.core_type<tc>, window_params = [{transform_indices = @transform_0, window_bounds = array<i64: 1000, 128>}, {transform_indices = @transform_1, window_bounds = array<i64: 1000, 128>}, {transform_indices = @transform_2, window_bounds = array<i64: 1000, 1>}, {transform_indices = @transform_3, window_bounds = array<i64: 1000, 1>}, {pipeline_mode = #tpu.pipeline_mode<synchronous>, transform_indices = @transform_4, window_bounds = array<i64: 1, 128>}, {transform_indices = @transform_5, window_bounds = array<i64: 1000, 128>}]} {
    %get3A = arith.constant 0 : index
    %get3A_0 = arith.constant 0 : index
    %get3A_1 = vector.load %arg3[%get3A, %get3A_0] : memref<1000x1xf32, #tpu.memory_space<vmem>>, vector<1000x1xf32>
    %get3A_2 = arith.constant 0 : index
    %get3A_3 = arith.constant 0 : index
    %get3A_4 = vector.load %arg4[%get3A_2, %get3A_3] : memref<1000x1xf32, #tpu.memory_space<vmem>>, vector<1000x1xf32>
    %add3A = arith.addf %get3A_1, %get3A_4 : vector<1000x1xf32>
    %get3A_5 = arith.constant 0 : index
    %get3A_6 = arith.constant 0 : index
    %get3A_7 = vector.load %arg1[%get3A_5, %get3A_6] : memref<1000x128xf32, #tpu.memory_space<vmem>>, vector<1000x128xf32>
    %get3A_8 = arith.constant 0 : index
    %get3A_9 = arith.constant 0 : index
    %get3A_10 = vector.load %arg2[%get3A_8, %get3A_9] : memref<1000x128xf32, #tpu.memory_space<vmem>>, vector<1000x128xf32>
    %add3A_11 = arith.addf %get3A_7, %get3A_10 : vector<1000x128xf32>
    %add3A_12 = arith.constant 1.000000e-16 : f32
    %add3A_13 = vector.broadcast %add3A_12 : f32 to vector<1000x1xf32>
    %add3A_14 = arith.addf %add3A, %add3A_13 : vector<1000x1xf32>
    %div3A = vector.broadcast %add3A_14 : vector<1000x1xf32> to vector<1000x128xf32>
    %div3A_15 = arith.divf %add3A_11, %div3A : vector<1000x128xf32>
    %get3A_16 = arith.constant 0 : index
    %get3A_17 = arith.constant 0 : index
    %get3A_18 = vector.load %arg5[%get3A_16, %get3A_17] : memref<1x128xf32, #tpu.memory_space<vmem>>, vector<1x128xf32>
    %add3A_19 = vector.broadcast %get3A_18 : vector<1x128xf32> to vector<1000x128xf32>
    %add3A_20 = arith.addf %div3A_15, %add3A_19 : vector<1000x128xf32>
    %swap3A = arith.constant 0 : index
    %swap3A_21 = arith.constant 0 : index
    %swap3A_22 = vector.load %arg6[%swap3A, %swap3A_21] : memref<1000x128xf32, #tpu.memory_space<vmem>>, vector<1000x128xf32>
    tpu.vector_store %arg6[%swap3A, %swap3A_21], %add3A_20 {strides = array<i32>} : memref<1000x128xf32, #tpu.memory_space<vmem>>, vector<1000x128xf32>,
    return
  }
  func.func @transform_0(%arg0: i32) -> (i32, i32) {
    %c0_i32 = arith.constant 0 : i32
    %c0_i32_0 = arith.constant 0 : i32
    return %arg0, %c0_i32 : i32, i32
  }
  func.func @transform_1(%arg0: i32) -> (i32, i32) {
    %c0_i32 = arith.constant 0 : i32
    %c0_i32_0 = arith.constant 0 : i32
    return %arg0, %c0_i32 : i32, i32
  }
  func.func @transform_2(%arg0: i32) -> (i32, i32) {
    %c0_i32 = arith.constant 0 : i32
    %c0_i32_0 = arith.constant 0 : i32
    return %arg0, %c0_i32 : i32, i32
  }
  func.func @transform_3(%arg0: i32) -> (i32, i32) {
    %c0_i32 = arith.constant 0 : i32
    %c0_i32_0 = arith.constant 0 : i32
    return %arg0, %c0_i32 : i32, i32
  }
  func.func @transform_4(%arg0: i32) -> (i32, i32) {
    %c0_i32 = arith.constant 0 : i32
    %c0_i32_0 = arith.constant 0 : i32
    %c0_i32_1 = arith.constant 0 : i32
    return %c0_i32, %c0_i32_0 : i32, i32
  }
  func.func @transform_5(%arg0: i32) -> (i32, i32) {
    %c0_i32 = arith.constant 0 : i32
    %c0_i32_0 = arith.constant 0 : i32
    return %arg0, %c0_i32 : i32, i32
  }
}

</mosaic_0001>

<sc_bundles>
// kernel: kernel.5.cloned.1.call-start
scs
__scs_entry_jumppad:
0x0: {  	(pc) =	sbr.rel $0x88, $3  }
0x1: {  	(tag) =	ssettag $0x0;
	lr =	simm.s32 $0x1  }
0x2: {  	[smem:$0x3F9B] =	sst lr;
	_ =	strace $0xD0000000  }
0x3: {  	_ = 	snop  }
0x4: {  	_ = 	snop  }
0x5: {  	_ = 	snop  }
0x6: {  	_ = 	snop  }
0x7: {  	_ = 	snop  }
__scs_overlays_trampoline_lowered:
0x8: {  	[smem:$0x3FAA] =	sst s0  }
0x9: {  	[smem:$0x3FAB] =	sst s1  }
0xa: {  	[smem:$0x3FAC] =	sst s2  }
0xb: {  	[smem:$0x3FAD] =	sst s3  }
0xc: {  	[smem:$0x3FAE] =	sst s4  }
0xd: {  	[smem:$0x3FAF] =	sst s5  }
0xe: {  	[smem:$0x3FB0] =	sst s6  }
0xf: {  	[smem:$0x3FB1] =	sst s7  }
0x10: {  	[smem:$0x3FB2] =	sst s8  }
0x11: {  	[smem:$0x3FB3] =	sst s9;
	s0 =	simm.s32 @!p0 $0x0  }
0x12: {  	s1 =	sld [smem:$0x3F99];
	s0 =	simm.s32 @p0 $0x1  }
0x13: {  	[smem:$0x3FB4] =	sst s0;
	s0 =	simm.s32 @!p1 $0x0  }
0x14: {  	s2 =	sld [smem:$0x3F98];
	s0 =	simm.s32 @p1 $0x1  }
0x15: {  	[smem:$0x3FB5] =	sst s0;
	s0 =	simm.s32 @!p2 $0x0  }
0x16: {  	s3 =	sld [smem:$0x3FDB];
	s0 =	simm.s32 @p2 $0x1  }
0x17: {  	s4 =	simm.s32 $0x1BF5;
	[smem:$0x3FB7] =	sst s0  }
0x18: {  	s0 =	sld [smem:$0x3F9A];
	_ =	swait.ge [sflag:s4], $0x0  }
0x19: {  	s7 =	sld [smem:$0x3F9B]  }
0x1a: {  	s8 =	sadd.s32 $0xFFFFE003, lr  }
0x1b: {  	s9 =	sadd.s32 $0xFFFFFEF7, lr;
	s5 =	simm.s32 $0xFFFFFFFF;
	p2 =	slt.u32 s8, $0xFFFFF086  }
0x1c: {  	p1 =	slt.u32 s9, $0xF7A;
	s5 =	simm.s32 @!p2 $0x0  }
0x1d: {  	s5 =	simm.s32 @p1 $0x1;
	p0 =	seq.s32 s7, s2  }
0x1e: {  	s7 =	smul.u32 @!p0 $0xF7A, s2;
	p2 =	seq.s32 @!p0 s5, $0x0  }
0x1f: {  	s9 =	smul.u32 $0xF7A, s1;
	s8 =	simm.s32 @!p0 $0x1BF5;
	p2 =	por !p2, p0  }
0x20: {  	[sflag:s8] =	ssyncset.s32 @!p0 $0xFFFFF086;
	s6 =	sadd.s32 @!p0 s3, s7;
	s7 =	simm.s32 @!p0 $0x108  }
0x21: {  	s3 =	sadd.s32 s3, s9;
	s6 =	sadd.s32 @!p0 $0x88, s6;
	s7 =	simm.s32 @p2 $0x1082  }
0x22: {  	[simem:s7], [sflag:s8] =	dma.local @!p0 [hbm:s6], $0xF7A  }
0x23: {  	s9 =	sor.u32 $0xD0000000, s2;
	s6 =	simm.s32 $0x108;
	_ =	swait.ge @!p0 [sflag:s8], $0x0  }
0x24: {  	s3 =	sadd.s32 $0x88, s3;
	s6 =	simm.s32 @!p1 $0x1082;
	[sflag:s4] =	ssyncset.s32 $0xFFFFF086  }
0x25: {  	[simem:s6], [sflag:s4] =	dma.local [hbm:s3], $0xF7A  }
0x26: {  	[smem:$0x3F9B] =	sst s1;
	(tag) =	ssettag s2;
	_ =	strace s9  }
0x27: {  	s1 =	sld [smem:$0x3FAB]  }
0x28: {  	s2 =	sld [smem:$0x3FAC]  }
0x29: {  	s4 =	sld [smem:$0x3FAE]  }
0x2a: {  	p0 =	seq.s32 s5, $0x0;
	s5 =	sld [smem:$0x3FAF]  }
0x2b: {  	s6 =	sld [smem:$0x3FB0]  }
0x2c: {  	s7 =	sld [smem:$0x3FB1]  }
0x2d: {  	s3 =	simm.s32 $0x108;
	s8 =	sld [smem:$0x3FB2]  }
0x2e: {  	s3 =	simm.s32 @!p0 $0x1082;
	s9 =	sld [smem:$0x3FB3]  }
0x2f: {  	lr =	sadd.s32 s0, s3;
	s0 =	sld [smem:$0x3FAA]  }
0x30: {  	s3 =	sld [smem:$0x3FAD]  }
0x31: {  	[smem:$0x3FB6] =	sst s10  }
0x32: {  	s10 =	sld [smem:$0x3FB4];
	_ =	sdelay $0x3  }
0x33: {  	p0 =	seq.s32 s10, $0x1;
	s10 =	sld [smem:$0x3FB6];
	_ =	sdelay $0x3  }
0x34: {  	[smem:$0x3FB6] =	sst s10  }
0x35: {  	s10 =	sld [smem:$0x3FB5];
	_ =	sdelay $0x3  }
0x36: {  	p1 =	seq.s32 s10, $0x1;
	s10 =	sld [smem:$0x3FB6];
	_ =	sdelay $0x3  }
0x37: {  	[smem:$0x3FB6] =	sst s10  }
0x38: {  	s10 =	sld [smem:$0x3FB7]  }
0x39: {  	_ = 	snop;
	(pc) =	sbr.ind lr, $3  }
0x3a: {  	_ = 	snop  }
0x3b: {  	_ = 	snop  }
0x3c: {  	p2 =	seq.s32 s10, $0x1;
	s10 =	sld [smem:$0x3FB6]  }
0x3d: {  	_ =	shalt  }
0x3e: {  	_ =	shalt  }
0x3f: {  	_ =	shalt  }
0x40: {  	_ =	shalt  }
0x41: {  	_ =	shalt  }
0x42: {  	_ =	shalt  }
0x43: {  	_ =	shalt  }
0x44: {  	_ =	shalt  }
0x45: {  	_ =	shalt  }
0x46: {  	_ =	shalt  }
0x47: {  	_ =	shalt  }
0x48: {  	_ =	shalt  }
0x49: {  	_ =	shalt  }
0x4a: {  	_ =	shalt  }
0x4b: {  	_ =	shalt  }
0x4c: {  	_ =	shalt  }
0x4d: {  	_ =	shalt  }
0x4e: {  	_ =	shalt  }
0x4f: {  	_ =	shalt  }
0x50: {  	_ =	shalt  }
0x51: {  	_ =	shalt  }
0x52: {  	_ =	shalt  }
0x53: {  	_ =	shalt  }
0x54: {  	_ =	shalt  }
0x55: {  	_ =	shalt  }
0x56: {  	_ =	shalt  }
0x57: {  	_ =	shalt  }
0x58: {  	_ =	shalt  }
0x59: {  	_ =	shalt  }
0x5a: {  	_ =	shalt  }
0x5b: {  	_ =	shalt  }
0x5c: {  	_ =	shalt  }
0x5d: {  	_ =	shalt  }
0x5e: {  	_ =	shalt  }
0x5f: {  	_ =	shalt  }
0x60: {  	_ =	shalt  }
0x61: {  	_ =	shalt  }
0x62: {  	_ =	shalt  }
0x63: {  	_ =	shalt  }
0x64: {  	_ =	shalt  }
0x65: {  	_ =	shalt  }
0x66: {  	_ =	shalt  }
0x67: {  	_ =	shalt  }
0x68: {  	_ =	shalt  }
0x69: {  	_ =	shalt  }
0x6a: {  	_ =	shalt  }
0x6b: {  	_ =	shalt  }
0x6c: {  	_ =	shalt  }
0x6d: {  	_ =	shalt  }
0x6e: {  	_ =	shalt  }
0x6f: {  	_ =	shalt  }
0x70: {  	_ =	shalt  }
0x71: {  	_ =	shalt  }
0x72: {  	_ =	shalt  }
0x73: {  	_ =	shalt  }
0x74: {  	_ =	shalt  }
0x75: {  	_ =	shalt  }
0x76: {  	_ =	shalt  }
0x77: {  	_ =	shalt  }
0x78: {  	_ =	shalt  }
0x79: {  	_ =	shalt  }
0x7a: {  	_ =	shalt  }
0x7b: {  	_ =	shalt  }
0x7c: {  	_ =	shalt  }
0x7d: {  	_ =	shalt  }
0x7e: {  	_ =	shalt  }
0x7f: {  	_ =	shalt  }
0x80: {  	_ =	shalt  }
0x81: {  	_ =	shalt  }
0x82: {  	_ =	shalt  }
0x83: {  	_ =	shalt  }
0x84: {  	_ =	shalt  }
0x85: {  	_ =	shalt  }
0x86: {  	_ =	shalt  }
0x87: {  	_ =	shalt  }
.Lfunc_end0:
.L_simem_size_0:
called_computation_lowered:
.L_overlay_start_0:
0x88: {  	s2 =	sld [smem:$0x3FD9]  }
0x89: {  	s3 =	sld [smem:$0x3FFE];
	_ =	sdelay $0x1  }
0x8a: {  	s1 =	srdreg.scid  }
0x8b: {  	s0 =	sand.u32 $0x1, s1  }
0x8c: {  	s17 =	sshll.u32 s0, $0xA;
	s2 =	sadd.s32 s3, s2  }
0x8d: {  	s2 =	sadd.s32 s2, s17  }
0x8e: {  	[smem:$0x3FC2] =	sst s2  }
0x8f: {  	_ = 	snop  }
0x90: {  	s2 =	sld [smem:$0x3FD0];
	(tm) =	ssettm $0x1  }
0x91: {  	s18 =	sld [smem:$0x3FFB];
	_ =	sdelay $0x3  }
0x92: {  	_ =	strace s18  }
0x93: {  	s3 =	sld [smem:$0x3FFC];
	_ =	sdelay $0x3  }
0x94: {  	_ =	strace s3  }
0x95: {  	s3 =	sld [smem:$0x3FFD];
	_ =	sdelay $0x3  }
0x96: {  	_ =	strace s3  }
0x97: {  	_ =	strace $0x8FFFFFFF  }
0x98: {  	s19 =	sld [smem:$0x3FDB];
	_ =	sdelay $0x1  }
0x99: {  	s4 =	simm.s32 $_scs_section_size  }
0x9a: {  	s5 =	simm.s32 $_size__tile_overlayer_lowered;
	s6 =	simm.s32 $_tile_overlayer_lowered  }
0x9b: {  	s22 =	simm.s32 $0x1BFF;
	s21 =	sshll.u32 s6, $0x1;
	s3 =	sadd.s32 s4, s19  }
0x9c: {  	s7 =	simm.s32 $0x0;
	s20 =	sshll.u32 s5, $0x1;
	s5 =	sadd.s32 s21, s3  }
0x9d: {  	[timem:s7], [sflag:s22] =	dma.local [hbm:s5], s20  }
0x9e: {  	_ =	swait.ge [sflag:s22], s20  }
0x9f: {  	s4 =	ssub.s32 $0x0, s20;
	[sflag:s22] =	ssyncset.done $0x0  }
0xa0: {  	[sflag:s22] =	ssyncadd.s32 s4;
	_ =	sdelay $0x1  }
0xa1: {  	s23 =	simm.s32 $0x1B8B  }
0xa2: {  	_ =	swait.ge [sflag:s23], $0x1  }
0xa3: {  	[sflag:s23] =	ssyncset.done $0x0  }
0xa4: {  	s25 =	simm.s32 $0x1B8E;
	s24 =	sld [smem:$0x3FFE];
	[sflag:s23] =	ssyncadd.s32 $0xFFFFFFFF  }
0xa5: {  	s26 =	simm.s32 $execute0_lowered;
	[smem:$0x3FD2] =	sst s25  }
0xa6: {  	s5 =	sshll.u32 s26, $0x1;
	_ =	strace $0x80000046;
	[dreg:$0x1] =	wrdreg $0xFFFFFFFF  }
0xa7: {  	s28 =	simm.s32 $_size_execute0_lowered;
	s3 =	sadd.s32 s3, s5;
	[dreg:$0x0] =	wrdreg $0x0  }
0xa8: {  	s5 =	sshll.u32 s28, $0x1;
	[dreg:$0x2] =	wrdreg s3  }
0xa9: {  	[dreg:$0x3] =	wrdreg s5  }
0xaa: {  	[dreg:$0x4] =	wrdreg $0xC0  }
0xab: {  	_ =	task [dreg:s7], $0x5FFFF  }
0xac: {  	[dreg:$0x1] =	wrdreg $0xFFFFFFFF  }
0xad: {  	[dreg:$0x0] =	wrdreg $0x60  }
0xae: {  	[dreg:$0x2] =	wrdreg s2  }
0xaf: {  	[dreg:$0x3] =	wrdreg s24  }
0xb0: {  	[dreg:$0x4] =	wrdreg $0xBD800  }
0xb1: {  	[dreg:$0x5] =	wrdreg $0x1FD800  }
0xb2: {  	[dreg:$0x6] =	wrdreg $0x9  }
0xb3: {  	_ =	task.clear_ibuf [dreg:s7], $0x7FFFF;
	_ =	strace $0x90000046  }
0xb4: {  	s29 =	simm.s32 $0x9;
	_ =	strace $0x80000048  }
0xb5: {  	_ =	swait.ge [sflag:s29], $0x1  }
0xb6: {  	[sflag:s29] =	ssyncadd.s32 $0xFFFFFFFF  }
0xb7: {  	_ =	strace $0x90000048  }
0xb8: {  	_ =	sfence  }
0xb9: {  	s30 =	sld [smem:$0x0];
	_ =	sdelay $0x2  }
0xba: {  	s31 =	sshll.u32 s1, $0xD;
	s1 =	sshrl.u32 s1, $0x2  }
0xbb: {  	s3 =	sand.u32 $0x4000, s31;
	s1 =	sadd.s32 s1, s30  }
0xbc: {  	s0 =	sor.u32 s3, s0;
	s1 =	sshll.u32 s1, $0x11  }
0xbd: {  	s0 =	sor.u32 s1, s0  }
0xbe: {  	s0 =	sadd.s32 $0x8F2B, s0  }
0xbf: {  	[sflag:s0] =	ssyncadd.remote.s32 $0x1  }
0xc0: {  	_ =	sfence.sel $0xFFFF  }
0xc1: {  	[dreg:$0x0] =	wrdreg $0xFFFFFFFF;
	(pc) =	sbr.abs _section_cstart, $3  }
0xc2: {  	[dreg:$0x1] =	wrdreg $0xFFFFFFFF  }
0xc3: {  	_ =	task.clear_ibuf [dreg:s7], $0x2FFFF;
	_ =	strace $0x9FFFFFFF  }
0xc4: {  	(tm) =	ssettm $0x7FFFFFFF  }
0xc5: {  	_ =	shalt  }
tec
execute0_lowered:
.L_overlay_start_1:
0x0: {  	(tag) =	ssettag $0x1  }
0x1: {  	s0 =	srdreg.scid  }
0x2: {  	s1 =	rddreg [dreg:$0x0];
	s14 =	stileid.u32  }
0x3: {  	s4 =	rddreg [dreg:$0x1];
	s8 =	smul.u32 $0x14000, s14  }
0x4: {  	s2 =	rddreg [dreg:$0x2];
	s11 =	simm.s32 $0x0;
	s16 =	smul.u32 $0x29E0, s14  }
0x5: {  	s28 =	simm.s32 $0x6C00;
	s29 =	simm.s32 $0xA80;
	s18 =	smul.u32 $0x50000, s14  }
0x6: {  	s30 =	simm.s32 $0xB80;
	s0 =	sand.u32 $0x1, s0;
	s25 =	smul.u32 $0xA00, s14  }
0x7: {  	[smem:$0x7FF] =	sst s11;
	s10 =	sshrl.u32 s14, $0x3;
	s7 =	smul.u32 $0x140000, s0  }
0x8: {  	s12 =	sadd.s32 $0x3AA00, s4;
	s13 =	sadd.s32 $0x3A400, s4;
	s9 =	smul.u32 $0x2800, s0  }
0x9: {  	s3 =	sshll.u32 s0, $0x4;
	s10 =	smul.u32 $0x1400, s10;
	s15 =	ssub.s32 $0x2, s0  }
0xa: {  	p0 =	seq.s32 s0, $0x0;
	s5 =	sor.u32 s14, s3;
	s3 =	rddreg [dreg:$0x3]  }
0xb: {  	s0 =	smul.u32 $0x26C0, s14;
	_ =	strace $0x80000047;
	[dreg:$0x5] =	wrdreg s12  }
0xc: {  	s12 =	sshll.u32 s14, $0x7;
	s17 =	sshrl.u32 s15, $0x1;
	s19 =	sshrl.u32 s18, $0x2  }
0xd: {  	[dreg:$0x6] =	wrdreg s13;
	s13 =	ssub.s32 s15, s17;
	s17 =	sadd.s32 s19, s2  }
0xe: {  	s6 =	smul.u32 $0x900, s5;
	s20 =	sadd.s32 $0x1000, s17;
	[dreg:$0x7] =	wrdreg s17  }
0xf: {  	s5 =	sadd.s32 $0x12400, s4;
	s21 =	sadd.s32 $0x2000, s17;
	[dreg:$0x8] =	wrdreg s20  }
0x10: {  	s7 =	sadd.s32 s8, s7;
	s22 =	sadd.s32 $0x3000, s17;
	[dreg:$0x9] =	wrdreg s21  }
0x11: {  	s9 =	sadd.s32 s9, s10;
	s23 =	sadd.s32 $0x4000, s17;
	[dreg:$0xa] =	wrdreg s22  }
0x12: {  	s8 =	sand.u32 $0x380, s12;
	s24 =	sadd.s32 $0x5000, s17;
	[dreg:$0xb] =	wrdreg s23  }
0x13: {  	s7 =	sshrl.u32 s7, $0x3;
	s10 =	sadd.s32 $0x6000, s17;
	[dreg:$0xc] =	wrdreg s24  }
0x14: {  	s8 =	sor.u32 s8, s9;
	s26 =	sadd.s32 $0x7000, s17;
	[dreg:$0xd] =	wrdreg s10  }
0x15: {  	s9 =	sadd.s32 $0x26C00, s16;
	s31 =	sadd.s32 $0x8000, s17;
	[dreg:$0xe] =	wrdreg s26  }
0x16: {  	s13 =	smax.u32 s13, $0x1;
	s14 =	sadd.s32 $0xA000, s17;
	[dreg:$0xf] =	wrdreg s31  }
0x17: {  	s15 =	sadd.s32 $0xB000, s17;
	s16 =	sadd.s32 $0xC000, s17;
	[dreg:$0x14] =	wrdreg s13  }
0x18: {  	s18 =	sadd.s32 $0xD000, s17;
	s11 =	sadd.s32 s6, s4;
	[dreg:$0x15] =	wrdreg s14  }
0x19: {  	s7 =	sadd.s32 s7, s4;
	s8 =	sshrl.u32 s8, $0x3;
	[dreg:$0x16] =	wrdreg s15  }
0x1a: {  	s9 =	smov.u32 @p0 s0;
	s19 =	sadd.s32 s1, s6;
	[dreg:$0x17] =	wrdreg s16  }
0x1b: {  	s10 =	sadd.s32 $0x9000, s17;
	s0 =	sshrl.u32 s25, $0x2;
	[dreg:$0x18] =	wrdreg s18  }
0x1c: {  	s21 =	sadd.s32 $0xE000, s17;
	s23 =	sadd.s32 $0xF000, s17;
	[dreg:$0x10] =	wrdreg s10  }
0x1d: {  	s24 =	sadd.s32 $0x10000, s17;
	s25 =	sadd.s32 $0x11000, s17;
	[dreg:$0x19] =	wrdreg s21  }
0x1e: {  	s26 =	sadd.s32 $0x12000, s17;
	s31 =	sadd.s32 $0x13000, s17;
	[dreg:$0x1a] =	wrdreg s23  }
0x1f: {  	s18 =	simm.s32 $0x13;
	s1 =	simm.s32 $0x1;
	[dreg:$0x1b] =	wrdreg s24  }
0x20: {  	s6 =	simm.s32 $0xB00;
	s4 =	sadd.s32 s8, s4;
	[dreg:$0x1c] =	wrdreg s25  }
0x21: {  	s8 =	simm.s32 $0x136;
	s20 =	sadd.s32 s0, s3;
	[dreg:$0x1d] =	wrdreg s26  }
0x22: {  	s22 =	sadd.s32 $0x400, s11;
	s11 =	sadd.s32 $0x3BA00, s7;
	[dreg:$0x1e] =	wrdreg s31  }
0x23: {  	s23 =	simm.s32 $0x80;
	s26 =	simm.s32 $0x20;
	s0 =	simm.s32 $0x900  }
.Ltmp0:
0x24: {  	s24 =	simm.s32 $0x980;
	s10 =	simm.s32 $0xA00;
	(pc) =	sbr.rel .LBB2_1-.Ltmp0, $4  }
0x25: {  	s7 =	simm.s32 $0x0;
	s8 =	simm.s32 @!p0 $0x14F;
	[dreg:$0x12] =	wrdreg s11  }
0x26: {  	s12 =	sadd.s32 $0x3B000, s4;
	s11 =	sor.u32 $0x10, s9;
	[dreg:$0x11] =	wrdreg s20  }
0x27: {  	[dreg:$0x13] =	wrdreg s12;
	s12 =	sadd.s32 $0x6, s8;
	s13 =	sadd.s32 $0x4, s8  }
0x28: {  	v0 =	vimm.f32 $0.0e+00;
	s14 =	sadd.s32 $0x5, s8;
	s15 =	sadd.s32 $0x3, s8;
	s16 =	sadd.s32 $0x2, s8  }
.LBB2_33:
0x29: {  	s4 =	stileid.u32;
	[bflag:$0x0] =	sbarrier.arrive $0xFFFF  }
0x2a: {  	s4 =	sshll.u32 s4, $0x6;
	s17 =	rddreg [dreg:$0x7]  }
0x2b: {  	s20 =	rddreg [dreg:$0x12];
	s4 =	sor.u32 $0x1C13, s4;
	s7 =	sshrl.u32 s17, $0x3  }
0x2c: {  	[hbm:s20], [sflag:s4] =	dma.local [spmem:s7], $0x2800  }
0x2d: {  	s23 =	simm.s32 $0x80;
	_ =	swait.ge [sflag:s18], $0x2800  }
0x2e: {  	s25 =	simm.s32 $0x10;
	[sflag:s18] =	ssyncset.done $0x0;
	s20 =	rddreg [dreg:$0x11]  }
0x2f: {  	s21 =	rddreg [dreg:$0x13];
	[sflag:s18] =	ssyncadd.s32 $0xFFFFD800;
	s31 =	sshrl.u32 s20, $0x3  }
0x30: {  	[hbm:s21@s23], [sflag:s4] =	dma.strided [spmem:s31@s25], $0x50, s1, $0x10   }
0x31: {  	_ =	swait.ge [sflag:s18], $0x50  }
0x32: {  	s25 =	rddreg [dreg:$0x1f]  }
0x33: {  	s31 =	rddreg [dreg:$0x14];
	s7 =	sadd.s32 $0x1, s25  }
0x34: {  	p0 =	sne.s32 s7, s31  }
.Ltmp1:
0x35: {  	_ = 	snop;
	(pc) =	sbr.rel @!p0 .LBB2_34-.Ltmp1, $3  }
0x36: {  	_ =	sdelay $0x1  }
0x37: {  	[sflag:s18] =	ssyncset.done $0x0  }
0x38: {  	s28 =	simm.s32 $0x6C00;
	[sflag:s18] =	ssyncadd.s32 $0xFFFFFFB0  }
.LBB2_1:
0x39: {  	[dreg:$0x1f] =	wrdreg s7  }
0x3a: {  	s4 =	simm.s32 $0x0;
	s25 =	rddreg [dreg:$0x5]  }
0x3b: {  	[tilespmem:s28], [sflag:$0x13] =	stream.linear.gather [hbm4b:s25+s4], $0x2780, $0x38;
	v63 =	vld [tilespmem:$0x0]  }
0x3c: {  	_ =	swait.ge [sflag:s18], $0x2780  }
0x3d: {  	[sflag:s18] =	ssyncset.done $0x0  }
0x3e: {  	s21 =	simm.s32 $0x9380;
	s31 =	rddreg [dreg:$0x6];
	[sflag:s18] =	ssyncadd.s32 $0xFFFFD880  }
0x3f: {  	[tilespmem:s21], [sflag:$0x13] =	stream.linear.gather [hbm4b:s31+s4], $0x2780, $0x38;
	v63 =	vld [tilespmem:$0x0]  }
0x40: {  	_ =	swait.ge [sflag:s18], $0x2780  }
0x41: {  	s7 =	simm.s32 $0x9380;
	[sflag:s18] =	ssyncset.done $0x0  }
0x42: {  	s4 =	simm.s32 $0x0;
	s21 =	simm.s32 $0x200;
	[sflag:s18] =	ssyncadd.s32 $0xFFFFD880  }
.LBB2_2:
0x43: {  	p0 =	sne.s32 s21, $0x3E00;
	[tilespmem:s4+$0xC70] =	vst v0  }
0x44: {  	[tilespmem:s4+$0xC00] =	vst v0  }
0x45: {  	[tilespmem:s4+$0xC10] =	vst v0  }
.Ltmp2:
0x46: {  	[tilespmem:s4+$0xC20] =	vst v0;
	(pc) =	sbr.rel @p0 .LBB2_2-.Ltmp2, $4  }
0x47: {  	[tilespmem:s4+$0xC30] =	vst v0  }
0x48: {  	[tilespmem:s4+$0xC40] =	vst v0  }
0x49: {  	[tilespmem:s4+$0xC50] =	vst v0  }
0x4a: {  	[tilespmem:s4+$0xC60] =	vst v0;
	s4 =	sshra.s32 s21, $0x2;
	s21 =	sadd.s32 $0x200, s21  }
0x4b: {  	[tilespmem:s4+$0xC70] =	vst v0  }
0x4c: {  	[tilespmem:s4+$0xC00] =	vst v0  }
0x4d: {  	[tilespmem:s4+$0xC10] =	vst v0  }
0x4e: {  	[tilespmem:s4+$0xC20] =	vst v0  }
0x4f: {  	[tilespmem:s4+$0xC30] =	vst v0  }
0x50: {  	[tilespmem:s4+$0xC40] =	vst v0  }
0x51: {  	[tilespmem:s4+$0xC50] =	vst v0  }
0x52: {  	[tilespmem:s4+$0xC60] =	vst v0  }
0x53: {  	[tilespmem:$0xBB00] =	vst v0  }
0x54: {  	[tilespmem:$0xBB10] =	vst v0  }
0x55: {  	[tilespmem:$0xBB20] =	vst v0  }
0x56: {  	[tilespmem:$0xBB30] =	vst v0  }
0x57: {  	[tilespmem:$0xBB40] =	vst v0  }
0x58: {  	[tilespmem:$0xBB50] =	vst v0  }
0x59: {  	[tilespmem:$0xBB60] =	vst v0  }
0x5a: {  	[tilespmem:$0xBB70] =	vst v0  }
0x5b: {  	[tilespmem:$0xBB80] =	vst v0  }
0x5c: {  	[tilespmem:$0xBB90] =	vst v0  }
0x5d: {  	[tilespmem:$0xBBA0] =	vst v0  }
0x5e: {  	[tilespmem:$0xBBB0] =	vst v0  }
0x5f: {  	[tilespmem:$0xBBC0] =	vst v0  }
0x60: {  	[tilespmem:$0xBBD0] =	vst v0  }
0x61: {  	[tilespmem:$0xBBE0] =	vst v0  }
0x62: {  	[tilespmem:$0xBBF0] =	vst v0  }
0x63: {  	[tilespmem:$0xBC00] =	vst v0  }
0x64: {  	[tilespmem:$0xBC10] =	vst v0  }
0x65: {  	[tilespmem:$0xBC20] =	vst v0  }
0x66: {  	[tilespmem:$0xBC30] =	vst v0  }
0x67: {  	[tilespmem:$0xBC40] =	vst v0  }
0x68: {  	[tilespmem:$0xBC50] =	vst v0  }
0x69: {  	[tilespmem:$0xBC60] =	vst v0  }
0x6a: {  	[tilespmem:$0xBC70] =	vst v0  }
0x6b: {  	[tilespmem:$0xBC80] =	vst v0  }
0x6c: {  	[tilespmem:$0xBC90] =	vst v0  }
0x6d: {  	[tilespmem:$0xBCA0] =	vst v0  }
0x6e: {  	[tilespmem:$0xBCB0] =	vst v0  }
0x6f: {  	[tilespmem:$0xBCC0] =	vst v0  }
0x70: {  	[tilespmem:$0xBCD0] =	vst v0  }
0x71: {  	[tilespmem:$0xBCE0] =	vst v0  }
0x72: {  	[tilespmem:$0xBCF0] =	vst v0  }
0x73: {  	[tilespmem:$0xBD00] =	vst v0  }
0x74: {  	[tilespmem:$0xBD10] =	vst v0  }
0x75: {  	[tilespmem:$0xBD20] =	vst v0  }
0x76: {  	[tilespmem:$0xBD30] =	vst v0  }
0x77: {  	[tilespmem:$0xBD40] =	vst v0  }
0x78: {  	[tilespmem:$0xBD50] =	vst v0  }
0x79: {  	[tilespmem:$0xBD60] =	vst v0  }
0x7a: {  	s21 =	simm.s32 $0xC00;
	[tilespmem:$0xBD70] =	vst v0  }
0x7b: {  	[spmem:s17] =	stream.linear.scatter [tilespmem:s21], [sflag:$0x13], $0x1000, $0x38;
	v63 =	vld [tilespmem:$0x0]  }
0x7c: {  	_ =	swait.ge [sflag:s18], $0x1000  }
0x7d: {  	[sflag:s18] =	ssyncset.done $0x0  }
0x7e: {  	s31 =	rddreg [dreg:$0x8];
	[sflag:s18] =	ssyncadd.s32 $0xFFFFF000  }
0x7f: {  	[spmem:s31] =	stream.linear.scatter [tilespmem:s21], [sflag:$0x13], $0x1000, $0x38;
	v63 =	vld [tilespmem:$0x0]  }
0x80: {  	_ =	swait.ge [sflag:s18], $0x1000  }
0x81: {  	[sflag:s18] =	ssyncset.done $0x0  }
0x82: {  	s17 =	rddreg [dreg:$0x9];
	[sflag:s18] =	ssyncadd.s32 $0xFFFFF000  }
0x83: {  	[spmem:s17] =	stream.linear.scatter [tilespmem:s21], [sflag:$0x13], $0x1000, $0x38;
	v63 =	vld [tilespmem:$0x0]  }
0x84: {  	_ =	swait.ge [sflag:s18], $0x1000  }
0x85: {  	[sflag:s18] =	ssyncset.done $0x0  }
0x86: {  	s25 =	rddreg [dreg:$0xa];
	[sflag:s18] =	ssyncadd.s32 $0xFFFFF000  }
0x87: {  	[spmem:s25] =	stream.linear.scatter [tilespmem:s21], [sflag:$0x13], $0x1000, $0x38;
	v63 =	vld [tilespmem:$0x0]  }
0x88: {  	_ =	swait.ge [sflag:s18], $0x1000  }
0x89: {  	[sflag:s18] =	ssyncset.done $0x0  }
0x8a: {  	s31 =	rddreg [dreg:$0xb];
	[sflag:s18] =	ssyncadd.s32 $0xFFFFF000  }
0x8b: {  	[spmem:s31] =	stream.linear.scatter [tilespmem:s21], [sflag:$0x13], $0x1000, $0x38;
	v63 =	vld [tilespmem:$0x0]  }
0x8c: {  	_ =	swait.ge [sflag:s18], $0x1000  }
0x8d: {  	[sflag:s18] =	ssyncset.done $0x0  }
0x8e: {  	s17 =	rddreg [dreg:$0xc];
	[sflag:s18] =	ssyncadd.s32 $0xFFFFF000  }
0x8f: {  	[spmem:s17] =	stream.linear.scatter [tilespmem:s21], [sflag:$0x13], $0x1000, $0x38;
	v63 =	vld [tilespmem:$0x0]  }
0x90: {  	_ =	swait.ge [sflag:s18], $0x1000  }
0x91: {  	[sflag:s18] =	ssyncset.done $0x0  }
0x92: {  	s25 =	rddreg [dreg:$0xd];
	[sflag:s18] =	ssyncadd.s32 $0xFFFFF000  }
0x93: {  	[spmem:s25] =	stream.linear.scatter [tilespmem:s21], [sflag:$0x13], $0x1000, $0x38;
	v63 =	vld [tilespmem:$0x0]  }
0x94: {  	_ =	swait.ge [sflag:s18], $0x1000  }
0x95: {  	[sflag:s18] =	ssyncset.done $0x0  }
0x96: {  	s31 =	rddreg [dreg:$0xe];
	[sflag:s18] =	ssyncadd.s32 $0xFFFFF000  }
0x97: {  	[spmem:s31] =	stream.linear.scatter [tilespmem:s21], [sflag:$0x13], $0x1000, $0x38;
	v63 =	vld [tilespmem:$0x0]  }
0x98: {  	_ =	swait.ge [sflag:s18], $0x1000  }
0x99: {  	[sflag:s18] =	ssyncset.done $0x0  }
0x9a: {  	s17 =	rddreg [dreg:$0xf];
	[sflag:s18] =	ssyncadd.s32 $0xFFFFF000  }
0x9b: {  	[spmem:s17] =	stream.linear.scatter [tilespmem:s21], [sflag:$0x13], $0x1000, $0x38;
	v63 =	vld [tilespmem:$0x0]  }
0x9c: {  	_ =	swait.ge [sflag:s18], $0x1000  }
0x9d: {  	[sflag:s18] =	ssyncset.done $0x0  }
0x9e: {  	s25 =	rddreg [dreg:$0x10];
	[sflag:s18] =	ssyncadd.s32 $0xFFFFF000  }
0x9f: {  	[spmem:s25] =	stream.linear.scatter [tilespmem:s21], [sflag:$0x13], $0x1000, $0x38;
	v63 =	vld [tilespmem:$0x0]  }
0xa0: {  	_ =	swait.ge [sflag:s18], $0x1000  }
0xa1: {  	[sflag:s18] =	ssyncset.done $0x0  }
0xa2: {  	s31 =	rddreg [dreg:$0x15];
	[sflag:s18] =	ssyncadd.s32 $0xFFFFF000  }
0xa3: {  	[spmem:s31] =	stream.linear.scatter [tilespmem:s21], [sflag:$0x13], $0x1000, $0x38;
	v63 =	vld [tilespmem:$0x0]  }
0xa4: {  	_ =	swait.ge [sflag:s18], $0x1000  }
0xa5: {  	[sflag:s18] =	ssyncset.done $0x0  }
0xa6: {  	s17 =	rddreg [dreg:$0x16];
	[sflag:s18] =	ssyncadd.s32 $0xFFFFF000  }
0xa7: {  	[spmem:s17] =	stream.linear.scatter [tilespmem:s21], [sflag:$0x13], $0x1000, $0x38;
	v63 =	vld [tilespmem:$0x0]  }
0xa8: {  	_ =	swait.ge [sflag:s18], $0x1000  }
0xa9: {  	[sflag:s18] =	ssyncset.done $0x0  }
0xaa: {  	s25 =	rddreg [dreg:$0x17];
	[sflag:s18] =	ssyncadd.s32 $0xFFFFF000  }
0xab: {  	[spmem:s25] =	stream.linear.scatter [tilespmem:s21], [sflag:$0x13], $0x1000, $0x38;
	v63 =	vld [tilespmem:$0x0]  }
0xac: {  	_ =	swait.ge [sflag:s18], $0x1000  }
0xad: {  	[sflag:s18] =	ssyncset.done $0x0  }
0xae: {  	s31 =	rddreg [dreg:$0x18];
	[sflag:s18] =	ssyncadd.s32 $0xFFFFF000  }
0xaf: {  	[spmem:s31] =	stream.linear.scatter [tilespmem:s21], [sflag:$0x13], $0x1000, $0x38;
	v63 =	vld [tilespmem:$0x0]  }
0xb0: {  	_ =	swait.ge [sflag:s18], $0x1000  }
0xb1: {  	[sflag:s18] =	ssyncset.done $0x0  }
0xb2: {  	s17 =	rddreg [dreg:$0x19];
	[sflag:s18] =	ssyncadd.s32 $0xFFFFF000  }
0xb3: {  	[spmem:s17] =	stream.linear.scatter [tilespmem:s21], [sflag:$0x13], $0x1000, $0x38;
	v63 =	vld [tilespmem:$0x0]  }
0xb4: {  	_ =	swait.ge [sflag:s18], $0x1000  }
0xb5: {  	[sflag:s18] =	ssyncset.done $0x0  }
0xb6: {  	s25 =	rddreg [dreg:$0x1a];
	[sflag:s18] =	ssyncadd.s32 $0xFFFFF000  }
0xb7: {  	[spmem:s25] =	stream.linear.scatter [tilespmem:s21], [sflag:$0x13], $0x1000, $0x38;
	v63 =	vld [tilespmem:$0x0]  }
0xb8: {  	_ =	swait.ge [sflag:s18], $0x1000  }
0xb9: {  	[sflag:s18] =	ssyncset.done $0x0  }
0xba: {  	s31 =	rddreg [dreg:$0x1b];
	[sflag:s18] =	ssyncadd.s32 $0xFFFFF000  }
0xbb: {  	[spmem:s31] =	stream.linear.scatter [tilespmem:s21], [sflag:$0x13], $0x1000, $0x38;
	v63 =	vld [tilespmem:$0x0]  }
0xbc: {  	_ =	swait.ge [sflag:s18], $0x1000  }
0xbd: {  	[sflag:s18] =	ssyncset.done $0x0  }
0xbe: {  	s17 =	rddreg [dreg:$0x1c];
	[sflag:s18] =	ssyncadd.s32 $0xFFFFF000  }
0xbf: {  	[spmem:s17] =	stream.linear.scatter [tilespmem:s21], [sflag:$0x13], $0x1000, $0x38;
	v63 =	vld [tilespmem:$0x0]  }
0xc0: {  	_ =	swait.ge [sflag:s18], $0x1000  }
0xc1: {  	[sflag:s18] =	ssyncset.done $0x0  }
0xc2: {  	s25 =	rddreg [dreg:$0x1d];
	[sflag:s18] =	ssyncadd.s32 $0xFFFFF000  }
0xc3: {  	[spmem:s25] =	stream.linear.scatter [tilespmem:s21], [sflag:$0x13], $0x1000, $0x38;
	v63 =	vld [tilespmem:$0x0]  }
0xc4: {  	_ =	swait.ge [sflag:s18], $0x1000  }
0xc5: {  	[sflag:s18] =	ssyncset.done $0x0  }
0xc6: {  	s31 =	rddreg [dreg:$0x1e];
	[sflag:s18] =	ssyncadd.s32 $0xFFFFF000  }
0xc7: {  	[spmem:s31] =	stream.linear.scatter [tilespmem:s21], [sflag:$0x13], $0x1000, $0x38;
	v63 =	vld [tilespmem:$0x0]  }
0xc8: {  	_ =	swait.ge [sflag:s18], $0x1000  }
0xc9: {  	[sflag:s18] =	ssyncset.done $0x0  }
0xca: {  	s17 =	simm.s32 $0xBB00;
	[sflag:s18] =	ssyncadd.s32 $0xFFFFF000  }
0xcb: {  	[spmem:s20] =	stream.linear.scatter [tilespmem:s17], [sflag:$0x13], $0x280, $0x38;
	v63 =	vld [tilespmem:$0x0]  }
0xcc: {  	_ =	swait.ge [sflag:s18], $0x280  }
0xcd: {  	[sflag:s18] =	ssyncset.done $0x0  }
0xce: {  	[sflag:s18] =	ssyncadd.s32 $0xFFFFFD80  }
0xcf: {  	s4 =	simm.s32 $0x0;
	s17 =	simm.s32 $0x400;
	[bflag:$0x0] =	sbarrier.arrive $0xFFFF  }
0xd0: {  	[tilespmem:s4], [sflag:$0x13] =	stream.strided.gather [hbm4b:s19+s23], $0x180, s17, s23, $0x38;
	v63 =	vld [tilespmem:$0x0]  }
0xd1: {  	_ =	swait.ge [sflag:s18], $0x180  }
0xd2: {  	[sflag:s18] =	ssyncset.done $0x0  }
0xd3: {  	s25 =	simm.s32 $0x180;
	[sflag:s18] =	ssyncadd.s32 $0xFFFFFE80  }
0xd4: {  	[tilespmem:s25], [sflag:$0x13] =	stream.strided.gather [hbm4b:s22+s23], $0x180, s17, s23, $0x38;
	v63 =	vld [tilespmem:$0x0]  }
0xd5: {  	_ =	swait.ge [sflag:s18], $0x180  }
0xd6: {  	[sflag:s18] =	ssyncset.done $0x0  }
0xd7: {  	[sflag:s18] =	ssyncadd.s32 $0xFFFFFE80  }
0xd8: {  	v1 =	vld [tilespmem:$0x0]  }
0xd9: {  	v2 =	vld [tilespmem:$0x180];
	_ =	sdelay $0x1  }
0xda: {  	v3 =	vld [tilespmem:$0x10]  }
0xdb: {  	v4 =	vld [tilespmem:$0x190];
	_ =	sdelay $0x1  }
0xdc: {  	[tilespmem:$0x300] =	vst v1  }
0xdd: {  	[tilespmem:$0x600] =	vst v2  }
0xde: {  	v1 =	vld.idx.msk [tilespmem:v1+s28+$0x0], $0xffff  }
0xdf: {  	v2 =	vld.idx.msk [tilespmem:v2+s7+$0x0], $0xffff;
	[tilespmem:$0x310] =	vst v3  }
0xe0: {  	[tilespmem:$0x610] =	vst v4  }
0xe1: {  	v3 =	vld.idx.msk [tilespmem:v3+s28+$0x0], $0xffff  }
0xe2: {  	v4 =	vld.idx.msk [tilespmem:v4+s7+$0x0], $0xffff;
	_ =	sdelay $0x3  }
0xe3: {  	v1 =	vadd.f32 v2, v1  }
0xe4: {  	v2 =	vadd.f32 v4, v3  }
0xe5: {  	v3 =	vmul.f32 $2.000000030e-01, v1  }
0xe6: {  	vm0 =	vgt.f32 v1, $0.0e+00;
	v4 =	vmul.f32 $2.000000030e-01, v2  }
0xe7: {  	vm7 =	vgt.f32 v2, $0.0e+00;
	v1 =	vsel vm0, v1, v3  }
0xe8: {  	v1 =	vmul.f32 $1.442695020e+00, v1;
	v2 =	vsel vm7, v2, v4  }
0xe9: {  	v2 =	vmul.f32 $1.442695020e+00, v2  }
0xea: {  	(erf) = vpow2.f32 v1  }
0xeb: {  	(erf) = vpow2.f32 v2;
	_ =	sdelay $0x3  }
0xec: {  	s31 =	simm.s32 $0x300  }
0xed: {  	[tilespmem:s21], [sflag:$0x1] =	stream.indirect.gather [hbm4b:s5+s26], $0x80, s31, s26, $0xb8;
	v63 =	vld [tilespmem:$0x0]  }
0xee: {  	v1 =	vld [tilespmem:$0x20]  }
0xef: {  	v2 =	vld [tilespmem:$0x1A0]  }
0xf0: {  	v3 =	vpop (erf)  }
0xf1: {  	v4 =	vld [tilespmem:$0x30];
	[tilespmem:$0x900] =	vst v3;
	v3 =	vpop (erf)  }
0xf2: {  	[tilespmem:$0x910] =	vst v3;
	v3 =	vld [tilespmem:$0x1B0];
	_ =	sdelay $0x1  }
0xf3: {  	[tilespmem:$0x380] =	vst v1  }
0xf4: {  	[tilespmem:$0x680] =	vst v2  }
0xf5: {  	v1 =	vld.idx.msk [tilespmem:v1+s28+$0x0], $0xffff  }
0xf6: {  	v2 =	vld.idx.msk [tilespmem:v2+s7+$0x0], $0xffff;
	[tilespmem:$0x390] =	vst v4  }
0xf7: {  	[tilespmem:$0x690] =	vst v3  }
0xf8: {  	v4 =	vld.idx.msk [tilespmem:v4+s28+$0x0], $0xffff  }
0xf9: {  	v3 =	vld.idx.msk [tilespmem:v3+s7+$0x0], $0xffff;
	_ =	sdelay $0x3  }
0xfa: {  	v1 =	vadd.f32 v2, v1  }
0xfb: {  	v2 =	vadd.f32 v3, v4  }
0xfc: {  	v3 =	vmul.f32 $2.000000030e-01, v1  }
0xfd: {  	vm8 =	vgt.f32 v1, $0.0e+00;
	v4 =	vmul.f32 $2.000000030e-01, v2  }
0xfe: {  	v1 =	vsel vm8, v1, v3;
	vm9 =	vgt.f32 v2, $0.0e+00  }
0xff: {  	v1 =	vmul.f32 $1.442695020e+00, v1;
	v2 =	vsel vm9, v2, v4  }
0x100: {  	v2 =	vmul.f32 $1.442695020e+00, v2  }
0x101: {  	(erf) = vpow2.f32 v1  }
0x102: {  	(erf) = vpow2.f32 v2;
	_ =	sdelay $0x3  }
0x103: {  	s23 =	simm.s32 $0x380;
	s25 =	simm.s32 $0x1C00  }
0x104: {  	[tilespmem:s25], [sflag:$0x2] =	stream.indirect.gather [hbm4b:s5+s26], $0x80, s23, s26, $0xb8;
	v63 =	vld [tilespmem:$0x0]  }
0x105: {  	v1 =	vld [tilespmem:$0x40]  }
0x106: {  	v2 =	vld [tilespmem:$0x1C0]  }
0x107: {  	v3 =	vpop (erf)  }
0x108: {  	v4 =	vld [tilespmem:$0x50];
	[tilespmem:$0x980] =	vst v3;
	v3 =	vpop (erf)  }
0x109: {  	[tilespmem:$0x990] =	vst v3;
	v3 =	vld [tilespmem:$0x1D0];
	_ =	sdelay $0x1  }
0x10a: {  	[tilespmem:$0x400] =	vst v1  }
0x10b: {  	[tilespmem:$0x700] =	vst v2  }
0x10c: {  	v1 =	vld.idx.msk [tilespmem:v1+s28+$0x0], $0xffff  }
0x10d: {  	v2 =	vld.idx.msk [tilespmem:v2+s7+$0x0], $0xffff;
	[tilespmem:$0x410] =	vst v4  }
0x10e: {  	[tilespmem:$0x710] =	vst v3  }
0x10f: {  	v4 =	vld.idx.msk [tilespmem:v4+s28+$0x0], $0xffff  }
0x110: {  	v3 =	vld.idx.msk [tilespmem:v3+s7+$0x0], $0xffff;
	_ =	sdelay $0x3  }
0x111: {  	v1 =	vadd.f32 v2, v1  }
0x112: {  	v2 =	vadd.f32 v3, v4  }
0x113: {  	v3 =	vmul.f32 $2.000000030e-01, v1  }
0x114: {  	vm10 =	vgt.f32 v1, $0.0e+00;
	v4 =	vmul.f32 $2.000000030e-01, v2  }
0x115: {  	v1 =	vsel vm10, v1, v3;
	vm11 =	vgt.f32 v2, $0.0e+00  }
0x116: {  	v1 =	vmul.f32 $1.442695020e+00, v1;
	v2 =	vsel vm11, v2, v4  }
0x117: {  	v2 =	vmul.f32 $1.442695020e+00, v2  }
0x118: {  	(erf) = vpow2.f32 v1  }
0x119: {  	(erf) = vpow2.f32 v2;
	_ =	sdelay $0x3  }
0x11a: {  	s31 =	simm.s32 $0x2C00  }
0x11b: {  	[tilespmem:s31], [sflag:$0x3] =	stream.indirect.gather [hbm4b:s5+s26], $0x80, s17, s26, $0xb8;
	v63 =	vld [tilespmem:$0x0]  }
0x11c: {  	v1 =	vld [tilespmem:$0x60]  }
0x11d: {  	v2 =	vld [tilespmem:$0x1E0]  }
0x11e: {  	v3 =	vpop (erf)  }
0x11f: {  	v4 =	vld [tilespmem:$0x70];
	[tilespmem:$0xA00] =	vst v3;
	v3 =	vpop (erf)  }
0x120: {  	[tilespmem:$0xA10] =	vst v3;
	v3 =	vld [tilespmem:$0x1F0];
	_ =	sdelay $0x1  }
0x121: {  	[tilespmem:$0x480] =	vst v1  }
0x122: {  	[tilespmem:$0x780] =	vst v2  }
0x123: {  	v1 =	vld.idx.msk [tilespmem:v1+s28+$0x0], $0xffff  }
0x124: {  	v2 =	vld.idx.msk [tilespmem:v2+s7+$0x0], $0xffff;
	[tilespmem:$0x490] =	vst v4  }
0x125: {  	[tilespmem:$0x790] =	vst v3  }
0x126: {  	v4 =	vld.idx.msk [tilespmem:v4+s28+$0x0], $0xffff  }
0x127: {  	v3 =	vld.idx.msk [tilespmem:v3+s7+$0x0], $0xffff;
	_ =	sdelay $0x3  }
0x128: {  	v1 =	vadd.f32 v2, v1  }
0x129: {  	v2 =	vadd.f32 v3, v4  }
0x12a: {  	v3 =	vmul.f32 $2.000000030e-01, v1  }
0x12b: {  	vm12 =	vgt.f32 v1, $0.0e+00;
	v4 =	vmul.f32 $2.000000030e-01, v2  }
0x12c: {  	v1 =	vsel vm12, v1, v3;
	vm13 =	vgt.f32 v2, $0.0e+00  }
0x12d: {  	v1 =	vmul.f32 $1.442695020e+00, v1;
	v2 =	vsel vm13, v2, v4  }
0x12e: {  	v2 =	vmul.f32 $1.442695020e+00, v2  }
0x12f: {  	(erf) = vpow2.f32 v1  }
0x130: {  	(erf) = vpow2.f32 v2;
	_ =	sdelay $0x3  }
0x131: {  	s21 =	simm.s32 $0x480;
	s23 =	simm.s32 $0x3C00  }
0x132: {  	[tilespmem:s23], [sflag:$0x4] =	stream.indirect.gather [hbm4b:s5+s26], $0x80, s21, s26, $0xb8;
	v63 =	vld [tilespmem:$0x0]  }
0x133: {  	v1 =	vld [tilespmem:$0x80]  }
0x134: {  	v2 =	vld [tilespmem:$0x200]  }
0x135: {  	v3 =	vpop (erf)  }
0x136: {  	v4 =	vld [tilespmem:$0x90];
	[tilespmem:$0xA80] =	vst v3;
	v3 =	vpop (erf)  }
0x137: {  	[tilespmem:$0xA90] =	vst v3;
	v3 =	vld [tilespmem:$0x210];
	_ =	sdelay $0x1  }
0x138: {  	[tilespmem:$0x500] =	vst v1  }
0x139: {  	[tilespmem:$0x800] =	vst v2  }
0x13a: {  	v1 =	vld.idx.msk [tilespmem:v1+s28+$0x0], $0xffff  }
0x13b: {  	v2 =	vld.idx.msk [tilespmem:v2+s7+$0x0], $0xffff;
	[tilespmem:$0x510] =	vst v4  }
0x13c: {  	[tilespmem:$0x810] =	vst v3  }
0x13d: {  	v4 =	vld.idx.msk [tilespmem:v4+s28+$0x0], $0xffff  }
0x13e: {  	v3 =	vld.idx.msk [tilespmem:v3+s7+$0x0], $0xffff;
	_ =	sdelay $0x3  }
0x13f: {  	v1 =	vadd.f32 v2, v1  }
0x140: {  	v2 =	vadd.f32 v3, v4  }
0x141: {  	v3 =	vmul.f32 $2.000000030e-01, v1  }
0x142: {  	vm14 =	vgt.f32 v1, $0.0e+00;
	v4 =	vmul.f32 $2.000000030e-01, v2  }
0x143: {  	v1 =	vsel vm14, v1, v3;
	vm15 =	vgt.f32 v2, $0.0e+00  }
0x144: {  	v1 =	vmul.f32 $1.442695020e+00, v1;
	v2 =	vsel vm15, v2, v4  }
0x145: {  	v2 =	vmul.f32 $1.442695020e+00, v2  }
0x146: {  	(erf) = vpow2.f32 v1  }
0x147: {  	(erf) = vpow2.f32 v2;
	_ =	sdelay $0x6  }
0x148: {  	s25 =	simm.s32 $0x500;
	s31 =	simm.s32 $0x4C00  }
0x149: {  	[tilespmem:s31], [sflag:$0x5] =	stream.indirect.gather [hbm4b:s5+s26], $0x80, s25, s26, $0xb8;
	v1 =	vpop (erf);
	v63 =	vld [tilespmem:$0x0]  }
0x14a: {  	[tilespmem:$0xB00] =	vst v1;
	v1 =	vpop (erf)  }
0x14b: {  	[tilespmem:$0xB10] =	vst v1  }
0x14c: {  	_ =	swait.ge [sflag:s1], $0x1000  }
0x14d: {  	v1 =	vmov s4;
	[sflag:s1] =	ssyncset.done $0x0  }
0x14e: {  	s4 =	simm.s32 $0xC40;
	[sflag:s1] =	ssyncadd.s32 $0xFFFFF000  }
0x14f: {  	v5 =	vld [tilespmem:s4+$0x30]  }
0x150: {  	v8 =	vld [tilespmem:s4+$0x10]  }
0x151: {  	v6 =	vld [tilespmem:s4+$0xFFFFFFC0]  }
0x152: {  	v2 =	vld.idx.msk [tilespmem:v1+s0+$0x0], $0xffff  }
0x153: {  	v10 =	vld [tilespmem:s4+$0xFFFFFFE0]  }
0x154: {  	v3 =	vld [tilespmem:s4+$0x20]  }
0x155: {  	v4 =	vld [tilespmem:s4+$0xFFFFFFD0]  }
0x156: {  	v1 =	vld [tilespmem:s4+$0xFFFFFFF0]  }
0x157: {  	v9 =	vmul.f32 v5, v2;
	v5 =	vld [tilespmem:s4+$0x0]  }
0x158: {  	v7 =	vmul.f32 v6, v2  }
0x159: {  	s23 =	simm.s32 $0xC40;
	s25 =	simm.s32 $0x1;
	v6 =	vmul.f32 v10, v2;
	v8 =	vmul.f32 v8, v2  }
.LBB2_4:
0x15a: {  	p0 =	sne.s32 s25, $0x1F  }
0x15b: {  	v4 =	vmul.f32 v4, v2;
	v3 =	vmul.f32 v3, v2;
	[tilespmem:s4+$0x30] =	vst v9;
	s23 =	sadd.s32 $0x80, s23;
	s21 =	smov.u32 s25;
	s25 =	sadd.s32 $0x1, s25  }
0x15c: {  	[tilespmem:s4+$0xFFFFFFC0] =	vst v7;
	v7 =	vmul.f32 v1, v2;
	v2 =	vmul.f32 v5, v2  }
0x15d: {  	[tilespmem:s4+$0x10] =	vst v8  }
0x15e: {  	v5 =	vmov s21;
	[tilespmem:s4+$0xFFFFFFE0] =	vst v6  }
0x15f: {  	v1 =	vld [tilespmem:s23+$0xFFFFFFF0];
	[tilespmem:s4+$0xFFFFFFF0] =	vst v7  }
0x160: {  	v6 =	vld [tilespmem:s23+$0x30];
	[tilespmem:s4+$0x0] =	vst v2  }
0x161: {  	v8 =	vld [tilespmem:s23+$0x10];
	[tilespmem:s4+$0x20] =	vst v3  }
0x162: {  	v7 =	vld [tilespmem:s23+$0xFFFFFFC0];
	[tilespmem:s4+$0xFFFFFFD0] =	vst v4;
	s4 =	smov.u32 s23  }
0x163: {  	v2 =	vld.idx.msk [tilespmem:v5+s0+$0x0], $0xffff  }
0x164: {  	v10 =	vld [tilespmem:s23+$0xFFFFFFE0]  }
0x165: {  	v3 =	vld [tilespmem:s23+$0x20]  }
.Ltmp3:
0x166: {  	v4 =	vld [tilespmem:s23+$0xFFFFFFD0];
	(pc) =	sbr.rel @p0 .LBB2_4-.Ltmp3, $3  }
0x167: {  	v5 =	vld [tilespmem:s23+$0x0];
	_ =	sdelay $0x1  }
0x168: {  	v7 =	vmul.f32 v7, v2;
	v9 =	vmul.f32 v6, v2  }
0x169: {  	v8 =	vmul.f32 v8, v2;
	v6 =	vmul.f32 v10, v2  }
0x16a: {  	[tilespmem:s4+$0x30] =	vst v9  }
0x16b: {  	[tilespmem:s4+$0xFFFFFFC0] =	vst v7  }
0x16c: {  	v1 =	vmul.f32 v1, v2;
	[tilespmem:s4+$0x10] =	vst v8  }
0x16d: {  	v3 =	vmul.f32 v3, v2;
	[tilespmem:s4+$0xFFFFFFE0] =	vst v6  }
0x16e: {  	v5 =	vmul.f32 v5, v2;
	[tilespmem:s4+$0xFFFFFFF0] =	vst v1  }
0x16f: {  	v1 =	vmul.f32 v4, v2;
	[tilespmem:s4+$0x20] =	vst v3  }
0x170: {  	[tilespmem:s4+$0x0] =	vst v5  }
0x171: {  	s21 =	simm.s32 $0xC00;
	s17 =	simm.s32 $0x600;
	[tilespmem:s4+$0xFFFFFFD0] =	vst v1  }
0x172: {  	[spmem:s2] =	stream.indirect.scatter.add.f32 [tilespmem:s21], [sflag:$0x7], $0x80, s17, s26, $0xb8;
	v63 =	vld [tilespmem:$0x0]  }
0x173: {  	_ = 	snop  }
0x174: {  	[spmem:s3] =	stream.indirect.scatter.add.f32 [tilespmem:s0], [sflag:$0xD], $0x1, s17, s26, $0xb8;
	v63 =	vld [tilespmem:$0x0]  }
0x175: {  	v1 =	vld [tilespmem:$0xA0]  }
0x176: {  	v2 =	vld [tilespmem:$0x220];
	_ =	sdelay $0x1  }
0x177: {  	v3 =	vld [tilespmem:$0xB0]  }
0x178: {  	v4 =	vld [tilespmem:$0x230];
	_ =	sdelay $0x1  }
0x179: {  	[tilespmem:$0x580] =	vst v1  }
0x17a: {  	[tilespmem:$0x880] =	vst v2  }
0x17b: {  	v1 =	vld.idx.msk [tilespmem:v1+s28+$0x0], $0xffff  }
0x17c: {  	v2 =	vld.idx.msk [tilespmem:v2+s7+$0x0], $0xffff;
	[tilespmem:$0x590] =	vst v3  }
0x17d: {  	[tilespmem:$0x890] =	vst v4  }
0x17e: {  	v3 =	vld.idx.msk [tilespmem:v3+s28+$0x0], $0xffff  }
0x17f: {  	v4 =	vld.idx.msk [tilespmem:v4+s7+$0x0], $0xffff;
	_ =	sdelay $0x3  }
0x180: {  	v1 =	vadd.f32 v2, v1  }
0x181: {  	v2 =	vadd.f32 v4, v3  }
0x182: {  	v3 =	vmul.f32 $2.000000030e-01, v1  }
0x183: {  	vm0 =	vgt.f32 v1, $0.0e+00;
	v4 =	vmul.f32 $2.000000030e-01, v2  }
0x184: {  	vm15 =	vgt.f32 v2, $0.0e+00;
	v1 =	vsel vm0, v1, v3  }
0x185: {  	v1 =	vmul.f32 $1.442695020e+00, v1;
	v2 =	vsel vm15, v2, v4  }
0x186: {  	v2 =	vmul.f32 $1.442695020e+00, v2  }
0x187: {  	(erf) = vpow2.f32 v1  }
0x188: {  	(erf) = vpow2.f32 v2;
	_ =	sdelay $0x6  }
0x189: {  	s23 =	simm.s32 $0x580;
	s25 =	simm.s32 $0x5C00  }
0x18a: {  	[tilespmem:s25], [sflag:$0x6] =	stream.indirect.gather [hbm4b:s5+s26], $0x80, s23, s26, $0xb8;
	v1 =	vpop (erf);
	v63 =	vld [tilespmem:$0x0]  }
0x18b: {  	[tilespmem:$0xB80] =	vst v1;
	v1 =	vpop (erf)  }
0x18c: {  	s28 =	simm.s32 $0x2;
	[tilespmem:$0xB90] =	vst v1  }
0x18d: {  	s31 =	simm.s32 $0x0;
	_ =	swait.ge [sflag:s28], $0x1000  }
0x18e: {  	v1 =	vmov s31;
	[sflag:s28] =	ssyncset.done $0x0  }
0x18f: {  	s4 =	simm.s32 $0x1C40;
	[sflag:s28] =	ssyncadd.s32 $0xFFFFF000  }
0x190: {  	v5 =	vld [tilespmem:s4+$0x30]  }
0x191: {  	v8 =	vld [tilespmem:s4+$0x10]  }
0x192: {  	v6 =	vld [tilespmem:s4+$0xFFFFFFC0]  }
0x193: {  	v2 =	vld.idx.msk [tilespmem:v1+s24+$0x0], $0xffff  }
0x194: {  	v10 =	vld [tilespmem:s4+$0xFFFFFFE0]  }
0x195: {  	v3 =	vld [tilespmem:s4+$0x20]  }
0x196: {  	v4 =	vld [tilespmem:s4+$0xFFFFFFD0]  }
0x197: {  	v1 =	vld [tilespmem:s4+$0xFFFFFFF0]  }
0x198: {  	v9 =	vmul.f32 v5, v2;
	v5 =	vld [tilespmem:s4+$0x0]  }
0x199: {  	v7 =	vmul.f32 v6, v2  }
0x19a: {  	s25 =	simm.s32 $0x1;
	s23 =	simm.s32 $0x1C40;
	v6 =	vmul.f32 v10, v2;
	v8 =	vmul.f32 v8, v2  }
.LBB2_6:
0x19b: {  	p0 =	sne.s32 s25, $0x1F  }
0x19c: {  	v4 =	vmul.f32 v4, v2;
	v3 =	vmul.f32 v3, v2;
	[tilespmem:s4+$0x30] =	vst v9;
	s23 =	sadd.s32 $0x80, s23;
	s21 =	smov.u32 s25;
	s25 =	sadd.s32 $0x1, s25  }
0x19d: {  	[tilespmem:s4+$0xFFFFFFC0] =	vst v7;
	v7 =	vmul.f32 v1, v2;
	v2 =	vmul.f32 v5, v2  }
0x19e: {  	[tilespmem:s4+$0x10] =	vst v8  }
0x19f: {  	v5 =	vmov s21;
	[tilespmem:s4+$0xFFFFFFE0] =	vst v6  }
0x1a0: {  	v1 =	vld [tilespmem:s23+$0xFFFFFFF0];
	[tilespmem:s4+$0xFFFFFFF0] =	vst v7  }
0x1a1: {  	v6 =	vld [tilespmem:s23+$0x30];
	[tilespmem:s4+$0x0] =	vst v2  }
0x1a2: {  	v8 =	vld [tilespmem:s23+$0x10];
	[tilespmem:s4+$0x20] =	vst v3  }
0x1a3: {  	v7 =	vld [tilespmem:s23+$0xFFFFFFC0];
	[tilespmem:s4+$0xFFFFFFD0] =	vst v4;
	s4 =	smov.u32 s23  }
0x1a4: {  	v2 =	vld.idx.msk [tilespmem:v5+s24+$0x0], $0xffff  }
0x1a5: {  	v10 =	vld [tilespmem:s23+$0xFFFFFFE0]  }
0x1a6: {  	v3 =	vld [tilespmem:s23+$0x20]  }
.Ltmp4:
0x1a7: {  	v4 =	vld [tilespmem:s23+$0xFFFFFFD0];
	(pc) =	sbr.rel @p0 .LBB2_6-.Ltmp4, $3  }
0x1a8: {  	v5 =	vld [tilespmem:s23+$0x0];
	_ =	sdelay $0x1  }
0x1a9: {  	v7 =	vmul.f32 v7, v2;
	v9 =	vmul.f32 v6, v2  }
0x1aa: {  	v8 =	vmul.f32 v8, v2;
	v6 =	vmul.f32 v10, v2  }
0x1ab: {  	[tilespmem:s4+$0x30] =	vst v9  }
0x1ac: {  	[tilespmem:s4+$0xFFFFFFC0] =	vst v7  }
0x1ad: {  	v1 =	vmul.f32 v1, v2;
	[tilespmem:s4+$0x10] =	vst v8  }
0x1ae: {  	v3 =	vmul.f32 v3, v2;
	[tilespmem:s4+$0xFFFFFFE0] =	vst v6  }
0x1af: {  	v5 =	vmul.f32 v5, v2;
	[tilespmem:s4+$0xFFFFFFF0] =	vst v1  }
0x1b0: {  	v1 =	vmul.f32 v4, v2;
	[tilespmem:s4+$0x20] =	vst v3  }
.Ltmp5:
0x1b1: {  	[tilespmem:s4+$0x0] =	vst v5;
	(pc) =	sbr.rel .LBB2_8-.Ltmp5, $4  }
0x1b2: {  	s31 =	simm.s32 $0x1C00;
	s7 =	simm.s32 $0x680;
	[tilespmem:s4+$0xFFFFFFD0] =	vst v1  }
0x1b3: {  	[spmem:s2] =	stream.indirect.scatter.add.f32 [tilespmem:s31], [sflag:$0x8], $0x80, s7, s26, $0xb8;
	v63 =	vld [tilespmem:$0x0]  }
0x1b4: {  	s28 =	simm.s32 $0x1  }
0x1b5: {  	[spmem:s3] =	stream.indirect.scatter.add.f32 [tilespmem:s24], [sflag:$0xE], $0x1, s7, s26, $0xb8;
	v63 =	vld [tilespmem:$0x0]  }
.LBB2_32:
0x1b6: {  	s28 =	sadd.s32 $0x1, s28  }
0x1b7: {  	p0 =	sne.s32 s28, $0x3F  }
.Ltmp6:
0x1b8: {  	_ = 	snop;
	(pc) =	sbr.rel @!p0 .LBB2_33-.Ltmp6, $1  }
0x1b9: {  	_ =	sdelay $0x3  }
.LBB2_8:
0x1ba: {  	s21 =	smul.u32 $0x5555A, s28;
	_ =	sdelay $0x1  }
0x1bb: {  	s4 =	smul.u32 $0x6, s28;
	s21 =	sshrl.u32 s21, $0x13  }
0x1bc: {  	s21 =	smul.u32 $0x9, s21;
	_ =	sdelay $0x1  }
0x1bd: {  	p0 =	sge.u32 s4, s8;
	s21 =	ssub.s32 s4, s21  }
0x1be: {  	s23 =	sand.u32 @!p0 $0xFFFF, s21  }
0x1bf: {  	p1 =	sne.s32 @!p0 s23, $0x0  }
0x1c0: {  	p1 =	por p1, p0  }
0x1c1: {  	s23 =	smul.u32 @!p1 $0xE38F, s4;
	_ =	sdelay $0x1  }
0x1c2: {  	s25 =	sshrl.u32 @!p1 s23, $0x16  }
0x1c3: {  	s23 =	sshrl.u32 @!p1 s23, $0xC;
	s25 =	smul.u32 @!p1 $0xC00, s25  }
0x1c4: {  	s23 =	sand.u32 @!p1 $0x380, s23  }
0x1c5: {  	s23 =	sor.u32 @!p1 s23, s25  }
0x1c6: {  	s20 =	simm.s32 @!p1 $0x80;
	s23 =	sshrl.u32 @!p1 s23, $0x3  }
0x1c7: {  	s31 =	simm.s32 @!p1 $0x400;
	s17 =	simm.s32 @!p1 $0x0;
	s25 =	sadd.s32 @!p1 s19, s23  }
0x1c8: {  	[tilespmem:s17], [sflag:$0x13] =	stream.strided.gather @!p1 [hbm4b:s25+s20], $0x180, s31, s20, $0x38;
	v63 =	vld [tilespmem:$0x0]  }
0x1c9: {  	s17 =	simm.s32 @!p1 $0x13  }
0x1ca: {  	_ =	swait.ge @!p1 [sflag:s17], $0x180  }
0x1cb: {  	[sflag:s17] =	ssyncset.done @!p1 $0x0  }
0x1cc: {  	s23 =	sadd.s32 @!p1 s22, s23;
	s25 =	simm.s32 @!p1 $0x180;
	[sflag:s17] =	ssyncadd.s32 @!p1 $0xFFFFFE80  }
0x1cd: {  	[tilespmem:s25], [sflag:$0x13] =	stream.strided.gather @!p1 [hbm4b:s23+s20], $0x180, s31, s20, $0x38;
	v63 =	vld [tilespmem:$0x0]  }
0x1ce: {  	_ =	swait.ge @!p1 [sflag:s17], $0x180  }
0x1cf: {  	p2 =	sge.u32 s4, s12;
	[sflag:s17] =	ssyncset.done @!p1 $0x0  }
0x1d0: {  	[sflag:s17] =	ssyncadd.s32 @!p1 $0xFFFFFE80;
	s17 =	simm.s32 @!p2 $0x7  }
0x1d1: {  	_ =	swait.ge @!p2 [sflag:s17], $0x1000  }
0x1d2: {  	[sflag:s17] =	ssyncset.done @!p2 $0x0  }
0x1d3: {  	[sflag:s17] =	ssyncadd.s32 @!p2 $0xFFFFF000;
	s17 =	simm.s32 @!p2 $0xD  }
0x1d4: {  	_ =	swait.ge @!p2 [sflag:s17], $0x20  }
0x1d5: {  	s20 =	sshll.u32 @!p0 s21, $0x5;
	[sflag:s17] =	ssyncset.done @!p2 $0x0  }
0x1d6: {  	[sflag:s17] =	ssyncadd.s32 @!p2 $0xFFFFFFE0;
	s17 =	sand.u32 @!p0 $0xFFE0, s20  }
0x1d7: {  	v1 =	vld @!p0 [tilespmem:s17+$0x0]  }
0x1d8: {  	v2 =	vld @!p0 [tilespmem:s17+$0x180];
	_ =	sdelay $0x3  }
0x1d9: {  	[tilespmem:$0x300] =	vst @!p0 v1  }
0x1da: {  	[tilespmem:$0x600] =	vst @!p0 v2  }
0x1db: {  	v3 =	vld @!p0 [tilespmem:s17+$0x10]  }
0x1dc: {  	v4 =	vld @!p0 [tilespmem:s17+$0x190];
	_ =	sdelay $0x2  }
0x1dd: {  	s17 =	simm.s32 @!p0 $0x6C00  }
0x1de: {  	s20 =	simm.s32 @!p0 $0x9380;
	v1 =	vld.idx.msk @!p0 [tilespmem:v1+s17+$0x0], $0xffff  }
0x1df: {  	v2 =	vld.idx.msk @!p0 [tilespmem:v2+s20+$0x0], $0xffff;
	[tilespmem:$0x310] =	vst @!p0 v3  }
0x1e0: {  	[tilespmem:$0x610] =	vst @!p0 v4  }
0x1e1: {  	v3 =	vld.idx.msk @!p0 [tilespmem:v3+s17+$0x0], $0xffff  }
0x1e2: {  	v4 =	vld.idx.msk @!p0 [tilespmem:v4+s20+$0x0], $0xffff;
	_ =	sdelay $0x3  }
0x1e3: {  	v1 =	vadd.f32 @!p0 v2, v1  }
0x1e4: {  	v2 =	vadd.f32 @!p0 v4, v3  }
0x1e5: {  	v3 =	vmul.f32 @!p0 $2.000000030e-01, v1  }
0x1e6: {  	vm0 =	vgt.f32 @!p0 v1, $0.0e+00;
	v4 =	vmul.f32 @!p0 $2.000000030e-01, v2  }
0x1e7: {  	v1 =	vsel @!p0 vm0, v1, v3;
	vm0 =	vgt.f32 @!p0 v2, $0.0e+00  }
0x1e8: {  	v1 =	vmul.f32 @!p0 $1.442695020e+00, v1;
	v2 =	vsel @!p0 vm0, v2, v4  }
0x1e9: {  	v2 =	vmul.f32 @!p0 $1.442695020e+00, v2  }
0x1ea: {  	(erf) = vpow2.f32 @!p0 v1  }
0x1eb: {  	(erf) = vpow2.f32 @!p0 v2  }
0x1ec: {  	s21 =	simm.s32 @!p0 $0x300  }
0x1ed: {  	s23 =	simm.s32 @!p0 $0xC00;
	s17 =	smul.u32 @!p0 $0xC0, s28;
	s20 =	simm.s32 @!p0 $0x20  }
0x1ee: {  	[tilespmem:s23], [sflag:$0x1] =	stream.indirect.gather @!p0 [hbm4b:s5+s20], $0x80, s21, s20, $0xb8;
	v63 =	vld [tilespmem:$0x0]  }
0x1ef: {  	s20 =	sadd.s32 @!p0 s9, s17;
	s17 =	sadd.s32 @!p0 s17, s11  }
0x1f0: {  	p2 =	slt.u32 @!p0 s17, $0x50910  }
0x1f1: {  	p6 =	por !p2, p0;
	p2 =	sge.u32 s4, s13  }
.Ltmp7:
0x1f2: {  	p1 =	slt.u32 @!p0 s20, $0x50910;
	(pc) =	sbr.rel @p2 .LBB2_12-.Ltmp7, $4  }
0x1f3: {  	p1 =	por !p1, p0;
	v1 =	vpop @!p0 (erf)  }
0x1f4: {  	v1 =	vpsel p1, $0x0, v1;
	v2 =	vpop @!p0 (erf)  }
0x1f5: {  	[tilespmem:$0x900] =	vst @!p0 v1;
	v2 =	vpsel p6, $0x0, v2  }
0x1f6: {  	[tilespmem:$0x910] =	vst @!p0 v2  }
0x1f7: {  	s7 =	simm.s32 $0x3  }
0x1f8: {  	s17 =	simm.s32 $0x0;
	_ =	swait.ge [sflag:s7], $0x1000  }
0x1f9: {  	v1 =	vmov s17;
	[sflag:s7] =	ssyncset.done $0x0  }
0x1fa: {  	s25 =	simm.s32 $0x2C40;
	[sflag:s7] =	ssyncadd.s32 $0xFFFFF000  }
0x1fb: {  	v5 =	vld [tilespmem:s25+$0x30]  }
0x1fc: {  	v8 =	vld [tilespmem:s25+$0x10]  }
0x1fd: {  	v6 =	vld [tilespmem:s25+$0xFFFFFFC0]  }
0x1fe: {  	v2 =	vld.idx.msk [tilespmem:v1+s10+$0x0], $0xffff  }
0x1ff: {  	v10 =	vld [tilespmem:s25+$0xFFFFFFE0]  }
0x200: {  	v3 =	vld [tilespmem:s25+$0x20]  }
0x201: {  	v4 =	vld [tilespmem:s25+$0xFFFFFFD0]  }
0x202: {  	v1 =	vld [tilespmem:s25+$0xFFFFFFF0]  }
0x203: {  	v9 =	vmul.f32 v5, v2;
	v5 =	vld [tilespmem:s25+$0x0]  }
0x204: {  	v7 =	vmul.f32 v6, v2  }
0x205: {  	s23 =	simm.s32 $0x1;
	s21 =	simm.s32 $0x2C40;
	v6 =	vmul.f32 v10, v2;
	v8 =	vmul.f32 v8, v2  }
.LBB2_10:
0x206: {  	p1 =	sne.s32 s23, $0x1F  }
0x207: {  	v4 =	vmul.f32 v4, v2;
	v3 =	vmul.f32 v3, v2;
	[tilespmem:s25+$0x30] =	vst v9;
	s21 =	sadd.s32 $0x80, s21;
	s17 =	smov.u32 s23;
	s23 =	sadd.s32 $0x1, s23  }
0x208: {  	[tilespmem:s25+$0xFFFFFFC0] =	vst v7;
	v7 =	vmul.f32 v1, v2;
	v2 =	vmul.f32 v5, v2  }
0x209: {  	[tilespmem:s25+$0x10] =	vst v8  }
0x20a: {  	v5 =	vmov s17;
	[tilespmem:s25+$0xFFFFFFE0] =	vst v6  }
0x20b: {  	v1 =	vld [tilespmem:s21+$0xFFFFFFF0];
	[tilespmem:s25+$0xFFFFFFF0] =	vst v7  }
0x20c: {  	v6 =	vld [tilespmem:s21+$0x30];
	[tilespmem:s25+$0x0] =	vst v2  }
0x20d: {  	v8 =	vld [tilespmem:s21+$0x10];
	[tilespmem:s25+$0x20] =	vst v3  }
0x20e: {  	v7 =	vld [tilespmem:s21+$0xFFFFFFC0];
	[tilespmem:s25+$0xFFFFFFD0] =	vst v4;
	s25 =	smov.u32 s21  }
0x20f: {  	v2 =	vld.idx.msk [tilespmem:v5+s10+$0x0], $0xffff  }
0x210: {  	v10 =	vld [tilespmem:s21+$0xFFFFFFE0]  }
0x211: {  	v3 =	vld [tilespmem:s21+$0x20]  }
.Ltmp8:
0x212: {  	v4 =	vld [tilespmem:s21+$0xFFFFFFD0];
	(pc) =	sbr.rel @p1 .LBB2_10-.Ltmp8, $3  }
0x213: {  	v5 =	vld [tilespmem:s21+$0x0];
	_ =	sdelay $0x1  }
0x214: {  	v7 =	vmul.f32 v7, v2;
	v9 =	vmul.f32 v6, v2  }
0x215: {  	v8 =	vmul.f32 v8, v2;
	v6 =	vmul.f32 v10, v2  }
0x216: {  	[tilespmem:s25+$0x30] =	vst v9  }
0x217: {  	[tilespmem:s25+$0xFFFFFFC0] =	vst v7  }
0x218: {  	v1 =	vmul.f32 v1, v2;
	[tilespmem:s25+$0x10] =	vst v8  }
0x219: {  	v3 =	vmul.f32 v3, v2;
	[tilespmem:s25+$0xFFFFFFE0] =	vst v6  }
0x21a: {  	v5 =	vmul.f32 v5, v2;
	[tilespmem:s25+$0xFFFFFFF0] =	vst v1  }
0x21b: {  	v1 =	vmul.f32 v4, v2;
	[tilespmem:s25+$0x20] =	vst v3  }
0x21c: {  	[tilespmem:s25+$0x0] =	vst v5  }
0x21d: {  	s7 =	simm.s32 $0x2C00;
	s17 =	simm.s32 $0x700;
	[tilespmem:s25+$0xFFFFFFD0] =	vst v1  }
0x21e: {  	[spmem:s2] =	stream.indirect.scatter.add.f32 [tilespmem:s7], [sflag:$0x9], $0x80, s17, s26, $0xb8;
	v63 =	vld [tilespmem:$0x0]  }
0x21f: {  	_ = 	snop  }
0x220: {  	[spmem:s3] =	stream.indirect.scatter.add.f32 [tilespmem:s10], [sflag:$0xF], $0x1, s17, s26, $0xb8;
	v63 =	vld [tilespmem:$0x0]  }
.LBB2_12:
0x221: {  	s25 =	sor.u32 $0x1, s4  }
0x222: {  	s17 =	smulhi.u32 $0x38E38E39, s25;
	_ =	sdelay $0x1  }
0x223: {  	s17 =	sshrl.u32 s17, $0x1  }
0x224: {  	s17 =	smul.u32 $0x9, s17;
	_ =	sdelay $0x1  }
0x225: {  	p1 =	sge.u32 s25, s8;
	s17 =	ssub.s32 s25, s17  }
0x226: {  	p3 =	sne.s32 @!p1 s17, $0x0  }
0x227: {  	p3 =	por p3, p1  }
0x228: {  	s20 =	smulhi.u32 @!p3 $0x38E38E39, s25;
	_ =	sdelay $0x1  }
0x229: {  	s21 =	sshrl.u32 @!p3 s20, $0x4  }
0x22a: {  	s20 =	sshll.u32 @!p3 s20, $0x6;
	s21 =	smul.u32 @!p3 $0xC00, s21  }
0x22b: {  	s20 =	sand.u32 @!p3 $0x380, s20  }
0x22c: {  	s20 =	sor.u32 @!p3 s20, s21  }
0x22d: {  	s23 =	simm.s32 @!p3 $0x80;
	s20 =	sshrl.u32 @!p3 s20, $0x3  }
0x22e: {  	s31 =	simm.s32 @!p3 $0x400;
	s7 =	simm.s32 @!p3 $0x0;
	s21 =	sadd.s32 @!p3 s19, s20  }
0x22f: {  	[tilespmem:s7], [sflag:$0x13] =	stream.strided.gather @!p3 [hbm4b:s21+s23], $0x180, s31, s23, $0x38;
	v63 =	vld [tilespmem:$0x0]  }
0x230: {  	s7 =	simm.s32 @!p3 $0x13  }
0x231: {  	_ =	swait.ge @!p3 [sflag:s7], $0x180  }
0x232: {  	[sflag:s7] =	ssyncset.done @!p3 $0x0  }
0x233: {  	s20 =	sadd.s32 @!p3 s22, s20;
	s21 =	simm.s32 @!p3 $0x180;
	[sflag:s7] =	ssyncadd.s32 @!p3 $0xFFFFFE80  }
0x234: {  	[tilespmem:s21], [sflag:$0x13] =	stream.strided.gather @!p3 [hbm4b:s20+s23], $0x180, s31, s23, $0x38;
	v63 =	vld [tilespmem:$0x0]  }
0x235: {  	_ =	swait.ge @!p3 [sflag:s7], $0x180  }
0x236: {  	p4 =	sge.u32 s4, s14;
	[sflag:s7] =	ssyncset.done @!p3 $0x0  }
0x237: {  	[sflag:s7] =	ssyncadd.s32 @!p3 $0xFFFFFE80;
	s7 =	simm.s32 @!p4 $0x8  }
0x238: {  	_ =	swait.ge @!p4 [sflag:s7], $0x1000  }
0x239: {  	[sflag:s7] =	ssyncset.done @!p4 $0x0  }
0x23a: {  	[sflag:s7] =	ssyncadd.s32 @!p4 $0xFFFFF000;
	s7 =	simm.s32 @!p4 $0xE  }
0x23b: {  	_ =	swait.ge @!p4 [sflag:s7], $0x20  }
0x23c: {  	[sflag:s7] =	ssyncset.done @!p4 $0x0  }
0x23d: {  	[sflag:s7] =	ssyncadd.s32 @!p4 $0xFFFFFFE0;
	s7 =	sshll.u32 @!p1 s17, $0x5  }
0x23e: {  	v1 =	vld @!p1 [tilespmem:s7+$0x0]  }
0x23f: {  	v2 =	vld @!p1 [tilespmem:s7+$0x180];
	_ =	sdelay $0x3  }
0x240: {  	[tilespmem:$0x380] =	vst @!p1 v1  }
0x241: {  	[tilespmem:$0x680] =	vst @!p1 v2  }
0x242: {  	v3 =	vld @!p1 [tilespmem:s7+$0x10]  }
0x243: {  	v4 =	vld @!p1 [tilespmem:s7+$0x190];
	_ =	sdelay $0x2  }
0x244: {  	s7 =	simm.s32 @!p1 $0x6C00  }
0x245: {  	s17 =	simm.s32 @!p1 $0x9380;
	v1 =	vld.idx.msk @!p1 [tilespmem:v1+s7+$0x0], $0xffff  }
0x246: {  	v2 =	vld.idx.msk @!p1 [tilespmem:v2+s17+$0x0], $0xffff;
	[tilespmem:$0x390] =	vst @!p1 v3  }
0x247: {  	[tilespmem:$0x690] =	vst @!p1 v4  }
0x248: {  	v3 =	vld.idx.msk @!p1 [tilespmem:v3+s7+$0x0], $0xffff  }
0x249: {  	v4 =	vld.idx.msk @!p1 [tilespmem:v4+s17+$0x0], $0xffff;
	_ =	sdelay $0x2  }
0x24a: {  	v1 =	vadd.f32 @!p1 v2, v1;
	_ =	sdelay $0x1  }
0x24b: {  	v2 =	vadd.f32 @!p1 v4, v3;
	v3 =	vmul.f32 @!p1 $2.000000030e-01, v1  }
0x24c: {  	vm0 =	vgt.f32 @!p1 v1, $0.0e+00  }
0x24d: {  	v1 =	vsel @!p1 vm0, v1, v3  }
0x24e: {  	v1 =	vmul.f32 @!p1 $1.442695020e+00, v1  }
0x24f: {  	v4 =	vmul.f32 @!p1 $2.000000030e-01, v2  }
0x250: {  	vm0 =	vgt.f32 @!p1 v2, $0.0e+00;
	(erf) = vpow2.f32 @!p1 v1  }
0x251: {  	v2 =	vsel @!p1 vm0, v2, v4  }
0x252: {  	v2 =	vmul.f32 @!p1 $1.442695020e+00, v2;
	_ =	sdelay $0x1  }
0x253: {  	s20 =	simm.s32 @!p1 $0x380;
	(erf) = vpow2.f32 @!p1 v2  }
0x254: {  	s21 =	simm.s32 @!p1 $0x1C00;
	s7 =	sshll.u32 @!p1 s25, $0x5;
	s17 =	simm.s32 @!p1 $0x20  }
0x255: {  	[tilespmem:s21], [sflag:$0x2] =	stream.indirect.gather @!p1 [hbm4b:s5+s17], $0x80, s20, s17, $0xb8;
	v63 =	vld [tilespmem:$0x0]  }
0x256: {  	s17 =	sadd.s32 @!p1 s9, s7  }
0x257: {  	p3 =	slt.u32 @!p1 s17, $0x50910  }
0x258: {  	p3 =	por !p3, p1;
	v1 =	vpop @!p1 (erf)  }
0x259: {  	v1 =	vpsel p3, $0x0, v1;
	p3 =	sge.u32 s4, s15  }
.Ltmp9:
0x25a: {  	s7 =	sadd.s32 @!p1 s7, s11;
	(pc) =	sbr.rel @p3 .LBB2_16-.Ltmp9, $4  }
0x25b: {  	p4 =	slt.u32 @!p1 s7, $0x50910  }
0x25c: {  	p6 =	por !p4, p1;
	v2 =	vpop @!p1 (erf)  }
0x25d: {  	[tilespmem:$0x980] =	vst @!p1 v1;
	v2 =	vpsel p6, $0x0, v2  }
0x25e: {  	[tilespmem:$0x990] =	vst @!p1 v2  }
0x25f: {  	s17 =	simm.s32 $0x4  }
0x260: {  	s7 =	simm.s32 $0x0;
	_ =	swait.ge [sflag:s17], $0x1000  }
0x261: {  	v1 =	vmov s7;
	[sflag:s17] =	ssyncset.done $0x0  }
0x262: {  	s25 =	simm.s32 $0x3C40;
	[sflag:s17] =	ssyncadd.s32 $0xFFFFF000  }
0x263: {  	v5 =	vld [tilespmem:s25+$0x30]  }
0x264: {  	v8 =	vld [tilespmem:s25+$0x10]  }
0x265: {  	v6 =	vld [tilespmem:s25+$0xFFFFFFC0]  }
0x266: {  	v2 =	vld.idx.msk [tilespmem:v1+s29+$0x0], $0xffff  }
0x267: {  	v10 =	vld [tilespmem:s25+$0xFFFFFFE0]  }
0x268: {  	v3 =	vld [tilespmem:s25+$0x20]  }
0x269: {  	v4 =	vld [tilespmem:s25+$0xFFFFFFD0]  }
0x26a: {  	v1 =	vld [tilespmem:s25+$0xFFFFFFF0]  }
0x26b: {  	v9 =	vmul.f32 v5, v2;
	v5 =	vld [tilespmem:s25+$0x0]  }
0x26c: {  	v7 =	vmul.f32 v6, v2  }
0x26d: {  	s23 =	simm.s32 $0x1;
	s21 =	simm.s32 $0x3C40;
	v6 =	vmul.f32 v10, v2;
	v8 =	vmul.f32 v8, v2  }
.LBB2_14:
0x26e: {  	p4 =	sne.s32 s23, $0x1F  }
0x26f: {  	v4 =	vmul.f32 v4, v2;
	v3 =	vmul.f32 v3, v2;
	[tilespmem:s25+$0x30] =	vst v9;
	s21 =	sadd.s32 $0x80, s21;
	s7 =	smov.u32 s23;
	s23 =	sadd.s32 $0x1, s23  }
0x270: {  	[tilespmem:s25+$0xFFFFFFC0] =	vst v7;
	v7 =	vmul.f32 v1, v2;
	v2 =	vmul.f32 v5, v2  }
0x271: {  	[tilespmem:s25+$0x10] =	vst v8  }
0x272: {  	v5 =	vmov s7;
	[tilespmem:s25+$0xFFFFFFE0] =	vst v6  }
0x273: {  	v1 =	vld [tilespmem:s21+$0xFFFFFFF0];
	[tilespmem:s25+$0xFFFFFFF0] =	vst v7  }
0x274: {  	v6 =	vld [tilespmem:s21+$0x30];
	[tilespmem:s25+$0x0] =	vst v2  }
0x275: {  	v8 =	vld [tilespmem:s21+$0x10];
	[tilespmem:s25+$0x20] =	vst v3  }
0x276: {  	v7 =	vld [tilespmem:s21+$0xFFFFFFC0];
	[tilespmem:s25+$0xFFFFFFD0] =	vst v4;
	s25 =	smov.u32 s21  }
0x277: {  	v2 =	vld.idx.msk [tilespmem:v5+s29+$0x0], $0xffff  }
0x278: {  	v10 =	vld [tilespmem:s21+$0xFFFFFFE0]  }
0x279: {  	v3 =	vld [tilespmem:s21+$0x20]  }
.Ltmp10:
0x27a: {  	v4 =	vld [tilespmem:s21+$0xFFFFFFD0];
	(pc) =	sbr.rel @p4 .LBB2_14-.Ltmp10, $3  }
0x27b: {  	v5 =	vld [tilespmem:s21+$0x0];
	_ =	sdelay $0x1  }
0x27c: {  	v7 =	vmul.f32 v7, v2;
	v9 =	vmul.f32 v6, v2  }
0x27d: {  	v8 =	vmul.f32 v8, v2;
	v6 =	vmul.f32 v10, v2  }
0x27e: {  	[tilespmem:s25+$0x30] =	vst v9  }
0x27f: {  	[tilespmem:s25+$0xFFFFFFC0] =	vst v7  }
0x280: {  	v1 =	vmul.f32 v1, v2;
	[tilespmem:s25+$0x10] =	vst v8  }
0x281: {  	v3 =	vmul.f32 v3, v2;
	[tilespmem:s25+$0xFFFFFFE0] =	vst v6  }
0x282: {  	v5 =	vmul.f32 v5, v2;
	[tilespmem:s25+$0xFFFFFFF0] =	vst v1  }
0x283: {  	v1 =	vmul.f32 v4, v2;
	[tilespmem:s25+$0x20] =	vst v3  }
0x284: {  	[tilespmem:s25+$0x0] =	vst v5  }
0x285: {  	s7 =	simm.s32 $0x3C00;
	s17 =	simm.s32 $0x780;
	[tilespmem:s25+$0xFFFFFFD0] =	vst v1  }
0x286: {  	[spmem:s2] =	stream.indirect.scatter.add.f32 [tilespmem:s7], [sflag:$0xA], $0x80, s17, s26, $0xb8;
	v63 =	vld [tilespmem:$0x0]  }
0x287: {  	_ = 	snop  }
0x288: {  	[spmem:s3] =	stream.indirect.scatter.add.f32 [tilespmem:s29], [sflag:$0x10], $0x1, s17, s26, $0xb8;
	v63 =	vld [tilespmem:$0x0]  }
.LBB2_16:
0x289: {  	s25 =	sadd.s32 $0x2, s4  }
0x28a: {  	s7 =	smulhi.u32 $0x38E38E39, s25;
	_ =	sdelay $0x1  }
0x28b: {  	s7 =	sshrl.u32 s7, $0x1  }
0x28c: {  	s7 =	smul.u32 $0x9, s7;
	_ =	sdelay $0x1  }
0x28d: {  	p4 =	sge.u32 s25, s8;
	s7 =	ssub.s32 s25, s7  }
0x28e: {  	p5 =	sne.s32 @!p4 s7, $0x0  }
0x28f: {  	p5 =	por p5, p4  }
0x290: {  	s17 =	smulhi.u32 @!p5 $0x38E38E39, s25;
	_ =	sdelay $0x1  }
0x291: {  	s20 =	sshrl.u32 @!p5 s17, $0x4  }
0x292: {  	s17 =	sshll.u32 @!p5 s17, $0x6;
	s20 =	smul.u32 @!p5 $0xC00, s20  }
0x293: {  	s17 =	sand.u32 @!p5 $0x380, s17  }
0x294: {  	s17 =	sor.u32 @!p5 s17, s20  }
0x295: {  	s21 =	simm.s32 @!p5 $0x80;
	s17 =	sshrl.u32 @!p5 s17, $0x3  }
0x296: {  	s23 =	simm.s32 @!p5 $0x400;
	s31 =	simm.s32 @!p5 $0x0;
	s20 =	sadd.s32 @!p5 s19, s17  }
0x297: {  	[tilespmem:s31], [sflag:$0x13] =	stream.strided.gather @!p5 [hbm4b:s20+s21], $0x180, s23, s21, $0x38;
	v63 =	vld [tilespmem:$0x0]  }
0x298: {  	s20 =	simm.s32 @!p5 $0x13  }
0x299: {  	_ =	swait.ge @!p5 [sflag:s20], $0x180  }
0x29a: {  	[sflag:s20] =	ssyncset.done @!p5 $0x0  }
0x29b: {  	s17 =	sadd.s32 @!p5 s22, s17;
	s31 =	simm.s32 @!p5 $0x180;
	[sflag:s20] =	ssyncadd.s32 @!p5 $0xFFFFFE80  }
0x29c: {  	[tilespmem:s31], [sflag:$0x13] =	stream.strided.gather @!p5 [hbm4b:s17+s21], $0x180, s23, s21, $0x38;
	v63 =	vld [tilespmem:$0x0]  }
0x29d: {  	_ =	swait.ge @!p5 [sflag:s20], $0x180  }
0x29e: {  	[sflag:s20] =	ssyncset.done @!p5 $0x0  }
0x29f: {  	s17 =	simm.s32 @!p2 $0x9;
	[sflag:s20] =	ssyncadd.s32 @!p5 $0xFFFFFE80  }
0x2a0: {  	_ =	swait.ge @!p2 [sflag:s17], $0x1000  }
0x2a1: {  	[sflag:s17] =	ssyncset.done @!p2 $0x0  }
0x2a2: {  	[sflag:s17] =	ssyncadd.s32 @!p2 $0xFFFFF000;
	s17 =	simm.s32 @!p2 $0xF  }
0x2a3: {  	_ =	swait.ge @!p2 [sflag:s17], $0x20  }
0x2a4: {  	[sflag:s17] =	ssyncset.done @!p2 $0x0  }
0x2a5: {  	s7 =	sshll.u32 @!p4 s7, $0x5;
	[sflag:s17] =	ssyncadd.s32 @!p2 $0xFFFFFFE0  }
0x2a6: {  	v1 =	vld @!p4 [tilespmem:s7+$0x0]  }
0x2a7: {  	v2 =	vld @!p4 [tilespmem:s7+$0x180];
	_ =	sdelay $0x3  }
0x2a8: {  	[tilespmem:$0x400] =	vst @!p4 v1  }
0x2a9: {  	[tilespmem:$0x700] =	vst @!p4 v2  }
0x2aa: {  	v3 =	vld @!p4 [tilespmem:s7+$0x10]  }
0x2ab: {  	v4 =	vld @!p4 [tilespmem:s7+$0x190];
	_ =	sdelay $0x2  }
0x2ac: {  	s7 =	simm.s32 @!p4 $0x6C00  }
0x2ad: {  	s17 =	simm.s32 @!p4 $0x9380;
	v1 =	vld.idx.msk @!p4 [tilespmem:v1+s7+$0x0], $0xffff  }
0x2ae: {  	v2 =	vld.idx.msk @!p4 [tilespmem:v2+s17+$0x0], $0xffff;
	[tilespmem:$0x410] =	vst @!p4 v3  }
0x2af: {  	[tilespmem:$0x710] =	vst @!p4 v4  }
0x2b0: {  	v3 =	vld.idx.msk @!p4 [tilespmem:v3+s7+$0x0], $0xffff  }
0x2b1: {  	v4 =	vld.idx.msk @!p4 [tilespmem:v4+s17+$0x0], $0xffff;
	_ =	sdelay $0x2  }
0x2b2: {  	v1 =	vadd.f32 @!p4 v2, v1;
	_ =	sdelay $0x1  }
0x2b3: {  	v2 =	vadd.f32 @!p4 v4, v3;
	v3 =	vmul.f32 @!p4 $2.000000030e-01, v1  }
0x2b4: {  	vm0 =	vgt.f32 @!p4 v1, $0.0e+00  }
0x2b5: {  	v1 =	vsel @!p4 vm0, v1, v3  }
0x2b6: {  	v1 =	vmul.f32 @!p4 $1.442695020e+00, v1  }
0x2b7: {  	v4 =	vmul.f32 @!p4 $2.000000030e-01, v2  }
0x2b8: {  	vm0 =	vgt.f32 @!p4 v2, $0.0e+00;
	(erf) = vpow2.f32 @!p4 v1  }
0x2b9: {  	v2 =	vsel @!p4 vm0, v2, v4  }
0x2ba: {  	v2 =	vmul.f32 @!p4 $1.442695020e+00, v2;
	_ =	sdelay $0x1  }
0x2bb: {  	s21 =	simm.s32 @!p4 $0x2C00;
	(erf) = vpow2.f32 @!p4 v2  }
0x2bc: {  	s20 =	simm.s32 @!p4 $0x400;
	s7 =	sshll.u32 @!p4 s25, $0x5;
	s17 =	simm.s32 @!p4 $0x20  }
0x2bd: {  	[tilespmem:s21], [sflag:$0x3] =	stream.indirect.gather @!p4 [hbm4b:s5+s17], $0x80, s20, s17, $0xb8;
	v63 =	vld [tilespmem:$0x0]  }
0x2be: {  	s17 =	sadd.s32 @!p4 s9, s7  }
0x2bf: {  	p2 =	slt.u32 @!p4 s17, $0x50910  }
0x2c0: {  	p2 =	por !p2, p4;
	v1 =	vpop @!p4 (erf)  }
0x2c1: {  	v1 =	vpsel p2, $0x0, v1;
	p2 =	sge.u32 s4, s16  }
.Ltmp11:
0x2c2: {  	s7 =	sadd.s32 @!p4 s7, s11;
	(pc) =	sbr.rel @p2 .LBB2_20-.Ltmp11, $4  }
0x2c3: {  	p5 =	slt.u32 @!p4 s7, $0x50910  }
0x2c4: {  	p6 =	por !p5, p4;
	v2 =	vpop @!p4 (erf)  }
0x2c5: {  	[tilespmem:$0xA00] =	vst @!p4 v1;
	v2 =	vpsel p6, $0x0, v2  }
0x2c6: {  	[tilespmem:$0xA10] =	vst @!p4 v2  }
0x2c7: {  	s17 =	simm.s32 $0x5  }
0x2c8: {  	s7 =	simm.s32 $0x0;
	_ =	swait.ge [sflag:s17], $0x1000  }
0x2c9: {  	v1 =	vmov s7;
	[sflag:s17] =	ssyncset.done $0x0  }
0x2ca: {  	s25 =	simm.s32 $0x4C40;
	[sflag:s17] =	ssyncadd.s32 $0xFFFFF000  }
0x2cb: {  	v5 =	vld [tilespmem:s25+$0x30]  }
0x2cc: {  	v8 =	vld [tilespmem:s25+$0x10]  }
0x2cd: {  	v6 =	vld [tilespmem:s25+$0xFFFFFFC0]  }
0x2ce: {  	v2 =	vld.idx.msk [tilespmem:v1+s6+$0x0], $0xffff  }
0x2cf: {  	v10 =	vld [tilespmem:s25+$0xFFFFFFE0]  }
0x2d0: {  	v3 =	vld [tilespmem:s25+$0x20]  }
0x2d1: {  	v4 =	vld [tilespmem:s25+$0xFFFFFFD0]  }
0x2d2: {  	v1 =	vld [tilespmem:s25+$0xFFFFFFF0]  }
0x2d3: {  	v9 =	vmul.f32 v5, v2;
	v5 =	vld [tilespmem:s25+$0x0]  }
0x2d4: {  	v7 =	vmul.f32 v6, v2  }
0x2d5: {  	s23 =	simm.s32 $0x1;
	s21 =	simm.s32 $0x4C40;
	v6 =	vmul.f32 v10, v2;
	v8 =	vmul.f32 v8, v2  }
.LBB2_18:
0x2d6: {  	p4 =	sne.s32 s23, $0x1F  }
0x2d7: {  	v4 =	vmul.f32 v4, v2;
	v3 =	vmul.f32 v3, v2;
	[tilespmem:s25+$0x30] =	vst v9;
	s21 =	sadd.s32 $0x80, s21;
	s7 =	smov.u32 s23;
	s23 =	sadd.s32 $0x1, s23  }
0x2d8: {  	[tilespmem:s25+$0xFFFFFFC0] =	vst v7;
	v7 =	vmul.f32 v1, v2;
	v2 =	vmul.f32 v5, v2  }
0x2d9: {  	[tilespmem:s25+$0x10] =	vst v8  }
0x2da: {  	v5 =	vmov s7;
	[tilespmem:s25+$0xFFFFFFE0] =	vst v6  }
0x2db: {  	v1 =	vld [tilespmem:s21+$0xFFFFFFF0];
	[tilespmem:s25+$0xFFFFFFF0] =	vst v7  }
0x2dc: {  	v6 =	vld [tilespmem:s21+$0x30];
	[tilespmem:s25+$0x0] =	vst v2  }
0x2dd: {  	v8 =	vld [tilespmem:s21+$0x10];
	[tilespmem:s25+$0x20] =	vst v3  }
0x2de: {  	v7 =	vld [tilespmem:s21+$0xFFFFFFC0];
	[tilespmem:s25+$0xFFFFFFD0] =	vst v4;
	s25 =	smov.u32 s21  }
0x2df: {  	v2 =	vld.idx.msk [tilespmem:v5+s6+$0x0], $0xffff  }
0x2e0: {  	v10 =	vld [tilespmem:s21+$0xFFFFFFE0]  }
0x2e1: {  	v3 =	vld [tilespmem:s21+$0x20]  }
.Ltmp12:
0x2e2: {  	v4 =	vld [tilespmem:s21+$0xFFFFFFD0];
	(pc) =	sbr.rel @p4 .LBB2_18-.Ltmp12, $3  }
0x2e3: {  	v5 =	vld [tilespmem:s21+$0x0];
	_ =	sdelay $0x1  }
0x2e4: {  	v7 =	vmul.f32 v7, v2;
	v9 =	vmul.f32 v6, v2  }
0x2e5: {  	v8 =	vmul.f32 v8, v2;
	v6 =	vmul.f32 v10, v2  }
0x2e6: {  	[tilespmem:s25+$0x30] =	vst v9  }
0x2e7: {  	[tilespmem:s25+$0xFFFFFFC0] =	vst v7  }
0x2e8: {  	v1 =	vmul.f32 v1, v2;
	[tilespmem:s25+$0x10] =	vst v8  }
0x2e9: {  	v3 =	vmul.f32 v3, v2;
	[tilespmem:s25+$0xFFFFFFE0] =	vst v6  }
0x2ea: {  	v5 =	vmul.f32 v5, v2;
	[tilespmem:s25+$0xFFFFFFF0] =	vst v1  }
0x2eb: {  	v1 =	vmul.f32 v4, v2;
	[tilespmem:s25+$0x20] =	vst v3  }
0x2ec: {  	[tilespmem:s25+$0x0] =	vst v5  }
0x2ed: {  	s7 =	simm.s32 $0x4C00;
	s17 =	simm.s32 $0x800;
	[tilespmem:s25+$0xFFFFFFD0] =	vst v1  }
0x2ee: {  	[spmem:s2] =	stream.indirect.scatter.add.f32 [tilespmem:s7], [sflag:$0xB], $0x80, s17, s26, $0xb8;
	v63 =	vld [tilespmem:$0x0]  }
0x2ef: {  	_ = 	snop  }
0x2f0: {  	[spmem:s3] =	stream.indirect.scatter.add.f32 [tilespmem:s6], [sflag:$0x11], $0x1, s17, s26, $0xb8;
	v63 =	vld [tilespmem:$0x0]  }
.LBB2_20:
0x2f1: {  	s25 =	sadd.s32 $0x3, s4  }
0x2f2: {  	s7 =	smulhi.u32 $0x38E38E39, s25;
	_ =	sdelay $0x1  }
0x2f3: {  	s7 =	sshrl.u32 s7, $0x1  }
0x2f4: {  	s7 =	smul.u32 $0x9, s7;
	_ =	sdelay $0x1  }
0x2f5: {  	p4 =	sge.u32 s25, s8;
	s7 =	ssub.s32 s25, s7  }
0x2f6: {  	p5 =	sne.s32 @!p4 s7, $0x0  }
0x2f7: {  	p5 =	por p5, p4  }
0x2f8: {  	s17 =	smulhi.u32 @!p5 $0x38E38E39, s25;
	_ =	sdelay $0x1  }
0x2f9: {  	s20 =	sshrl.u32 @!p5 s17, $0x4  }
0x2fa: {  	s17 =	sshll.u32 @!p5 s17, $0x6;
	s20 =	smul.u32 @!p5 $0xC00, s20  }
0x2fb: {  	s17 =	sand.u32 @!p5 $0x380, s17  }
0x2fc: {  	s17 =	sor.u32 @!p5 s17, s20  }
0x2fd: {  	s21 =	simm.s32 @!p5 $0x80;
	s17 =	sshrl.u32 @!p5 s17, $0x3  }
0x2fe: {  	s23 =	simm.s32 @!p5 $0x400;
	s31 =	simm.s32 @!p5 $0x0;
	s20 =	sadd.s32 @!p5 s19, s17  }
0x2ff: {  	[tilespmem:s31], [sflag:$0x13] =	stream.strided.gather @!p5 [hbm4b:s20+s21], $0x180, s23, s21, $0x38;
	v63 =	vld [tilespmem:$0x0]  }
0x300: {  	s20 =	simm.s32 @!p5 $0x13  }
0x301: {  	_ =	swait.ge @!p5 [sflag:s20], $0x180  }
0x302: {  	[sflag:s20] =	ssyncset.done @!p5 $0x0  }
0x303: {  	s17 =	sadd.s32 @!p5 s22, s17;
	s31 =	simm.s32 @!p5 $0x180;
	[sflag:s20] =	ssyncadd.s32 @!p5 $0xFFFFFE80  }
0x304: {  	[tilespmem:s31], [sflag:$0x13] =	stream.strided.gather @!p5 [hbm4b:s17+s21], $0x180, s23, s21, $0x38;
	v63 =	vld [tilespmem:$0x0]  }
0x305: {  	_ =	swait.ge @!p5 [sflag:s20], $0x180  }
0x306: {  	[sflag:s20] =	ssyncset.done @!p5 $0x0  }
0x307: {  	s17 =	simm.s32 @!p3 $0xA;
	[sflag:s20] =	ssyncadd.s32 @!p5 $0xFFFFFE80  }
0x308: {  	_ =	swait.ge @!p3 [sflag:s17], $0x1000  }
0x309: {  	[sflag:s17] =	ssyncset.done @!p3 $0x0  }
0x30a: {  	[sflag:s17] =	ssyncadd.s32 @!p3 $0xFFFFF000;
	s17 =	simm.s32 @!p3 $0x10  }
0x30b: {  	_ =	swait.ge @!p3 [sflag:s17], $0x20  }
0x30c: {  	[sflag:s17] =	ssyncset.done @!p3 $0x0  }
0x30d: {  	s7 =	sshll.u32 @!p4 s7, $0x5;
	[sflag:s17] =	ssyncadd.s32 @!p3 $0xFFFFFFE0  }
0x30e: {  	v1 =	vld @!p4 [tilespmem:s7+$0x0]  }
0x30f: {  	v2 =	vld @!p4 [tilespmem:s7+$0x180];
	_ =	sdelay $0x3  }
0x310: {  	[tilespmem:$0x480] =	vst @!p4 v1  }
0x311: {  	[tilespmem:$0x780] =	vst @!p4 v2  }
0x312: {  	v3 =	vld @!p4 [tilespmem:s7+$0x10]  }
0x313: {  	v4 =	vld @!p4 [tilespmem:s7+$0x190];
	_ =	sdelay $0x2  }
0x314: {  	s7 =	simm.s32 @!p4 $0x6C00  }
0x315: {  	s17 =	simm.s32 @!p4 $0x9380;
	v1 =	vld.idx.msk @!p4 [tilespmem:v1+s7+$0x0], $0xffff  }
0x316: {  	v2 =	vld.idx.msk @!p4 [tilespmem:v2+s17+$0x0], $0xffff;
	[tilespmem:$0x490] =	vst @!p4 v3  }
0x317: {  	[tilespmem:$0x790] =	vst @!p4 v4  }
0x318: {  	v3 =	vld.idx.msk @!p4 [tilespmem:v3+s7+$0x0], $0xffff  }
0x319: {  	v4 =	vld.idx.msk @!p4 [tilespmem:v4+s17+$0x0], $0xffff;
	_ =	sdelay $0x2  }
0x31a: {  	v1 =	vadd.f32 @!p4 v2, v1;
	_ =	sdelay $0x1  }
0x31b: {  	v2 =	vadd.f32 @!p4 v4, v3;
	v3 =	vmul.f32 @!p4 $2.000000030e-01, v1  }
0x31c: {  	vm0 =	vgt.f32 @!p4 v1, $0.0e+00  }
0x31d: {  	v1 =	vsel @!p4 vm0, v1, v3  }
0x31e: {  	v1 =	vmul.f32 @!p4 $1.442695020e+00, v1  }
0x31f: {  	v4 =	vmul.f32 @!p4 $2.000000030e-01, v2  }
0x320: {  	vm0 =	vgt.f32 @!p4 v2, $0.0e+00;
	(erf) = vpow2.f32 @!p4 v1  }
0x321: {  	v2 =	vsel @!p4 vm0, v2, v4  }
0x322: {  	v2 =	vmul.f32 @!p4 $1.442695020e+00, v2;
	_ =	sdelay $0x1  }
0x323: {  	s21 =	simm.s32 @!p4 $0x3C00;
	(erf) = vpow2.f32 @!p4 v2  }
0x324: {  	s20 =	simm.s32 @!p4 $0x480;
	s7 =	sshll.u32 @!p4 s25, $0x5;
	s17 =	simm.s32 @!p4 $0x20  }
0x325: {  	[tilespmem:s21], [sflag:$0x4] =	stream.indirect.gather @!p4 [hbm4b:s5+s17], $0x80, s20, s17, $0xb8;
	v63 =	vld [tilespmem:$0x0]  }
0x326: {  	s17 =	sadd.s32 @!p4 s9, s7  }
0x327: {  	p3 =	slt.u32 @!p4 s17, $0x50910  }
0x328: {  	p3 =	por !p3, p4;
	v1 =	vpop @!p4 (erf)  }
0x329: {  	v1 =	vpsel p3, $0x0, v1;
	p3 =	sgt.u32 s4, s8  }
.Ltmp13:
0x32a: {  	s7 =	sadd.s32 @!p4 s7, s11;
	(pc) =	sbr.rel @p3 .LBB2_24-.Ltmp13, $4  }
0x32b: {  	p5 =	slt.u32 @!p4 s7, $0x50910  }
0x32c: {  	p6 =	por !p5, p4;
	v2 =	vpop @!p4 (erf)  }
0x32d: {  	[tilespmem:$0xA80] =	vst @!p4 v1;
	v2 =	vpsel p6, $0x0, v2  }
0x32e: {  	[tilespmem:$0xA90] =	vst @!p4 v2  }
0x32f: {  	s17 =	simm.s32 $0x6  }
0x330: {  	s7 =	simm.s32 $0x0;
	_ =	swait.ge [sflag:s17], $0x1000  }
0x331: {  	v1 =	vmov s7;
	[sflag:s17] =	ssyncset.done $0x0  }
0x332: {  	s25 =	simm.s32 $0x5C40;
	[sflag:s17] =	ssyncadd.s32 $0xFFFFF000  }
0x333: {  	v5 =	vld [tilespmem:s25+$0x30]  }
0x334: {  	v8 =	vld [tilespmem:s25+$0x10]  }
0x335: {  	v6 =	vld [tilespmem:s25+$0xFFFFFFC0]  }
0x336: {  	v2 =	vld.idx.msk [tilespmem:v1+s30+$0x0], $0xffff  }
0x337: {  	v10 =	vld [tilespmem:s25+$0xFFFFFFE0]  }
0x338: {  	v3 =	vld [tilespmem:s25+$0x20]  }
0x339: {  	v4 =	vld [tilespmem:s25+$0xFFFFFFD0]  }
0x33a: {  	v1 =	vld [tilespmem:s25+$0xFFFFFFF0]  }
0x33b: {  	v9 =	vmul.f32 v5, v2;
	v5 =	vld [tilespmem:s25+$0x0]  }
0x33c: {  	v7 =	vmul.f32 v6, v2  }
0x33d: {  	s23 =	simm.s32 $0x1;
	s21 =	simm.s32 $0x5C40;
	v6 =	vmul.f32 v10, v2;
	v8 =	vmul.f32 v8, v2  }
.LBB2_22:
0x33e: {  	p4 =	sne.s32 s23, $0x1F  }
0x33f: {  	v4 =	vmul.f32 v4, v2;
	v3 =	vmul.f32 v3, v2;
	[tilespmem:s25+$0x30] =	vst v9;
	s21 =	sadd.s32 $0x80, s21;
	s7 =	smov.u32 s23;
	s23 =	sadd.s32 $0x1, s23  }
0x340: {  	[tilespmem:s25+$0xFFFFFFC0] =	vst v7;
	v7 =	vmul.f32 v1, v2;
	v2 =	vmul.f32 v5, v2  }
0x341: {  	[tilespmem:s25+$0x10] =	vst v8  }
0x342: {  	v5 =	vmov s7;
	[tilespmem:s25+$0xFFFFFFE0] =	vst v6  }
0x343: {  	v1 =	vld [tilespmem:s21+$0xFFFFFFF0];
	[tilespmem:s25+$0xFFFFFFF0] =	vst v7  }
0x344: {  	v6 =	vld [tilespmem:s21+$0x30];
	[tilespmem:s25+$0x0] =	vst v2  }
0x345: {  	v8 =	vld [tilespmem:s21+$0x10];
	[tilespmem:s25+$0x20] =	vst v3  }
0x346: {  	v7 =	vld [tilespmem:s21+$0xFFFFFFC0];
	[tilespmem:s25+$0xFFFFFFD0] =	vst v4;
	s25 =	smov.u32 s21  }
0x347: {  	v2 =	vld.idx.msk [tilespmem:v5+s30+$0x0], $0xffff  }
0x348: {  	v10 =	vld [tilespmem:s21+$0xFFFFFFE0]  }
0x349: {  	v3 =	vld [tilespmem:s21+$0x20]  }
.Ltmp14:
0x34a: {  	v4 =	vld [tilespmem:s21+$0xFFFFFFD0];
	(pc) =	sbr.rel @p4 .LBB2_22-.Ltmp14, $3  }
0x34b: {  	v5 =	vld [tilespmem:s21+$0x0];
	_ =	sdelay $0x1  }
0x34c: {  	v7 =	vmul.f32 v7, v2;
	v9 =	vmul.f32 v6, v2  }
0x34d: {  	v8 =	vmul.f32 v8, v2;
	v6 =	vmul.f32 v10, v2  }
0x34e: {  	[tilespmem:s25+$0x30] =	vst v9  }
0x34f: {  	[tilespmem:s25+$0xFFFFFFC0] =	vst v7  }
0x350: {  	v1 =	vmul.f32 v1, v2;
	[tilespmem:s25+$0x10] =	vst v8  }
0x351: {  	v3 =	vmul.f32 v3, v2;
	[tilespmem:s25+$0xFFFFFFE0] =	vst v6  }
0x352: {  	v5 =	vmul.f32 v5, v2;
	[tilespmem:s25+$0xFFFFFFF0] =	vst v1  }
0x353: {  	v1 =	vmul.f32 v4, v2;
	[tilespmem:s25+$0x20] =	vst v3  }
0x354: {  	[tilespmem:s25+$0x0] =	vst v5  }
0x355: {  	s7 =	simm.s32 $0x5C00;
	s17 =	simm.s32 $0x880;
	[tilespmem:s25+$0xFFFFFFD0] =	vst v1  }
0x356: {  	[spmem:s2] =	stream.indirect.scatter.add.f32 [tilespmem:s7], [sflag:$0xC], $0x80, s17, s26, $0xb8;
	v63 =	vld [tilespmem:$0x0]  }
0x357: {  	_ = 	snop  }
0x358: {  	[spmem:s3] =	stream.indirect.scatter.add.f32 [tilespmem:s30], [sflag:$0x12], $0x1, s17, s26, $0xb8;
	v63 =	vld [tilespmem:$0x0]  }
.LBB2_24:
0x359: {  	s25 =	sadd.s32 $0x4, s4  }
0x35a: {  	s7 =	smulhi.u32 $0x38E38E39, s25;
	_ =	sdelay $0x1  }
0x35b: {  	s7 =	sshrl.u32 s7, $0x1  }
0x35c: {  	s7 =	smul.u32 $0x9, s7;
	_ =	sdelay $0x1  }
0x35d: {  	p4 =	sge.u32 s25, s8;
	s7 =	ssub.s32 s25, s7  }
0x35e: {  	p5 =	sne.s32 @!p4 s7, $0x0  }
0x35f: {  	p5 =	por p5, p4  }
0x360: {  	s17 =	smulhi.u32 @!p5 $0x38E38E39, s25;
	_ =	sdelay $0x1  }
0x361: {  	s20 =	sshrl.u32 @!p5 s17, $0x4  }
0x362: {  	s17 =	sshll.u32 @!p5 s17, $0x6;
	s20 =	smul.u32 @!p5 $0xC00, s20  }
0x363: {  	s17 =	sand.u32 @!p5 $0x380, s17  }
0x364: {  	s17 =	sor.u32 @!p5 s17, s20  }
0x365: {  	s21 =	simm.s32 @!p5 $0x80;
	s17 =	sshrl.u32 @!p5 s17, $0x3  }
0x366: {  	s23 =	simm.s32 @!p5 $0x400;
	s31 =	simm.s32 @!p5 $0x0;
	s20 =	sadd.s32 @!p5 s19, s17  }
0x367: {  	[tilespmem:s31], [sflag:$0x13] =	stream.strided.gather @!p5 [hbm4b:s20+s21], $0x180, s23, s21, $0x38;
	v63 =	vld [tilespmem:$0x0]  }
0x368: {  	s20 =	simm.s32 @!p5 $0x13  }
0x369: {  	_ =	swait.ge @!p5 [sflag:s20], $0x180  }
0x36a: {  	[sflag:s20] =	ssyncset.done @!p5 $0x0  }
0x36b: {  	s17 =	sadd.s32 @!p5 s22, s17;
	s31 =	simm.s32 @!p5 $0x180;
	[sflag:s20] =	ssyncadd.s32 @!p5 $0xFFFFFE80  }
0x36c: {  	[tilespmem:s31], [sflag:$0x13] =	stream.strided.gather @!p5 [hbm4b:s17+s21], $0x180, s23, s21, $0x38;
	v63 =	vld [tilespmem:$0x0]  }
0x36d: {  	_ =	swait.ge @!p5 [sflag:s20], $0x180  }
0x36e: {  	[sflag:s20] =	ssyncset.done @!p5 $0x0  }
0x36f: {  	s17 =	simm.s32 @!p2 $0xB;
	[sflag:s20] =	ssyncadd.s32 @!p5 $0xFFFFFE80  }
0x370: {  	_ =	swait.ge @!p2 [sflag:s17], $0x1000  }
0x371: {  	[sflag:s17] =	ssyncset.done @!p2 $0x0  }
0x372: {  	[sflag:s17] =	ssyncadd.s32 @!p2 $0xFFFFF000;
	s17 =	simm.s32 @!p2 $0x11  }
0x373: {  	_ =	swait.ge @!p2 [sflag:s17], $0x20  }
0x374: {  	[sflag:s17] =	ssyncset.done @!p2 $0x0  }
0x375: {  	s7 =	sshll.u32 @!p4 s7, $0x5;
	[sflag:s17] =	ssyncadd.s32 @!p2 $0xFFFFFFE0  }
0x376: {  	v1 =	vld @!p4 [tilespmem:s7+$0x0]  }
0x377: {  	v2 =	vld @!p4 [tilespmem:s7+$0x180];
	_ =	sdelay $0x3  }
0x378: {  	[tilespmem:$0x500] =	vst @!p4 v1  }
0x379: {  	[tilespmem:$0x800] =	vst @!p4 v2  }
0x37a: {  	v3 =	vld @!p4 [tilespmem:s7+$0x10]  }
0x37b: {  	v4 =	vld @!p4 [tilespmem:s7+$0x190];
	_ =	sdelay $0x2  }
0x37c: {  	s7 =	simm.s32 @!p4 $0x6C00  }
0x37d: {  	s17 =	simm.s32 @!p4 $0x9380;
	v1 =	vld.idx.msk @!p4 [tilespmem:v1+s7+$0x0], $0xffff  }
0x37e: {  	v2 =	vld.idx.msk @!p4 [tilespmem:v2+s17+$0x0], $0xffff;
	[tilespmem:$0x510] =	vst @!p4 v3  }
0x37f: {  	[tilespmem:$0x810] =	vst @!p4 v4  }
0x380: {  	v3 =	vld.idx.msk @!p4 [tilespmem:v3+s7+$0x0], $0xffff  }
0x381: {  	v4 =	vld.idx.msk @!p4 [tilespmem:v4+s17+$0x0], $0xffff;
	_ =	sdelay $0x3  }
0x382: {  	v1 =	vadd.f32 @!p4 v2, v1  }
0x383: {  	v2 =	vadd.f32 @!p4 v4, v3  }
0x384: {  	v3 =	vmul.f32 @!p4 $2.000000030e-01, v1  }
0x385: {  	vm0 =	vgt.f32 @!p4 v1, $0.0e+00;
	v4 =	vmul.f32 @!p4 $2.000000030e-01, v2  }
0x386: {  	v1 =	vsel @!p4 vm0, v1, v3;
	vm0 =	vgt.f32 @!p4 v2, $0.0e+00  }
0x387: {  	v1 =	vmul.f32 @!p4 $1.442695020e+00, v1;
	v2 =	vsel @!p4 vm0, v2, v4  }
0x388: {  	v2 =	vmul.f32 @!p4 $1.442695020e+00, v2  }
0x389: {  	(erf) = vpow2.f32 @!p4 v1  }
0x38a: {  	(erf) = vpow2.f32 @!p4 v2;
	_ =	sdelay $0x2  }
0x38b: {  	s21 =	simm.s32 @!p4 $0x4C00  }
0x38c: {  	s20 =	simm.s32 @!p4 $0x500;
	s7 =	sshll.u32 @!p4 s25, $0x5;
	s17 =	simm.s32 @!p4 $0x20  }
0x38d: {  	[tilespmem:s21], [sflag:$0x5] =	stream.indirect.gather @!p4 [hbm4b:s5+s17], $0x80, s20, s17, $0xb8;
	v63 =	vld [tilespmem:$0x0]  }
0x38e: {  	s17 =	sadd.s32 @!p4 s9, s7  }
.Ltmp15:
0x38f: {  	s7 =	sadd.s32 @!p4 s7, s11;
	p2 =	slt.u32 @!p4 s17, $0x50910;
	(pc) =	sbr.rel @p0 .LBB2_28-.Ltmp15, $4  }
0x390: {  	p5 =	slt.u32 @!p4 s7, $0x50910;
	p2 =	por !p2, p4;
	v1 =	vpop @!p4 (erf)  }
0x391: {  	p6 =	por !p5, p4;
	v1 =	vpsel p2, $0x0, v1;
	v2 =	vpop @!p4 (erf)  }
0x392: {  	[tilespmem:$0xB00] =	vst @!p4 v1;
	v2 =	vpsel p6, $0x0, v2  }
0x393: {  	[tilespmem:$0xB10] =	vst @!p4 v2  }
0x394: {  	_ =	swait.ge [sflag:s1], $0x1000;
	s7 =	simm.s32 $0x0  }
0x395: {  	[sflag:s1] =	ssyncset.done $0x0;
	v1 =	vmov s7  }
0x396: {  	s25 =	simm.s32 $0xC40;
	[sflag:s1] =	ssyncadd.s32 $0xFFFFF000  }
0x397: {  	v5 =	vld [tilespmem:s25+$0x30]  }
0x398: {  	v8 =	vld [tilespmem:s25+$0x10]  }
0x399: {  	v6 =	vld [tilespmem:s25+$0xFFFFFFC0]  }
0x39a: {  	v2 =	vld.idx.msk [tilespmem:v1+s0+$0x0], $0xffff  }
0x39b: {  	v10 =	vld [tilespmem:s25+$0xFFFFFFE0]  }
0x39c: {  	v3 =	vld [tilespmem:s25+$0x20]  }
0x39d: {  	v4 =	vld [tilespmem:s25+$0xFFFFFFD0]  }
0x39e: {  	v1 =	vld [tilespmem:s25+$0xFFFFFFF0]  }
0x39f: {  	v9 =	vmul.f32 v5, v2;
	v5 =	vld [tilespmem:s25+$0x0]  }
0x3a0: {  	v7 =	vmul.f32 v6, v2  }
0x3a1: {  	s23 =	simm.s32 $0x1;
	s21 =	simm.s32 $0xC40;
	v6 =	vmul.f32 v10, v2;
	v8 =	vmul.f32 v8, v2  }
.LBB2_26:
0x3a2: {  	p0 =	sne.s32 s23, $0x1F  }
0x3a3: {  	v4 =	vmul.f32 v4, v2;
	v3 =	vmul.f32 v3, v2;
	[tilespmem:s25+$0x30] =	vst v9;
	s21 =	sadd.s32 $0x80, s21;
	s7 =	smov.u32 s23;
	s23 =	sadd.s32 $0x1, s23  }
0x3a4: {  	[tilespmem:s25+$0xFFFFFFC0] =	vst v7;
	v7 =	vmul.f32 v1, v2;
	v2 =	vmul.f32 v5, v2  }
0x3a5: {  	[tilespmem:s25+$0x10] =	vst v8  }
0x3a6: {  	v5 =	vmov s7;
	[tilespmem:s25+$0xFFFFFFE0] =	vst v6  }
0x3a7: {  	v1 =	vld [tilespmem:s21+$0xFFFFFFF0];
	[tilespmem:s25+$0xFFFFFFF0] =	vst v7  }
0x3a8: {  	v6 =	vld [tilespmem:s21+$0x30];
	[tilespmem:s25+$0x0] =	vst v2  }
0x3a9: {  	v8 =	vld [tilespmem:s21+$0x10];
	[tilespmem:s25+$0x20] =	vst v3  }
0x3aa: {  	v7 =	vld [tilespmem:s21+$0xFFFFFFC0];
	[tilespmem:s25+$0xFFFFFFD0] =	vst v4;
	s25 =	smov.u32 s21  }
0x3ab: {  	v2 =	vld.idx.msk [tilespmem:v5+s0+$0x0], $0xffff  }
0x3ac: {  	v10 =	vld [tilespmem:s21+$0xFFFFFFE0]  }
0x3ad: {  	v3 =	vld [tilespmem:s21+$0x20]  }
.Ltmp16:
0x3ae: {  	v4 =	vld [tilespmem:s21+$0xFFFFFFD0];
	(pc) =	sbr.rel @p0 .LBB2_26-.Ltmp16, $3  }
0x3af: {  	v5 =	vld [tilespmem:s21+$0x0];
	_ =	sdelay $0x1  }
0x3b0: {  	v7 =	vmul.f32 v7, v2;
	v9 =	vmul.f32 v6, v2  }
0x3b1: {  	v8 =	vmul.f32 v8, v2;
	v6 =	vmul.f32 v10, v2  }
0x3b2: {  	[tilespmem:s25+$0x30] =	vst v9  }
0x3b3: {  	[tilespmem:s25+$0xFFFFFFC0] =	vst v7  }
0x3b4: {  	v1 =	vmul.f32 v1, v2;
	[tilespmem:s25+$0x10] =	vst v8  }
0x3b5: {  	v3 =	vmul.f32 v3, v2;
	[tilespmem:s25+$0xFFFFFFE0] =	vst v6  }
0x3b6: {  	v5 =	vmul.f32 v5, v2;
	[tilespmem:s25+$0xFFFFFFF0] =	vst v1  }
0x3b7: {  	v1 =	vmul.f32 v4, v2;
	[tilespmem:s25+$0x20] =	vst v3  }
0x3b8: {  	[tilespmem:s25+$0x0] =	vst v5  }
0x3b9: {  	s7 =	simm.s32 $0xC00;
	s17 =	simm.s32 $0x600;
	[tilespmem:s25+$0xFFFFFFD0] =	vst v1  }
0x3ba: {  	[spmem:s2] =	stream.indirect.scatter.add.f32 [tilespmem:s7], [sflag:$0x7], $0x80, s17, s26, $0xb8;
	v63 =	vld [tilespmem:$0x0]  }
0x3bb: {  	_ = 	snop  }
0x3bc: {  	[spmem:s3] =	stream.indirect.scatter.add.f32 [tilespmem:s0], [sflag:$0xD], $0x1, s17, s26, $0xb8;
	v63 =	vld [tilespmem:$0x0]  }
.LBB2_28:
0x3bd: {  	s4 =	sadd.s32 $0x5, s4  }
0x3be: {  	s7 =	smulhi.u32 $0x38E38E39, s4;
	_ =	sdelay $0x1  }
0x3bf: {  	s7 =	sshrl.u32 s7, $0x1  }
0x3c0: {  	s7 =	smul.u32 $0x9, s7;
	_ =	sdelay $0x1  }
0x3c1: {  	p0 =	sge.u32 s4, s8;
	s7 =	ssub.s32 s4, s7  }
0x3c2: {  	p2 =	sne.s32 @!p0 s7, $0x0  }
0x3c3: {  	p2 =	por p2, p0  }
0x3c4: {  	s17 =	smulhi.u32 @!p2 $0x38E38E39, s4;
	_ =	sdelay $0x1  }
0x3c5: {  	s20 =	sshrl.u32 @!p2 s17, $0x4  }
0x3c6: {  	s17 =	sshll.u32 @!p2 s17, $0x6;
	s20 =	smul.u32 @!p2 $0xC00, s20  }
0x3c7: {  	s17 =	sand.u32 @!p2 $0x380, s17  }
0x3c8: {  	s17 =	sor.u32 @!p2 s17, s20  }
0x3c9: {  	s21 =	simm.s32 @!p2 $0x80;
	s17 =	sshrl.u32 @!p2 s17, $0x3  }
0x3ca: {  	s23 =	simm.s32 @!p2 $0x400;
	s25 =	simm.s32 @!p2 $0x0;
	s20 =	sadd.s32 @!p2 s19, s17  }
0x3cb: {  	[tilespmem:s25], [sflag:$0x13] =	stream.strided.gather @!p2 [hbm4b:s20+s21], $0x180, s23, s21, $0x38;
	v63 =	vld [tilespmem:$0x0]  }
0x3cc: {  	s20 =	simm.s32 @!p2 $0x13  }
0x3cd: {  	_ =	swait.ge @!p2 [sflag:s20], $0x180  }
0x3ce: {  	[sflag:s20] =	ssyncset.done @!p2 $0x0  }
0x3cf: {  	s17 =	sadd.s32 @!p2 s22, s17;
	s25 =	simm.s32 @!p2 $0x180;
	[sflag:s20] =	ssyncadd.s32 @!p2 $0xFFFFFE80  }
0x3d0: {  	[tilespmem:s25], [sflag:$0x13] =	stream.strided.gather @!p2 [hbm4b:s17+s21], $0x180, s23, s21, $0x38;
	v63 =	vld [tilespmem:$0x0]  }
0x3d1: {  	_ =	swait.ge @!p2 [sflag:s20], $0x180  }
0x3d2: {  	[sflag:s20] =	ssyncset.done @!p2 $0x0  }
0x3d3: {  	s17 =	simm.s32 @!p3 $0xC;
	[sflag:s20] =	ssyncadd.s32 @!p2 $0xFFFFFE80  }
0x3d4: {  	_ =	swait.ge @!p3 [sflag:s17], $0x1000  }
0x3d5: {  	[sflag:s17] =	ssyncset.done @!p3 $0x0  }
0x3d6: {  	[sflag:s17] =	ssyncadd.s32 @!p3 $0xFFFFF000;
	s17 =	simm.s32 @!p3 $0x12  }
0x3d7: {  	_ =	swait.ge @!p3 [sflag:s17], $0x20  }
0x3d8: {  	[sflag:s17] =	ssyncset.done @!p3 $0x0  }
0x3d9: {  	s7 =	sshll.u32 @!p0 s7, $0x5;
	[sflag:s17] =	ssyncadd.s32 @!p3 $0xFFFFFFE0  }
0x3da: {  	v1 =	vld @!p0 [tilespmem:s7+$0x0]  }
0x3db: {  	v2 =	vld @!p0 [tilespmem:s7+$0x180];
	_ =	sdelay $0x3  }
0x3dc: {  	[tilespmem:$0x580] =	vst @!p0 v1  }
0x3dd: {  	[tilespmem:$0x880] =	vst @!p0 v2  }
0x3de: {  	v3 =	vld @!p0 [tilespmem:s7+$0x10]  }
0x3df: {  	v4 =	vld @!p0 [tilespmem:s7+$0x190];
	_ =	sdelay $0x2  }
0x3e0: {  	s7 =	simm.s32 @!p0 $0x6C00  }
0x3e1: {  	s17 =	simm.s32 @!p0 $0x9380;
	v1 =	vld.idx.msk @!p0 [tilespmem:v1+s7+$0x0], $0xffff  }
0x3e2: {  	v2 =	vld.idx.msk @!p0 [tilespmem:v2+s17+$0x0], $0xffff;
	[tilespmem:$0x590] =	vst @!p0 v3  }
0x3e3: {  	[tilespmem:$0x890] =	vst @!p0 v4  }
0x3e4: {  	v3 =	vld.idx.msk @!p0 [tilespmem:v3+s7+$0x0], $0xffff  }
0x3e5: {  	v4 =	vld.idx.msk @!p0 [tilespmem:v4+s17+$0x0], $0xffff;
	_ =	sdelay $0x3  }
0x3e6: {  	v1 =	vadd.f32 @!p0 v2, v1  }
0x3e7: {  	v2 =	vadd.f32 @!p0 v4, v3  }
0x3e8: {  	v3 =	vmul.f32 @!p0 $2.000000030e-01, v1  }
0x3e9: {  	vm0 =	vgt.f32 @!p0 v1, $0.0e+00;
	v4 =	vmul.f32 @!p0 $2.000000030e-01, v2  }
0x3ea: {  	v1 =	vsel @!p0 vm0, v1, v3;
	vm0 =	vgt.f32 @!p0 v2, $0.0e+00  }
0x3eb: {  	v1 =	vmul.f32 @!p0 $1.442695020e+00, v1;
	v2 =	vsel @!p0 vm0, v2, v4  }
0x3ec: {  	v2 =	vmul.f32 @!p0 $1.442695020e+00, v2  }
0x3ed: {  	(erf) = vpow2.f32 @!p0 v1  }
0x3ee: {  	(erf) = vpow2.f32 @!p0 v2;
	_ =	sdelay $0x2  }
0x3ef: {  	s4 =	sshll.u32 @!p0 s4, $0x5  }
0x3f0: {  	s20 =	simm.s32 @!p0 $0x5C00;
	s7 =	simm.s32 @!p0 $0x20;
	s17 =	simm.s32 @!p0 $0x580  }
0x3f1: {  	[tilespmem:s20], [sflag:$0x6] =	stream.indirect.gather @!p0 [hbm4b:s5+s7], $0x80, s17, s7, $0xb8;
	v63 =	vld [tilespmem:$0x0]  }
0x3f2: {  	s7 =	sadd.s32 @!p0 s9, s4  }
.Ltmp17:
0x3f3: {  	s4 =	sadd.s32 @!p0 s4, s11;
	p2 =	slt.u32 @!p0 s7, $0x50910;
	(pc) =	sbr.rel @p1 .LBB2_32-.Ltmp17, $4  }
0x3f4: {  	p3 =	slt.u32 @!p0 s4, $0x50910;
	p2 =	por !p2, p0;
	v1 =	vpop @!p0 (erf)  }
0x3f5: {  	p6 =	por !p3, p0;
	v1 =	vpsel p2, $0x0, v1;
	v2 =	vpop @!p0 (erf)  }
0x3f6: {  	[tilespmem:$0xB80] =	vst @!p0 v1;
	v2 =	vpsel p6, $0x0, v2  }
0x3f7: {  	[tilespmem:$0xB90] =	vst @!p0 v2  }
0x3f8: {  	s7 =	simm.s32 $0x2  }
0x3f9: {  	s4 =	simm.s32 $0x0;
	_ =	swait.ge [sflag:s7], $0x1000  }
0x3fa: {  	v1 =	vmov s4;
	[sflag:s7] =	ssyncset.done $0x0  }
0x3fb: {  	s4 =	simm.s32 $0x1C40;
	[sflag:s7] =	ssyncadd.s32 $0xFFFFF000  }
0x3fc: {  	v5 =	vld [tilespmem:s4+$0x30]  }
0x3fd: {  	v8 =	vld [tilespmem:s4+$0x10]  }
0x3fe: {  	v6 =	vld [tilespmem:s4+$0xFFFFFFC0]  }
0x3ff: {  	v2 =	vld.idx.msk [tilespmem:v1+s24+$0x0], $0xffff  }
0x400: {  	v10 =	vld [tilespmem:s4+$0xFFFFFFE0]  }
0x401: {  	v3 =	vld [tilespmem:s4+$0x20]  }
0x402: {  	v4 =	vld [tilespmem:s4+$0xFFFFFFD0]  }
0x403: {  	v1 =	vld [tilespmem:s4+$0xFFFFFFF0]  }
0x404: {  	v9 =	vmul.f32 v5, v2;
	v5 =	vld [tilespmem:s4+$0x0]  }
0x405: {  	v7 =	vmul.f32 v6, v2  }
0x406: {  	s23 =	simm.s32 $0x1;
	s21 =	simm.s32 $0x1C40;
	v6 =	vmul.f32 v10, v2;
	v8 =	vmul.f32 v8, v2  }
.LBB2_30:
0x407: {  	p0 =	sne.s32 s23, $0x1F  }
0x408: {  	v4 =	vmul.f32 v4, v2;
	v3 =	vmul.f32 v3, v2;
	[tilespmem:s4+$0x30] =	vst v9;
	s21 =	sadd.s32 $0x80, s21;
	s7 =	smov.u32 s23;
	s23 =	sadd.s32 $0x1, s23  }
0x409: {  	[tilespmem:s4+$0xFFFFFFC0] =	vst v7;
	v7 =	vmul.f32 v1, v2;
	v2 =	vmul.f32 v5, v2  }
0x40a: {  	[tilespmem:s4+$0x10] =	vst v8  }
0x40b: {  	v5 =	vmov s7;
	[tilespmem:s4+$0xFFFFFFE0] =	vst v6  }
0x40c: {  	v1 =	vld [tilespmem:s21+$0xFFFFFFF0];
	[tilespmem:s4+$0xFFFFFFF0] =	vst v7  }
0x40d: {  	v6 =	vld [tilespmem:s21+$0x30];
	[tilespmem:s4+$0x0] =	vst v2  }
0x40e: {  	v8 =	vld [tilespmem:s21+$0x10];
	[tilespmem:s4+$0x20] =	vst v3  }
0x40f: {  	v7 =	vld [tilespmem:s21+$0xFFFFFFC0];
	[tilespmem:s4+$0xFFFFFFD0] =	vst v4;
	s4 =	smov.u32 s21  }
0x410: {  	v2 =	vld.idx.msk [tilespmem:v5+s24+$0x0], $0xffff  }
0x411: {  	v10 =	vld [tilespmem:s21+$0xFFFFFFE0]  }
0x412: {  	v3 =	vld [tilespmem:s21+$0x20]  }
.Ltmp18:
0x413: {  	v4 =	vld [tilespmem:s21+$0xFFFFFFD0];
	(pc) =	sbr.rel @p0 .LBB2_30-.Ltmp18, $3  }
0x414: {  	v5 =	vld [tilespmem:s21+$0x0];
	_ =	sdelay $0x1  }
0x415: {  	v7 =	vmul.f32 v7, v2;
	v9 =	vmul.f32 v6, v2  }
0x416: {  	v8 =	vmul.f32 v8, v2;
	v6 =	vmul.f32 v10, v2  }
0x417: {  	[tilespmem:s4+$0x30] =	vst v9  }
0x418: {  	[tilespmem:s4+$0xFFFFFFC0] =	vst v7  }
0x419: {  	v1 =	vmul.f32 v1, v2;
	[tilespmem:s4+$0x10] =	vst v8  }
0x41a: {  	v3 =	vmul.f32 v3, v2;
	[tilespmem:s4+$0xFFFFFFE0] =	vst v6  }
0x41b: {  	v5 =	vmul.f32 v5, v2;
	[tilespmem:s4+$0xFFFFFFF0] =	vst v1  }
0x41c: {  	v1 =	vmul.f32 v4, v2;
	[tilespmem:s4+$0x20] =	vst v3  }
.Ltmp19:
0x41d: {  	[tilespmem:s4+$0x0] =	vst v5;
	(pc) =	sbr.rel .LBB2_32-.Ltmp19, $4  }
0x41e: {  	s31 =	simm.s32 $0x1C00;
	s7 =	simm.s32 $0x680;
	[tilespmem:s4+$0xFFFFFFD0] =	vst v1  }
0x41f: {  	[spmem:s2] =	stream.indirect.scatter.add.f32 [tilespmem:s31], [sflag:$0x8], $0x80, s7, s26, $0xb8;
	v63 =	vld [tilespmem:$0x0]  }
0x420: {  	_ = 	snop  }
0x421: {  	[spmem:s3] =	stream.indirect.scatter.add.f32 [tilespmem:s24], [sflag:$0xE], $0x1, s7, s26, $0xb8;
	v63 =	vld [tilespmem:$0x0]  }
.LBB2_34:
0x422: {  	_ =	sfence.sel $0x180000  }
0x423: {  	[bflag:$0x0] =	sbarrier.arrive $0xFFFF  }
0x424: {  	_ =	strace $0x90000047  }
0x425: {  	s0 =	stileid.u32;
	[bflag:$0x2] =	sbarrier.arrive $0xFFFF  }
0x426: {  	p0 =	sne.s32 s0, $0x0;
	s0 =	rddreg [dreg:$0x4]  }
0x427: {  	s0 =	sadd.s32 @!p0 $0x100000, s0  }
0x428: {  	[sflag:s0] =	ssyncadd.tile.s32 @!p0 $0x1;
	_ =	shalt  }
.Lfunc_end2:
_tile_overlayer_lowered:
.L_overlay_start_2:
0x429: {  	(tag) =	ssettag $0x2  }
0x42a: {  	s0 =	rddreg [dreg:$0x0];
	s2 =	stileid.u32  }
0x42b: {  	s1 =	rddreg [dreg:$0x1];
	p0 =	sne.s32 s2, $0x0  }
0x42c: {  	s3 =	rddreg [dreg:$0x2];
	[bflag:$0x3] =	sbarrier.arrive $0xFFFF;
	s2 =	simm.s32 @!p0 $0x1C13  }
0x42d: {  	[timem:s3], [sflag:s2] =	dma.local @!p0 [hbm:s0], s1  }
0x42e: {  	s0 =	simm.s32 @!p0 $0x13  }
0x42f: {  	_ =	swait.ge @!p0 [sflag:s0], s1  }
0x430: {  	s1 =	ssub.s32 @!p0 $0x0, s1;
	[sflag:s0] =	ssyncset.done @!p0 $0x0  }
0x431: {  	[sflag:s0] =	ssyncadd.s32 @!p0 s1  }
0x432: {  	[bflag:$0x3] =	sbarrier.arrive $0xFFFF  }
0x433: {  	_ =	shalt  }

</sc_bundles>
